<compile_context>
chip_gen: v7x
topology: tpu7x:2x2x1
jax: 0.10.2.dev20260603
libtpu: 0.0.44.dev20260713+nightly
codegen_flags: <defaults>
</compile_context>

<pallas_src>
import functools

import jax
import jax.numpy as jnp
from jax import lax
from jax.experimental import pallas as pl
from jax.experimental.pallas import tpu as pltpu
from jax.experimental.pallas import tpu_sc as plsc

DIM = 16
BATCH = 16384
FIELDS = 26
NC, NS = 2, 16
NW = NC * NS
LANE = 128
BBLK = 4
NBLK = FIELDS * BBLK


def _emb_body(x_hbm, f_hbm, l_hbm, out_hbm,
              idx_v, bf0, bf1, bl0, bl1, tiles0, tiles1,
              gsem0, gsem1, wsem0, wsem1):
    wid = lax.axis_index("s") * NC + lax.axis_index("c")
    pltpu.sync_copy(x_hbm.at[:, pl.ds(wid * BBLK, BBLK), :], idx_v)

    bufs_f = (bf0, bf1)
    bufs_l = (bl0, bl1)
    tiles = (tiles0, tiles1)
    gsems = (gsem0, gsem1)
    wsems = (wsem0, wsem1)

    iota16 = jnp.arange(16, dtype=jnp.int32)
    iota16h = iota16 + 16

    def fire_gathers(p, slot):
        f = p // BBLK
        j = p % BBLK
        pltpu.async_copy(f_hbm.at[idx_v.at[f, j]], bufs_f[slot], gsems[slot])
        pltpu.async_copy(l_hbm.at[idx_v.at[f, j]], bufs_l[slot], gsems[slot])

    def wait_gathers(p, slot):
        f = p // BBLK
        j = p % BBLK
        pltpu.make_async_copy(f_hbm.at[idx_v.at[f, j]], bufs_f[slot],
                              gsems[slot]).wait()
        pltpu.make_async_copy(l_hbm.at[idx_v.at[f, j]], bufs_l[slot],
                              gsems[slot]).wait()

    def transpose_block(slot):
        t = tiles[slot]
        for l in range(LANE):
            lv = jnp.full((16,), l, jnp.int32)
            plsc.store_scatter(t, [iota16, lv], bufs_f[slot][l, :])
            plsc.store_scatter(t, [iota16h, lv], bufs_l[slot][l, :])

    def fire_writes(p, slot):
        f = p // BBLK
        btg = wid * BBLK + (p % BBLK)
        for dt in range(4):
            pltpu.async_copy(tiles[slot].at[pl.ds(dt * 8, 8), pl.ds(0, LANE)],
                             out_hbm.at[f, dt, btg], wsems[slot])

    def wait_writes(p, slot):
        f = p // BBLK
        btg = wid * BBLK + (p % BBLK)
        for dt in range(4):
            pltpu.make_async_copy(
                tiles[slot].at[pl.ds(dt * 8, 8), pl.ds(0, LANE)],
                out_hbm.at[f, dt, btg], wsems[slot]).wait()

    fire_gathers(0, 0)

    def body(i, carry):
        for b in range(2):
            p = 2 * i + b
            @pl.when(p + 1 < NBLK)
            def _():
                fire_gathers(p + 1, 1 - b)
            wait_gathers(p, b)
            @pl.when(i >= 1)
            def _():
                wait_writes(p - 2, b)
            transpose_block(b)
            fire_writes(p, b)
        return carry

    lax.fori_loop(0, NBLK // 2, body, 0)
    wait_writes(NBLK - 2, 0)
    wait_writes(NBLK - 1, 1)


@jax.jit
def _run(x_w, frozen_table, learn_table):
    mesh = plsc.VectorSubcoreMesh(core_axis_name="c", subcore_axis_name="s")
    k = pl.kernel(
        _emb_body,
        mesh=mesh,
        out_type=jax.ShapeDtypeStruct((FIELDS, 4, BATCH // LANE, 8, LANE),
                                      jnp.float32),
        scratch_types=[
            pltpu.VMEM((FIELDS, BBLK, LANE), jnp.int32),
            pltpu.VMEM((LANE, DIM), jnp.float32),
            pltpu.VMEM((LANE, DIM), jnp.float32),
            pltpu.VMEM((LANE, DIM), jnp.float32),
            pltpu.VMEM((LANE, DIM), jnp.float32),
            pltpu.VMEM((32, LANE + 1), jnp.float32),
            pltpu.VMEM((32, LANE + 1), jnp.float32),
            pltpu.SemaphoreType.DMA,
            pltpu.SemaphoreType.DMA,
            pltpu.SemaphoreType.DMA,
            pltpu.SemaphoreType.DMA,
        ],
        compiler_params=pltpu.CompilerParams(use_tc_tiling_on_sc=False,
                                             needs_layout_passes=False),
    )
    return k(x_w, frozen_table, learn_table)


def kernel(x, frozen_table, learn_table):
    x_lin = x.astype(jnp.int32).T.reshape(FIELDS, BATCH // LANE, LANE)
    out = _run(x_lin, frozen_table, learn_table)
    return out.transpose(2, 4, 0, 1, 3).reshape(BATCH, FIELDS, 2 * DIM)

# --- scband reference (transcript-rebuilt; emitter-appended) ---
"""Pipeline reference for scband-part-frozen-embedding-24489903521864 (READ-ONLY COPY).

The authoritative reference and input builder live on the scoring server;
editing this copy changes nothing except your own understanding.
"""

import jax, jax.numpy as jnp
import numpy as np

VOCAB = 1000000
FROZEN_DIM = 16
LEARN_DIM = 16
BATCH = 16384
FIELDS = 26


def setup_inputs(seed: int = 0) -> dict:
    key = jax.random.key(seed)
    k_idx, k_frozen, k_learn = jax.random.split(key, 3)
    x = jax.random.randint(k_idx, (BATCH, FIELDS), 0, VOCAB, dtype=jnp.int64 if jax.config.jax_enable_x64 else jnp.int32)
    frozen_table = jax.random.normal(k_frozen, (VOCAB, FROZEN_DIM), dtype=jnp.float32)
    learn_table = jax.random.normal(k_learn, (VOCAB, LEARN_DIM), dtype=jnp.float32)
    return {"x": x, "frozen_table": frozen_table, "learn_table": learn_table}


def reference(x, frozen_table, learn_table):
    # PartFrozenEmbedding.forward: cat(frozen(x), learn(x), dim=-1)
    frozen_emb = jnp.take(frozen_table, x, axis=0)   # [B, F, FROZEN_DIM]
    learn_emb = jnp.take(learn_table, x, axis=0)     # [B, F, LEARN_DIM]
    return jnp.concatenate((frozen_emb, learn_emb), axis=-1)  # [B, F, 32]

if __name__ == "__main__":
    import jax
    _d = setup_inputs()
    print(jax.jit(kernel)(*tuple(_d.values())))

</pallas_src>

<mosaic_0001>
#map = affine_map<(d0, d1) -> (0, 0, 0)>
#map1 = affine_map<(d0, d1) -> (0, 0)>
#map2 = affine_map<(d0, d1) -> (0, 0, 0, 0, 0)>
module attributes {stable_mosaic.version = 14 : i64} {
  func.func @_emb_body(%arg0: i32, %arg1: i32, %arg2: memref<26x128x128xi32, #tpu.memory_space<hbm>>, %arg3: memref<1000000x16xf32, #tpu.memory_space<hbm>>, %arg4: memref<1000000x16xf32, #tpu.memory_space<hbm>>, %arg5: memref<26x4x128x8x128xf32, #tpu.memory_space<hbm>>, %arg6: memref<26x4x128xi32, #tpu.memory_space<vmem>>, %arg7: memref<128x16xf32, #tpu.memory_space<vmem>>, %arg8: memref<128x16xf32, #tpu.memory_space<vmem>>, %arg9: memref<128x16xf32, #tpu.memory_space<vmem>>, %arg10: memref<128x16xf32, #tpu.memory_space<vmem>>, %arg11: memref<32x129xf32, #tpu.memory_space<vmem>>, %arg12: memref<32x129xf32, #tpu.memory_space<vmem>>, %arg13: memref<!tpu.dma_semaphore, #tpu.memory_space<semaphore_mem>>, %arg14: memref<!tpu.dma_semaphore, #tpu.memory_space<semaphore_mem>>, %arg15: memref<!tpu.dma_semaphore, #tpu.memory_space<semaphore_mem>>, %arg16: memref<!tpu.dma_semaphore, #tpu.memory_space<semaphore_mem>>) attributes {dimension_semantics = [#tpu.dimension_semantics<core_parallel>, #tpu.dimension_semantics<subcore_parallel>], iteration_bounds = array<i64: 2, 16>, scalar_prefetch = 0 : i64, scratch_operands = 11 : i64, tpu.core_type = #tpu.core_type<sc_vector_subcore>, window_params = [{transform_indices = #map}, {transform_indices = #map1}, {transform_indices = #map1}, {transform_indices = #map2}]} {
    %mul3A = arith.constant 2 : i32
    %mul3A_0 = arith.muli %arg1, %mul3A : i32
    %add3A = arith.addi %mul3A_0, %arg0 : i32
    %mul3A_1 = arith.constant 4 : i32
    %mul3A_2 = arith.muli %add3A, %mul3A_1 : i32
    "tpu.region"() ({
      %run_scoped3A = tpu.sem_alloc : memref<!tpu.dma_semaphore, #tpu.memory_space<semaphore_mem>>
      %dma_start3A_161 = arith.constant 0 : i32
      %dma_start3A_162 = arith.constant 0 : i32
      %dma_start3A_163 = tpu.memref_slice %arg2[%dma_start3A_161, %mul3A_2, %dma_start3A_162] : memref<26x128x128xi32, #tpu.memory_space<hbm>> -> memref<26x4x128xi32, #tpu.memory_space<hbm>>
      %dma_start3A_164 = arith.constant 0 : i32
      %dma_start3A_165 = arith.constant 0 : i32
      %dma_start3A_166 = tpu.memref_slice %arg2[%dma_start3A_164, %mul3A_2, %dma_start3A_165] : memref<26x128x128xi32, #tpu.memory_space<hbm>> -> memref<26x4x128xi32, #tpu.memory_space<hbm>>
      tpu.enqueue_dma source(%dma_start3A_166 : memref<26x4x128xi32, #tpu.memory_space<hbm>>) target(%arg6 : memref<26x4x128xi32, #tpu.memory_space<vmem>>) target_semaphore(%run_scoped3A : memref<!tpu.dma_semaphore, #tpu.memory_space<semaphore_mem>>)
      %dma_wait3A_167 = arith.constant 0 : i32
      %dma_wait3A_168 = arith.constant 0 : i32
      %dma_wait3A_169 = tpu.memref_slice %arg2[%dma_wait3A_167, %mul3A_2, %dma_wait3A_168] : memref<26x128x128xi32, #tpu.memory_space<hbm>> -> memref<26x4x128xi32, #tpu.memory_space<hbm>>
      %dma_wait3A_170 = arith.constant 0 : i32
      %dma_wait3A_171 = arith.constant 0 : i32
      %dma_wait3A_172 = tpu.memref_slice %arg2[%dma_wait3A_170, %mul3A_2, %dma_wait3A_171] : memref<26x128x128xi32, #tpu.memory_space<hbm>> -> memref<26x4x128xi32, #tpu.memory_space<hbm>>
      tpu.wait_dma2 semaphore(%run_scoped3A : memref<!tpu.dma_semaphore, #tpu.memory_space<semaphore_mem>>) src(%dma_wait3A_172 : memref<26x4x128xi32, #tpu.memory_space<hbm>>) dst(%arg6 : memref<26x4x128xi32, #tpu.memory_space<vmem>>)
      tpu.yield
    }) : () -> ()
    %iota3A = tpu.iota {dimensions = array<i32: 0>} : vector<16xi32>
    %add3A_3 = arith.constant 16 : i32
    %add3A_4 = vector.broadcast %add3A_3 : i32 to vector<16xi32>
    %add3A_5 = arith.addi %iota3A, %add3A_4 : vector<16xi32>
    %dma_start3A = arith.constant 0 : i32
    %dma_start3A_6 = arith.constant 0 : i32
    %dma_start3A_7 = arith.constant 0 : i32
    %dma_start3A_8 = tpu.memref_slice %arg6[%dma_start3A, %dma_start3A_6, %dma_start3A_7] : memref<26x4x128xi32, #tpu.memory_space<vmem>> -> memref<1x1x128xi32, #tpu.memory_space<vmem>>
    %dma_start3A_9 = tpu.memref_squeeze %dma_start3A_8 : memref<1x1x128xi32, #tpu.memory_space<vmem>> -> memref<128xi32, #tpu.memory_space<vmem>>
    %dma_start3A_10 = arith.constant 0 : i32
    %dma_start3A_11 = arith.constant 0 : i32
    %dma_start3A_12 = tpu.memref_slice %arg3[%dma_start3A_10, %dma_start3A_11] : memref<1000000x16xf32, #tpu.memory_space<hbm>> -> memref<1000000x16xf32, #tpu.memory_space<hbm>>
    tpu.enqueue_indirect_dma source(%dma_start3A_12 : memref<1000000x16xf32, #tpu.memory_space<hbm>>) target(%arg7 : memref<128x16xf32, #tpu.memory_space<vmem>>) offsets(%dma_start3A_9 : memref<128xi32, #tpu.memory_space<vmem>>) semaphore(%arg13 : memref<!tpu.dma_semaphore, #tpu.memory_space<semaphore_mem>>)
    %dma_start3A_13 = arith.constant 0 : i32
    %dma_start3A_14 = arith.constant 0 : i32
    %dma_start3A_15 = arith.constant 0 : i32
    %dma_start3A_16 = tpu.memref_slice %arg6[%dma_start3A_13, %dma_start3A_14, %dma_start3A_15] : memref<26x4x128xi32, #tpu.memory_space<vmem>> -> memref<1x1x128xi32, #tpu.memory_space<vmem>>
    %dma_start3A_17 = tpu.memref_squeeze %dma_start3A_16 : memref<1x1x128xi32, #tpu.memory_space<vmem>> -> memref<128xi32, #tpu.memory_space<vmem>>
    %dma_start3A_18 = arith.constant 0 : i32
    %dma_start3A_19 = arith.constant 0 : i32
    %dma_start3A_20 = tpu.memref_slice %arg4[%dma_start3A_18, %dma_start3A_19] : memref<1000000x16xf32, #tpu.memory_space<hbm>> -> memref<1000000x16xf32, #tpu.memory_space<hbm>>
    tpu.enqueue_indirect_dma source(%dma_start3A_20 : memref<1000000x16xf32, #tpu.memory_space<hbm>>) target(%arg9 : memref<128x16xf32, #tpu.memory_space<vmem>>) offsets(%dma_start3A_17 : memref<128xi32, #tpu.memory_space<vmem>>) semaphore(%arg13 : memref<!tpu.dma_semaphore, #tpu.memory_space<semaphore_mem>>)
    %scan3A = arith.constant 0 : i32
    %scan3A_21 = arith.constant 0 : i32
    %scan3A_22 = arith.constant 52 : i32
    %scan3A_23 = arith.addi %scan3A_21, %scan3A_22 : i32
    %scan3A_24 = arith.constant 1 : i32
    scf.for %scan3A_161 = %scan3A_21 to %scan3A_23 step %scan3A_24  : i32 {
      %mul3A_162 = arith.constant 2 : i32
      %mul3A_163 = arith.muli %mul3A_162, %scan3A_161 : i32
      %add3A_164 = arith.constant 0 : i32
      %add3A_165 = arith.addi %mul3A_163, %add3A_164 : i32
      %add3A_166 = arith.constant 1 : i32
      %add3A_167 = arith.addi %add3A_165, %add3A_166 : i32
      %lt3A = arith.constant 104 : i32
      %lt3A_168 = arith.cmpi slt, %add3A_167, %lt3A : i32
      %convert_element_type3A = arith.extui %lt3A_168 : i1 to i32
      %cond3A = arith.constant 0 : i32
      %cond3A_169 = arith.cmpi ne, %convert_element_type3A, %cond3A : i32
      scf.if %cond3A_169 {
        %add3A_3049 = arith.constant 1 : i32
        %add3A_3050 = arith.addi %add3A_165, %add3A_3049 : i32
        %jit3A_3051 = arith.constant 4 : i32
        %div3A_3052 = arith.divsi %add3A_3050, %jit3A_3051 : i32
        %sign3A_3053 = arith.constant 0 : i32
        %sign3A_3054 = arith.cmpi sgt, %add3A_3050, %sign3A_3053 : i32
        %sign3A_3055 = arith.extui %sign3A_3054 : i1 to i32
        %sign3A_3056 = arith.constant 0 : i32
        %sign3A_3057 = arith.cmpi slt, %add3A_3050, %sign3A_3056 : i32
        %sign3A_3058 = arith.extui %sign3A_3057 : i1 to i32
        %sign3A_3059 = arith.subi %sign3A_3055, %sign3A_3058 : i32
        %sign3A_3060 = arith.constant 0 : i32
        %sign3A_3061 = arith.cmpi sgt, %jit3A_3051, %sign3A_3060 : i32
        %sign3A_3062 = arith.extui %sign3A_3061 : i1 to i32
        %sign3A_3063 = arith.constant 0 : i32
        %sign3A_3064 = arith.cmpi slt, %jit3A_3051, %sign3A_3063 : i32
        %sign3A_3065 = arith.extui %sign3A_3064 : i1 to i32
        %sign3A_3066 = arith.subi %sign3A_3062, %sign3A_3065 : i32
        %ne3A_3067 = arith.cmpi ne, %sign3A_3059, %sign3A_3066 : i32
        %rem3A_3068 = arith.remsi %add3A_3050, %jit3A_3051 : i32
        %ne3A_3069 = arith.constant 0 : i32
        %ne3A_3070 = arith.cmpi ne, %rem3A_3068, %ne3A_3069 : i32
        %and3A_3071 = arith.andi %ne3A_3067, %ne3A_3070 : i1
        %sub3A_3072 = arith.constant 1 : i32
        %sub3A_3073 = arith.subi %div3A_3052, %sub3A_3072 : i32
        %select_n3A_3074 = arith.select %and3A_3071, %sub3A_3073, %div3A_3052 : i32
        %jit3A_3075 = arith.constant 4 : i32
        %eq3A_3076 = arith.constant 0 : i32
        %eq3A_3077 = arith.cmpi eq, %jit3A_3075, %eq3A_3076 : i32
        %jit3A_3078 = arith.constant 1 : i32
        %select_n3A_3079 = arith.select %eq3A_3077, %jit3A_3078, %jit3A_3075 : i32
        %rem3A_3080 = arith.remsi %add3A_3050, %select_n3A_3079 : i32
        %ne3A_3081 = arith.constant 0 : i32
        %ne3A_3082 = arith.cmpi ne, %rem3A_3080, %ne3A_3081 : i32
        %lt3A_3083 = arith.constant 0 : i32
        %lt3A_3084 = arith.cmpi slt, %rem3A_3080, %lt3A_3083 : i32
        %lt3A_3085 = arith.constant 0 : i32
        %lt3A_3086 = arith.cmpi slt, %select_n3A_3079, %lt3A_3085 : i32
        %ne3A_3087 = arith.xori %lt3A_3084, %lt3A_3086 : i1
        %and3A_3088 = arith.andi %ne3A_3087, %ne3A_3082 : i1
        %add3A_3089 = arith.addi %rem3A_3080, %select_n3A_3079 : i32
        %select_n3A_3090 = arith.select %and3A_3088, %add3A_3089, %rem3A_3080 : i32
        %dma_start3A_3091 = arith.constant 0 : i32
        %dma_start3A_3092 = tpu.memref_slice %arg6[%select_n3A_3074, %select_n3A_3090, %dma_start3A_3091] : memref<26x4x128xi32, #tpu.memory_space<vmem>> -> memref<1x1x128xi32, #tpu.memory_space<vmem>>
        %dma_start3A_3093 = tpu.memref_squeeze %dma_start3A_3092 : memref<1x1x128xi32, #tpu.memory_space<vmem>> -> memref<128xi32, #tpu.memory_space<vmem>>
        %dma_start3A_3094 = arith.constant 0 : i32
        %dma_start3A_3095 = arith.constant 0 : i32
        %dma_start3A_3096 = tpu.memref_slice %arg3[%dma_start3A_3094, %dma_start3A_3095] : memref<1000000x16xf32, #tpu.memory_space<hbm>> -> memref<1000000x16xf32, #tpu.memory_space<hbm>>
        tpu.enqueue_indirect_dma source(%dma_start3A_3096 : memref<1000000x16xf32, #tpu.memory_space<hbm>>) target(%arg8 : memref<128x16xf32, #tpu.memory_space<vmem>>) offsets(%dma_start3A_3093 : memref<128xi32, #tpu.memory_space<vmem>>) semaphore(%arg14 : memref<!tpu.dma_semaphore, #tpu.memory_space<semaphore_mem>>)
        %dma_start3A_3097 = arith.constant 0 : i32
        %dma_start3A_3098 = tpu.memref_slice %arg6[%select_n3A_3074, %select_n3A_3090, %dma_start3A_3097] : memref<26x4x128xi32, #tpu.memory_space<vmem>> -> memref<1x1x128xi32, #tpu.memory_space<vmem>>
        %dma_start3A_3099 = tpu.memref_squeeze %dma_start3A_3098 : memref<1x1x128xi32, #tpu.memory_space<vmem>> -> memref<128xi32, #tpu.memory_space<vmem>>
        %dma_start3A_3100 = arith.constant 0 : i32
        %dma_start3A_3101 = arith.constant 0 : i32
        %dma_start3A_3102 = tpu.memref_slice %arg4[%dma_start3A_3100, %dma_start3A_3101] : memref<1000000x16xf32, #tpu.memory_space<hbm>> -> memref<1000000x16xf32, #tpu.memory_space<hbm>>
        tpu.enqueue_indirect_dma source(%dma_start3A_3102 : memref<1000000x16xf32, #tpu.memory_space<hbm>>) target(%arg10 : memref<128x16xf32, #tpu.memory_space<vmem>>) offsets(%dma_start3A_3099 : memref<128xi32, #tpu.memory_space<vmem>>) semaphore(%arg14 : memref<!tpu.dma_semaphore, #tpu.memory_space<semaphore_mem>>)
      } else {
      }
      %jit3A = arith.constant 4 : i32
      %div3A = arith.divsi %add3A_165, %jit3A : i32
      %sign3A = arith.constant 0 : i32
      %sign3A_170 = arith.cmpi sgt, %add3A_165, %sign3A : i32
      %sign3A_171 = arith.extui %sign3A_170 : i1 to i32
      %sign3A_172 = arith.constant 0 : i32
      %sign3A_173 = arith.cmpi slt, %add3A_165, %sign3A_172 : i32
      %sign3A_174 = arith.extui %sign3A_173 : i1 to i32
      %sign3A_175 = arith.subi %sign3A_171, %sign3A_174 : i32
      %sign3A_176 = arith.constant 0 : i32
      %sign3A_177 = arith.cmpi sgt, %jit3A, %sign3A_176 : i32
      %sign3A_178 = arith.extui %sign3A_177 : i1 to i32
      %sign3A_179 = arith.constant 0 : i32
      %sign3A_180 = arith.cmpi slt, %jit3A, %sign3A_179 : i32
      %sign3A_181 = arith.extui %sign3A_180 : i1 to i32
      %sign3A_182 = arith.subi %sign3A_178, %sign3A_181 : i32
      %ne3A = arith.cmpi ne, %sign3A_175, %sign3A_182 : i32
      %rem3A = arith.remsi %add3A_165, %jit3A : i32
      %ne3A_183 = arith.constant 0 : i32
      %ne3A_184 = arith.cmpi ne, %rem3A, %ne3A_183 : i32
      %and3A = arith.andi %ne3A, %ne3A_184 : i1
      %sub3A = arith.constant 1 : i32
      %sub3A_185 = arith.subi %div3A, %sub3A : i32
      %select_n3A = arith.select %and3A, %sub3A_185, %div3A : i32
      %jit3A_186 = arith.constant 4 : i32
      %eq3A = arith.constant 0 : i32
      %eq3A_187 = arith.cmpi eq, %jit3A_186, %eq3A : i32
      %jit3A_188 = arith.constant 1 : i32
      %select_n3A_189 = arith.select %eq3A_187, %jit3A_188, %jit3A_186 : i32
      %rem3A_190 = arith.remsi %add3A_165, %select_n3A_189 : i32
      %ne3A_191 = arith.constant 0 : i32
      %ne3A_192 = arith.cmpi ne, %rem3A_190, %ne3A_191 : i32
      %lt3A_193 = arith.constant 0 : i32
      %lt3A_194 = arith.cmpi slt, %rem3A_190, %lt3A_193 : i32
      %lt3A_195 = arith.constant 0 : i32
      %lt3A_196 = arith.cmpi slt, %select_n3A_189, %lt3A_195 : i32
      %ne3A_197 = arith.xori %lt3A_194, %lt3A_196 : i1
      %and3A_198 = arith.andi %ne3A_197, %ne3A_192 : i1
      %add3A_199 = arith.addi %rem3A_190, %select_n3A_189 : i32
      %select_n3A_200 = arith.select %and3A_198, %add3A_199, %rem3A_190 : i32
      %dma_wait3A_201 = arith.constant 0 : i32
      %dma_wait3A_202 = tpu.memref_slice %arg6[%select_n3A, %select_n3A_200, %dma_wait3A_201] : memref<26x4x128xi32, #tpu.memory_space<vmem>> -> memref<1x1x128xi32, #tpu.memory_space<vmem>>
      %dma_wait3A_203 = tpu.memref_squeeze %dma_wait3A_202 : memref<1x1x128xi32, #tpu.memory_space<vmem>> -> memref<128xi32, #tpu.memory_space<vmem>>
      %dma_wait3A_204 = arith.constant 0 : i32
      %dma_wait3A_205 = arith.constant 0 : i32
      %dma_wait3A_206 = tpu.memref_slice %arg3[%dma_wait3A_204, %dma_wait3A_205] : memref<1000000x16xf32, #tpu.memory_space<hbm>> -> memref<1000000x16xf32, #tpu.memory_space<hbm>>
      tpu.wait_indirect_dma semaphore(%arg13 : memref<!tpu.dma_semaphore, #tpu.memory_space<semaphore_mem>>) src(%dma_wait3A_206 : memref<1000000x16xf32, #tpu.memory_space<hbm>>) dst(%arg7 : memref<128x16xf32, #tpu.memory_space<vmem>>)
      %dma_wait3A_207 = arith.constant 0 : i32
      %dma_wait3A_208 = tpu.memref_slice %arg6[%select_n3A, %select_n3A_200, %dma_wait3A_207] : memref<26x4x128xi32, #tpu.memory_space<vmem>> -> memref<1x1x128xi32, #tpu.memory_space<vmem>>
      %dma_wait3A_209 = tpu.memref_squeeze %dma_wait3A_208 : memref<1x1x128xi32, #tpu.memory_space<vmem>> -> memref<128xi32, #tpu.memory_space<vmem>>
      %dma_wait3A_210 = arith.constant 0 : i32
      %dma_wait3A_211 = arith.constant 0 : i32
      %dma_wait3A_212 = tpu.memref_slice %arg4[%dma_wait3A_210, %dma_wait3A_211] : memref<1000000x16xf32, #tpu.memory_space<hbm>> -> memref<1000000x16xf32, #tpu.memory_space<hbm>>
      tpu.wait_indirect_dma semaphore(%arg13 : memref<!tpu.dma_semaphore, #tpu.memory_space<semaphore_mem>>) src(%dma_wait3A_212 : memref<1000000x16xf32, #tpu.memory_space<hbm>>) dst(%arg9 : memref<128x16xf32, #tpu.memory_space<vmem>>)
      %ge3A = arith.constant 1 : i32
      %ge3A_213 = arith.cmpi sge, %scan3A_161, %ge3A : i32
      %convert_element_type3A_214 = arith.extui %ge3A_213 : i1 to i32
      %cond3A_215 = arith.constant 0 : i32
      %cond3A_216 = arith.cmpi ne, %convert_element_type3A_214, %cond3A_215 : i32
      scf.if %cond3A_216 {
        %sub3A_3049 = arith.constant 2 : i32
        %sub3A_3050 = arith.subi %add3A_165, %sub3A_3049 : i32
        %jit3A_3051 = arith.constant 4 : i32
        %div3A_3052 = arith.divsi %sub3A_3050, %jit3A_3051 : i32
        %sign3A_3053 = arith.constant 0 : i32
        %sign3A_3054 = arith.cmpi sgt, %sub3A_3050, %sign3A_3053 : i32
        %sign3A_3055 = arith.extui %sign3A_3054 : i1 to i32
        %sign3A_3056 = arith.constant 0 : i32
        %sign3A_3057 = arith.cmpi slt, %sub3A_3050, %sign3A_3056 : i32
        %sign3A_3058 = arith.extui %sign3A_3057 : i1 to i32
        %sign3A_3059 = arith.subi %sign3A_3055, %sign3A_3058 : i32
        %sign3A_3060 = arith.constant 0 : i32
        %sign3A_3061 = arith.cmpi sgt, %jit3A_3051, %sign3A_3060 : i32
        %sign3A_3062 = arith.extui %sign3A_3061 : i1 to i32
        %sign3A_3063 = arith.constant 0 : i32
        %sign3A_3064 = arith.cmpi slt, %jit3A_3051, %sign3A_3063 : i32
        %sign3A_3065 = arith.extui %sign3A_3064 : i1 to i32
        %sign3A_3066 = arith.subi %sign3A_3062, %sign3A_3065 : i32
        %ne3A_3067 = arith.cmpi ne, %sign3A_3059, %sign3A_3066 : i32
        %rem3A_3068 = arith.remsi %sub3A_3050, %jit3A_3051 : i32
        %ne3A_3069 = arith.constant 0 : i32
        %ne3A_3070 = arith.cmpi ne, %rem3A_3068, %ne3A_3069 : i32
        %and3A_3071 = arith.andi %ne3A_3067, %ne3A_3070 : i1
        %sub3A_3072 = arith.constant 1 : i32
        %sub3A_3073 = arith.subi %div3A_3052, %sub3A_3072 : i32
        %select_n3A_3074 = arith.select %and3A_3071, %sub3A_3073, %div3A_3052 : i32
        %mul3A_3075 = arith.constant 4 : i32
        %mul3A_3076 = arith.muli %add3A, %mul3A_3075 : i32
        %jit3A_3077 = arith.constant 4 : i32
        %eq3A_3078 = arith.constant 0 : i32
        %eq3A_3079 = arith.cmpi eq, %jit3A_3077, %eq3A_3078 : i32
        %jit3A_3080 = arith.constant 1 : i32
        %select_n3A_3081 = arith.select %eq3A_3079, %jit3A_3080, %jit3A_3077 : i32
        %rem3A_3082 = arith.remsi %sub3A_3050, %select_n3A_3081 : i32
        %ne3A_3083 = arith.constant 0 : i32
        %ne3A_3084 = arith.cmpi ne, %rem3A_3082, %ne3A_3083 : i32
        %lt3A_3085 = arith.constant 0 : i32
        %lt3A_3086 = arith.cmpi slt, %rem3A_3082, %lt3A_3085 : i32
        %lt3A_3087 = arith.constant 0 : i32
        %lt3A_3088 = arith.cmpi slt, %select_n3A_3081, %lt3A_3087 : i32
        %ne3A_3089 = arith.xori %lt3A_3086, %lt3A_3088 : i1
        %and3A_3090 = arith.andi %ne3A_3089, %ne3A_3084 : i1
        %add3A_3091 = arith.addi %rem3A_3082, %select_n3A_3081 : i32
        %select_n3A_3092 = arith.select %and3A_3090, %add3A_3091, %rem3A_3082 : i32
        %add3A_3093 = arith.addi %mul3A_3076, %select_n3A_3092 : i32
        %dma_wait3A_3094 = arith.constant 0 : i32
        %dma_wait3A_3095 = arith.constant 0 : i32
        %dma_wait3A_3096 = arith.constant 0 : i32
        %dma_wait3A_3097 = tpu.memref_slice %arg11[%dma_wait3A_3095, %dma_wait3A_3096] : memref<32x129xf32, #tpu.memory_space<vmem>> -> memref<8x128xf32, #tpu.memory_space<vmem>>
        %dma_wait3A_3098 = arith.constant 0 : i32
        %dma_wait3A_3099 = arith.constant 0 : i32
        %dma_wait3A_3100 = tpu.memref_slice %arg5[%select_n3A_3074, %dma_wait3A_3094, %add3A_3093, %dma_wait3A_3098, %dma_wait3A_3099] : memref<26x4x128x8x128xf32, #tpu.memory_space<hbm>> -> memref<1x1x1x8x128xf32, #tpu.memory_space<hbm>>
        %dma_wait3A_3101 = tpu.memref_squeeze %dma_wait3A_3100 : memref<1x1x1x8x128xf32, #tpu.memory_space<hbm>> -> memref<8x128xf32, #tpu.memory_space<hbm>>
        %dma_wait3A_3102 = arith.constant 0 : i32
        %dma_wait3A_3103 = arith.constant 0 : i32
        %dma_wait3A_3104 = tpu.memref_slice %arg5[%select_n3A_3074, %dma_wait3A_3094, %add3A_3093, %dma_wait3A_3102, %dma_wait3A_3103] : memref<26x4x128x8x128xf32, #tpu.memory_space<hbm>> -> memref<1x1x1x8x128xf32, #tpu.memory_space<hbm>>
        %dma_wait3A_3105 = tpu.memref_squeeze %dma_wait3A_3104 : memref<1x1x1x8x128xf32, #tpu.memory_space<hbm>> -> memref<8x128xf32, #tpu.memory_space<hbm>>
        %dma_wait3A_3106 = arith.constant 0 : i32
        %dma_wait3A_3107 = arith.constant 0 : i32
        %dma_wait3A_3108 = tpu.memref_slice %arg11[%dma_wait3A_3106, %dma_wait3A_3107] : memref<32x129xf32, #tpu.memory_space<vmem>> -> memref<8x128xf32, #tpu.memory_space<vmem>>
        tpu.wait_dma2 semaphore(%arg15 : memref<!tpu.dma_semaphore, #tpu.memory_space<semaphore_mem>>) src(%dma_wait3A_3108 : memref<8x128xf32, #tpu.memory_space<vmem>>) dst(%dma_wait3A_3105 : memref<8x128xf32, #tpu.memory_space<hbm>>)
        %dma_wait3A_3109 = arith.constant 1 : i32
        %dma_wait3A_3110 = arith.constant 8 : i32
        %dma_wait3A_3111 = arith.constant 0 : i32
        %dma_wait3A_3112 = tpu.memref_slice %arg11[%dma_wait3A_3110, %dma_wait3A_3111] : memref<32x129xf32, #tpu.memory_space<vmem>> -> memref<8x128xf32, #tpu.memory_space<vmem>>
        %dma_wait3A_3113 = arith.constant 0 : i32
        %dma_wait3A_3114 = arith.constant 0 : i32
        %dma_wait3A_3115 = tpu.memref_slice %arg5[%select_n3A_3074, %dma_wait3A_3109, %add3A_3093, %dma_wait3A_3113, %dma_wait3A_3114] : memref<26x4x128x8x128xf32, #tpu.memory_space<hbm>> -> memref<1x1x1x8x128xf32, #tpu.memory_space<hbm>>
        %dma_wait3A_3116 = tpu.memref_squeeze %dma_wait3A_3115 : memref<1x1x1x8x128xf32, #tpu.memory_space<hbm>> -> memref<8x128xf32, #tpu.memory_space<hbm>>
        %dma_wait3A_3117 = arith.constant 0 : i32
        %dma_wait3A_3118 = arith.constant 0 : i32
        %dma_wait3A_3119 = tpu.memref_slice %arg5[%select_n3A_3074, %dma_wait3A_3109, %add3A_3093, %dma_wait3A_3117, %dma_wait3A_3118] : memref<26x4x128x8x128xf32, #tpu.memory_space<hbm>> -> memref<1x1x1x8x128xf32, #tpu.memory_space<hbm>>
        %dma_wait3A_3120 = tpu.memref_squeeze %dma_wait3A_3119 : memref<1x1x1x8x128xf32, #tpu.memory_space<hbm>> -> memref<8x128xf32, #tpu.memory_space<hbm>>
        %dma_wait3A_3121 = arith.constant 8 : i32
        %dma_wait3A_3122 = arith.constant 0 : i32
        %dma_wait3A_3123 = tpu.memref_slice %arg11[%dma_wait3A_3121, %dma_wait3A_3122] : memref<32x129xf32, #tpu.memory_space<vmem>> -> memref<8x128xf32, #tpu.memory_space<vmem>>
        tpu.wait_dma2 semaphore(%arg15 : memref<!tpu.dma_semaphore, #tpu.memory_space<semaphore_mem>>) src(%dma_wait3A_3123 : memref<8x128xf32, #tpu.memory_space<vmem>>) dst(%dma_wait3A_3120 : memref<8x128xf32, #tpu.memory_space<hbm>>)
        %dma_wait3A_3124 = arith.constant 2 : i32
        %dma_wait3A_3125 = arith.constant 16 : i32
        %dma_wait3A_3126 = arith.constant 0 : i32
        %dma_wait3A_3127 = tpu.memref_slice %arg11[%dma_wait3A_3125, %dma_wait3A_3126] : memref<32x129xf32, #tpu.memory_space<vmem>> -> memref<8x128xf32, #tpu.memory_space<vmem>>
        %dma_wait3A_3128 = arith.constant 0 : i32
        %dma_wait3A_3129 = arith.constant 0 : i32
        %dma_wait3A_3130 = tpu.memref_slice %arg5[%select_n3A_3074, %dma_wait3A_3124, %add3A_3093, %dma_wait3A_3128, %dma_wait3A_3129] : memref<26x4x128x8x128xf32, #tpu.memory_space<hbm>> -> memref<1x1x1x8x128xf32, #tpu.memory_space<hbm>>
        %dma_wait3A_3131 = tpu.memref_squeeze %dma_wait3A_3130 : memref<1x1x1x8x128xf32, #tpu.memory_space<hbm>> -> memref<8x128xf32, #tpu.memory_space<hbm>>
        %dma_wait3A_3132 = arith.constant 0 : i32
        %dma_wait3A_3133 = arith.constant 0 : i32
        %dma_wait3A_3134 = tpu.memref_slice %arg5[%select_n3A_3074, %dma_wait3A_3124, %add3A_3093, %dma_wait3A_3132, %dma_wait3A_3133] : memref<26x4x128x8x128xf32, #tpu.memory_space<hbm>> -> memref<1x1x1x8x128xf32, #tpu.memory_space<hbm>>
        %dma_wait3A_3135 = tpu.memref_squeeze %dma_wait3A_3134 : memref<1x1x1x8x128xf32, #tpu.memory_space<hbm>> -> memref<8x128xf32, #tpu.memory_space<hbm>>
        %dma_wait3A_3136 = arith.constant 16 : i32
        %dma_wait3A_3137 = arith.constant 0 : i32
        %dma_wait3A_3138 = tpu.memref_slice %arg11[%dma_wait3A_3136, %dma_wait3A_3137] : memref<32x129xf32, #tpu.memory_space<vmem>> -> memref<8x128xf32, #tpu.memory_space<vmem>>
        tpu.wait_dma2 semaphore(%arg15 : memref<!tpu.dma_semaphore, #tpu.memory_space<semaphore_mem>>) src(%dma_wait3A_3138 : memref<8x128xf32, #tpu.memory_space<vmem>>) dst(%dma_wait3A_3135 : memref<8x128xf32, #tpu.memory_space<hbm>>)
        %dma_wait3A_3139 = arith.constant 3 : i32
        %dma_wait3A_3140 = arith.constant 24 : i32
        %dma_wait3A_3141 = arith.constant 0 : i32
        %dma_wait3A_3142 = tpu.memref_slice %arg11[%dma_wait3A_3140, %dma_wait3A_3141] : memref<32x129xf32, #tpu.memory_space<vmem>> -> memref<8x128xf32, #tpu.memory_space<vmem>>
        %dma_wait3A_3143 = arith.constant 0 : i32
        %dma_wait3A_3144 = arith.constant 0 : i32
        %dma_wait3A_3145 = tpu.memref_slice %arg5[%select_n3A_3074, %dma_wait3A_3139, %add3A_3093, %dma_wait3A_3143, %dma_wait3A_3144] : memref<26x4x128x8x128xf32, #tpu.memory_space<hbm>> -> memref<1x1x1x8x128xf32, #tpu.memory_space<hbm>>
        %dma_wait3A_3146 = tpu.memref_squeeze %dma_wait3A_3145 : memref<1x1x1x8x128xf32, #tpu.memory_space<hbm>> -> memref<8x128xf32, #tpu.memory_space<hbm>>
        %dma_wait3A_3147 = arith.constant 0 : i32
        %dma_wait3A_3148 = arith.constant 0 : i32
        %dma_wait3A_3149 = tpu.memref_slice %arg5[%select_n3A_3074, %dma_wait3A_3139, %add3A_3093, %dma_wait3A_3147, %dma_wait3A_3148] : memref<26x4x128x8x128xf32, #tpu.memory_space<hbm>> -> memref<1x1x1x8x128xf32, #tpu.memory_space<hbm>>
        %dma_wait3A_3150 = tpu.memref_squeeze %dma_wait3A_3149 : memref<1x1x1x8x128xf32, #tpu.memory_space<hbm>> -> memref<8x128xf32, #tpu.memory_space<hbm>>
        %dma_wait3A_3151 = arith.constant 24 : i32
        %dma_wait3A_3152 = arith.constant 0 : i32
        %dma_wait3A_3153 = tpu.memref_slice %arg11[%dma_wait3A_3151, %dma_wait3A_3152] : memref<32x129xf32, #tpu.memory_space<vmem>> -> memref<8x128xf32, #tpu.memory_space<vmem>>
        tpu.wait_dma2 semaphore(%arg15 : memref<!tpu.dma_semaphore, #tpu.memory_space<semaphore_mem>>) src(%dma_wait3A_3153 : memref<8x128xf32, #tpu.memory_space<vmem>>) dst(%dma_wait3A_3150 : memref<8x128xf32, #tpu.memory_space<hbm>>)
      } else {
      }
      %broadcast_in_dim3A = arith.constant 0 : i32
      %broadcast_in_dim3A_217 = vector.broadcast %broadcast_in_dim3A : i32 to vector<16xi32>
      %get3A = arith.constant 0 : i32
      %get3A_218 = arith.index_cast %get3A : i32 to index
      %get3A_219 = arith.constant 0 : index
      %get3A_220 = tpu.vector_load %arg7[%get3A_218, %get3A_219] {strides = array<i32>} : memref<128x16xf32, #tpu.memory_space<vmem>>, vector<16xf32>,
      tpu.vector_store_idx %arg11[%iota3A, %broadcast_in_dim3A_217], %get3A_220 : memref<32x129xf32, #tpu.memory_space<vmem>>[vector<16xi32>, vector<16xi32>], vector<16xf32>,
      %get3A_221 = arith.constant 0 : i32
      %get3A_222 = arith.index_cast %get3A_221 : i32 to index
      %get3A_223 = arith.constant 0 : index
      %get3A_224 = tpu.vector_load %arg9[%get3A_222, %get3A_223] {strides = array<i32>} : memref<128x16xf32, #tpu.memory_space<vmem>>, vector<16xf32>,
      tpu.vector_store_idx %arg11[%add3A_5, %broadcast_in_dim3A_217], %get3A_224 : memref<32x129xf32, #tpu.memory_space<vmem>>[vector<16xi32>, vector<16xi32>], vector<16xf32>,
      %broadcast_in_dim3A_225 = arith.constant 1 : i32
      %broadcast_in_dim3A_226 = vector.broadcast %broadcast_in_dim3A_225 : i32 to vector<16xi32>
      %get3A_227 = arith.constant 1 : i32
      %get3A_228 = arith.index_cast %get3A_227 : i32 to index
      %get3A_229 = arith.constant 0 : index
      %get3A_230 = tpu.vector_load %arg7[%get3A_228, %get3A_229] {strides = array<i32>} : memref<128x16xf32, #tpu.memory_space<vmem>>, vector<16xf32>,
      tpu.vector_store_idx %arg11[%iota3A, %broadcast_in_dim3A_226], %get3A_230 : memref<32x129xf32, #tpu.memory_space<vmem>>[vector<16xi32>, vector<16xi32>], vector<16xf32>,
      %get3A_231 = arith.constant 1 : i32
      %get3A_232 = arith.index_cast %get3A_231 : i32 to index
      %get3A_233 = arith.constant 0 : index
      %get3A_234 = tpu.vector_load %arg9[%get3A_232, %get3A_233] {strides = array<i32>} : memref<128x16xf32, #tpu.memory_space<vmem>>, vector<16xf32>,
      tpu.vector_store_idx %arg11[%add3A_5, %broadcast_in_dim3A_226], %get3A_234 : memref<32x129xf32, #tpu.memory_space<vmem>>[vector<16xi32>, vector<16xi32>], vector<16xf32>,
      %broadcast_in_dim3A_235 = arith.constant 2 : i32
      %broadcast_in_dim3A_236 = vector.broadcast %broadcast_in_dim3A_235 : i32 to vector<16xi32>
      %get3A_237 = arith.constant 2 : i32
      %get3A_238 = arith.index_cast %get3A_237 : i32 to index
      %get3A_239 = arith.constant 0 : index
      %get3A_240 = tpu.vector_load %arg7[%get3A_238, %get3A_239] {strides = array<i32>} : memref<128x16xf32, #tpu.memory_space<vmem>>, vector<16xf32>,
      tpu.vector_store_idx %arg11[%iota3A, %broadcast_in_dim3A_236], %get3A_240 : memref<32x129xf32, #tpu.memory_space<vmem>>[vector<16xi32>, vector<16xi32>], vector<16xf32>,
      %get3A_241 = arith.constant 2 : i32
      %get3A_242 = arith.index_cast %get3A_241 : i32 to index
      %get3A_243 = arith.constant 0 : index
      %get3A_244 = tpu.vector_load %arg9[%get3A_242, %get3A_243] {strides = array<i32>} : memref<128x16xf32, #tpu.memory_space<vmem>>, vector<16xf32>,
      tpu.vector_store_idx %arg11[%add3A_5, %broadcast_in_dim3A_236], %get3A_244 : memref<32x129xf32, #tpu.memory_space<vmem>>[vector<16xi32>, vector<16xi32>], vector<16xf32>,
      %broadcast_in_dim3A_245 = arith.constant 3 : i32
      %broadcast_in_dim3A_246 = vector.broadcast %broadcast_in_dim3A_245 : i32 to vector<16xi32>
      %get3A_247 = arith.constant 3 : i32
      %get3A_248 = arith.index_cast %get3A_247 : i32 to index
      %get3A_249 = arith.constant 0 : index
      %get3A_250 = tpu.vector_load %arg7[%get3A_248, %get3A_249] {strides = array<i32>} : memref<128x16xf32, #tpu.memory_space<vmem>>, vector<16xf32>,
      tpu.vector_store_idx %arg11[%iota3A, %broadcast_in_dim3A_246], %get3A_250 : memref<32x129xf32, #tpu.memory_space<vmem>>[vector<16xi32>, vector<16xi32>], vector<16xf32>,
      %get3A_251 = arith.constant 3 : i32
      %get3A_252 = arith.index_cast %get3A_251 : i32 to index
      %get3A_253 = arith.constant 0 : index
      %get3A_254 = tpu.vector_load %arg9[%get3A_252, %get3A_253] {strides = array<i32>} : memref<128x16xf32, #tpu.memory_space<vmem>>, vector<16xf32>,
      tpu.vector_store_idx %arg11[%add3A_5, %broadcast_in_dim3A_246], %get3A_254 : memref<32x129xf32, #tpu.memory_space<vmem>>[vector<16xi32>, vector<16xi32>], vector<16xf32>,
      %broadcast_in_dim3A_255 = arith.constant 4 : i32
      %broadcast_in_dim3A_256 = vector.broadcast %broadcast_in_dim3A_255 : i32 to vector<16xi32>
      %get3A_257 = arith.constant 4 : i32
      %get3A_258 = arith.index_cast %get3A_257 : i32 to index
      %get3A_259 = arith.constant 0 : index
      %get3A_260 = tpu.vector_load %arg7[%get3A_258, %get3A_259] {strides = array<i32>} : memref<128x16xf32, #tpu.memory_space<vmem>>, vector<16xf32>,
      tpu.vector_store_idx %arg11[%iota3A, %broadcast_in_dim3A_256], %get3A_260 : memref<32x129xf32, #tpu.memory_space<vmem>>[vector<16xi32>, vector<16xi32>], vector<16xf32>,
      %get3A_261 = arith.constant 4 : i32
      %get3A_262 = arith.index_cast %get3A_261 : i32 to index
      %get3A_263 = arith.constant 0 : index
      %get3A_264 = tpu.vector_load %arg9[%get3A_262, %get3A_263] {strides = array<i32>} : memref<128x16xf32, #tpu.memory_space<vmem>>, vector<16xf32>,
      tpu.vector_store_idx %arg11[%add3A_5, %broadcast_in_dim3A_256], %get3A_264 : memref<32x129xf32, #tpu.memory_space<vmem>>[vector<16xi32>, vector<16xi32>], vector<16xf32>,
      %broadcast_in_dim3A_265 = arith.constant 5 : i32
      %broadcast_in_dim3A_266 = vector.broadcast %broadcast_in_dim3A_265 : i32 to vector<16xi32>
      %get3A_267 = arith.constant 5 : i32
      %get3A_268 = arith.index_cast %get3A_267 : i32 to index
      %get3A_269 = arith.constant 0 : index
      %get3A_270 = tpu.vector_load %arg7[%get3A_268, %get3A_269] {strides = array<i32>} : memref<128x16xf32, #tpu.memory_space<vmem>>, vector<16xf32>,
      tpu.vector_store_idx %arg11[%iota3A, %broadcast_in_dim3A_266], %get3A_270 : memref<32x129xf32, #tpu.memory_space<vmem>>[vector<16xi32>, vector<16xi32>], vector<16xf32>,
      %get3A_271 = arith.constant 5 : i32
      %get3A_272 = arith.index_cast %get3A_271 : i32 to index
      %get3A_273 = arith.constant 0 : index
      %get3A_274 = tpu.vector_load %arg9[%get3A_272, %get3A_273] {strides = array<i32>} : memref<128x16xf32, #tpu.memory_space<vmem>>, vector<16xf32>,
      tpu.vector_store_idx %arg11[%add3A_5, %broadcast_in_dim3A_266], %get3A_274 : memref<32x129xf32, #tpu.memory_space<vmem>>[vector<16xi32>, vector<16xi32>], vector<16xf32>,
      %broadcast_in_dim3A_275 = arith.constant 6 : i32
      %broadcast_in_dim3A_276 = vector.broadcast %broadcast_in_dim3A_275 : i32 to vector<16xi32>
      %get3A_277 = arith.constant 6 : i32
      %get3A_278 = arith.index_cast %get3A_277 : i32 to index
      %get3A_279 = arith.constant 0 : index
      %get3A_280 = tpu.vector_load %arg7[%get3A_278, %get3A_279] {strides = array<i32>} : memref<128x16xf32, #tpu.memory_space<vmem>>, vector<16xf32>,
      tpu.vector_store_idx %arg11[%iota3A, %broadcast_in_dim3A_276], %get3A_280 : memref<32x129xf32, #tpu.memory_space<vmem>>[vector<16xi32>, vector<16xi32>], vector<16xf32>,
      %get3A_281 = arith.constant 6 : i32
      %get3A_282 = arith.index_cast %get3A_281 : i32 to index
      %get3A_283 = arith.constant 0 : index
      %get3A_284 = tpu.vector_load %arg9[%get3A_282, %get3A_283] {strides = array<i32>} : memref<128x16xf32, #tpu.memory_space<vmem>>, vector<16xf32>,
      tpu.vector_store_idx %arg11[%add3A_5, %broadcast_in_dim3A_276], %get3A_284 : memref<32x129xf32, #tpu.memory_space<vmem>>[vector<16xi32>, vector<16xi32>], vector<16xf32>,
      %broadcast_in_dim3A_285 = arith.constant 7 : i32
      %broadcast_in_dim3A_286 = vector.broadcast %broadcast_in_dim3A_285 : i32 to vector<16xi32>
      %get3A_287 = arith.constant 7 : i32
      %get3A_288 = arith.index_cast %get3A_287 : i32 to index
      %get3A_289 = arith.constant 0 : index
      %get3A_290 = tpu.vector_load %arg7[%get3A_288, %get3A_289] {strides = array<i32>} : memref<128x16xf32, #tpu.memory_space<vmem>>, vector<16xf32>,
      tpu.vector_store_idx %arg11[%iota3A, %broadcast_in_dim3A_286], %get3A_290 : memref<32x129xf32, #tpu.memory_space<vmem>>[vector<16xi32>, vector<16xi32>], vector<16xf32>,
      %get3A_291 = arith.constant 7 : i32
      %get3A_292 = arith.index_cast %get3A_291 : i32 to index
      %get3A_293 = arith.constant 0 : index
      %get3A_294 = tpu.vector_load %arg9[%get3A_292, %get3A_293] {strides = array<i32>} : memref<128x16xf32, #tpu.memory_space<vmem>>, vector<16xf32>,
      tpu.vector_store_idx %arg11[%add3A_5, %broadcast_in_dim3A_286], %get3A_294 : memref<32x129xf32, #tpu.memory_space<vmem>>[vector<16xi32>, vector<16xi32>], vector<16xf32>,
      %broadcast_in_dim3A_295 = arith.constant 8 : i32
      %broadcast_in_dim3A_296 = vector.broadcast %broadcast_in_dim3A_295 : i32 to vector<16xi32>
      %get3A_297 = arith.constant 8 : i32
      %get3A_298 = arith.index_cast %get3A_297 : i32 to index
      %get3A_299 = arith.constant 0 : index
      %get3A_300 = tpu.vector_load %arg7[%get3A_298, %get3A_299] {strides = array<i32>} : memref<128x16xf32, #tpu.memory_space<vmem>>, vector<16xf32>,
      tpu.vector_store_idx %arg11[%iota3A, %broadcast_in_dim3A_296], %get3A_300 : memref<32x129xf32, #tpu.memory_space<vmem>>[vector<16xi32>, vector<16xi32>], vector<16xf32>,
      %get3A_301 = arith.constant 8 : i32
      %get3A_302 = arith.index_cast %get3A_301 : i32 to index
      %get3A_303 = arith.constant 0 : index
      %get3A_304 = tpu.vector_load %arg9[%get3A_302, %get3A_303] {strides = array<i32>} : memref<128x16xf32, #tpu.memory_space<vmem>>, vector<16xf32>,
      tpu.vector_store_idx %arg11[%add3A_5, %broadcast_in_dim3A_296], %get3A_304 : memref<32x129xf32, #tpu.memory_space<vmem>>[vector<16xi32>, vector<16xi32>], vector<16xf32>,
      %broadcast_in_dim3A_305 = arith.constant 9 : i32
      %broadcast_in_dim3A_306 = vector.broadcast %broadcast_in_dim3A_305 : i32 to vector<16xi32>
      %get3A_307 = arith.constant 9 : i32
      %get3A_308 = arith.index_cast %get3A_307 : i32 to index
      %get3A_309 = arith.constant 0 : index
      %get3A_310 = tpu.vector_load %arg7[%get3A_308, %get3A_309] {strides = array<i32>} : memref<128x16xf32, #tpu.memory_space<vmem>>, vector<16xf32>,
      tpu.vector_store_idx %arg11[%iota3A, %broadcast_in_dim3A_306], %get3A_310 : memref<32x129xf32, #tpu.memory_space<vmem>>[vector<16xi32>, vector<16xi32>], vector<16xf32>,
      %get3A_311 = arith.constant 9 : i32
      %get3A_312 = arith.index_cast %get3A_311 : i32 to index
      %get3A_313 = arith.constant 0 : index
      %get3A_314 = tpu.vector_load %arg9[%get3A_312, %get3A_313] {strides = array<i32>} : memref<128x16xf32, #tpu.memory_space<vmem>>, vector<16xf32>,
      tpu.vector_store_idx %arg11[%add3A_5, %broadcast_in_dim3A_306], %get3A_314 : memref<32x129xf32, #tpu.memory_space<vmem>>[vector<16xi32>, vector<16xi32>], vector<16xf32>,
      %broadcast_in_dim3A_315 = arith.constant 10 : i32
      %broadcast_in_dim3A_316 = vector.broadcast %broadcast_in_dim3A_315 : i32 to vector<16xi32>
      %get3A_317 = arith.constant 10 : i32
      %get3A_318 = arith.index_cast %get3A_317 : i32 to index
      %get3A_319 = arith.constant 0 : index
      %get3A_320 = tpu.vector_load %arg7[%get3A_318, %get3A_319] {strides = array<i32>} : memref<128x16xf32, #tpu.memory_space<vmem>>, vector<16xf32>,
      tpu.vector_store_idx %arg11[%iota3A, %broadcast_in_dim3A_316], %get3A_320 : memref<32x129xf32, #tpu.memory_space<vmem>>[vector<16xi32>, vector<16xi32>], vector<16xf32>,
      %get3A_321 = arith.constant 10 : i32
      %get3A_322 = arith.index_cast %get3A_321 : i32 to index
      %get3A_323 = arith.constant 0 : index
      %get3A_324 = tpu.vector_load %arg9[%get3A_322, %get3A_323] {strides = array<i32>} : memref<128x16xf32, #tpu.memory_space<vmem>>, vector<16xf32>,
      tpu.vector_store_idx %arg11[%add3A_5, %broadcast_in_dim3A_316], %get3A_324 : memref<32x129xf32, #tpu.memory_space<vmem>>[vector<16xi32>, vector<16xi32>], vector<16xf32>,
      %broadcast_in_dim3A_325 = arith.constant 11 : i32
      %broadcast_in_dim3A_326 = vector.broadcast %broadcast_in_dim3A_325 : i32 to vector<16xi32>
      %get3A_327 = arith.constant 11 : i32
      %get3A_328 = arith.index_cast %get3A_327 : i32 to index
      %get3A_329 = arith.constant 0 : index
      %get3A_330 = tpu.vector_load %arg7[%get3A_328, %get3A_329] {strides = array<i32>} : memref<128x16xf32, #tpu.memory_space<vmem>>, vector<16xf32>,
      tpu.vector_store_idx %arg11[%iota3A, %broadcast_in_dim3A_326], %get3A_330 : memref<32x129xf32, #tpu.memory_space<vmem>>[vector<16xi32>, vector<16xi32>], vector<16xf32>,
      %get3A_331 = arith.constant 11 : i32
      %get3A_332 = arith.index_cast %get3A_331 : i32 to index
      %get3A_333 = arith.constant 0 : index
      %get3A_334 = tpu.vector_load %arg9[%get3A_332, %get3A_333] {strides = array<i32>} : memref<128x16xf32, #tpu.memory_space<vmem>>, vector<16xf32>,
      tpu.vector_store_idx %arg11[%add3A_5, %broadcast_in_dim3A_326], %get3A_334 : memref<32x129xf32, #tpu.memory_space<vmem>>[vector<16xi32>, vector<16xi32>], vector<16xf32>,
      %broadcast_in_dim3A_335 = arith.constant 12 : i32
      %broadcast_in_dim3A_336 = vector.broadcast %broadcast_in_dim3A_335 : i32 to vector<16xi32>
      %get3A_337 = arith.constant 12 : i32
      %get3A_338 = arith.index_cast %get3A_337 : i32 to index
      %get3A_339 = arith.constant 0 : index
      %get3A_340 = tpu.vector_load %arg7[%get3A_338, %get3A_339] {strides = array<i32>} : memref<128x16xf32, #tpu.memory_space<vmem>>, vector<16xf32>,
      tpu.vector_store_idx %arg11[%iota3A, %broadcast_in_dim3A_336], %get3A_340 : memref<32x129xf32, #tpu.memory_space<vmem>>[vector<16xi32>, vector<16xi32>], vector<16xf32>,
      %get3A_341 = arith.constant 12 : i32
      %get3A_342 = arith.index_cast %get3A_341 : i32 to index
      %get3A_343 = arith.constant 0 : index
      %get3A_344 = tpu.vector_load %arg9[%get3A_342, %get3A_343] {strides = array<i32>} : memref<128x16xf32, #tpu.memory_space<vmem>>, vector<16xf32>,
      tpu.vector_store_idx %arg11[%add3A_5, %broadcast_in_dim3A_336], %get3A_344 : memref<32x129xf32, #tpu.memory_space<vmem>>[vector<16xi32>, vector<16xi32>], vector<16xf32>,
      %broadcast_in_dim3A_345 = arith.constant 13 : i32
      %broadcast_in_dim3A_346 = vector.broadcast %broadcast_in_dim3A_345 : i32 to vector<16xi32>
      %get3A_347 = arith.constant 13 : i32
      %get3A_348 = arith.index_cast %get3A_347 : i32 to index
      %get3A_349 = arith.constant 0 : index
      %get3A_350 = tpu.vector_load %arg7[%get3A_348, %get3A_349] {strides = array<i32>} : memref<128x16xf32, #tpu.memory_space<vmem>>, vector<16xf32>,
      tpu.vector_store_idx %arg11[%iota3A, %broadcast_in_dim3A_346], %get3A_350 : memref<32x129xf32, #tpu.memory_space<vmem>>[vector<16xi32>, vector<16xi32>], vector<16xf32>,
      %get3A_351 = arith.constant 13 : i32
      %get3A_352 = arith.index_cast %get3A_351 : i32 to index
      %get3A_353 = arith.constant 0 : index
      %get3A_354 = tpu.vector_load %arg9[%get3A_352, %get3A_353] {strides = array<i32>} : memref<128x16xf32, #tpu.memory_space<vmem>>, vector<16xf32>,
      tpu.vector_store_idx %arg11[%add3A_5, %broadcast_in_dim3A_346], %get3A_354 : memref<32x129xf32, #tpu.memory_space<vmem>>[vector<16xi32>, vector<16xi32>], vector<16xf32>,
      %broadcast_in_dim3A_355 = arith.constant 14 : i32
      %broadcast_in_dim3A_356 = vector.broadcast %broadcast_in_dim3A_355 : i32 to vector<16xi32>
      %get3A_357 = arith.constant 14 : i32
      %get3A_358 = arith.index_cast %get3A_357 : i32 to index
      %get3A_359 = arith.constant 0 : index
      %get3A_360 = tpu.vector_load %arg7[%get3A_358, %get3A_359] {strides = array<i32>} : memref<128x16xf32, #tpu.memory_space<vmem>>, vector<16xf32>,
      tpu.vector_store_idx %arg11[%iota3A, %broadcast_in_dim3A_356], %get3A_360 : memref<32x129xf32, #tpu.memory_space<vmem>>[vector<16xi32>, vector<16xi32>], vector<16xf32>,
      %get3A_361 = arith.constant 14 : i32
      %get3A_362 = arith.index_cast %get3A_361 : i32 to index
      %get3A_363 = arith.constant 0 : index
      %get3A_364 = tpu.vector_load %arg9[%get3A_362, %get3A_363] {strides = array<i32>} : memref<128x16xf32, #tpu.memory_space<vmem>>, vector<16xf32>,
      tpu.vector_store_idx %arg11[%add3A_5, %broadcast_in_dim3A_356], %get3A_364 : memref<32x129xf32, #tpu.memory_space<vmem>>[vector<16xi32>, vector<16xi32>], vector<16xf32>,
      %broadcast_in_dim3A_365 = arith.constant 15 : i32
      %broadcast_in_dim3A_366 = vector.broadcast %broadcast_in_dim3A_365 : i32 to vector<16xi32>
      %get3A_367 = arith.constant 15 : i32
      %get3A_368 = arith.index_cast %get3A_367 : i32 to index
      %get3A_369 = arith.constant 0 : index
      %get3A_370 = tpu.vector_load %arg7[%get3A_368, %get3A_369] {strides = array<i32>} : memref<128x16xf32, #tpu.memory_space<vmem>>, vector<16xf32>,
      tpu.vector_store_idx %arg11[%iota3A, %broadcast_in_dim3A_366], %get3A_370 : memref<32x129xf32, #tpu.memory_space<vmem>>[vector<16xi32>, vector<16xi32>], vector<16xf32>,
      %get3A_371 = arith.constant 15 : i32
      %get3A_372 = arith.index_cast %get3A_371 : i32 to index
      %get3A_373 = arith.constant 0 : index
      %get3A_374 = tpu.vector_load %arg9[%get3A_372, %get3A_373] {strides = array<i32>} : memref<128x16xf32, #tpu.memory_space<vmem>>, vector<16xf32>,
      tpu.vector_store_idx %arg11[%add3A_5, %broadcast_in_dim3A_366], %get3A_374 : memref<32x129xf32, #tpu.memory_space<vmem>>[vector<16xi32>, vector<16xi32>], vector<16xf32>,
      %broadcast_in_dim3A_375 = arith.constant 16 : i32
      %broadcast_in_dim3A_376 = vector.broadcast %broadcast_in_dim3A_375 : i32 to vector<16xi32>
      %get3A_377 = arith.constant 16 : i32
      %get3A_378 = arith.index_cast %get3A_377 : i32 to index
      %get3A_379 = arith.constant 0 : index
      %get3A_380 = tpu.vector_load %arg7[%get3A_378, %get3A_379] {strides = array<i32>} : memref<128x16xf32, #tpu.memory_space<vmem>>, vector<16xf32>,
      tpu.vector_store_idx %arg11[%iota3A, %broadcast_in_dim3A_376], %get3A_380 : memref<32x129xf32, #tpu.memory_space<vmem>>[vector<16xi32>, vector<16xi32>], vector<16xf32>,
      %get3A_381 = arith.constant 16 : i32
      %get3A_382 = arith.index_cast %get3A_381 : i32 to index
      %get3A_383 = arith.constant 0 : index
      %get3A_384 = tpu.vector_load %arg9[%get3A_382, %get3A_383] {strides = array<i32>} : memref<128x16xf32, #tpu.memory_space<vmem>>, vector<16xf32>,
      tpu.vector_store_idx %arg11[%add3A_5, %broadcast_in_dim3A_376], %get3A_384 : memref<32x129xf32, #tpu.memory_space<vmem>>[vector<16xi32>, vector<16xi32>], vector<16xf32>,
      %broadcast_in_dim3A_385 = arith.constant 17 : i32
      %broadcast_in_dim3A_386 = vector.broadcast %broadcast_in_dim3A_385 : i32 to vector<16xi32>
      %get3A_387 = arith.constant 17 : i32
      %get3A_388 = arith.index_cast %get3A_387 : i32 to index
      %get3A_389 = arith.constant 0 : index
      %get3A_390 = tpu.vector_load %arg7[%get3A_388, %get3A_389] {strides = array<i32>} : memref<128x16xf32, #tpu.memory_space<vmem>>, vector<16xf32>,
      tpu.vector_store_idx %arg11[%iota3A, %broadcast_in_dim3A_386], %get3A_390 : memref<32x129xf32, #tpu.memory_space<vmem>>[vector<16xi32>, vector<16xi32>], vector<16xf32>,
      %get3A_391 = arith.constant 17 : i32
      %get3A_392 = arith.index_cast %get3A_391 : i32 to index
      %get3A_393 = arith.constant 0 : index
      %get3A_394 = tpu.vector_load %arg9[%get3A_392, %get3A_393] {strides = array<i32>} : memref<128x16xf32, #tpu.memory_space<vmem>>, vector<16xf32>,
      tpu.vector_store_idx %arg11[%add3A_5, %broadcast_in_dim3A_386], %get3A_394 : memref<32x129xf32, #tpu.memory_space<vmem>>[vector<16xi32>, vector<16xi32>], vector<16xf32>,
      %broadcast_in_dim3A_395 = arith.constant 18 : i32
      %broadcast_in_dim3A_396 = vector.broadcast %broadcast_in_dim3A_395 : i32 to vector<16xi32>
      %get3A_397 = arith.constant 18 : i32
      %get3A_398 = arith.index_cast %get3A_397 : i32 to index
      %get3A_399 = arith.constant 0 : index
      %get3A_400 = tpu.vector_load %arg7[%get3A_398, %get3A_399] {strides = array<i32>} : memref<128x16xf32, #tpu.memory_space<vmem>>, vector<16xf32>,
      tpu.vector_store_idx %arg11[%iota3A, %broadcast_in_dim3A_396], %get3A_400 : memref<32x129xf32, #tpu.memory_space<vmem>>[vector<16xi32>, vector<16xi32>], vector<16xf32>,
      %get3A_401 = arith.constant 18 : i32
      %get3A_402 = arith.index_cast %get3A_401 : i32 to index
      %get3A_403 = arith.constant 0 : index
      %get3A_404 = tpu.vector_load %arg9[%get3A_402, %get3A_403] {strides = array<i32>} : memref<128x16xf32, #tpu.memory_space<vmem>>, vector<16xf32>,
      tpu.vector_store_idx %arg11[%add3A_5, %broadcast_in_dim3A_396], %get3A_404 : memref<32x129xf32, #tpu.memory_space<vmem>>[vector<16xi32>, vector<16xi32>], vector<16xf32>,
      %broadcast_in_dim3A_405 = arith.constant 19 : i32
      %broadcast_in_dim3A_406 = vector.broadcast %broadcast_in_dim3A_405 : i32 to vector<16xi32>
      %get3A_407 = arith.constant 19 : i32
      %get3A_408 = arith.index_cast %get3A_407 : i32 to index
      %get3A_409 = arith.constant 0 : index
      %get3A_410 = tpu.vector_load %arg7[%get3A_408, %get3A_409] {strides = array<i32>} : memref<128x16xf32, #tpu.memory_space<vmem>>, vector<16xf32>,
      tpu.vector_store_idx %arg11[%iota3A, %broadcast_in_dim3A_406], %get3A_410 : memref<32x129xf32, #tpu.memory_space<vmem>>[vector<16xi32>, vector<16xi32>], vector<16xf32>,
      %get3A_411 = arith.constant 19 : i32
      %get3A_412 = arith.index_cast %get3A_411 : i32 to index
      %get3A_413 = arith.constant 0 : index
      %get3A_414 = tpu.vector_load %arg9[%get3A_412, %get3A_413] {strides = array<i32>} : memref<128x16xf32, #tpu.memory_space<vmem>>, vector<16xf32>,
      tpu.vector_store_idx %arg11[%add3A_5, %broadcast_in_dim3A_406], %get3A_414 : memref<32x129xf32, #tpu.memory_space<vmem>>[vector<16xi32>, vector<16xi32>], vector<16xf32>,
      %broadcast_in_dim3A_415 = arith.constant 20 : i32
      %broadcast_in_dim3A_416 = vector.broadcast %broadcast_in_dim3A_415 : i32 to vector<16xi32>
      %get3A_417 = arith.constant 20 : i32
      %get3A_418 = arith.index_cast %get3A_417 : i32 to index
      %get3A_419 = arith.constant 0 : index
      %get3A_420 = tpu.vector_load %arg7[%get3A_418, %get3A_419] {strides = array<i32>} : memref<128x16xf32, #tpu.memory_space<vmem>>, vector<16xf32>,
      tpu.vector_store_idx %arg11[%iota3A, %broadcast_in_dim3A_416], %get3A_420 : memref<32x129xf32, #tpu.memory_space<vmem>>[vector<16xi32>, vector<16xi32>], vector<16xf32>,
      %get3A_421 = arith.constant 20 : i32
      %get3A_422 = arith.index_cast %get3A_421 : i32 to index
      %get3A_423 = arith.constant 0 : index
      %get3A_424 = tpu.vector_load %arg9[%get3A_422, %get3A_423] {strides = array<i32>} : memref<128x16xf32, #tpu.memory_space<vmem>>, vector<16xf32>,
      tpu.vector_store_idx %arg11[%add3A_5, %broadcast_in_dim3A_416], %get3A_424 : memref<32x129xf32, #tpu.memory_space<vmem>>[vector<16xi32>, vector<16xi32>], vector<16xf32>,
      %broadcast_in_dim3A_425 = arith.constant 21 : i32
      %broadcast_in_dim3A_426 = vector.broadcast %broadcast_in_dim3A_425 : i32 to vector<16xi32>
      %get3A_427 = arith.constant 21 : i32
      %get3A_428 = arith.index_cast %get3A_427 : i32 to index
      %get3A_429 = arith.constant 0 : index
      %get3A_430 = tpu.vector_load %arg7[%get3A_428, %get3A_429] {strides = array<i32>} : memref<128x16xf32, #tpu.memory_space<vmem>>, vector<16xf32>,
      tpu.vector_store_idx %arg11[%iota3A, %broadcast_in_dim3A_426], %get3A_430 : memref<32x129xf32, #tpu.memory_space<vmem>>[vector<16xi32>, vector<16xi32>], vector<16xf32>,
      %get3A_431 = arith.constant 21 : i32
      %get3A_432 = arith.index_cast %get3A_431 : i32 to index
      %get3A_433 = arith.constant 0 : index
      %get3A_434 = tpu.vector_load %arg9[%get3A_432, %get3A_433] {strides = array<i32>} : memref<128x16xf32, #tpu.memory_space<vmem>>, vector<16xf32>,
      tpu.vector_store_idx %arg11[%add3A_5, %broadcast_in_dim3A_426], %get3A_434 : memref<32x129xf32, #tpu.memory_space<vmem>>[vector<16xi32>, vector<16xi32>], vector<16xf32>,
      %broadcast_in_dim3A_435 = arith.constant 22 : i32
      %broadcast_in_dim3A_436 = vector.broadcast %broadcast_in_dim3A_435 : i32 to vector<16xi32>
      %get3A_437 = arith.constant 22 : i32
      %get3A_438 = arith.index_cast %get3A_437 : i32 to index
      %get3A_439 = arith.constant 0 : index
      %get3A_440 = tpu.vector_load %arg7[%get3A_438, %get3A_439] {strides = array<i32>} : memref<128x16xf32, #tpu.memory_space<vmem>>, vector<16xf32>,
      tpu.vector_store_idx %arg11[%iota3A, %broadcast_in_dim3A_436], %get3A_440 : memref<32x129xf32, #tpu.memory_space<vmem>>[vector<16xi32>, vector<16xi32>], vector<16xf32>,
      %get3A_441 = arith.constant 22 : i32
      %get3A_442 = arith.index_cast %get3A_441 : i32 to index
      %get3A_443 = arith.constant 0 : index
      %get3A_444 = tpu.vector_load %arg9[%get3A_442, %get3A_443] {strides = array<i32>} : memref<128x16xf32, #tpu.memory_space<vmem>>, vector<16xf32>,
      tpu.vector_store_idx %arg11[%add3A_5, %broadcast_in_dim3A_436], %get3A_444 : memref<32x129xf32, #tpu.memory_space<vmem>>[vector<16xi32>, vector<16xi32>], vector<16xf32>,
      %broadcast_in_dim3A_445 = arith.constant 23 : i32
      %broadcast_in_dim3A_446 = vector.broadcast %broadcast_in_dim3A_445 : i32 to vector<16xi32>
      %get3A_447 = arith.constant 23 : i32
      %get3A_448 = arith.index_cast %get3A_447 : i32 to index
      %get3A_449 = arith.constant 0 : index
      %get3A_450 = tpu.vector_load %arg7[%get3A_448, %get3A_449] {strides = array<i32>} : memref<128x16xf32, #tpu.memory_space<vmem>>, vector<16xf32>,
      tpu.vector_store_idx %arg11[%iota3A, %broadcast_in_dim3A_446], %get3A_450 : memref<32x129xf32, #tpu.memory_space<vmem>>[vector<16xi32>, vector<16xi32>], vector<16xf32>,
      %get3A_451 = arith.constant 23 : i32
      %get3A_452 = arith.index_cast %get3A_451 : i32 to index
      %get3A_453 = arith.constant 0 : index
      %get3A_454 = tpu.vector_load %arg9[%get3A_452, %get3A_453] {strides = array<i32>} : memref<128x16xf32, #tpu.memory_space<vmem>>, vector<16xf32>,
      tpu.vector_store_idx %arg11[%add3A_5, %broadcast_in_dim3A_446], %get3A_454 : memref<32x129xf32, #tpu.memory_space<vmem>>[vector<16xi32>, vector<16xi32>], vector<16xf32>,
      %broadcast_in_dim3A_455 = arith.constant 24 : i32
      %broadcast_in_dim3A_456 = vector.broadcast %broadcast_in_dim3A_455 : i32 to vector<16xi32>
      %get3A_457 = arith.constant 24 : i32
      %get3A_458 = arith.index_cast %get3A_457 : i32 to index
      %get3A_459 = arith.constant 0 : index
      %get3A_460 = tpu.vector_load %arg7[%get3A_458, %get3A_459] {strides = array<i32>} : memref<128x16xf32, #tpu.memory_space<vmem>>, vector<16xf32>,
      tpu.vector_store_idx %arg11[%iota3A, %broadcast_in_dim3A_456], %get3A_460 : memref<32x129xf32, #tpu.memory_space<vmem>>[vector<16xi32>, vector<16xi32>], vector<16xf32>,
      %get3A_461 = arith.constant 24 : i32
      %get3A_462 = arith.index_cast %get3A_461 : i32 to index
      %get3A_463 = arith.constant 0 : index
      %get3A_464 = tpu.vector_load %arg9[%get3A_462, %get3A_463] {strides = array<i32>} : memref<128x16xf32, #tpu.memory_space<vmem>>, vector<16xf32>,
      tpu.vector_store_idx %arg11[%add3A_5, %broadcast_in_dim3A_456], %get3A_464 : memref<32x129xf32, #tpu.memory_space<vmem>>[vector<16xi32>, vector<16xi32>], vector<16xf32>,
      %broadcast_in_dim3A_465 = arith.constant 25 : i32
      %broadcast_in_dim3A_466 = vector.broadcast %broadcast_in_dim3A_465 : i32 to vector<16xi32>
      %get3A_467 = arith.constant 25 : i32
      %get3A_468 = arith.index_cast %get3A_467 : i32 to index
      %get3A_469 = arith.constant 0 : index
      %get3A_470 = tpu.vector_load %arg7[%get3A_468, %get3A_469] {strides = array<i32>} : memref<128x16xf32, #tpu.memory_space<vmem>>, vector<16xf32>,
      tpu.vector_store_idx %arg11[%iota3A, %broadcast_in_dim3A_466], %get3A_470 : memref<32x129xf32, #tpu.memory_space<vmem>>[vector<16xi32>, vector<16xi32>], vector<16xf32>,
      %get3A_471 = arith.constant 25 : i32
      %get3A_472 = arith.index_cast %get3A_471 : i32 to index
      %get3A_473 = arith.constant 0 : index
      %get3A_474 = tpu.vector_load %arg9[%get3A_472, %get3A_473] {strides = array<i32>} : memref<128x16xf32, #tpu.memory_space<vmem>>, vector<16xf32>,
      tpu.vector_store_idx %arg11[%add3A_5, %broadcast_in_dim3A_466], %get3A_474 : memref<32x129xf32, #tpu.memory_space<vmem>>[vector<16xi32>, vector<16xi32>], vector<16xf32>,
      %broadcast_in_dim3A_475 = arith.constant 26 : i32
      %broadcast_in_dim3A_476 = vector.broadcast %broadcast_in_dim3A_475 : i32 to vector<16xi32>
      %get3A_477 = arith.constant 26 : i32
      %get3A_478 = arith.index_cast %get3A_477 : i32 to index
      %get3A_479 = arith.constant 0 : index
      %get3A_480 = tpu.vector_load %arg7[%get3A_478, %get3A_479] {strides = array<i32>} : memref<128x16xf32, #tpu.memory_space<vmem>>, vector<16xf32>,
      tpu.vector_store_idx %arg11[%iota3A, %broadcast_in_dim3A_476], %get3A_480 : memref<32x129xf32, #tpu.memory_space<vmem>>[vector<16xi32>, vector<16xi32>], vector<16xf32>,
      %get3A_481 = arith.constant 26 : i32
      %get3A_482 = arith.index_cast %get3A_481 : i32 to index
      %get3A_483 = arith.constant 0 : index
      %get3A_484 = tpu.vector_load %arg9[%get3A_482, %get3A_483] {strides = array<i32>} : memref<128x16xf32, #tpu.memory_space<vmem>>, vector<16xf32>,
      tpu.vector_store_idx %arg11[%add3A_5, %broadcast_in_dim3A_476], %get3A_484 : memref<32x129xf32, #tpu.memory_space<vmem>>[vector<16xi32>, vector<16xi32>], vector<16xf32>,
      %broadcast_in_dim3A_485 = arith.constant 27 : i32
      %broadcast_in_dim3A_486 = vector.broadcast %broadcast_in_dim3A_485 : i32 to vector<16xi32>
      %get3A_487 = arith.constant 27 : i32
      %get3A_488 = arith.index_cast %get3A_487 : i32 to index
      %get3A_489 = arith.constant 0 : index
      %get3A_490 = tpu.vector_load %arg7[%get3A_488, %get3A_489] {strides = array<i32>} : memref<128x16xf32, #tpu.memory_space<vmem>>, vector<16xf32>,
      tpu.vector_store_idx %arg11[%iota3A, %broadcast_in_dim3A_486], %get3A_490 : memref<32x129xf32, #tpu.memory_space<vmem>>[vector<16xi32>, vector<16xi32>], vector<16xf32>,
      %get3A_491 = arith.constant 27 : i32
      %get3A_492 = arith.index_cast %get3A_491 : i32 to index
      %get3A_493 = arith.constant 0 : index
      %get3A_494 = tpu.vector_load %arg9[%get3A_492, %get3A_493] {strides = array<i32>} : memref<128x16xf32, #tpu.memory_space<vmem>>, vector<16xf32>,
      tpu.vector_store_idx %arg11[%add3A_5, %broadcast_in_dim3A_486], %get3A_494 : memref<32x129xf32, #tpu.memory_space<vmem>>[vector<16xi32>, vector<16xi32>], vector<16xf32>,
      %broadcast_in_dim3A_495 = arith.constant 28 : i32
      %broadcast_in_dim3A_496 = vector.broadcast %broadcast_in_dim3A_495 : i32 to vector<16xi32>
      %get3A_497 = arith.constant 28 : i32
      %get3A_498 = arith.index_cast %get3A_497 : i32 to index
      %get3A_499 = arith.constant 0 : index
      %get3A_500 = tpu.vector_load %arg7[%get3A_498, %get3A_499] {strides = array<i32>} : memref<128x16xf32, #tpu.memory_space<vmem>>, vector<16xf32>,
      tpu.vector_store_idx %arg11[%iota3A, %broadcast_in_dim3A_496], %get3A_500 : memref<32x129xf32, #tpu.memory_space<vmem>>[vector<16xi32>, vector<16xi32>], vector<16xf32>,
      %get3A_501 = arith.constant 28 : i32
      %get3A_502 = arith.index_cast %get3A_501 : i32 to index
      %get3A_503 = arith.constant 0 : index
      %get3A_504 = tpu.vector_load %arg9[%get3A_502, %get3A_503] {strides = array<i32>} : memref<128x16xf32, #tpu.memory_space<vmem>>, vector<16xf32>,
      tpu.vector_store_idx %arg11[%add3A_5, %broadcast_in_dim3A_496], %get3A_504 : memref<32x129xf32, #tpu.memory_space<vmem>>[vector<16xi32>, vector<16xi32>], vector<16xf32>,
      %broadcast_in_dim3A_505 = arith.constant 29 : i32
      %broadcast_in_dim3A_506 = vector.broadcast %broadcast_in_dim3A_505 : i32 to vector<16xi32>
      %get3A_507 = arith.constant 29 : i32
      %get3A_508 = arith.index_cast %get3A_507 : i32 to index
      %get3A_509 = arith.constant 0 : index
      %get3A_510 = tpu.vector_load %arg7[%get3A_508, %get3A_509] {strides = array<i32>} : memref<128x16xf32, #tpu.memory_space<vmem>>, vector<16xf32>,
      tpu.vector_store_idx %arg11[%iota3A, %broadcast_in_dim3A_506], %get3A_510 : memref<32x129xf32, #tpu.memory_space<vmem>>[vector<16xi32>, vector<16xi32>], vector<16xf32>,
      %get3A_511 = arith.constant 29 : i32
      %get3A_512 = arith.index_cast %get3A_511 : i32 to index
      %get3A_513 = arith.constant 0 : index
      %get3A_514 = tpu.vector_load %arg9[%get3A_512, %get3A_513] {strides = array<i32>} : memref<128x16xf32, #tpu.memory_space<vmem>>, vector<16xf32>,
      tpu.vector_store_idx %arg11[%add3A_5, %broadcast_in_dim3A_506], %get3A_514 : memref<32x129xf32, #tpu.memory_space<vmem>>[vector<16xi32>, vector<16xi32>], vector<16xf32>,
      %broadcast_in_dim3A_515 = arith.constant 30 : i32
      %broadcast_in_dim3A_516 = vector.broadcast %broadcast_in_dim3A_515 : i32 to vector<16xi32>
      %get3A_517 = arith.constant 30 : i32
      %get3A_518 = arith.index_cast %get3A_517 : i32 to index
      %get3A_519 = arith.constant 0 : index
      %get3A_520 = tpu.vector_load %arg7[%get3A_518, %get3A_519] {strides = array<i32>} : memref<128x16xf32, #tpu.memory_space<vmem>>, vector<16xf32>,
      tpu.vector_store_idx %arg11[%iota3A, %broadcast_in_dim3A_516], %get3A_520 : memref<32x129xf32, #tpu.memory_space<vmem>>[vector<16xi32>, vector<16xi32>], vector<16xf32>,
      %get3A_521 = arith.constant 30 : i32
      %get3A_522 = arith.index_cast %get3A_521 : i32 to index
      %get3A_523 = arith.constant 0 : index
      %get3A_524 = tpu.vector_load %arg9[%get3A_522, %get3A_523] {strides = array<i32>} : memref<128x16xf32, #tpu.memory_space<vmem>>, vector<16xf32>,
      tpu.vector_store_idx %arg11[%add3A_5, %broadcast_in_dim3A_516], %get3A_524 : memref<32x129xf32, #tpu.memory_space<vmem>>[vector<16xi32>, vector<16xi32>], vector<16xf32>,
      %broadcast_in_dim3A_525 = arith.constant 31 : i32
      %broadcast_in_dim3A_526 = vector.broadcast %broadcast_in_dim3A_525 : i32 to vector<16xi32>
      %get3A_527 = arith.constant 31 : i32
      %get3A_528 = arith.index_cast %get3A_527 : i32 to index
      %get3A_529 = arith.constant 0 : index
      %get3A_530 = tpu.vector_load %arg7[%get3A_528, %get3A_529] {strides = array<i32>} : memref<128x16xf32, #tpu.memory_space<vmem>>, vector<16xf32>,
      tpu.vector_store_idx %arg11[%iota3A, %broadcast_in_dim3A_526], %get3A_530 : memref<32x129xf32, #tpu.memory_space<vmem>>[vector<16xi32>, vector<16xi32>], vector<16xf32>,
      %get3A_531 = arith.constant 31 : i32
      %get3A_532 = arith.index_cast %get3A_531 : i32 to index
      %get3A_533 = arith.constant 0 : index
      %get3A_534 = tpu.vector_load %arg9[%get3A_532, %get3A_533] {strides = array<i32>} : memref<128x16xf32, #tpu.memory_space<vmem>>, vector<16xf32>,
      tpu.vector_store_idx %arg11[%add3A_5, %broadcast_in_dim3A_526], %get3A_534 : memref<32x129xf32, #tpu.memory_space<vmem>>[vector<16xi32>, vector<16xi32>], vector<16xf32>,
      %broadcast_in_dim3A_535 = arith.constant 32 : i32
      %broadcast_in_dim3A_536 = vector.broadcast %broadcast_in_dim3A_535 : i32 to vector<16xi32>
      %get3A_537 = arith.constant 32 : i32
      %get3A_538 = arith.index_cast %get3A_537 : i32 to index
      %get3A_539 = arith.constant 0 : index
      %get3A_540 = tpu.vector_load %arg7[%get3A_538, %get3A_539] {strides = array<i32>} : memref<128x16xf32, #tpu.memory_space<vmem>>, vector<16xf32>,
      tpu.vector_store_idx %arg11[%iota3A, %broadcast_in_dim3A_536], %get3A_540 : memref<32x129xf32, #tpu.memory_space<vmem>>[vector<16xi32>, vector<16xi32>], vector<16xf32>,
      %get3A_541 = arith.constant 32 : i32
      %get3A_542 = arith.index_cast %get3A_541 : i32 to index
      %get3A_543 = arith.constant 0 : index
      %get3A_544 = tpu.vector_load %arg9[%get3A_542, %get3A_543] {strides = array<i32>} : memref<128x16xf32, #tpu.memory_space<vmem>>, vector<16xf32>,
      tpu.vector_store_idx %arg11[%add3A_5, %broadcast_in_dim3A_536], %get3A_544 : memref<32x129xf32, #tpu.memory_space<vmem>>[vector<16xi32>, vector<16xi32>], vector<16xf32>,
      %broadcast_in_dim3A_545 = arith.constant 33 : i32
      %broadcast_in_dim3A_546 = vector.broadcast %broadcast_in_dim3A_545 : i32 to vector<16xi32>
      %get3A_547 = arith.constant 33 : i32
      %get3A_548 = arith.index_cast %get3A_547 : i32 to index
      %get3A_549 = arith.constant 0 : index
      %get3A_550 = tpu.vector_load %arg7[%get3A_548, %get3A_549] {strides = array<i32>} : memref<128x16xf32, #tpu.memory_space<vmem>>, vector<16xf32>,
      tpu.vector_store_idx %arg11[%iota3A, %broadcast_in_dim3A_546], %get3A_550 : memref<32x129xf32, #tpu.memory_space<vmem>>[vector<16xi32>, vector<16xi32>], vector<16xf32>,
      %get3A_551 = arith.constant 33 : i32
      %get3A_552 = arith.index_cast %get3A_551 : i32 to index
      %get3A_553 = arith.constant 0 : index
      %get3A_554 = tpu.vector_load %arg9[%get3A_552, %get3A_553] {strides = array<i32>} : memref<128x16xf32, #tpu.memory_space<vmem>>, vector<16xf32>,
      tpu.vector_store_idx %arg11[%add3A_5, %broadcast_in_dim3A_546], %get3A_554 : memref<32x129xf32, #tpu.memory_space<vmem>>[vector<16xi32>, vector<16xi32>], vector<16xf32>,
      %broadcast_in_dim3A_555 = arith.constant 34 : i32
      %broadcast_in_dim3A_556 = vector.broadcast %broadcast_in_dim3A_555 : i32 to vector<16xi32>
      %get3A_557 = arith.constant 34 : i32
      %get3A_558 = arith.index_cast %get3A_557 : i32 to index
      %get3A_559 = arith.constant 0 : index
      %get3A_560 = tpu.vector_load %arg7[%get3A_558, %get3A_559] {strides = array<i32>} : memref<128x16xf32, #tpu.memory_space<vmem>>, vector<16xf32>,
      tpu.vector_store_idx %arg11[%iota3A, %broadcast_in_dim3A_556], %get3A_560 : memref<32x129xf32, #tpu.memory_space<vmem>>[vector<16xi32>, vector<16xi32>], vector<16xf32>,
      %get3A_561 = arith.constant 34 : i32
      %get3A_562 = arith.index_cast %get3A_561 : i32 to index
      %get3A_563 = arith.constant 0 : index
      %get3A_564 = tpu.vector_load %arg9[%get3A_562, %get3A_563] {strides = array<i32>} : memref<128x16xf32, #tpu.memory_space<vmem>>, vector<16xf32>,
      tpu.vector_store_idx %arg11[%add3A_5, %broadcast_in_dim3A_556], %get3A_564 : memref<32x129xf32, #tpu.memory_space<vmem>>[vector<16xi32>, vector<16xi32>], vector<16xf32>,
      %broadcast_in_dim3A_565 = arith.constant 35 : i32
      %broadcast_in_dim3A_566 = vector.broadcast %broadcast_in_dim3A_565 : i32 to vector<16xi32>
      %get3A_567 = arith.constant 35 : i32
      %get3A_568 = arith.index_cast %get3A_567 : i32 to index
      %get3A_569 = arith.constant 0 : index
      %get3A_570 = tpu.vector_load %arg7[%get3A_568, %get3A_569] {strides = array<i32>} : memref<128x16xf32, #tpu.memory_space<vmem>>, vector<16xf32>,
      tpu.vector_store_idx %arg11[%iota3A, %broadcast_in_dim3A_566], %get3A_570 : memref<32x129xf32, #tpu.memory_space<vmem>>[vector<16xi32>, vector<16xi32>], vector<16xf32>,
      %get3A_571 = arith.constant 35 : i32
      %get3A_572 = arith.index_cast %get3A_571 : i32 to index
      %get3A_573 = arith.constant 0 : index
      %get3A_574 = tpu.vector_load %arg9[%get3A_572, %get3A_573] {strides = array<i32>} : memref<128x16xf32, #tpu.memory_space<vmem>>, vector<16xf32>,
      tpu.vector_store_idx %arg11[%add3A_5, %broadcast_in_dim3A_566], %get3A_574 : memref<32x129xf32, #tpu.memory_space<vmem>>[vector<16xi32>, vector<16xi32>], vector<16xf32>,
      %broadcast_in_dim3A_575 = arith.constant 36 : i32
      %broadcast_in_dim3A_576 = vector.broadcast %broadcast_in_dim3A_575 : i32 to vector<16xi32>
      %get3A_577 = arith.constant 36 : i32
      %get3A_578 = arith.index_cast %get3A_577 : i32 to index
      %get3A_579 = arith.constant 0 : index
      %get3A_580 = tpu.vector_load %arg7[%get3A_578, %get3A_579] {strides = array<i32>} : memref<128x16xf32, #tpu.memory_space<vmem>>, vector<16xf32>,
      tpu.vector_store_idx %arg11[%iota3A, %broadcast_in_dim3A_576], %get3A_580 : memref<32x129xf32, #tpu.memory_space<vmem>>[vector<16xi32>, vector<16xi32>], vector<16xf32>,
      %get3A_581 = arith.constant 36 : i32
      %get3A_582 = arith.index_cast %get3A_581 : i32 to index
      %get3A_583 = arith.constant 0 : index
      %get3A_584 = tpu.vector_load %arg9[%get3A_582, %get3A_583] {strides = array<i32>} : memref<128x16xf32, #tpu.memory_space<vmem>>, vector<16xf32>,
      tpu.vector_store_idx %arg11[%add3A_5, %broadcast_in_dim3A_576], %get3A_584 : memref<32x129xf32, #tpu.memory_space<vmem>>[vector<16xi32>, vector<16xi32>], vector<16xf32>,
      %broadcast_in_dim3A_585 = arith.constant 37 : i32
      %broadcast_in_dim3A_586 = vector.broadcast %broadcast_in_dim3A_585 : i32 to vector<16xi32>
      %get3A_587 = arith.constant 37 : i32
      %get3A_588 = arith.index_cast %get3A_587 : i32 to index
      %get3A_589 = arith.constant 0 : index
      %get3A_590 = tpu.vector_load %arg7[%get3A_588, %get3A_589] {strides = array<i32>} : memref<128x16xf32, #tpu.memory_space<vmem>>, vector<16xf32>,
      tpu.vector_store_idx %arg11[%iota3A, %broadcast_in_dim3A_586], %get3A_590 : memref<32x129xf32, #tpu.memory_space<vmem>>[vector<16xi32>, vector<16xi32>], vector<16xf32>,
      %get3A_591 = arith.constant 37 : i32
      %get3A_592 = arith.index_cast %get3A_591 : i32 to index
      %get3A_593 = arith.constant 0 : index
      %get3A_594 = tpu.vector_load %arg9[%get3A_592, %get3A_593] {strides = array<i32>} : memref<128x16xf32, #tpu.memory_space<vmem>>, vector<16xf32>,
      tpu.vector_store_idx %arg11[%add3A_5, %broadcast_in_dim3A_586], %get3A_594 : memref<32x129xf32, #tpu.memory_space<vmem>>[vector<16xi32>, vector<16xi32>], vector<16xf32>,
      %broadcast_in_dim3A_595 = arith.constant 38 : i32
      %broadcast_in_dim3A_596 = vector.broadcast %broadcast_in_dim3A_595 : i32 to vector<16xi32>
      %get3A_597 = arith.constant 38 : i32
      %get3A_598 = arith.index_cast %get3A_597 : i32 to index
      %get3A_599 = arith.constant 0 : index
      %get3A_600 = tpu.vector_load %arg7[%get3A_598, %get3A_599] {strides = array<i32>} : memref<128x16xf32, #tpu.memory_space<vmem>>, vector<16xf32>,
      tpu.vector_store_idx %arg11[%iota3A, %broadcast_in_dim3A_596], %get3A_600 : memref<32x129xf32, #tpu.memory_space<vmem>>[vector<16xi32>, vector<16xi32>], vector<16xf32>,
      %get3A_601 = arith.constant 38 : i32
      %get3A_602 = arith.index_cast %get3A_601 : i32 to index
      %get3A_603 = arith.constant 0 : index
      %get3A_604 = tpu.vector_load %arg9[%get3A_602, %get3A_603] {strides = array<i32>} : memref<128x16xf32, #tpu.memory_space<vmem>>, vector<16xf32>,
      tpu.vector_store_idx %arg11[%add3A_5, %broadcast_in_dim3A_596], %get3A_604 : memref<32x129xf32, #tpu.memory_space<vmem>>[vector<16xi32>, vector<16xi32>], vector<16xf32>,
      %broadcast_in_dim3A_605 = arith.constant 39 : i32
      %broadcast_in_dim3A_606 = vector.broadcast %broadcast_in_dim3A_605 : i32 to vector<16xi32>
      %get3A_607 = arith.constant 39 : i32
      %get3A_608 = arith.index_cast %get3A_607 : i32 to index
      %get3A_609 = arith.constant 0 : index
      %get3A_610 = tpu.vector_load %arg7[%get3A_608, %get3A_609] {strides = array<i32>} : memref<128x16xf32, #tpu.memory_space<vmem>>, vector<16xf32>,
      tpu.vector_store_idx %arg11[%iota3A, %broadcast_in_dim3A_606], %get3A_610 : memref<32x129xf32, #tpu.memory_space<vmem>>[vector<16xi32>, vector<16xi32>], vector<16xf32>,
      %get3A_611 = arith.constant 39 : i32
      %get3A_612 = arith.index_cast %get3A_611 : i32 to index
      %get3A_613 = arith.constant 0 : index
      %get3A_614 = tpu.vector_load %arg9[%get3A_612, %get3A_613] {strides = array<i32>} : memref<128x16xf32, #tpu.memory_space<vmem>>, vector<16xf32>,
      tpu.vector_store_idx %arg11[%add3A_5, %broadcast_in_dim3A_606], %get3A_614 : memref<32x129xf32, #tpu.memory_space<vmem>>[vector<16xi32>, vector<16xi32>], vector<16xf32>,
      %broadcast_in_dim3A_615 = arith.constant 40 : i32
      %broadcast_in_dim3A_616 = vector.broadcast %broadcast_in_dim3A_615 : i32 to vector<16xi32>
      %get3A_617 = arith.constant 40 : i32
      %get3A_618 = arith.index_cast %get3A_617 : i32 to index
      %get3A_619 = arith.constant 0 : index
      %get3A_620 = tpu.vector_load %arg7[%get3A_618, %get3A_619] {strides = array<i32>} : memref<128x16xf32, #tpu.memory_space<vmem>>, vector<16xf32>,
      tpu.vector_store_idx %arg11[%iota3A, %broadcast_in_dim3A_616], %get3A_620 : memref<32x129xf32, #tpu.memory_space<vmem>>[vector<16xi32>, vector<16xi32>], vector<16xf32>,
      %get3A_621 = arith.constant 40 : i32
      %get3A_622 = arith.index_cast %get3A_621 : i32 to index
      %get3A_623 = arith.constant 0 : index
      %get3A_624 = tpu.vector_load %arg9[%get3A_622, %get3A_623] {strides = array<i32>} : memref<128x16xf32, #tpu.memory_space<vmem>>, vector<16xf32>,
      tpu.vector_store_idx %arg11[%add3A_5, %broadcast_in_dim3A_616], %get3A_624 : memref<32x129xf32, #tpu.memory_space<vmem>>[vector<16xi32>, vector<16xi32>], vector<16xf32>,
      %broadcast_in_dim3A_625 = arith.constant 41 : i32
      %broadcast_in_dim3A_626 = vector.broadcast %broadcast_in_dim3A_625 : i32 to vector<16xi32>
      %get3A_627 = arith.constant 41 : i32
      %get3A_628 = arith.index_cast %get3A_627 : i32 to index
      %get3A_629 = arith.constant 0 : index
      %get3A_630 = tpu.vector_load %arg7[%get3A_628, %get3A_629] {strides = array<i32>} : memref<128x16xf32, #tpu.memory_space<vmem>>, vector<16xf32>,
      tpu.vector_store_idx %arg11[%iota3A, %broadcast_in_dim3A_626], %get3A_630 : memref<32x129xf32, #tpu.memory_space<vmem>>[vector<16xi32>, vector<16xi32>], vector<16xf32>,
      %get3A_631 = arith.constant 41 : i32
      %get3A_632 = arith.index_cast %get3A_631 : i32 to index
      %get3A_633 = arith.constant 0 : index
      %get3A_634 = tpu.vector_load %arg9[%get3A_632, %get3A_633] {strides = array<i32>} : memref<128x16xf32, #tpu.memory_space<vmem>>, vector<16xf32>,
      tpu.vector_store_idx %arg11[%add3A_5, %broadcast_in_dim3A_626], %get3A_634 : memref<32x129xf32, #tpu.memory_space<vmem>>[vector<16xi32>, vector<16xi32>], vector<16xf32>,
      %broadcast_in_dim3A_635 = arith.constant 42 : i32
      %broadcast_in_dim3A_636 = vector.broadcast %broadcast_in_dim3A_635 : i32 to vector<16xi32>
      %get3A_637 = arith.constant 42 : i32
      %get3A_638 = arith.index_cast %get3A_637 : i32 to index
      %get3A_639 = arith.constant 0 : index
      %get3A_640 = tpu.vector_load %arg7[%get3A_638, %get3A_639] {strides = array<i32>} : memref<128x16xf32, #tpu.memory_space<vmem>>, vector<16xf32>,
      tpu.vector_store_idx %arg11[%iota3A, %broadcast_in_dim3A_636], %get3A_640 : memref<32x129xf32, #tpu.memory_space<vmem>>[vector<16xi32>, vector<16xi32>], vector<16xf32>,
      %get3A_641 = arith.constant 42 : i32
      %get3A_642 = arith.index_cast %get3A_641 : i32 to index
      %get3A_643 = arith.constant 0 : index
      %get3A_644 = tpu.vector_load %arg9[%get3A_642, %get3A_643] {strides = array<i32>} : memref<128x16xf32, #tpu.memory_space<vmem>>, vector<16xf32>,
      tpu.vector_store_idx %arg11[%add3A_5, %broadcast_in_dim3A_636], %get3A_644 : memref<32x129xf32, #tpu.memory_space<vmem>>[vector<16xi32>, vector<16xi32>], vector<16xf32>,
      %broadcast_in_dim3A_645 = arith.constant 43 : i32
      %broadcast_in_dim3A_646 = vector.broadcast %broadcast_in_dim3A_645 : i32 to vector<16xi32>
      %get3A_647 = arith.constant 43 : i32
      %get3A_648 = arith.index_cast %get3A_647 : i32 to index
      %get3A_649 = arith.constant 0 : index
      %get3A_650 = tpu.vector_load %arg7[%get3A_648, %get3A_649] {strides = array<i32>} : memref<128x16xf32, #tpu.memory_space<vmem>>, vector<16xf32>,
      tpu.vector_store_idx %arg11[%iota3A, %broadcast_in_dim3A_646], %get3A_650 : memref<32x129xf32, #tpu.memory_space<vmem>>[vector<16xi32>, vector<16xi32>], vector<16xf32>,
      %get3A_651 = arith.constant 43 : i32
      %get3A_652 = arith.index_cast %get3A_651 : i32 to index
      %get3A_653 = arith.constant 0 : index
      %get3A_654 = tpu.vector_load %arg9[%get3A_652, %get3A_653] {strides = array<i32>} : memref<128x16xf32, #tpu.memory_space<vmem>>, vector<16xf32>,
      tpu.vector_store_idx %arg11[%add3A_5, %broadcast_in_dim3A_646], %get3A_654 : memref<32x129xf32, #tpu.memory_space<vmem>>[vector<16xi32>, vector<16xi32>], vector<16xf32>,
      %broadcast_in_dim3A_655 = arith.constant 44 : i32
      %broadcast_in_dim3A_656 = vector.broadcast %broadcast_in_dim3A_655 : i32 to vector<16xi32>
      %get3A_657 = arith.constant 44 : i32
      %get3A_658 = arith.index_cast %get3A_657 : i32 to index
      %get3A_659 = arith.constant 0 : index
      %get3A_660 = tpu.vector_load %arg7[%get3A_658, %get3A_659] {strides = array<i32>} : memref<128x16xf32, #tpu.memory_space<vmem>>, vector<16xf32>,
      tpu.vector_store_idx %arg11[%iota3A, %broadcast_in_dim3A_656], %get3A_660 : memref<32x129xf32, #tpu.memory_space<vmem>>[vector<16xi32>, vector<16xi32>], vector<16xf32>,
      %get3A_661 = arith.constant 44 : i32
      %get3A_662 = arith.index_cast %get3A_661 : i32 to index
      %get3A_663 = arith.constant 0 : index
      %get3A_664 = tpu.vector_load %arg9[%get3A_662, %get3A_663] {strides = array<i32>} : memref<128x16xf32, #tpu.memory_space<vmem>>, vector<16xf32>,
      tpu.vector_store_idx %arg11[%add3A_5, %broadcast_in_dim3A_656], %get3A_664 : memref<32x129xf32, #tpu.memory_space<vmem>>[vector<16xi32>, vector<16xi32>], vector<16xf32>,
      %broadcast_in_dim3A_665 = arith.constant 45 : i32
      %broadcast_in_dim3A_666 = vector.broadcast %broadcast_in_dim3A_665 : i32 to vector<16xi32>
      %get3A_667 = arith.constant 45 : i32
      %get3A_668 = arith.index_cast %get3A_667 : i32 to index
      %get3A_669 = arith.constant 0 : index
      %get3A_670 = tpu.vector_load %arg7[%get3A_668, %get3A_669] {strides = array<i32>} : memref<128x16xf32, #tpu.memory_space<vmem>>, vector<16xf32>,
      tpu.vector_store_idx %arg11[%iota3A, %broadcast_in_dim3A_666], %get3A_670 : memref<32x129xf32, #tpu.memory_space<vmem>>[vector<16xi32>, vector<16xi32>], vector<16xf32>,
      %get3A_671 = arith.constant 45 : i32
      %get3A_672 = arith.index_cast %get3A_671 : i32 to index
      %get3A_673 = arith.constant 0 : index
      %get3A_674 = tpu.vector_load %arg9[%get3A_672, %get3A_673] {strides = array<i32>} : memref<128x16xf32, #tpu.memory_space<vmem>>, vector<16xf32>,
      tpu.vector_store_idx %arg11[%add3A_5, %broadcast_in_dim3A_666], %get3A_674 : memref<32x129xf32, #tpu.memory_space<vmem>>[vector<16xi32>, vector<16xi32>], vector<16xf32>,
      %broadcast_in_dim3A_675 = arith.constant 46 : i32
      %broadcast_in_dim3A_676 = vector.broadcast %broadcast_in_dim3A_675 : i32 to vector<16xi32>
      %get3A_677 = arith.constant 46 : i32
      %get3A_678 = arith.index_cast %get3A_677 : i32 to index
      %get3A_679 = arith.constant 0 : index
      %get3A_680 = tpu.vector_load %arg7[%get3A_678, %get3A_679] {strides = array<i32>} : memref<128x16xf32, #tpu.memory_space<vmem>>, vector<16xf32>,
      tpu.vector_store_idx %arg11[%iota3A, %broadcast_in_dim3A_676], %get3A_680 : memref<32x129xf32, #tpu.memory_space<vmem>>[vector<16xi32>, vector<16xi32>], vector<16xf32>,
      %get3A_681 = arith.constant 46 : i32
      %get3A_682 = arith.index_cast %get3A_681 : i32 to index
      %get3A_683 = arith.constant 0 : index
      %get3A_684 = tpu.vector_load %arg9[%get3A_682, %get3A_683] {strides = array<i32>} : memref<128x16xf32, #tpu.memory_space<vmem>>, vector<16xf32>,
      tpu.vector_store_idx %arg11[%add3A_5, %broadcast_in_dim3A_676], %get3A_684 : memref<32x129xf32, #tpu.memory_space<vmem>>[vector<16xi32>, vector<16xi32>], vector<16xf32>,
      %broadcast_in_dim3A_685 = arith.constant 47 : i32
      %broadcast_in_dim3A_686 = vector.broadcast %broadcast_in_dim3A_685 : i32 to vector<16xi32>
      %get3A_687 = arith.constant 47 : i32
      %get3A_688 = arith.index_cast %get3A_687 : i32 to index
      %get3A_689 = arith.constant 0 : index
      %get3A_690 = tpu.vector_load %arg7[%get3A_688, %get3A_689] {strides = array<i32>} : memref<128x16xf32, #tpu.memory_space<vmem>>, vector<16xf32>,
      tpu.vector_store_idx %arg11[%iota3A, %broadcast_in_dim3A_686], %get3A_690 : memref<32x129xf32, #tpu.memory_space<vmem>>[vector<16xi32>, vector<16xi32>], vector<16xf32>,
      %get3A_691 = arith.constant 47 : i32
      %get3A_692 = arith.index_cast %get3A_691 : i32 to index
      %get3A_693 = arith.constant 0 : index
      %get3A_694 = tpu.vector_load %arg9[%get3A_692, %get3A_693] {strides = array<i32>} : memref<128x16xf32, #tpu.memory_space<vmem>>, vector<16xf32>,
      tpu.vector_store_idx %arg11[%add3A_5, %broadcast_in_dim3A_686], %get3A_694 : memref<32x129xf32, #tpu.memory_space<vmem>>[vector<16xi32>, vector<16xi32>], vector<16xf32>,
      %broadcast_in_dim3A_695 = arith.constant 48 : i32
      %broadcast_in_dim3A_696 = vector.broadcast %broadcast_in_dim3A_695 : i32 to vector<16xi32>
      %get3A_697 = arith.constant 48 : i32
      %get3A_698 = arith.index_cast %get3A_697 : i32 to index
      %get3A_699 = arith.constant 0 : index
      %get3A_700 = tpu.vector_load %arg7[%get3A_698, %get3A_699] {strides = array<i32>} : memref<128x16xf32, #tpu.memory_space<vmem>>, vector<16xf32>,
      tpu.vector_store_idx %arg11[%iota3A, %broadcast_in_dim3A_696], %get3A_700 : memref<32x129xf32, #tpu.memory_space<vmem>>[vector<16xi32>, vector<16xi32>], vector<16xf32>,
      %get3A_701 = arith.constant 48 : i32
      %get3A_702 = arith.index_cast %get3A_701 : i32 to index
      %get3A_703 = arith.constant 0 : index
      %get3A_704 = tpu.vector_load %arg9[%get3A_702, %get3A_703] {strides = array<i32>} : memref<128x16xf32, #tpu.memory_space<vmem>>, vector<16xf32>,
      tpu.vector_store_idx %arg11[%add3A_5, %broadcast_in_dim3A_696], %get3A_704 : memref<32x129xf32, #tpu.memory_space<vmem>>[vector<16xi32>, vector<16xi32>], vector<16xf32>,
      %broadcast_in_dim3A_705 = arith.constant 49 : i32
      %broadcast_in_dim3A_706 = vector.broadcast %broadcast_in_dim3A_705 : i32 to vector<16xi32>
      %get3A_707 = arith.constant 49 : i32
      %get3A_708 = arith.index_cast %get3A_707 : i32 to index
      %get3A_709 = arith.constant 0 : index
      %get3A_710 = tpu.vector_load %arg7[%get3A_708, %get3A_709] {strides = array<i32>} : memref<128x16xf32, #tpu.memory_space<vmem>>, vector<16xf32>,
      tpu.vector_store_idx %arg11[%iota3A, %broadcast_in_dim3A_706], %get3A_710 : memref<32x129xf32, #tpu.memory_space<vmem>>[vector<16xi32>, vector<16xi32>], vector<16xf32>,
      %get3A_711 = arith.constant 49 : i32
      %get3A_712 = arith.index_cast %get3A_711 : i32 to index
      %get3A_713 = arith.constant 0 : index
      %get3A_714 = tpu.vector_load %arg9[%get3A_712, %get3A_713] {strides = array<i32>} : memref<128x16xf32, #tpu.memory_space<vmem>>, vector<16xf32>,
      tpu.vector_store_idx %arg11[%add3A_5, %broadcast_in_dim3A_706], %get3A_714 : memref<32x129xf32, #tpu.memory_space<vmem>>[vector<16xi32>, vector<16xi32>], vector<16xf32>,
      %broadcast_in_dim3A_715 = arith.constant 50 : i32
      %broadcast_in_dim3A_716 = vector.broadcast %broadcast_in_dim3A_715 : i32 to vector<16xi32>
      %get3A_717 = arith.constant 50 : i32
      %get3A_718 = arith.index_cast %get3A_717 : i32 to index
      %get3A_719 = arith.constant 0 : index
      %get3A_720 = tpu.vector_load %arg7[%get3A_718, %get3A_719] {strides = array<i32>} : memref<128x16xf32, #tpu.memory_space<vmem>>, vector<16xf32>,
      tpu.vector_store_idx %arg11[%iota3A, %broadcast_in_dim3A_716], %get3A_720 : memref<32x129xf32, #tpu.memory_space<vmem>>[vector<16xi32>, vector<16xi32>], vector<16xf32>,
      %get3A_721 = arith.constant 50 : i32
      %get3A_722 = arith.index_cast %get3A_721 : i32 to index
      %get3A_723 = arith.constant 0 : index
      %get3A_724 = tpu.vector_load %arg9[%get3A_722, %get3A_723] {strides = array<i32>} : memref<128x16xf32, #tpu.memory_space<vmem>>, vector<16xf32>,
      tpu.vector_store_idx %arg11[%add3A_5, %broadcast_in_dim3A_716], %get3A_724 : memref<32x129xf32, #tpu.memory_space<vmem>>[vector<16xi32>, vector<16xi32>], vector<16xf32>,
      %broadcast_in_dim3A_725 = arith.constant 51 : i32
      %broadcast_in_dim3A_726 = vector.broadcast %broadcast_in_dim3A_725 : i32 to vector<16xi32>
      %get3A_727 = arith.constant 51 : i32
      %get3A_728 = arith.index_cast %get3A_727 : i32 to index
      %get3A_729 = arith.constant 0 : index
      %get3A_730 = tpu.vector_load %arg7[%get3A_728, %get3A_729] {strides = array<i32>} : memref<128x16xf32, #tpu.memory_space<vmem>>, vector<16xf32>,
      tpu.vector_store_idx %arg11[%iota3A, %broadcast_in_dim3A_726], %get3A_730 : memref<32x129xf32, #tpu.memory_space<vmem>>[vector<16xi32>, vector<16xi32>], vector<16xf32>,
      %get3A_731 = arith.constant 51 : i32
      %get3A_732 = arith.index_cast %get3A_731 : i32 to index
      %get3A_733 = arith.constant 0 : index
      %get3A_734 = tpu.vector_load %arg9[%get3A_732, %get3A_733] {strides = array<i32>} : memref<128x16xf32, #tpu.memory_space<vmem>>, vector<16xf32>,
      tpu.vector_store_idx %arg11[%add3A_5, %broadcast_in_dim3A_726], %get3A_734 : memref<32x129xf32, #tpu.memory_space<vmem>>[vector<16xi32>, vector<16xi32>], vector<16xf32>,
      %broadcast_in_dim3A_735 = arith.constant 52 : i32
      %broadcast_in_dim3A_736 = vector.broadcast %broadcast_in_dim3A_735 : i32 to vector<16xi32>
      %get3A_737 = arith.constant 52 : i32
      %get3A_738 = arith.index_cast %get3A_737 : i32 to index
      %get3A_739 = arith.constant 0 : index
      %get3A_740 = tpu.vector_load %arg7[%get3A_738, %get3A_739] {strides = array<i32>} : memref<128x16xf32, #tpu.memory_space<vmem>>, vector<16xf32>,
      tpu.vector_store_idx %arg11[%iota3A, %broadcast_in_dim3A_736], %get3A_740 : memref<32x129xf32, #tpu.memory_space<vmem>>[vector<16xi32>, vector<16xi32>], vector<16xf32>,
      %get3A_741 = arith.constant 52 : i32
      %get3A_742 = arith.index_cast %get3A_741 : i32 to index
      %get3A_743 = arith.constant 0 : index
      %get3A_744 = tpu.vector_load %arg9[%get3A_742, %get3A_743] {strides = array<i32>} : memref<128x16xf32, #tpu.memory_space<vmem>>, vector<16xf32>,
      tpu.vector_store_idx %arg11[%add3A_5, %broadcast_in_dim3A_736], %get3A_744 : memref<32x129xf32, #tpu.memory_space<vmem>>[vector<16xi32>, vector<16xi32>], vector<16xf32>,
      %broadcast_in_dim3A_745 = arith.constant 53 : i32
      %broadcast_in_dim3A_746 = vector.broadcast %broadcast_in_dim3A_745 : i32 to vector<16xi32>
      %get3A_747 = arith.constant 53 : i32
      %get3A_748 = arith.index_cast %get3A_747 : i32 to index
      %get3A_749 = arith.constant 0 : index
      %get3A_750 = tpu.vector_load %arg7[%get3A_748, %get3A_749] {strides = array<i32>} : memref<128x16xf32, #tpu.memory_space<vmem>>, vector<16xf32>,
      tpu.vector_store_idx %arg11[%iota3A, %broadcast_in_dim3A_746], %get3A_750 : memref<32x129xf32, #tpu.memory_space<vmem>>[vector<16xi32>, vector<16xi32>], vector<16xf32>,
      %get3A_751 = arith.constant 53 : i32
      %get3A_752 = arith.index_cast %get3A_751 : i32 to index
      %get3A_753 = arith.constant 0 : index
      %get3A_754 = tpu.vector_load %arg9[%get3A_752, %get3A_753] {strides = array<i32>} : memref<128x16xf32, #tpu.memory_space<vmem>>, vector<16xf32>,
      tpu.vector_store_idx %arg11[%add3A_5, %broadcast_in_dim3A_746], %get3A_754 : memref<32x129xf32, #tpu.memory_space<vmem>>[vector<16xi32>, vector<16xi32>], vector<16xf32>,
      %broadcast_in_dim3A_755 = arith.constant 54 : i32
      %broadcast_in_dim3A_756 = vector.broadcast %broadcast_in_dim3A_755 : i32 to vector<16xi32>
      %get3A_757 = arith.constant 54 : i32
      %get3A_758 = arith.index_cast %get3A_757 : i32 to index
      %get3A_759 = arith.constant 0 : index
      %get3A_760 = tpu.vector_load %arg7[%get3A_758, %get3A_759] {strides = array<i32>} : memref<128x16xf32, #tpu.memory_space<vmem>>, vector<16xf32>,
      tpu.vector_store_idx %arg11[%iota3A, %broadcast_in_dim3A_756], %get3A_760 : memref<32x129xf32, #tpu.memory_space<vmem>>[vector<16xi32>, vector<16xi32>], vector<16xf32>,
      %get3A_761 = arith.constant 54 : i32
      %get3A_762 = arith.index_cast %get3A_761 : i32 to index
      %get3A_763 = arith.constant 0 : index
      %get3A_764 = tpu.vector_load %arg9[%get3A_762, %get3A_763] {strides = array<i32>} : memref<128x16xf32, #tpu.memory_space<vmem>>, vector<16xf32>,
      tpu.vector_store_idx %arg11[%add3A_5, %broadcast_in_dim3A_756], %get3A_764 : memref<32x129xf32, #tpu.memory_space<vmem>>[vector<16xi32>, vector<16xi32>], vector<16xf32>,
      %broadcast_in_dim3A_765 = arith.constant 55 : i32
      %broadcast_in_dim3A_766 = vector.broadcast %broadcast_in_dim3A_765 : i32 to vector<16xi32>
      %get3A_767 = arith.constant 55 : i32
      %get3A_768 = arith.index_cast %get3A_767 : i32 to index
      %get3A_769 = arith.constant 0 : index
      %get3A_770 = tpu.vector_load %arg7[%get3A_768, %get3A_769] {strides = array<i32>} : memref<128x16xf32, #tpu.memory_space<vmem>>, vector<16xf32>,
      tpu.vector_store_idx %arg11[%iota3A, %broadcast_in_dim3A_766], %get3A_770 : memref<32x129xf32, #tpu.memory_space<vmem>>[vector<16xi32>, vector<16xi32>], vector<16xf32>,
      %get3A_771 = arith.constant 55 : i32
      %get3A_772 = arith.index_cast %get3A_771 : i32 to index
      %get3A_773 = arith.constant 0 : index
      %get3A_774 = tpu.vector_load %arg9[%get3A_772, %get3A_773] {strides = array<i32>} : memref<128x16xf32, #tpu.memory_space<vmem>>, vector<16xf32>,
      tpu.vector_store_idx %arg11[%add3A_5, %broadcast_in_dim3A_766], %get3A_774 : memref<32x129xf32, #tpu.memory_space<vmem>>[vector<16xi32>, vector<16xi32>], vector<16xf32>,
      %broadcast_in_dim3A_775 = arith.constant 56 : i32
      %broadcast_in_dim3A_776 = vector.broadcast %broadcast_in_dim3A_775 : i32 to vector<16xi32>
      %get3A_777 = arith.constant 56 : i32
      %get3A_778 = arith.index_cast %get3A_777 : i32 to index
      %get3A_779 = arith.constant 0 : index
      %get3A_780 = tpu.vector_load %arg7[%get3A_778, %get3A_779] {strides = array<i32>} : memref<128x16xf32, #tpu.memory_space<vmem>>, vector<16xf32>,
      tpu.vector_store_idx %arg11[%iota3A, %broadcast_in_dim3A_776], %get3A_780 : memref<32x129xf32, #tpu.memory_space<vmem>>[vector<16xi32>, vector<16xi32>], vector<16xf32>,
      %get3A_781 = arith.constant 56 : i32
      %get3A_782 = arith.index_cast %get3A_781 : i32 to index
      %get3A_783 = arith.constant 0 : index
      %get3A_784 = tpu.vector_load %arg9[%get3A_782, %get3A_783] {strides = array<i32>} : memref<128x16xf32, #tpu.memory_space<vmem>>, vector<16xf32>,
      tpu.vector_store_idx %arg11[%add3A_5, %broadcast_in_dim3A_776], %get3A_784 : memref<32x129xf32, #tpu.memory_space<vmem>>[vector<16xi32>, vector<16xi32>], vector<16xf32>,
      %broadcast_in_dim3A_785 = arith.constant 57 : i32
      %broadcast_in_dim3A_786 = vector.broadcast %broadcast_in_dim3A_785 : i32 to vector<16xi32>
      %get3A_787 = arith.constant 57 : i32
      %get3A_788 = arith.index_cast %get3A_787 : i32 to index
      %get3A_789 = arith.constant 0 : index
      %get3A_790 = tpu.vector_load %arg7[%get3A_788, %get3A_789] {strides = array<i32>} : memref<128x16xf32, #tpu.memory_space<vmem>>, vector<16xf32>,
      tpu.vector_store_idx %arg11[%iota3A, %broadcast_in_dim3A_786], %get3A_790 : memref<32x129xf32, #tpu.memory_space<vmem>>[vector<16xi32>, vector<16xi32>], vector<16xf32>,
      %get3A_791 = arith.constant 57 : i32
      %get3A_792 = arith.index_cast %get3A_791 : i32 to index
      %get3A_793 = arith.constant 0 : index
      %get3A_794 = tpu.vector_load %arg9[%get3A_792, %get3A_793] {strides = array<i32>} : memref<128x16xf32, #tpu.memory_space<vmem>>, vector<16xf32>,
      tpu.vector_store_idx %arg11[%add3A_5, %broadcast_in_dim3A_786], %get3A_794 : memref<32x129xf32, #tpu.memory_space<vmem>>[vector<16xi32>, vector<16xi32>], vector<16xf32>,
      %broadcast_in_dim3A_795 = arith.constant 58 : i32
      %broadcast_in_dim3A_796 = vector.broadcast %broadcast_in_dim3A_795 : i32 to vector<16xi32>
      %get3A_797 = arith.constant 58 : i32
      %get3A_798 = arith.index_cast %get3A_797 : i32 to index
      %get3A_799 = arith.constant 0 : index
      %get3A_800 = tpu.vector_load %arg7[%get3A_798, %get3A_799] {strides = array<i32>} : memref<128x16xf32, #tpu.memory_space<vmem>>, vector<16xf32>,
      tpu.vector_store_idx %arg11[%iota3A, %broadcast_in_dim3A_796], %get3A_800 : memref<32x129xf32, #tpu.memory_space<vmem>>[vector<16xi32>, vector<16xi32>], vector<16xf32>,
      %get3A_801 = arith.constant 58 : i32
      %get3A_802 = arith.index_cast %get3A_801 : i32 to index
      %get3A_803 = arith.constant 0 : index
      %get3A_804 = tpu.vector_load %arg9[%get3A_802, %get3A_803] {strides = array<i32>} : memref<128x16xf32, #tpu.memory_space<vmem>>, vector<16xf32>,
      tpu.vector_store_idx %arg11[%add3A_5, %broadcast_in_dim3A_796], %get3A_804 : memref<32x129xf32, #tpu.memory_space<vmem>>[vector<16xi32>, vector<16xi32>], vector<16xf32>,
      %broadcast_in_dim3A_805 = arith.constant 59 : i32
      %broadcast_in_dim3A_806 = vector.broadcast %broadcast_in_dim3A_805 : i32 to vector<16xi32>
      %get3A_807 = arith.constant 59 : i32
      %get3A_808 = arith.index_cast %get3A_807 : i32 to index
      %get3A_809 = arith.constant 0 : index
      %get3A_810 = tpu.vector_load %arg7[%get3A_808, %get3A_809] {strides = array<i32>} : memref<128x16xf32, #tpu.memory_space<vmem>>, vector<16xf32>,
      tpu.vector_store_idx %arg11[%iota3A, %broadcast_in_dim3A_806], %get3A_810 : memref<32x129xf32, #tpu.memory_space<vmem>>[vector<16xi32>, vector<16xi32>], vector<16xf32>,
      %get3A_811 = arith.constant 59 : i32
      %get3A_812 = arith.index_cast %get3A_811 : i32 to index
      %get3A_813 = arith.constant 0 : index
      %get3A_814 = tpu.vector_load %arg9[%get3A_812, %get3A_813] {strides = array<i32>} : memref<128x16xf32, #tpu.memory_space<vmem>>, vector<16xf32>,
      tpu.vector_store_idx %arg11[%add3A_5, %broadcast_in_dim3A_806], %get3A_814 : memref<32x129xf32, #tpu.memory_space<vmem>>[vector<16xi32>, vector<16xi32>], vector<16xf32>,
      %broadcast_in_dim3A_815 = arith.constant 60 : i32
      %broadcast_in_dim3A_816 = vector.broadcast %broadcast_in_dim3A_815 : i32 to vector<16xi32>
      %get3A_817 = arith.constant 60 : i32
      %get3A_818 = arith.index_cast %get3A_817 : i32 to index
      %get3A_819 = arith.constant 0 : index
      %get3A_820 = tpu.vector_load %arg7[%get3A_818, %get3A_819] {strides = array<i32>} : memref<128x16xf32, #tpu.memory_space<vmem>>, vector<16xf32>,
      tpu.vector_store_idx %arg11[%iota3A, %broadcast_in_dim3A_816], %get3A_820 : memref<32x129xf32, #tpu.memory_space<vmem>>[vector<16xi32>, vector<16xi32>], vector<16xf32>,
      %get3A_821 = arith.constant 60 : i32
      %get3A_822 = arith.index_cast %get3A_821 : i32 to index
      %get3A_823 = arith.constant 0 : index
      %get3A_824 = tpu.vector_load %arg9[%get3A_822, %get3A_823] {strides = array<i32>} : memref<128x16xf32, #tpu.memory_space<vmem>>, vector<16xf32>,
      tpu.vector_store_idx %arg11[%add3A_5, %broadcast_in_dim3A_816], %get3A_824 : memref<32x129xf32, #tpu.memory_space<vmem>>[vector<16xi32>, vector<16xi32>], vector<16xf32>,
      %broadcast_in_dim3A_825 = arith.constant 61 : i32
      %broadcast_in_dim3A_826 = vector.broadcast %broadcast_in_dim3A_825 : i32 to vector<16xi32>
      %get3A_827 = arith.constant 61 : i32
      %get3A_828 = arith.index_cast %get3A_827 : i32 to index
      %get3A_829 = arith.constant 0 : index
      %get3A_830 = tpu.vector_load %arg7[%get3A_828, %get3A_829] {strides = array<i32>} : memref<128x16xf32, #tpu.memory_space<vmem>>, vector<16xf32>,
      tpu.vector_store_idx %arg11[%iota3A, %broadcast_in_dim3A_826], %get3A_830 : memref<32x129xf32, #tpu.memory_space<vmem>>[vector<16xi32>, vector<16xi32>], vector<16xf32>,
      %get3A_831 = arith.constant 61 : i32
      %get3A_832 = arith.index_cast %get3A_831 : i32 to index
      %get3A_833 = arith.constant 0 : index
      %get3A_834 = tpu.vector_load %arg9[%get3A_832, %get3A_833] {strides = array<i32>} : memref<128x16xf32, #tpu.memory_space<vmem>>, vector<16xf32>,
      tpu.vector_store_idx %arg11[%add3A_5, %broadcast_in_dim3A_826], %get3A_834 : memref<32x129xf32, #tpu.memory_space<vmem>>[vector<16xi32>, vector<16xi32>], vector<16xf32>,
      %broadcast_in_dim3A_835 = arith.constant 62 : i32
      %broadcast_in_dim3A_836 = vector.broadcast %broadcast_in_dim3A_835 : i32 to vector<16xi32>
      %get3A_837 = arith.constant 62 : i32
      %get3A_838 = arith.index_cast %get3A_837 : i32 to index
      %get3A_839 = arith.constant 0 : index
      %get3A_840 = tpu.vector_load %arg7[%get3A_838, %get3A_839] {strides = array<i32>} : memref<128x16xf32, #tpu.memory_space<vmem>>, vector<16xf32>,
      tpu.vector_store_idx %arg11[%iota3A, %broadcast_in_dim3A_836], %get3A_840 : memref<32x129xf32, #tpu.memory_space<vmem>>[vector<16xi32>, vector<16xi32>], vector<16xf32>,
      %get3A_841 = arith.constant 62 : i32
      %get3A_842 = arith.index_cast %get3A_841 : i32 to index
      %get3A_843 = arith.constant 0 : index
      %get3A_844 = tpu.vector_load %arg9[%get3A_842, %get3A_843] {strides = array<i32>} : memref<128x16xf32, #tpu.memory_space<vmem>>, vector<16xf32>,
      tpu.vector_store_idx %arg11[%add3A_5, %broadcast_in_dim3A_836], %get3A_844 : memref<32x129xf32, #tpu.memory_space<vmem>>[vector<16xi32>, vector<16xi32>], vector<16xf32>,
      %broadcast_in_dim3A_845 = arith.constant 63 : i32
      %broadcast_in_dim3A_846 = vector.broadcast %broadcast_in_dim3A_845 : i32 to vector<16xi32>
      %get3A_847 = arith.constant 63 : i32
      %get3A_848 = arith.index_cast %get3A_847 : i32 to index
      %get3A_849 = arith.constant 0 : index
      %get3A_850 = tpu.vector_load %arg7[%get3A_848, %get3A_849] {strides = array<i32>} : memref<128x16xf32, #tpu.memory_space<vmem>>, vector<16xf32>,
      tpu.vector_store_idx %arg11[%iota3A, %broadcast_in_dim3A_846], %get3A_850 : memref<32x129xf32, #tpu.memory_space<vmem>>[vector<16xi32>, vector<16xi32>], vector<16xf32>,
      %get3A_851 = arith.constant 63 : i32
      %get3A_852 = arith.index_cast %get3A_851 : i32 to index
      %get3A_853 = arith.constant 0 : index
      %get3A_854 = tpu.vector_load %arg9[%get3A_852, %get3A_853] {strides = array<i32>} : memref<128x16xf32, #tpu.memory_space<vmem>>, vector<16xf32>,
      tpu.vector_store_idx %arg11[%add3A_5, %broadcast_in_dim3A_846], %get3A_854 : memref<32x129xf32, #tpu.memory_space<vmem>>[vector<16xi32>, vector<16xi32>], vector<16xf32>,
      %broadcast_in_dim3A_855 = arith.constant 64 : i32
      %broadcast_in_dim3A_856 = vector.broadcast %broadcast_in_dim3A_855 : i32 to vector<16xi32>
      %get3A_857 = arith.constant 64 : i32
      %get3A_858 = arith.index_cast %get3A_857 : i32 to index
      %get3A_859 = arith.constant 0 : index
      %get3A_860 = tpu.vector_load %arg7[%get3A_858, %get3A_859] {strides = array<i32>} : memref<128x16xf32, #tpu.memory_space<vmem>>, vector<16xf32>,
      tpu.vector_store_idx %arg11[%iota3A, %broadcast_in_dim3A_856], %get3A_860 : memref<32x129xf32, #tpu.memory_space<vmem>>[vector<16xi32>, vector<16xi32>], vector<16xf32>,
      %get3A_861 = arith.constant 64 : i32
      %get3A_862 = arith.index_cast %get3A_861 : i32 to index
      %get3A_863 = arith.constant 0 : index
      %get3A_864 = tpu.vector_load %arg9[%get3A_862, %get3A_863] {strides = array<i32>} : memref<128x16xf32, #tpu.memory_space<vmem>>, vector<16xf32>,
      tpu.vector_store_idx %arg11[%add3A_5, %broadcast_in_dim3A_856], %get3A_864 : memref<32x129xf32, #tpu.memory_space<vmem>>[vector<16xi32>, vector<16xi32>], vector<16xf32>,
      %broadcast_in_dim3A_865 = arith.constant 65 : i32
      %broadcast_in_dim3A_866 = vector.broadcast %broadcast_in_dim3A_865 : i32 to vector<16xi32>
      %get3A_867 = arith.constant 65 : i32
      %get3A_868 = arith.index_cast %get3A_867 : i32 to index
      %get3A_869 = arith.constant 0 : index
      %get3A_870 = tpu.vector_load %arg7[%get3A_868, %get3A_869] {strides = array<i32>} : memref<128x16xf32, #tpu.memory_space<vmem>>, vector<16xf32>,
      tpu.vector_store_idx %arg11[%iota3A, %broadcast_in_dim3A_866], %get3A_870 : memref<32x129xf32, #tpu.memory_space<vmem>>[vector<16xi32>, vector<16xi32>], vector<16xf32>,
      %get3A_871 = arith.constant 65 : i32
      %get3A_872 = arith.index_cast %get3A_871 : i32 to index
      %get3A_873 = arith.constant 0 : index
      %get3A_874 = tpu.vector_load %arg9[%get3A_872, %get3A_873] {strides = array<i32>} : memref<128x16xf32, #tpu.memory_space<vmem>>, vector<16xf32>,
      tpu.vector_store_idx %arg11[%add3A_5, %broadcast_in_dim3A_866], %get3A_874 : memref<32x129xf32, #tpu.memory_space<vmem>>[vector<16xi32>, vector<16xi32>], vector<16xf32>,
      %broadcast_in_dim3A_875 = arith.constant 66 : i32
      %broadcast_in_dim3A_876 = vector.broadcast %broadcast_in_dim3A_875 : i32 to vector<16xi32>
      %get3A_877 = arith.constant 66 : i32
      %get3A_878 = arith.index_cast %get3A_877 : i32 to index
      %get3A_879 = arith.constant 0 : index
      %get3A_880 = tpu.vector_load %arg7[%get3A_878, %get3A_879] {strides = array<i32>} : memref<128x16xf32, #tpu.memory_space<vmem>>, vector<16xf32>,
      tpu.vector_store_idx %arg11[%iota3A, %broadcast_in_dim3A_876], %get3A_880 : memref<32x129xf32, #tpu.memory_space<vmem>>[vector<16xi32>, vector<16xi32>], vector<16xf32>,
      %get3A_881 = arith.constant 66 : i32
      %get3A_882 = arith.index_cast %get3A_881 : i32 to index
      %get3A_883 = arith.constant 0 : index
      %get3A_884 = tpu.vector_load %arg9[%get3A_882, %get3A_883] {strides = array<i32>} : memref<128x16xf32, #tpu.memory_space<vmem>>, vector<16xf32>,
      tpu.vector_store_idx %arg11[%add3A_5, %broadcast_in_dim3A_876], %get3A_884 : memref<32x129xf32, #tpu.memory_space<vmem>>[vector<16xi32>, vector<16xi32>], vector<16xf32>,
      %broadcast_in_dim3A_885 = arith.constant 67 : i32
      %broadcast_in_dim3A_886 = vector.broadcast %broadcast_in_dim3A_885 : i32 to vector<16xi32>
      %get3A_887 = arith.constant 67 : i32
      %get3A_888 = arith.index_cast %get3A_887 : i32 to index
      %get3A_889 = arith.constant 0 : index
      %get3A_890 = tpu.vector_load %arg7[%get3A_888, %get3A_889] {strides = array<i32>} : memref<128x16xf32, #tpu.memory_space<vmem>>, vector<16xf32>,
      tpu.vector_store_idx %arg11[%iota3A, %broadcast_in_dim3A_886], %get3A_890 : memref<32x129xf32, #tpu.memory_space<vmem>>[vector<16xi32>, vector<16xi32>], vector<16xf32>,
      %get3A_891 = arith.constant 67 : i32
      %get3A_892 = arith.index_cast %get3A_891 : i32 to index
      %get3A_893 = arith.constant 0 : index
      %get3A_894 = tpu.vector_load %arg9[%get3A_892, %get3A_893] {strides = array<i32>} : memref<128x16xf32, #tpu.memory_space<vmem>>, vector<16xf32>,
      tpu.vector_store_idx %arg11[%add3A_5, %broadcast_in_dim3A_886], %get3A_894 : memref<32x129xf32, #tpu.memory_space<vmem>>[vector<16xi32>, vector<16xi32>], vector<16xf32>,
      %broadcast_in_dim3A_895 = arith.constant 68 : i32
      %broadcast_in_dim3A_896 = vector.broadcast %broadcast_in_dim3A_895 : i32 to vector<16xi32>
      %get3A_897 = arith.constant 68 : i32
      %get3A_898 = arith.index_cast %get3A_897 : i32 to index
      %get3A_899 = arith.constant 0 : index
      %get3A_900 = tpu.vector_load %arg7[%get3A_898, %get3A_899] {strides = array<i32>} : memref<128x16xf32, #tpu.memory_space<vmem>>, vector<16xf32>,
      tpu.vector_store_idx %arg11[%iota3A, %broadcast_in_dim3A_896], %get3A_900 : memref<32x129xf32, #tpu.memory_space<vmem>>[vector<16xi32>, vector<16xi32>], vector<16xf32>,
      %get3A_901 = arith.constant 68 : i32
      %get3A_902 = arith.index_cast %get3A_901 : i32 to index
      %get3A_903 = arith.constant 0 : index
      %get3A_904 = tpu.vector_load %arg9[%get3A_902, %get3A_903] {strides = array<i32>} : memref<128x16xf32, #tpu.memory_space<vmem>>, vector<16xf32>,
      tpu.vector_store_idx %arg11[%add3A_5, %broadcast_in_dim3A_896], %get3A_904 : memref<32x129xf32, #tpu.memory_space<vmem>>[vector<16xi32>, vector<16xi32>], vector<16xf32>,
      %broadcast_in_dim3A_905 = arith.constant 69 : i32
      %broadcast_in_dim3A_906 = vector.broadcast %broadcast_in_dim3A_905 : i32 to vector<16xi32>
      %get3A_907 = arith.constant 69 : i32
      %get3A_908 = arith.index_cast %get3A_907 : i32 to index
      %get3A_909 = arith.constant 0 : index
      %get3A_910 = tpu.vector_load %arg7[%get3A_908, %get3A_909] {strides = array<i32>} : memref<128x16xf32, #tpu.memory_space<vmem>>, vector<16xf32>,
      tpu.vector_store_idx %arg11[%iota3A, %broadcast_in_dim3A_906], %get3A_910 : memref<32x129xf32, #tpu.memory_space<vmem>>[vector<16xi32>, vector<16xi32>], vector<16xf32>,
      %get3A_911 = arith.constant 69 : i32
      %get3A_912 = arith.index_cast %get3A_911 : i32 to index
      %get3A_913 = arith.constant 0 : index
      %get3A_914 = tpu.vector_load %arg9[%get3A_912, %get3A_913] {strides = array<i32>} : memref<128x16xf32, #tpu.memory_space<vmem>>, vector<16xf32>,
      tpu.vector_store_idx %arg11[%add3A_5, %broadcast_in_dim3A_906], %get3A_914 : memref<32x129xf32, #tpu.memory_space<vmem>>[vector<16xi32>, vector<16xi32>], vector<16xf32>,
      %broadcast_in_dim3A_915 = arith.constant 70 : i32
      %broadcast_in_dim3A_916 = vector.broadcast %broadcast_in_dim3A_915 : i32 to vector<16xi32>
      %get3A_917 = arith.constant 70 : i32
      %get3A_918 = arith.index_cast %get3A_917 : i32 to index
      %get3A_919 = arith.constant 0 : index
      %get3A_920 = tpu.vector_load %arg7[%get3A_918, %get3A_919] {strides = array<i32>} : memref<128x16xf32, #tpu.memory_space<vmem>>, vector<16xf32>,
      tpu.vector_store_idx %arg11[%iota3A, %broadcast_in_dim3A_916], %get3A_920 : memref<32x129xf32, #tpu.memory_space<vmem>>[vector<16xi32>, vector<16xi32>], vector<16xf32>,
      %get3A_921 = arith.constant 70 : i32
      %get3A_922 = arith.index_cast %get3A_921 : i32 to index
      %get3A_923 = arith.constant 0 : index
      %get3A_924 = tpu.vector_load %arg9[%get3A_922, %get3A_923] {strides = array<i32>} : memref<128x16xf32, #tpu.memory_space<vmem>>, vector<16xf32>,
      tpu.vector_store_idx %arg11[%add3A_5, %broadcast_in_dim3A_916], %get3A_924 : memref<32x129xf32, #tpu.memory_space<vmem>>[vector<16xi32>, vector<16xi32>], vector<16xf32>,
      %broadcast_in_dim3A_925 = arith.constant 71 : i32
      %broadcast_in_dim3A_926 = vector.broadcast %broadcast_in_dim3A_925 : i32 to vector<16xi32>
      %get3A_927 = arith.constant 71 : i32
      %get3A_928 = arith.index_cast %get3A_927 : i32 to index
      %get3A_929 = arith.constant 0 : index
      %get3A_930 = tpu.vector_load %arg7[%get3A_928, %get3A_929] {strides = array<i32>} : memref<128x16xf32, #tpu.memory_space<vmem>>, vector<16xf32>,
      tpu.vector_store_idx %arg11[%iota3A, %broadcast_in_dim3A_926], %get3A_930 : memref<32x129xf32, #tpu.memory_space<vmem>>[vector<16xi32>, vector<16xi32>], vector<16xf32>,
      %get3A_931 = arith.constant 71 : i32
      %get3A_932 = arith.index_cast %get3A_931 : i32 to index
      %get3A_933 = arith.constant 0 : index
      %get3A_934 = tpu.vector_load %arg9[%get3A_932, %get3A_933] {strides = array<i32>} : memref<128x16xf32, #tpu.memory_space<vmem>>, vector<16xf32>,
      tpu.vector_store_idx %arg11[%add3A_5, %broadcast_in_dim3A_926], %get3A_934 : memref<32x129xf32, #tpu.memory_space<vmem>>[vector<16xi32>, vector<16xi32>], vector<16xf32>,
      %broadcast_in_dim3A_935 = arith.constant 72 : i32
      %broadcast_in_dim3A_936 = vector.broadcast %broadcast_in_dim3A_935 : i32 to vector<16xi32>
      %get3A_937 = arith.constant 72 : i32
      %get3A_938 = arith.index_cast %get3A_937 : i32 to index
      %get3A_939 = arith.constant 0 : index
      %get3A_940 = tpu.vector_load %arg7[%get3A_938, %get3A_939] {strides = array<i32>} : memref<128x16xf32, #tpu.memory_space<vmem>>, vector<16xf32>,
      tpu.vector_store_idx %arg11[%iota3A, %broadcast_in_dim3A_936], %get3A_940 : memref<32x129xf32, #tpu.memory_space<vmem>>[vector<16xi32>, vector<16xi32>], vector<16xf32>,
      %get3A_941 = arith.constant 72 : i32
      %get3A_942 = arith.index_cast %get3A_941 : i32 to index
      %get3A_943 = arith.constant 0 : index
      %get3A_944 = tpu.vector_load %arg9[%get3A_942, %get3A_943] {strides = array<i32>} : memref<128x16xf32, #tpu.memory_space<vmem>>, vector<16xf32>,
      tpu.vector_store_idx %arg11[%add3A_5, %broadcast_in_dim3A_936], %get3A_944 : memref<32x129xf32, #tpu.memory_space<vmem>>[vector<16xi32>, vector<16xi32>], vector<16xf32>,
      %broadcast_in_dim3A_945 = arith.constant 73 : i32
      %broadcast_in_dim3A_946 = vector.broadcast %broadcast_in_dim3A_945 : i32 to vector<16xi32>
      %get3A_947 = arith.constant 73 : i32
      %get3A_948 = arith.index_cast %get3A_947 : i32 to index
      %get3A_949 = arith.constant 0 : index
      %get3A_950 = tpu.vector_load %arg7[%get3A_948, %get3A_949] {strides = array<i32>} : memref<128x16xf32, #tpu.memory_space<vmem>>, vector<16xf32>,
      tpu.vector_store_idx %arg11[%iota3A, %broadcast_in_dim3A_946], %get3A_950 : memref<32x129xf32, #tpu.memory_space<vmem>>[vector<16xi32>, vector<16xi32>], vector<16xf32>,
      %get3A_951 = arith.constant 73 : i32
      %get3A_952 = arith.index_cast %get3A_951 : i32 to index
      %get3A_953 = arith.constant 0 : index
      %get3A_954 = tpu.vector_load %arg9[%get3A_952, %get3A_953] {strides = array<i32>} : memref<128x16xf32, #tpu.memory_space<vmem>>, vector<16xf32>,
      tpu.vector_store_idx %arg11[%add3A_5, %broadcast_in_dim3A_946], %get3A_954 : memref<32x129xf32, #tpu.memory_space<vmem>>[vector<16xi32>, vector<16xi32>], vector<16xf32>,
      %broadcast_in_dim3A_955 = arith.constant 74 : i32
      %broadcast_in_dim3A_956 = vector.broadcast %broadcast_in_dim3A_955 : i32 to vector<16xi32>
      %get3A_957 = arith.constant 74 : i32
      %get3A_958 = arith.index_cast %get3A_957 : i32 to index
      %get3A_959 = arith.constant 0 : index
      %get3A_960 = tpu.vector_load %arg7[%get3A_958, %get3A_959] {strides = array<i32>} : memref<128x16xf32, #tpu.memory_space<vmem>>, vector<16xf32>,
      tpu.vector_store_idx %arg11[%iota3A, %broadcast_in_dim3A_956], %get3A_960 : memref<32x129xf32, #tpu.memory_space<vmem>>[vector<16xi32>, vector<16xi32>], vector<16xf32>,
      %get3A_961 = arith.constant 74 : i32
      %get3A_962 = arith.index_cast %get3A_961 : i32 to index
      %get3A_963 = arith.constant 0 : index
      %get3A_964 = tpu.vector_load %arg9[%get3A_962, %get3A_963] {strides = array<i32>} : memref<128x16xf32, #tpu.memory_space<vmem>>, vector<16xf32>,
      tpu.vector_store_idx %arg11[%add3A_5, %broadcast_in_dim3A_956], %get3A_964 : memref<32x129xf32, #tpu.memory_space<vmem>>[vector<16xi32>, vector<16xi32>], vector<16xf32>,
      %broadcast_in_dim3A_965 = arith.constant 75 : i32
      %broadcast_in_dim3A_966 = vector.broadcast %broadcast_in_dim3A_965 : i32 to vector<16xi32>
      %get3A_967 = arith.constant 75 : i32
      %get3A_968 = arith.index_cast %get3A_967 : i32 to index
      %get3A_969 = arith.constant 0 : index
      %get3A_970 = tpu.vector_load %arg7[%get3A_968, %get3A_969] {strides = array<i32>} : memref<128x16xf32, #tpu.memory_space<vmem>>, vector<16xf32>,
      tpu.vector_store_idx %arg11[%iota3A, %broadcast_in_dim3A_966], %get3A_970 : memref<32x129xf32, #tpu.memory_space<vmem>>[vector<16xi32>, vector<16xi32>], vector<16xf32>,
      %get3A_971 = arith.constant 75 : i32
      %get3A_972 = arith.index_cast %get3A_971 : i32 to index
      %get3A_973 = arith.constant 0 : index
      %get3A_974 = tpu.vector_load %arg9[%get3A_972, %get3A_973] {strides = array<i32>} : memref<128x16xf32, #tpu.memory_space<vmem>>, vector<16xf32>,
      tpu.vector_store_idx %arg11[%add3A_5, %broadcast_in_dim3A_966], %get3A_974 : memref<32x129xf32, #tpu.memory_space<vmem>>[vector<16xi32>, vector<16xi32>], vector<16xf32>,
      %broadcast_in_dim3A_975 = arith.constant 76 : i32
      %broadcast_in_dim3A_976 = vector.broadcast %broadcast_in_dim3A_975 : i32 to vector<16xi32>
      %get3A_977 = arith.constant 76 : i32
      %get3A_978 = arith.index_cast %get3A_977 : i32 to index
      %get3A_979 = arith.constant 0 : index
      %get3A_980 = tpu.vector_load %arg7[%get3A_978, %get3A_979] {strides = array<i32>} : memref<128x16xf32, #tpu.memory_space<vmem>>, vector<16xf32>,
      tpu.vector_store_idx %arg11[%iota3A, %broadcast_in_dim3A_976], %get3A_980 : memref<32x129xf32, #tpu.memory_space<vmem>>[vector<16xi32>, vector<16xi32>], vector<16xf32>,
      %get3A_981 = arith.constant 76 : i32
      %get3A_982 = arith.index_cast %get3A_981 : i32 to index
      %get3A_983 = arith.constant 0 : index
      %get3A_984 = tpu.vector_load %arg9[%get3A_982, %get3A_983] {strides = array<i32>} : memref<128x16xf32, #tpu.memory_space<vmem>>, vector<16xf32>,
      tpu.vector_store_idx %arg11[%add3A_5, %broadcast_in_dim3A_976], %get3A_984 : memref<32x129xf32, #tpu.memory_space<vmem>>[vector<16xi32>, vector<16xi32>], vector<16xf32>,
      %broadcast_in_dim3A_985 = arith.constant 77 : i32
      %broadcast_in_dim3A_986 = vector.broadcast %broadcast_in_dim3A_985 : i32 to vector<16xi32>
      %get3A_987 = arith.constant 77 : i32
      %get3A_988 = arith.index_cast %get3A_987 : i32 to index
      %get3A_989 = arith.constant 0 : index
      %get3A_990 = tpu.vector_load %arg7[%get3A_988, %get3A_989] {strides = array<i32>} : memref<128x16xf32, #tpu.memory_space<vmem>>, vector<16xf32>,
      tpu.vector_store_idx %arg11[%iota3A, %broadcast_in_dim3A_986], %get3A_990 : memref<32x129xf32, #tpu.memory_space<vmem>>[vector<16xi32>, vector<16xi32>], vector<16xf32>,
      %get3A_991 = arith.constant 77 : i32
      %get3A_992 = arith.index_cast %get3A_991 : i32 to index
      %get3A_993 = arith.constant 0 : index
      %get3A_994 = tpu.vector_load %arg9[%get3A_992, %get3A_993] {strides = array<i32>} : memref<128x16xf32, #tpu.memory_space<vmem>>, vector<16xf32>,
      tpu.vector_store_idx %arg11[%add3A_5, %broadcast_in_dim3A_986], %get3A_994 : memref<32x129xf32, #tpu.memory_space<vmem>>[vector<16xi32>, vector<16xi32>], vector<16xf32>,
      %broadcast_in_dim3A_995 = arith.constant 78 : i32
      %broadcast_in_dim3A_996 = vector.broadcast %broadcast_in_dim3A_995 : i32 to vector<16xi32>
      %get3A_997 = arith.constant 78 : i32
      %get3A_998 = arith.index_cast %get3A_997 : i32 to index
      %get3A_999 = arith.constant 0 : index
      %get3A_1000 = tpu.vector_load %arg7[%get3A_998, %get3A_999] {strides = array<i32>} : memref<128x16xf32, #tpu.memory_space<vmem>>, vector<16xf32>,
      tpu.vector_store_idx %arg11[%iota3A, %broadcast_in_dim3A_996], %get3A_1000 : memref<32x129xf32, #tpu.memory_space<vmem>>[vector<16xi32>, vector<16xi32>], vector<16xf32>,
      %get3A_1001 = arith.constant 78 : i32
      %get3A_1002 = arith.index_cast %get3A_1001 : i32 to index
      %get3A_1003 = arith.constant 0 : index
      %get3A_1004 = tpu.vector_load %arg9[%get3A_1002, %get3A_1003] {strides = array<i32>} : memref<128x16xf32, #tpu.memory_space<vmem>>, vector<16xf32>,
      tpu.vector_store_idx %arg11[%add3A_5, %broadcast_in_dim3A_996], %get3A_1004 : memref<32x129xf32, #tpu.memory_space<vmem>>[vector<16xi32>, vector<16xi32>], vector<16xf32>,
      %broadcast_in_dim3A_1005 = arith.constant 79 : i32
      %broadcast_in_dim3A_1006 = vector.broadcast %broadcast_in_dim3A_1005 : i32 to vector<16xi32>
      %get3A_1007 = arith.constant 79 : i32
      %get3A_1008 = arith.index_cast %get3A_1007 : i32 to index
      %get3A_1009 = arith.constant 0 : index
      %get3A_1010 = tpu.vector_load %arg7[%get3A_1008, %get3A_1009] {strides = array<i32>} : memref<128x16xf32, #tpu.memory_space<vmem>>, vector<16xf32>,
      tpu.vector_store_idx %arg11[%iota3A, %broadcast_in_dim3A_1006], %get3A_1010 : memref<32x129xf32, #tpu.memory_space<vmem>>[vector<16xi32>, vector<16xi32>], vector<16xf32>,
      %get3A_1011 = arith.constant 79 : i32
      %get3A_1012 = arith.index_cast %get3A_1011 : i32 to index
      %get3A_1013 = arith.constant 0 : index
      %get3A_1014 = tpu.vector_load %arg9[%get3A_1012, %get3A_1013] {strides = array<i32>} : memref<128x16xf32, #tpu.memory_space<vmem>>, vector<16xf32>,
      tpu.vector_store_idx %arg11[%add3A_5, %broadcast_in_dim3A_1006], %get3A_1014 : memref<32x129xf32, #tpu.memory_space<vmem>>[vector<16xi32>, vector<16xi32>], vector<16xf32>,
      %broadcast_in_dim3A_1015 = arith.constant 80 : i32
      %broadcast_in_dim3A_1016 = vector.broadcast %broadcast_in_dim3A_1015 : i32 to vector<16xi32>
      %get3A_1017 = arith.constant 80 : i32
      %get3A_1018 = arith.index_cast %get3A_1017 : i32 to index
      %get3A_1019 = arith.constant 0 : index
      %get3A_1020 = tpu.vector_load %arg7[%get3A_1018, %get3A_1019] {strides = array<i32>} : memref<128x16xf32, #tpu.memory_space<vmem>>, vector<16xf32>,
      tpu.vector_store_idx %arg11[%iota3A, %broadcast_in_dim3A_1016], %get3A_1020 : memref<32x129xf32, #tpu.memory_space<vmem>>[vector<16xi32>, vector<16xi32>], vector<16xf32>,
      %get3A_1021 = arith.constant 80 : i32
      %get3A_1022 = arith.index_cast %get3A_1021 : i32 to index
      %get3A_1023 = arith.constant 0 : index
      %get3A_1024 = tpu.vector_load %arg9[%get3A_1022, %get3A_1023] {strides = array<i32>} : memref<128x16xf32, #tpu.memory_space<vmem>>, vector<16xf32>,
      tpu.vector_store_idx %arg11[%add3A_5, %broadcast_in_dim3A_1016], %get3A_1024 : memref<32x129xf32, #tpu.memory_space<vmem>>[vector<16xi32>, vector<16xi32>], vector<16xf32>,
      %broadcast_in_dim3A_1025 = arith.constant 81 : i32
      %broadcast_in_dim3A_1026 = vector.broadcast %broadcast_in_dim3A_1025 : i32 to vector<16xi32>
      %get3A_1027 = arith.constant 81 : i32
      %get3A_1028 = arith.index_cast %get3A_1027 : i32 to index
      %get3A_1029 = arith.constant 0 : index
      %get3A_1030 = tpu.vector_load %arg7[%get3A_1028, %get3A_1029] {strides = array<i32>} : memref<128x16xf32, #tpu.memory_space<vmem>>, vector<16xf32>,
      tpu.vector_store_idx %arg11[%iota3A, %broadcast_in_dim3A_1026], %get3A_1030 : memref<32x129xf32, #tpu.memory_space<vmem>>[vector<16xi32>, vector<16xi32>], vector<16xf32>,
      %get3A_1031 = arith.constant 81 : i32
      %get3A_1032 = arith.index_cast %get3A_1031 : i32 to index
      %get3A_1033 = arith.constant 0 : index
      %get3A_1034 = tpu.vector_load %arg9[%get3A_1032, %get3A_1033] {strides = array<i32>} : memref<128x16xf32, #tpu.memory_space<vmem>>, vector<16xf32>,
      tpu.vector_store_idx %arg11[%add3A_5, %broadcast_in_dim3A_1026], %get3A_1034 : memref<32x129xf32, #tpu.memory_space<vmem>>[vector<16xi32>, vector<16xi32>], vector<16xf32>,
      %broadcast_in_dim3A_1035 = arith.constant 82 : i32
      %broadcast_in_dim3A_1036 = vector.broadcast %broadcast_in_dim3A_1035 : i32 to vector<16xi32>
      %get3A_1037 = arith.constant 82 : i32
      %get3A_1038 = arith.index_cast %get3A_1037 : i32 to index
      %get3A_1039 = arith.constant 0 : index
      %get3A_1040 = tpu.vector_load %arg7[%get3A_1038, %get3A_1039] {strides = array<i32>} : memref<128x16xf32, #tpu.memory_space<vmem>>, vector<16xf32>,
      tpu.vector_store_idx %arg11[%iota3A, %broadcast_in_dim3A_1036], %get3A_1040 : memref<32x129xf32, #tpu.memory_space<vmem>>[vector<16xi32>, vector<16xi32>], vector<16xf32>,
      %get3A_1041 = arith.constant 82 : i32
      %get3A_1042 = arith.index_cast %get3A_1041 : i32 to index
      %get3A_1043 = arith.constant 0 : index
      %get3A_1044 = tpu.vector_load %arg9[%get3A_1042, %get3A_1043] {strides = array<i32>} : memref<128x16xf32, #tpu.memory_space<vmem>>, vector<16xf32>,
      tpu.vector_store_idx %arg11[%add3A_5, %broadcast_in_dim3A_1036], %get3A_1044 : memref<32x129xf32, #tpu.memory_space<vmem>>[vector<16xi32>, vector<16xi32>], vector<16xf32>,
      %broadcast_in_dim3A_1045 = arith.constant 83 : i32
      %broadcast_in_dim3A_1046 = vector.broadcast %broadcast_in_dim3A_1045 : i32 to vector<16xi32>
      %get3A_1047 = arith.constant 83 : i32
      %get3A_1048 = arith.index_cast %get3A_1047 : i32 to index
      %get3A_1049 = arith.constant 0 : index
      %get3A_1050 = tpu.vector_load %arg7[%get3A_1048, %get3A_1049] {strides = array<i32>} : memref<128x16xf32, #tpu.memory_space<vmem>>, vector<16xf32>,
      tpu.vector_store_idx %arg11[%iota3A, %broadcast_in_dim3A_1046], %get3A_1050 : memref<32x129xf32, #tpu.memory_space<vmem>>[vector<16xi32>, vector<16xi32>], vector<16xf32>,
      %get3A_1051 = arith.constant 83 : i32
      %get3A_1052 = arith.index_cast %get3A_1051 : i32 to index
      %get3A_1053 = arith.constant 0 : index
      %get3A_1054 = tpu.vector_load %arg9[%get3A_1052, %get3A_1053] {strides = array<i32>} : memref<128x16xf32, #tpu.memory_space<vmem>>, vector<16xf32>,
      tpu.vector_store_idx %arg11[%add3A_5, %broadcast_in_dim3A_1046], %get3A_1054 : memref<32x129xf32, #tpu.memory_space<vmem>>[vector<16xi32>, vector<16xi32>], vector<16xf32>,
      %broadcast_in_dim3A_1055 = arith.constant 84 : i32
      %broadcast_in_dim3A_1056 = vector.broadcast %broadcast_in_dim3A_1055 : i32 to vector<16xi32>
      %get3A_1057 = arith.constant 84 : i32
      %get3A_1058 = arith.index_cast %get3A_1057 : i32 to index
      %get3A_1059 = arith.constant 0 : index
      %get3A_1060 = tpu.vector_load %arg7[%get3A_1058, %get3A_1059] {strides = array<i32>} : memref<128x16xf32, #tpu.memory_space<vmem>>, vector<16xf32>,
      tpu.vector_store_idx %arg11[%iota3A, %broadcast_in_dim3A_1056], %get3A_1060 : memref<32x129xf32, #tpu.memory_space<vmem>>[vector<16xi32>, vector<16xi32>], vector<16xf32>,
      %get3A_1061 = arith.constant 84 : i32
      %get3A_1062 = arith.index_cast %get3A_1061 : i32 to index
      %get3A_1063 = arith.constant 0 : index
      %get3A_1064 = tpu.vector_load %arg9[%get3A_1062, %get3A_1063] {strides = array<i32>} : memref<128x16xf32, #tpu.memory_space<vmem>>, vector<16xf32>,
      tpu.vector_store_idx %arg11[%add3A_5, %broadcast_in_dim3A_1056], %get3A_1064 : memref<32x129xf32, #tpu.memory_space<vmem>>[vector<16xi32>, vector<16xi32>], vector<16xf32>,
      %broadcast_in_dim3A_1065 = arith.constant 85 : i32
      %broadcast_in_dim3A_1066 = vector.broadcast %broadcast_in_dim3A_1065 : i32 to vector<16xi32>
      %get3A_1067 = arith.constant 85 : i32
      %get3A_1068 = arith.index_cast %get3A_1067 : i32 to index
      %get3A_1069 = arith.constant 0 : index
      %get3A_1070 = tpu.vector_load %arg7[%get3A_1068, %get3A_1069] {strides = array<i32>} : memref<128x16xf32, #tpu.memory_space<vmem>>, vector<16xf32>,
      tpu.vector_store_idx %arg11[%iota3A, %broadcast_in_dim3A_1066], %get3A_1070 : memref<32x129xf32, #tpu.memory_space<vmem>>[vector<16xi32>, vector<16xi32>], vector<16xf32>,
      %get3A_1071 = arith.constant 85 : i32
      %get3A_1072 = arith.index_cast %get3A_1071 : i32 to index
      %get3A_1073 = arith.constant 0 : index
      %get3A_1074 = tpu.vector_load %arg9[%get3A_1072, %get3A_1073] {strides = array<i32>} : memref<128x16xf32, #tpu.memory_space<vmem>>, vector<16xf32>,
      tpu.vector_store_idx %arg11[%add3A_5, %broadcast_in_dim3A_1066], %get3A_1074 : memref<32x129xf32, #tpu.memory_space<vmem>>[vector<16xi32>, vector<16xi32>], vector<16xf32>,
      %broadcast_in_dim3A_1075 = arith.constant 86 : i32
      %broadcast_in_dim3A_1076 = vector.broadcast %broadcast_in_dim3A_1075 : i32 to vector<16xi32>
      %get3A_1077 = arith.constant 86 : i32
      %get3A_1078 = arith.index_cast %get3A_1077 : i32 to index
      %get3A_1079 = arith.constant 0 : index
      %get3A_1080 = tpu.vector_load %arg7[%get3A_1078, %get3A_1079] {strides = array<i32>} : memref<128x16xf32, #tpu.memory_space<vmem>>, vector<16xf32>,
      tpu.vector_store_idx %arg11[%iota3A, %broadcast_in_dim3A_1076], %get3A_1080 : memref<32x129xf32, #tpu.memory_space<vmem>>[vector<16xi32>, vector<16xi32>], vector<16xf32>,
      %get3A_1081 = arith.constant 86 : i32
      %get3A_1082 = arith.index_cast %get3A_1081 : i32 to index
      %get3A_1083 = arith.constant 0 : index
      %get3A_1084 = tpu.vector_load %arg9[%get3A_1082, %get3A_1083] {strides = array<i32>} : memref<128x16xf32, #tpu.memory_space<vmem>>, vector<16xf32>,
      tpu.vector_store_idx %arg11[%add3A_5, %broadcast_in_dim3A_1076], %get3A_1084 : memref<32x129xf32, #tpu.memory_space<vmem>>[vector<16xi32>, vector<16xi32>], vector<16xf32>,
      %broadcast_in_dim3A_1085 = arith.constant 87 : i32
      %broadcast_in_dim3A_1086 = vector.broadcast %broadcast_in_dim3A_1085 : i32 to vector<16xi32>
      %get3A_1087 = arith.constant 87 : i32
      %get3A_1088 = arith.index_cast %get3A_1087 : i32 to index
      %get3A_1089 = arith.constant 0 : index
      %get3A_1090 = tpu.vector_load %arg7[%get3A_1088, %get3A_1089] {strides = array<i32>} : memref<128x16xf32, #tpu.memory_space<vmem>>, vector<16xf32>,
      tpu.vector_store_idx %arg11[%iota3A, %broadcast_in_dim3A_1086], %get3A_1090 : memref<32x129xf32, #tpu.memory_space<vmem>>[vector<16xi32>, vector<16xi32>], vector<16xf32>,
      %get3A_1091 = arith.constant 87 : i32
      %get3A_1092 = arith.index_cast %get3A_1091 : i32 to index
      %get3A_1093 = arith.constant 0 : index
      %get3A_1094 = tpu.vector_load %arg9[%get3A_1092, %get3A_1093] {strides = array<i32>} : memref<128x16xf32, #tpu.memory_space<vmem>>, vector<16xf32>,
      tpu.vector_store_idx %arg11[%add3A_5, %broadcast_in_dim3A_1086], %get3A_1094 : memref<32x129xf32, #tpu.memory_space<vmem>>[vector<16xi32>, vector<16xi32>], vector<16xf32>,
      %broadcast_in_dim3A_1095 = arith.constant 88 : i32
      %broadcast_in_dim3A_1096 = vector.broadcast %broadcast_in_dim3A_1095 : i32 to vector<16xi32>
      %get3A_1097 = arith.constant 88 : i32
      %get3A_1098 = arith.index_cast %get3A_1097 : i32 to index
      %get3A_1099 = arith.constant 0 : index
      %get3A_1100 = tpu.vector_load %arg7[%get3A_1098, %get3A_1099] {strides = array<i32>} : memref<128x16xf32, #tpu.memory_space<vmem>>, vector<16xf32>,
      tpu.vector_store_idx %arg11[%iota3A, %broadcast_in_dim3A_1096], %get3A_1100 : memref<32x129xf32, #tpu.memory_space<vmem>>[vector<16xi32>, vector<16xi32>], vector<16xf32>,
      %get3A_1101 = arith.constant 88 : i32
      %get3A_1102 = arith.index_cast %get3A_1101 : i32 to index
      %get3A_1103 = arith.constant 0 : index
      %get3A_1104 = tpu.vector_load %arg9[%get3A_1102, %get3A_1103] {strides = array<i32>} : memref<128x16xf32, #tpu.memory_space<vmem>>, vector<16xf32>,
      tpu.vector_store_idx %arg11[%add3A_5, %broadcast_in_dim3A_1096], %get3A_1104 : memref<32x129xf32, #tpu.memory_space<vmem>>[vector<16xi32>, vector<16xi32>], vector<16xf32>,
      %broadcast_in_dim3A_1105 = arith.constant 89 : i32
      %broadcast_in_dim3A_1106 = vector.broadcast %broadcast_in_dim3A_1105 : i32 to vector<16xi32>
      %get3A_1107 = arith.constant 89 : i32
      %get3A_1108 = arith.index_cast %get3A_1107 : i32 to index
      %get3A_1109 = arith.constant 0 : index
      %get3A_1110 = tpu.vector_load %arg7[%get3A_1108, %get3A_1109] {strides = array<i32>} : memref<128x16xf32, #tpu.memory_space<vmem>>, vector<16xf32>,
      tpu.vector_store_idx %arg11[%iota3A, %broadcast_in_dim3A_1106], %get3A_1110 : memref<32x129xf32, #tpu.memory_space<vmem>>[vector<16xi32>, vector<16xi32>], vector<16xf32>,
      %get3A_1111 = arith.constant 89 : i32
      %get3A_1112 = arith.index_cast %get3A_1111 : i32 to index
      %get3A_1113 = arith.constant 0 : index
      %get3A_1114 = tpu.vector_load %arg9[%get3A_1112, %get3A_1113] {strides = array<i32>} : memref<128x16xf32, #tpu.memory_space<vmem>>, vector<16xf32>,
      tpu.vector_store_idx %arg11[%add3A_5, %broadcast_in_dim3A_1106], %get3A_1114 : memref<32x129xf32, #tpu.memory_space<vmem>>[vector<16xi32>, vector<16xi32>], vector<16xf32>,
      %broadcast_in_dim3A_1115 = arith.constant 90 : i32
      %broadcast_in_dim3A_1116 = vector.broadcast %broadcast_in_dim3A_1115 : i32 to vector<16xi32>
      %get3A_1117 = arith.constant 90 : i32
      %get3A_1118 = arith.index_cast %get3A_1117 : i32 to index
      %get3A_1119 = arith.constant 0 : index
      %get3A_1120 = tpu.vector_load %arg7[%get3A_1118, %get3A_1119] {strides = array<i32>} : memref<128x16xf32, #tpu.memory_space<vmem>>, vector<16xf32>,
      tpu.vector_store_idx %arg11[%iota3A, %broadcast_in_dim3A_1116], %get3A_1120 : memref<32x129xf32, #tpu.memory_space<vmem>>[vector<16xi32>, vector<16xi32>], vector<16xf32>,
      %get3A_1121 = arith.constant 90 : i32
      %get3A_1122 = arith.index_cast %get3A_1121 : i32 to index
      %get3A_1123 = arith.constant 0 : index
      %get3A_1124 = tpu.vector_load %arg9[%get3A_1122, %get3A_1123] {strides = array<i32>} : memref<128x16xf32, #tpu.memory_space<vmem>>, vector<16xf32>,
      tpu.vector_store_idx %arg11[%add3A_5, %broadcast_in_dim3A_1116], %get3A_1124 : memref<32x129xf32, #tpu.memory_space<vmem>>[vector<16xi32>, vector<16xi32>], vector<16xf32>,
      %broadcast_in_dim3A_1125 = arith.constant 91 : i32
      %broadcast_in_dim3A_1126 = vector.broadcast %broadcast_in_dim3A_1125 : i32 to vector<16xi32>
      %get3A_1127 = arith.constant 91 : i32
      %get3A_1128 = arith.index_cast %get3A_1127 : i32 to index
      %get3A_1129 = arith.constant 0 : index
      %get3A_1130 = tpu.vector_load %arg7[%get3A_1128, %get3A_1129] {strides = array<i32>} : memref<128x16xf32, #tpu.memory_space<vmem>>, vector<16xf32>,
      tpu.vector_store_idx %arg11[%iota3A, %broadcast_in_dim3A_1126], %get3A_1130 : memref<32x129xf32, #tpu.memory_space<vmem>>[vector<16xi32>, vector<16xi32>], vector<16xf32>,
      %get3A_1131 = arith.constant 91 : i32
      %get3A_1132 = arith.index_cast %get3A_1131 : i32 to index
      %get3A_1133 = arith.constant 0 : index
      %get3A_1134 = tpu.vector_load %arg9[%get3A_1132, %get3A_1133] {strides = array<i32>} : memref<128x16xf32, #tpu.memory_space<vmem>>, vector<16xf32>,
      tpu.vector_store_idx %arg11[%add3A_5, %broadcast_in_dim3A_1126], %get3A_1134 : memref<32x129xf32, #tpu.memory_space<vmem>>[vector<16xi32>, vector<16xi32>], vector<16xf32>,
      %broadcast_in_dim3A_1135 = arith.constant 92 : i32
      %broadcast_in_dim3A_1136 = vector.broadcast %broadcast_in_dim3A_1135 : i32 to vector<16xi32>
      %get3A_1137 = arith.constant 92 : i32
      %get3A_1138 = arith.index_cast %get3A_1137 : i32 to index
      %get3A_1139 = arith.constant 0 : index
      %get3A_1140 = tpu.vector_load %arg7[%get3A_1138, %get3A_1139] {strides = array<i32>} : memref<128x16xf32, #tpu.memory_space<vmem>>, vector<16xf32>,
      tpu.vector_store_idx %arg11[%iota3A, %broadcast_in_dim3A_1136], %get3A_1140 : memref<32x129xf32, #tpu.memory_space<vmem>>[vector<16xi32>, vector<16xi32>], vector<16xf32>,
      %get3A_1141 = arith.constant 92 : i32
      %get3A_1142 = arith.index_cast %get3A_1141 : i32 to index
      %get3A_1143 = arith.constant 0 : index
      %get3A_1144 = tpu.vector_load %arg9[%get3A_1142, %get3A_1143] {strides = array<i32>} : memref<128x16xf32, #tpu.memory_space<vmem>>, vector<16xf32>,
      tpu.vector_store_idx %arg11[%add3A_5, %broadcast_in_dim3A_1136], %get3A_1144 : memref<32x129xf32, #tpu.memory_space<vmem>>[vector<16xi32>, vector<16xi32>], vector<16xf32>,
      %broadcast_in_dim3A_1145 = arith.constant 93 : i32
      %broadcast_in_dim3A_1146 = vector.broadcast %broadcast_in_dim3A_1145 : i32 to vector<16xi32>
      %get3A_1147 = arith.constant 93 : i32
      %get3A_1148 = arith.index_cast %get3A_1147 : i32 to index
      %get3A_1149 = arith.constant 0 : index
      %get3A_1150 = tpu.vector_load %arg7[%get3A_1148, %get3A_1149] {strides = array<i32>} : memref<128x16xf32, #tpu.memory_space<vmem>>, vector<16xf32>,
      tpu.vector_store_idx %arg11[%iota3A, %broadcast_in_dim3A_1146], %get3A_1150 : memref<32x129xf32, #tpu.memory_space<vmem>>[vector<16xi32>, vector<16xi32>], vector<16xf32>,
      %get3A_1151 = arith.constant 93 : i32
      %get3A_1152 = arith.index_cast %get3A_1151 : i32 to index
      %get3A_1153 = arith.constant 0 : index
      %get3A_1154 = tpu.vector_load %arg9[%get3A_1152, %get3A_1153] {strides = array<i32>} : memref<128x16xf32, #tpu.memory_space<vmem>>, vector<16xf32>,
      tpu.vector_store_idx %arg11[%add3A_5, %broadcast_in_dim3A_1146], %get3A_1154 : memref<32x129xf32, #tpu.memory_space<vmem>>[vector<16xi32>, vector<16xi32>], vector<16xf32>,
      %broadcast_in_dim3A_1155 = arith.constant 94 : i32
      %broadcast_in_dim3A_1156 = vector.broadcast %broadcast_in_dim3A_1155 : i32 to vector<16xi32>
      %get3A_1157 = arith.constant 94 : i32
      %get3A_1158 = arith.index_cast %get3A_1157 : i32 to index
      %get3A_1159 = arith.constant 0 : index
      %get3A_1160 = tpu.vector_load %arg7[%get3A_1158, %get3A_1159] {strides = array<i32>} : memref<128x16xf32, #tpu.memory_space<vmem>>, vector<16xf32>,
      tpu.vector_store_idx %arg11[%iota3A, %broadcast_in_dim3A_1156], %get3A_1160 : memref<32x129xf32, #tpu.memory_space<vmem>>[vector<16xi32>, vector<16xi32>], vector<16xf32>,
      %get3A_1161 = arith.constant 94 : i32
      %get3A_1162 = arith.index_cast %get3A_1161 : i32 to index
      %get3A_1163 = arith.constant 0 : index
      %get3A_1164 = tpu.vector_load %arg9[%get3A_1162, %get3A_1163] {strides = array<i32>} : memref<128x16xf32, #tpu.memory_space<vmem>>, vector<16xf32>,
      tpu.vector_store_idx %arg11[%add3A_5, %broadcast_in_dim3A_1156], %get3A_1164 : memref<32x129xf32, #tpu.memory_space<vmem>>[vector<16xi32>, vector<16xi32>], vector<16xf32>,
      %broadcast_in_dim3A_1165 = arith.constant 95 : i32
      %broadcast_in_dim3A_1166 = vector.broadcast %broadcast_in_dim3A_1165 : i32 to vector<16xi32>
      %get3A_1167 = arith.constant 95 : i32
      %get3A_1168 = arith.index_cast %get3A_1167 : i32 to index
      %get3A_1169 = arith.constant 0 : index
      %get3A_1170 = tpu.vector_load %arg7[%get3A_1168, %get3A_1169] {strides = array<i32>} : memref<128x16xf32, #tpu.memory_space<vmem>>, vector<16xf32>,
      tpu.vector_store_idx %arg11[%iota3A, %broadcast_in_dim3A_1166], %get3A_1170 : memref<32x129xf32, #tpu.memory_space<vmem>>[vector<16xi32>, vector<16xi32>], vector<16xf32>,
      %get3A_1171 = arith.constant 95 : i32
      %get3A_1172 = arith.index_cast %get3A_1171 : i32 to index
      %get3A_1173 = arith.constant 0 : index
      %get3A_1174 = tpu.vector_load %arg9[%get3A_1172, %get3A_1173] {strides = array<i32>} : memref<128x16xf32, #tpu.memory_space<vmem>>, vector<16xf32>,
      tpu.vector_store_idx %arg11[%add3A_5, %broadcast_in_dim3A_1166], %get3A_1174 : memref<32x129xf32, #tpu.memory_space<vmem>>[vector<16xi32>, vector<16xi32>], vector<16xf32>,
      %broadcast_in_dim3A_1175 = arith.constant 96 : i32
      %broadcast_in_dim3A_1176 = vector.broadcast %broadcast_in_dim3A_1175 : i32 to vector<16xi32>
      %get3A_1177 = arith.constant 96 : i32
      %get3A_1178 = arith.index_cast %get3A_1177 : i32 to index
      %get3A_1179 = arith.constant 0 : index
      %get3A_1180 = tpu.vector_load %arg7[%get3A_1178, %get3A_1179] {strides = array<i32>} : memref<128x16xf32, #tpu.memory_space<vmem>>, vector<16xf32>,
      tpu.vector_store_idx %arg11[%iota3A, %broadcast_in_dim3A_1176], %get3A_1180 : memref<32x129xf32, #tpu.memory_space<vmem>>[vector<16xi32>, vector<16xi32>], vector<16xf32>,
      %get3A_1181 = arith.constant 96 : i32
      %get3A_1182 = arith.index_cast %get3A_1181 : i32 to index
      %get3A_1183 = arith.constant 0 : index
      %get3A_1184 = tpu.vector_load %arg9[%get3A_1182, %get3A_1183] {strides = array<i32>} : memref<128x16xf32, #tpu.memory_space<vmem>>, vector<16xf32>,
      tpu.vector_store_idx %arg11[%add3A_5, %broadcast_in_dim3A_1176], %get3A_1184 : memref<32x129xf32, #tpu.memory_space<vmem>>[vector<16xi32>, vector<16xi32>], vector<16xf32>,
      %broadcast_in_dim3A_1185 = arith.constant 97 : i32
      %broadcast_in_dim3A_1186 = vector.broadcast %broadcast_in_dim3A_1185 : i32 to vector<16xi32>
      %get3A_1187 = arith.constant 97 : i32
      %get3A_1188 = arith.index_cast %get3A_1187 : i32 to index
      %get3A_1189 = arith.constant 0 : index
      %get3A_1190 = tpu.vector_load %arg7[%get3A_1188, %get3A_1189] {strides = array<i32>} : memref<128x16xf32, #tpu.memory_space<vmem>>, vector<16xf32>,
      tpu.vector_store_idx %arg11[%iota3A, %broadcast_in_dim3A_1186], %get3A_1190 : memref<32x129xf32, #tpu.memory_space<vmem>>[vector<16xi32>, vector<16xi32>], vector<16xf32>,
      %get3A_1191 = arith.constant 97 : i32
      %get3A_1192 = arith.index_cast %get3A_1191 : i32 to index
      %get3A_1193 = arith.constant 0 : index
      %get3A_1194 = tpu.vector_load %arg9[%get3A_1192, %get3A_1193] {strides = array<i32>} : memref<128x16xf32, #tpu.memory_space<vmem>>, vector<16xf32>,
      tpu.vector_store_idx %arg11[%add3A_5, %broadcast_in_dim3A_1186], %get3A_1194 : memref<32x129xf32, #tpu.memory_space<vmem>>[vector<16xi32>, vector<16xi32>], vector<16xf32>,
      %broadcast_in_dim3A_1195 = arith.constant 98 : i32
      %broadcast_in_dim3A_1196 = vector.broadcast %broadcast_in_dim3A_1195 : i32 to vector<16xi32>
      %get3A_1197 = arith.constant 98 : i32
      %get3A_1198 = arith.index_cast %get3A_1197 : i32 to index
      %get3A_1199 = arith.constant 0 : index
      %get3A_1200 = tpu.vector_load %arg7[%get3A_1198, %get3A_1199] {strides = array<i32>} : memref<128x16xf32, #tpu.memory_space<vmem>>, vector<16xf32>,
      tpu.vector_store_idx %arg11[%iota3A, %broadcast_in_dim3A_1196], %get3A_1200 : memref<32x129xf32, #tpu.memory_space<vmem>>[vector<16xi32>, vector<16xi32>], vector<16xf32>,
      %get3A_1201 = arith.constant 98 : i32
      %get3A_1202 = arith.index_cast %get3A_1201 : i32 to index
      %get3A_1203 = arith.constant 0 : index
      %get3A_1204 = tpu.vector_load %arg9[%get3A_1202, %get3A_1203] {strides = array<i32>} : memref<128x16xf32, #tpu.memory_space<vmem>>, vector<16xf32>,
      tpu.vector_store_idx %arg11[%add3A_5, %broadcast_in_dim3A_1196], %get3A_1204 : memref<32x129xf32, #tpu.memory_space<vmem>>[vector<16xi32>, vector<16xi32>], vector<16xf32>,
      %broadcast_in_dim3A_1205 = arith.constant 99 : i32
      %broadcast_in_dim3A_1206 = vector.broadcast %broadcast_in_dim3A_1205 : i32 to vector<16xi32>
      %get3A_1207 = arith.constant 99 : i32
      %get3A_1208 = arith.index_cast %get3A_1207 : i32 to index
      %get3A_1209 = arith.constant 0 : index
      %get3A_1210 = tpu.vector_load %arg7[%get3A_1208, %get3A_1209] {strides = array<i32>} : memref<128x16xf32, #tpu.memory_space<vmem>>, vector<16xf32>,
      tpu.vector_store_idx %arg11[%iota3A, %broadcast_in_dim3A_1206], %get3A_1210 : memref<32x129xf32, #tpu.memory_space<vmem>>[vector<16xi32>, vector<16xi32>], vector<16xf32>,
      %get3A_1211 = arith.constant 99 : i32
      %get3A_1212 = arith.index_cast %get3A_1211 : i32 to index
      %get3A_1213 = arith.constant 0 : index
      %get3A_1214 = tpu.vector_load %arg9[%get3A_1212, %get3A_1213] {strides = array<i32>} : memref<128x16xf32, #tpu.memory_space<vmem>>, vector<16xf32>,
      tpu.vector_store_idx %arg11[%add3A_5, %broadcast_in_dim3A_1206], %get3A_1214 : memref<32x129xf32, #tpu.memory_space<vmem>>[vector<16xi32>, vector<16xi32>], vector<16xf32>,
      %broadcast_in_dim3A_1215 = arith.constant 100 : i32
      %broadcast_in_dim3A_1216 = vector.broadcast %broadcast_in_dim3A_1215 : i32 to vector<16xi32>
      %get3A_1217 = arith.constant 100 : i32
      %get3A_1218 = arith.index_cast %get3A_1217 : i32 to index
      %get3A_1219 = arith.constant 0 : index
      %get3A_1220 = tpu.vector_load %arg7[%get3A_1218, %get3A_1219] {strides = array<i32>} : memref<128x16xf32, #tpu.memory_space<vmem>>, vector<16xf32>,
      tpu.vector_store_idx %arg11[%iota3A, %broadcast_in_dim3A_1216], %get3A_1220 : memref<32x129xf32, #tpu.memory_space<vmem>>[vector<16xi32>, vector<16xi32>], vector<16xf32>,
      %get3A_1221 = arith.constant 100 : i32
      %get3A_1222 = arith.index_cast %get3A_1221 : i32 to index
      %get3A_1223 = arith.constant 0 : index
      %get3A_1224 = tpu.vector_load %arg9[%get3A_1222, %get3A_1223] {strides = array<i32>} : memref<128x16xf32, #tpu.memory_space<vmem>>, vector<16xf32>,
      tpu.vector_store_idx %arg11[%add3A_5, %broadcast_in_dim3A_1216], %get3A_1224 : memref<32x129xf32, #tpu.memory_space<vmem>>[vector<16xi32>, vector<16xi32>], vector<16xf32>,
      %broadcast_in_dim3A_1225 = arith.constant 101 : i32
      %broadcast_in_dim3A_1226 = vector.broadcast %broadcast_in_dim3A_1225 : i32 to vector<16xi32>
      %get3A_1227 = arith.constant 101 : i32
      %get3A_1228 = arith.index_cast %get3A_1227 : i32 to index
      %get3A_1229 = arith.constant 0 : index
      %get3A_1230 = tpu.vector_load %arg7[%get3A_1228, %get3A_1229] {strides = array<i32>} : memref<128x16xf32, #tpu.memory_space<vmem>>, vector<16xf32>,
      tpu.vector_store_idx %arg11[%iota3A, %broadcast_in_dim3A_1226], %get3A_1230 : memref<32x129xf32, #tpu.memory_space<vmem>>[vector<16xi32>, vector<16xi32>], vector<16xf32>,
      %get3A_1231 = arith.constant 101 : i32
      %get3A_1232 = arith.index_cast %get3A_1231 : i32 to index
      %get3A_1233 = arith.constant 0 : index
      %get3A_1234 = tpu.vector_load %arg9[%get3A_1232, %get3A_1233] {strides = array<i32>} : memref<128x16xf32, #tpu.memory_space<vmem>>, vector<16xf32>,
      tpu.vector_store_idx %arg11[%add3A_5, %broadcast_in_dim3A_1226], %get3A_1234 : memref<32x129xf32, #tpu.memory_space<vmem>>[vector<16xi32>, vector<16xi32>], vector<16xf32>,
      %broadcast_in_dim3A_1235 = arith.constant 102 : i32
      %broadcast_in_dim3A_1236 = vector.broadcast %broadcast_in_dim3A_1235 : i32 to vector<16xi32>
      %get3A_1237 = arith.constant 102 : i32
      %get3A_1238 = arith.index_cast %get3A_1237 : i32 to index
      %get3A_1239 = arith.constant 0 : index
      %get3A_1240 = tpu.vector_load %arg7[%get3A_1238, %get3A_1239] {strides = array<i32>} : memref<128x16xf32, #tpu.memory_space<vmem>>, vector<16xf32>,
      tpu.vector_store_idx %arg11[%iota3A, %broadcast_in_dim3A_1236], %get3A_1240 : memref<32x129xf32, #tpu.memory_space<vmem>>[vector<16xi32>, vector<16xi32>], vector<16xf32>,
      %get3A_1241 = arith.constant 102 : i32
      %get3A_1242 = arith.index_cast %get3A_1241 : i32 to index
      %get3A_1243 = arith.constant 0 : index
      %get3A_1244 = tpu.vector_load %arg9[%get3A_1242, %get3A_1243] {strides = array<i32>} : memref<128x16xf32, #tpu.memory_space<vmem>>, vector<16xf32>,
      tpu.vector_store_idx %arg11[%add3A_5, %broadcast_in_dim3A_1236], %get3A_1244 : memref<32x129xf32, #tpu.memory_space<vmem>>[vector<16xi32>, vector<16xi32>], vector<16xf32>,
      %broadcast_in_dim3A_1245 = arith.constant 103 : i32
      %broadcast_in_dim3A_1246 = vector.broadcast %broadcast_in_dim3A_1245 : i32 to vector<16xi32>
      %get3A_1247 = arith.constant 103 : i32
      %get3A_1248 = arith.index_cast %get3A_1247 : i32 to index
      %get3A_1249 = arith.constant 0 : index
      %get3A_1250 = tpu.vector_load %arg7[%get3A_1248, %get3A_1249] {strides = array<i32>} : memref<128x16xf32, #tpu.memory_space<vmem>>, vector<16xf32>,
      tpu.vector_store_idx %arg11[%iota3A, %broadcast_in_dim3A_1246], %get3A_1250 : memref<32x129xf32, #tpu.memory_space<vmem>>[vector<16xi32>, vector<16xi32>], vector<16xf32>,
      %get3A_1251 = arith.constant 103 : i32
      %get3A_1252 = arith.index_cast %get3A_1251 : i32 to index
      %get3A_1253 = arith.constant 0 : index
      %get3A_1254 = tpu.vector_load %arg9[%get3A_1252, %get3A_1253] {strides = array<i32>} : memref<128x16xf32, #tpu.memory_space<vmem>>, vector<16xf32>,
      tpu.vector_store_idx %arg11[%add3A_5, %broadcast_in_dim3A_1246], %get3A_1254 : memref<32x129xf32, #tpu.memory_space<vmem>>[vector<16xi32>, vector<16xi32>], vector<16xf32>,
      %broadcast_in_dim3A_1255 = arith.constant 104 : i32
      %broadcast_in_dim3A_1256 = vector.broadcast %broadcast_in_dim3A_1255 : i32 to vector<16xi32>
      %get3A_1257 = arith.constant 104 : i32
      %get3A_1258 = arith.index_cast %get3A_1257 : i32 to index
      %get3A_1259 = arith.constant 0 : index
      %get3A_1260 = tpu.vector_load %arg7[%get3A_1258, %get3A_1259] {strides = array<i32>} : memref<128x16xf32, #tpu.memory_space<vmem>>, vector<16xf32>,
      tpu.vector_store_idx %arg11[%iota3A, %broadcast_in_dim3A_1256], %get3A_1260 : memref<32x129xf32, #tpu.memory_space<vmem>>[vector<16xi32>, vector<16xi32>], vector<16xf32>,
      %get3A_1261 = arith.constant 104 : i32
      %get3A_1262 = arith.index_cast %get3A_1261 : i32 to index
      %get3A_1263 = arith.constant 0 : index
      %get3A_1264 = tpu.vector_load %arg9[%get3A_1262, %get3A_1263] {strides = array<i32>} : memref<128x16xf32, #tpu.memory_space<vmem>>, vector<16xf32>,
      tpu.vector_store_idx %arg11[%add3A_5, %broadcast_in_dim3A_1256], %get3A_1264 : memref<32x129xf32, #tpu.memory_space<vmem>>[vector<16xi32>, vector<16xi32>], vector<16xf32>,
      %broadcast_in_dim3A_1265 = arith.constant 105 : i32
      %broadcast_in_dim3A_1266 = vector.broadcast %broadcast_in_dim3A_1265 : i32 to vector<16xi32>
      %get3A_1267 = arith.constant 105 : i32
      %get3A_1268 = arith.index_cast %get3A_1267 : i32 to index
      %get3A_1269 = arith.constant 0 : index
      %get3A_1270 = tpu.vector_load %arg7[%get3A_1268, %get3A_1269] {strides = array<i32>} : memref<128x16xf32, #tpu.memory_space<vmem>>, vector<16xf32>,
      tpu.vector_store_idx %arg11[%iota3A, %broadcast_in_dim3A_1266], %get3A_1270 : memref<32x129xf32, #tpu.memory_space<vmem>>[vector<16xi32>, vector<16xi32>], vector<16xf32>,
      %get3A_1271 = arith.constant 105 : i32
      %get3A_1272 = arith.index_cast %get3A_1271 : i32 to index
      %get3A_1273 = arith.constant 0 : index
      %get3A_1274 = tpu.vector_load %arg9[%get3A_1272, %get3A_1273] {strides = array<i32>} : memref<128x16xf32, #tpu.memory_space<vmem>>, vector<16xf32>,
      tpu.vector_store_idx %arg11[%add3A_5, %broadcast_in_dim3A_1266], %get3A_1274 : memref<32x129xf32, #tpu.memory_space<vmem>>[vector<16xi32>, vector<16xi32>], vector<16xf32>,
      %broadcast_in_dim3A_1275 = arith.constant 106 : i32
      %broadcast_in_dim3A_1276 = vector.broadcast %broadcast_in_dim3A_1275 : i32 to vector<16xi32>
      %get3A_1277 = arith.constant 106 : i32
      %get3A_1278 = arith.index_cast %get3A_1277 : i32 to index
      %get3A_1279 = arith.constant 0 : index
      %get3A_1280 = tpu.vector_load %arg7[%get3A_1278, %get3A_1279] {strides = array<i32>} : memref<128x16xf32, #tpu.memory_space<vmem>>, vector<16xf32>,
      tpu.vector_store_idx %arg11[%iota3A, %broadcast_in_dim3A_1276], %get3A_1280 : memref<32x129xf32, #tpu.memory_space<vmem>>[vector<16xi32>, vector<16xi32>], vector<16xf32>,
      %get3A_1281 = arith.constant 106 : i32
      %get3A_1282 = arith.index_cast %get3A_1281 : i32 to index
      %get3A_1283 = arith.constant 0 : index
      %get3A_1284 = tpu.vector_load %arg9[%get3A_1282, %get3A_1283] {strides = array<i32>} : memref<128x16xf32, #tpu.memory_space<vmem>>, vector<16xf32>,
      tpu.vector_store_idx %arg11[%add3A_5, %broadcast_in_dim3A_1276], %get3A_1284 : memref<32x129xf32, #tpu.memory_space<vmem>>[vector<16xi32>, vector<16xi32>], vector<16xf32>,
      %broadcast_in_dim3A_1285 = arith.constant 107 : i32
      %broadcast_in_dim3A_1286 = vector.broadcast %broadcast_in_dim3A_1285 : i32 to vector<16xi32>
      %get3A_1287 = arith.constant 107 : i32
      %get3A_1288 = arith.index_cast %get3A_1287 : i32 to index
      %get3A_1289 = arith.constant 0 : index
      %get3A_1290 = tpu.vector_load %arg7[%get3A_1288, %get3A_1289] {strides = array<i32>} : memref<128x16xf32, #tpu.memory_space<vmem>>, vector<16xf32>,
      tpu.vector_store_idx %arg11[%iota3A, %broadcast_in_dim3A_1286], %get3A_1290 : memref<32x129xf32, #tpu.memory_space<vmem>>[vector<16xi32>, vector<16xi32>], vector<16xf32>,
      %get3A_1291 = arith.constant 107 : i32
      %get3A_1292 = arith.index_cast %get3A_1291 : i32 to index
      %get3A_1293 = arith.constant 0 : index
      %get3A_1294 = tpu.vector_load %arg9[%get3A_1292, %get3A_1293] {strides = array<i32>} : memref<128x16xf32, #tpu.memory_space<vmem>>, vector<16xf32>,
      tpu.vector_store_idx %arg11[%add3A_5, %broadcast_in_dim3A_1286], %get3A_1294 : memref<32x129xf32, #tpu.memory_space<vmem>>[vector<16xi32>, vector<16xi32>], vector<16xf32>,
      %broadcast_in_dim3A_1295 = arith.constant 108 : i32
      %broadcast_in_dim3A_1296 = vector.broadcast %broadcast_in_dim3A_1295 : i32 to vector<16xi32>
      %get3A_1297 = arith.constant 108 : i32
      %get3A_1298 = arith.index_cast %get3A_1297 : i32 to index
      %get3A_1299 = arith.constant 0 : index
      %get3A_1300 = tpu.vector_load %arg7[%get3A_1298, %get3A_1299] {strides = array<i32>} : memref<128x16xf32, #tpu.memory_space<vmem>>, vector<16xf32>,
      tpu.vector_store_idx %arg11[%iota3A, %broadcast_in_dim3A_1296], %get3A_1300 : memref<32x129xf32, #tpu.memory_space<vmem>>[vector<16xi32>, vector<16xi32>], vector<16xf32>,
      %get3A_1301 = arith.constant 108 : i32
      %get3A_1302 = arith.index_cast %get3A_1301 : i32 to index
      %get3A_1303 = arith.constant 0 : index
      %get3A_1304 = tpu.vector_load %arg9[%get3A_1302, %get3A_1303] {strides = array<i32>} : memref<128x16xf32, #tpu.memory_space<vmem>>, vector<16xf32>,
      tpu.vector_store_idx %arg11[%add3A_5, %broadcast_in_dim3A_1296], %get3A_1304 : memref<32x129xf32, #tpu.memory_space<vmem>>[vector<16xi32>, vector<16xi32>], vector<16xf32>,
      %broadcast_in_dim3A_1305 = arith.constant 109 : i32
      %broadcast_in_dim3A_1306 = vector.broadcast %broadcast_in_dim3A_1305 : i32 to vector<16xi32>
      %get3A_1307 = arith.constant 109 : i32
      %get3A_1308 = arith.index_cast %get3A_1307 : i32 to index
      %get3A_1309 = arith.constant 0 : index
      %get3A_1310 = tpu.vector_load %arg7[%get3A_1308, %get3A_1309] {strides = array<i32>} : memref<128x16xf32, #tpu.memory_space<vmem>>, vector<16xf32>,
      tpu.vector_store_idx %arg11[%iota3A, %broadcast_in_dim3A_1306], %get3A_1310 : memref<32x129xf32, #tpu.memory_space<vmem>>[vector<16xi32>, vector<16xi32>], vector<16xf32>,
      %get3A_1311 = arith.constant 109 : i32
      %get3A_1312 = arith.index_cast %get3A_1311 : i32 to index
      %get3A_1313 = arith.constant 0 : index
      %get3A_1314 = tpu.vector_load %arg9[%get3A_1312, %get3A_1313] {strides = array<i32>} : memref<128x16xf32, #tpu.memory_space<vmem>>, vector<16xf32>,
      tpu.vector_store_idx %arg11[%add3A_5, %broadcast_in_dim3A_1306], %get3A_1314 : memref<32x129xf32, #tpu.memory_space<vmem>>[vector<16xi32>, vector<16xi32>], vector<16xf32>,
      %broadcast_in_dim3A_1315 = arith.constant 110 : i32
      %broadcast_in_dim3A_1316 = vector.broadcast %broadcast_in_dim3A_1315 : i32 to vector<16xi32>
      %get3A_1317 = arith.constant 110 : i32
      %get3A_1318 = arith.index_cast %get3A_1317 : i32 to index
      %get3A_1319 = arith.constant 0 : index
      %get3A_1320 = tpu.vector_load %arg7[%get3A_1318, %get3A_1319] {strides = array<i32>} : memref<128x16xf32, #tpu.memory_space<vmem>>, vector<16xf32>,
      tpu.vector_store_idx %arg11[%iota3A, %broadcast_in_dim3A_1316], %get3A_1320 : memref<32x129xf32, #tpu.memory_space<vmem>>[vector<16xi32>, vector<16xi32>], vector<16xf32>,
      %get3A_1321 = arith.constant 110 : i32
      %get3A_1322 = arith.index_cast %get3A_1321 : i32 to index
      %get3A_1323 = arith.constant 0 : index
      %get3A_1324 = tpu.vector_load %arg9[%get3A_1322, %get3A_1323] {strides = array<i32>} : memref<128x16xf32, #tpu.memory_space<vmem>>, vector<16xf32>,
      tpu.vector_store_idx %arg11[%add3A_5, %broadcast_in_dim3A_1316], %get3A_1324 : memref<32x129xf32, #tpu.memory_space<vmem>>[vector<16xi32>, vector<16xi32>], vector<16xf32>,
      %broadcast_in_dim3A_1325 = arith.constant 111 : i32
      %broadcast_in_dim3A_1326 = vector.broadcast %broadcast_in_dim3A_1325 : i32 to vector<16xi32>
      %get3A_1327 = arith.constant 111 : i32
      %get3A_1328 = arith.index_cast %get3A_1327 : i32 to index
      %get3A_1329 = arith.constant 0 : index
      %get3A_1330 = tpu.vector_load %arg7[%get3A_1328, %get3A_1329] {strides = array<i32>} : memref<128x16xf32, #tpu.memory_space<vmem>>, vector<16xf32>,
      tpu.vector_store_idx %arg11[%iota3A, %broadcast_in_dim3A_1326], %get3A_1330 : memref<32x129xf32, #tpu.memory_space<vmem>>[vector<16xi32>, vector<16xi32>], vector<16xf32>,
      %get3A_1331 = arith.constant 111 : i32
      %get3A_1332 = arith.index_cast %get3A_1331 : i32 to index
      %get3A_1333 = arith.constant 0 : index
      %get3A_1334 = tpu.vector_load %arg9[%get3A_1332, %get3A_1333] {strides = array<i32>} : memref<128x16xf32, #tpu.memory_space<vmem>>, vector<16xf32>,
      tpu.vector_store_idx %arg11[%add3A_5, %broadcast_in_dim3A_1326], %get3A_1334 : memref<32x129xf32, #tpu.memory_space<vmem>>[vector<16xi32>, vector<16xi32>], vector<16xf32>,
      %broadcast_in_dim3A_1335 = arith.constant 112 : i32
      %broadcast_in_dim3A_1336 = vector.broadcast %broadcast_in_dim3A_1335 : i32 to vector<16xi32>
      %get3A_1337 = arith.constant 112 : i32
      %get3A_1338 = arith.index_cast %get3A_1337 : i32 to index
      %get3A_1339 = arith.constant 0 : index
      %get3A_1340 = tpu.vector_load %arg7[%get3A_1338, %get3A_1339] {strides = array<i32>} : memref<128x16xf32, #tpu.memory_space<vmem>>, vector<16xf32>,
      tpu.vector_store_idx %arg11[%iota3A, %broadcast_in_dim3A_1336], %get3A_1340 : memref<32x129xf32, #tpu.memory_space<vmem>>[vector<16xi32>, vector<16xi32>], vector<16xf32>,
      %get3A_1341 = arith.constant 112 : i32
      %get3A_1342 = arith.index_cast %get3A_1341 : i32 to index
      %get3A_1343 = arith.constant 0 : index
      %get3A_1344 = tpu.vector_load %arg9[%get3A_1342, %get3A_1343] {strides = array<i32>} : memref<128x16xf32, #tpu.memory_space<vmem>>, vector<16xf32>,
      tpu.vector_store_idx %arg11[%add3A_5, %broadcast_in_dim3A_1336], %get3A_1344 : memref<32x129xf32, #tpu.memory_space<vmem>>[vector<16xi32>, vector<16xi32>], vector<16xf32>,
      %broadcast_in_dim3A_1345 = arith.constant 113 : i32
      %broadcast_in_dim3A_1346 = vector.broadcast %broadcast_in_dim3A_1345 : i32 to vector<16xi32>
      %get3A_1347 = arith.constant 113 : i32
      %get3A_1348 = arith.index_cast %get3A_1347 : i32 to index
      %get3A_1349 = arith.constant 0 : index
      %get3A_1350 = tpu.vector_load %arg7[%get3A_1348, %get3A_1349] {strides = array<i32>} : memref<128x16xf32, #tpu.memory_space<vmem>>, vector<16xf32>,
      tpu.vector_store_idx %arg11[%iota3A, %broadcast_in_dim3A_1346], %get3A_1350 : memref<32x129xf32, #tpu.memory_space<vmem>>[vector<16xi32>, vector<16xi32>], vector<16xf32>,
      %get3A_1351 = arith.constant 113 : i32
      %get3A_1352 = arith.index_cast %get3A_1351 : i32 to index
      %get3A_1353 = arith.constant 0 : index
      %get3A_1354 = tpu.vector_load %arg9[%get3A_1352, %get3A_1353] {strides = array<i32>} : memref<128x16xf32, #tpu.memory_space<vmem>>, vector<16xf32>,
      tpu.vector_store_idx %arg11[%add3A_5, %broadcast_in_dim3A_1346], %get3A_1354 : memref<32x129xf32, #tpu.memory_space<vmem>>[vector<16xi32>, vector<16xi32>], vector<16xf32>,
      %broadcast_in_dim3A_1355 = arith.constant 114 : i32
      %broadcast_in_dim3A_1356 = vector.broadcast %broadcast_in_dim3A_1355 : i32 to vector<16xi32>
      %get3A_1357 = arith.constant 114 : i32
      %get3A_1358 = arith.index_cast %get3A_1357 : i32 to index
      %get3A_1359 = arith.constant 0 : index
      %get3A_1360 = tpu.vector_load %arg7[%get3A_1358, %get3A_1359] {strides = array<i32>} : memref<128x16xf32, #tpu.memory_space<vmem>>, vector<16xf32>,
      tpu.vector_store_idx %arg11[%iota3A, %broadcast_in_dim3A_1356], %get3A_1360 : memref<32x129xf32, #tpu.memory_space<vmem>>[vector<16xi32>, vector<16xi32>], vector<16xf32>,
      %get3A_1361 = arith.constant 114 : i32
      %get3A_1362 = arith.index_cast %get3A_1361 : i32 to index
      %get3A_1363 = arith.constant 0 : index
      %get3A_1364 = tpu.vector_load %arg9[%get3A_1362, %get3A_1363] {strides = array<i32>} : memref<128x16xf32, #tpu.memory_space<vmem>>, vector<16xf32>,
      tpu.vector_store_idx %arg11[%add3A_5, %broadcast_in_dim3A_1356], %get3A_1364 : memref<32x129xf32, #tpu.memory_space<vmem>>[vector<16xi32>, vector<16xi32>], vector<16xf32>,
      %broadcast_in_dim3A_1365 = arith.constant 115 : i32
      %broadcast_in_dim3A_1366 = vector.broadcast %broadcast_in_dim3A_1365 : i32 to vector<16xi32>
      %get3A_1367 = arith.constant 115 : i32
      %get3A_1368 = arith.index_cast %get3A_1367 : i32 to index
      %get3A_1369 = arith.constant 0 : index
      %get3A_1370 = tpu.vector_load %arg7[%get3A_1368, %get3A_1369] {strides = array<i32>} : memref<128x16xf32, #tpu.memory_space<vmem>>, vector<16xf32>,
      tpu.vector_store_idx %arg11[%iota3A, %broadcast_in_dim3A_1366], %get3A_1370 : memref<32x129xf32, #tpu.memory_space<vmem>>[vector<16xi32>, vector<16xi32>], vector<16xf32>,
      %get3A_1371 = arith.constant 115 : i32
      %get3A_1372 = arith.index_cast %get3A_1371 : i32 to index
      %get3A_1373 = arith.constant 0 : index
      %get3A_1374 = tpu.vector_load %arg9[%get3A_1372, %get3A_1373] {strides = array<i32>} : memref<128x16xf32, #tpu.memory_space<vmem>>, vector<16xf32>,
      tpu.vector_store_idx %arg11[%add3A_5, %broadcast_in_dim3A_1366], %get3A_1374 : memref<32x129xf32, #tpu.memory_space<vmem>>[vector<16xi32>, vector<16xi32>], vector<16xf32>,
      %broadcast_in_dim3A_1375 = arith.constant 116 : i32
      %broadcast_in_dim3A_1376 = vector.broadcast %broadcast_in_dim3A_1375 : i32 to vector<16xi32>
      %get3A_1377 = arith.constant 116 : i32
      %get3A_1378 = arith.index_cast %get3A_1377 : i32 to index
      %get3A_1379 = arith.constant 0 : index
      %get3A_1380 = tpu.vector_load %arg7[%get3A_1378, %get3A_1379] {strides = array<i32>} : memref<128x16xf32, #tpu.memory_space<vmem>>, vector<16xf32>,
      tpu.vector_store_idx %arg11[%iota3A, %broadcast_in_dim3A_1376], %get3A_1380 : memref<32x129xf32, #tpu.memory_space<vmem>>[vector<16xi32>, vector<16xi32>], vector<16xf32>,
      %get3A_1381 = arith.constant 116 : i32
      %get3A_1382 = arith.index_cast %get3A_1381 : i32 to index
      %get3A_1383 = arith.constant 0 : index
      %get3A_1384 = tpu.vector_load %arg9[%get3A_1382, %get3A_1383] {strides = array<i32>} : memref<128x16xf32, #tpu.memory_space<vmem>>, vector<16xf32>,
      tpu.vector_store_idx %arg11[%add3A_5, %broadcast_in_dim3A_1376], %get3A_1384 : memref<32x129xf32, #tpu.memory_space<vmem>>[vector<16xi32>, vector<16xi32>], vector<16xf32>,
      %broadcast_in_dim3A_1385 = arith.constant 117 : i32
      %broadcast_in_dim3A_1386 = vector.broadcast %broadcast_in_dim3A_1385 : i32 to vector<16xi32>
      %get3A_1387 = arith.constant 117 : i32
      %get3A_1388 = arith.index_cast %get3A_1387 : i32 to index
      %get3A_1389 = arith.constant 0 : index
      %get3A_1390 = tpu.vector_load %arg7[%get3A_1388, %get3A_1389] {strides = array<i32>} : memref<128x16xf32, #tpu.memory_space<vmem>>, vector<16xf32>,
      tpu.vector_store_idx %arg11[%iota3A, %broadcast_in_dim3A_1386], %get3A_1390 : memref<32x129xf32, #tpu.memory_space<vmem>>[vector<16xi32>, vector<16xi32>], vector<16xf32>,
      %get3A_1391 = arith.constant 117 : i32
      %get3A_1392 = arith.index_cast %get3A_1391 : i32 to index
      %get3A_1393 = arith.constant 0 : index
      %get3A_1394 = tpu.vector_load %arg9[%get3A_1392, %get3A_1393] {strides = array<i32>} : memref<128x16xf32, #tpu.memory_space<vmem>>, vector<16xf32>,
      tpu.vector_store_idx %arg11[%add3A_5, %broadcast_in_dim3A_1386], %get3A_1394 : memref<32x129xf32, #tpu.memory_space<vmem>>[vector<16xi32>, vector<16xi32>], vector<16xf32>,
      %broadcast_in_dim3A_1395 = arith.constant 118 : i32
      %broadcast_in_dim3A_1396 = vector.broadcast %broadcast_in_dim3A_1395 : i32 to vector<16xi32>
      %get3A_1397 = arith.constant 118 : i32
      %get3A_1398 = arith.index_cast %get3A_1397 : i32 to index
      %get3A_1399 = arith.constant 0 : index
      %get3A_1400 = tpu.vector_load %arg7[%get3A_1398, %get3A_1399] {strides = array<i32>} : memref<128x16xf32, #tpu.memory_space<vmem>>, vector<16xf32>,
      tpu.vector_store_idx %arg11[%iota3A, %broadcast_in_dim3A_1396], %get3A_1400 : memref<32x129xf32, #tpu.memory_space<vmem>>[vector<16xi32>, vector<16xi32>], vector<16xf32>,
      %get3A_1401 = arith.constant 118 : i32
      %get3A_1402 = arith.index_cast %get3A_1401 : i32 to index
      %get3A_1403 = arith.constant 0 : index
      %get3A_1404 = tpu.vector_load %arg9[%get3A_1402, %get3A_1403] {strides = array<i32>} : memref<128x16xf32, #tpu.memory_space<vmem>>, vector<16xf32>,
      tpu.vector_store_idx %arg11[%add3A_5, %broadcast_in_dim3A_1396], %get3A_1404 : memref<32x129xf32, #tpu.memory_space<vmem>>[vector<16xi32>, vector<16xi32>], vector<16xf32>,
      %broadcast_in_dim3A_1405 = arith.constant 119 : i32
      %broadcast_in_dim3A_1406 = vector.broadcast %broadcast_in_dim3A_1405 : i32 to vector<16xi32>
      %get3A_1407 = arith.constant 119 : i32
      %get3A_1408 = arith.index_cast %get3A_1407 : i32 to index
      %get3A_1409 = arith.constant 0 : index
      %get3A_1410 = tpu.vector_load %arg7[%get3A_1408, %get3A_1409] {strides = array<i32>} : memref<128x16xf32, #tpu.memory_space<vmem>>, vector<16xf32>,
      tpu.vector_store_idx %arg11[%iota3A, %broadcast_in_dim3A_1406], %get3A_1410 : memref<32x129xf32, #tpu.memory_space<vmem>>[vector<16xi32>, vector<16xi32>], vector<16xf32>,
      %get3A_1411 = arith.constant 119 : i32
      %get3A_1412 = arith.index_cast %get3A_1411 : i32 to index
      %get3A_1413 = arith.constant 0 : index
      %get3A_1414 = tpu.vector_load %arg9[%get3A_1412, %get3A_1413] {strides = array<i32>} : memref<128x16xf32, #tpu.memory_space<vmem>>, vector<16xf32>,
      tpu.vector_store_idx %arg11[%add3A_5, %broadcast_in_dim3A_1406], %get3A_1414 : memref<32x129xf32, #tpu.memory_space<vmem>>[vector<16xi32>, vector<16xi32>], vector<16xf32>,
      %broadcast_in_dim3A_1415 = arith.constant 120 : i32
      %broadcast_in_dim3A_1416 = vector.broadcast %broadcast_in_dim3A_1415 : i32 to vector<16xi32>
      %get3A_1417 = arith.constant 120 : i32
      %get3A_1418 = arith.index_cast %get3A_1417 : i32 to index
      %get3A_1419 = arith.constant 0 : index
      %get3A_1420 = tpu.vector_load %arg7[%get3A_1418, %get3A_1419] {strides = array<i32>} : memref<128x16xf32, #tpu.memory_space<vmem>>, vector<16xf32>,
      tpu.vector_store_idx %arg11[%iota3A, %broadcast_in_dim3A_1416], %get3A_1420 : memref<32x129xf32, #tpu.memory_space<vmem>>[vector<16xi32>, vector<16xi32>], vector<16xf32>,
      %get3A_1421 = arith.constant 120 : i32
      %get3A_1422 = arith.index_cast %get3A_1421 : i32 to index
      %get3A_1423 = arith.constant 0 : index
      %get3A_1424 = tpu.vector_load %arg9[%get3A_1422, %get3A_1423] {strides = array<i32>} : memref<128x16xf32, #tpu.memory_space<vmem>>, vector<16xf32>,
      tpu.vector_store_idx %arg11[%add3A_5, %broadcast_in_dim3A_1416], %get3A_1424 : memref<32x129xf32, #tpu.memory_space<vmem>>[vector<16xi32>, vector<16xi32>], vector<16xf32>,
      %broadcast_in_dim3A_1425 = arith.constant 121 : i32
      %broadcast_in_dim3A_1426 = vector.broadcast %broadcast_in_dim3A_1425 : i32 to vector<16xi32>
      %get3A_1427 = arith.constant 121 : i32
      %get3A_1428 = arith.index_cast %get3A_1427 : i32 to index
      %get3A_1429 = arith.constant 0 : index
      %get3A_1430 = tpu.vector_load %arg7[%get3A_1428, %get3A_1429] {strides = array<i32>} : memref<128x16xf32, #tpu.memory_space<vmem>>, vector<16xf32>,
      tpu.vector_store_idx %arg11[%iota3A, %broadcast_in_dim3A_1426], %get3A_1430 : memref<32x129xf32, #tpu.memory_space<vmem>>[vector<16xi32>, vector<16xi32>], vector<16xf32>,
      %get3A_1431 = arith.constant 121 : i32
      %get3A_1432 = arith.index_cast %get3A_1431 : i32 to index
      %get3A_1433 = arith.constant 0 : index
      %get3A_1434 = tpu.vector_load %arg9[%get3A_1432, %get3A_1433] {strides = array<i32>} : memref<128x16xf32, #tpu.memory_space<vmem>>, vector<16xf32>,
      tpu.vector_store_idx %arg11[%add3A_5, %broadcast_in_dim3A_1426], %get3A_1434 : memref<32x129xf32, #tpu.memory_space<vmem>>[vector<16xi32>, vector<16xi32>], vector<16xf32>,
      %broadcast_in_dim3A_1435 = arith.constant 122 : i32
      %broadcast_in_dim3A_1436 = vector.broadcast %broadcast_in_dim3A_1435 : i32 to vector<16xi32>
      %get3A_1437 = arith.constant 122 : i32
      %get3A_1438 = arith.index_cast %get3A_1437 : i32 to index
      %get3A_1439 = arith.constant 0 : index
      %get3A_1440 = tpu.vector_load %arg7[%get3A_1438, %get3A_1439] {strides = array<i32>} : memref<128x16xf32, #tpu.memory_space<vmem>>, vector<16xf32>,
      tpu.vector_store_idx %arg11[%iota3A, %broadcast_in_dim3A_1436], %get3A_1440 : memref<32x129xf32, #tpu.memory_space<vmem>>[vector<16xi32>, vector<16xi32>], vector<16xf32>,
      %get3A_1441 = arith.constant 122 : i32
      %get3A_1442 = arith.index_cast %get3A_1441 : i32 to index
      %get3A_1443 = arith.constant 0 : index
      %get3A_1444 = tpu.vector_load %arg9[%get3A_1442, %get3A_1443] {strides = array<i32>} : memref<128x16xf32, #tpu.memory_space<vmem>>, vector<16xf32>,
      tpu.vector_store_idx %arg11[%add3A_5, %broadcast_in_dim3A_1436], %get3A_1444 : memref<32x129xf32, #tpu.memory_space<vmem>>[vector<16xi32>, vector<16xi32>], vector<16xf32>,
      %broadcast_in_dim3A_1445 = arith.constant 123 : i32
      %broadcast_in_dim3A_1446 = vector.broadcast %broadcast_in_dim3A_1445 : i32 to vector<16xi32>
      %get3A_1447 = arith.constant 123 : i32
      %get3A_1448 = arith.index_cast %get3A_1447 : i32 to index
      %get3A_1449 = arith.constant 0 : index
      %get3A_1450 = tpu.vector_load %arg7[%get3A_1448, %get3A_1449] {strides = array<i32>} : memref<128x16xf32, #tpu.memory_space<vmem>>, vector<16xf32>,
      tpu.vector_store_idx %arg11[%iota3A, %broadcast_in_dim3A_1446], %get3A_1450 : memref<32x129xf32, #tpu.memory_space<vmem>>[vector<16xi32>, vector<16xi32>], vector<16xf32>,
      %get3A_1451 = arith.constant 123 : i32
      %get3A_1452 = arith.index_cast %get3A_1451 : i32 to index
      %get3A_1453 = arith.constant 0 : index
      %get3A_1454 = tpu.vector_load %arg9[%get3A_1452, %get3A_1453] {strides = array<i32>} : memref<128x16xf32, #tpu.memory_space<vmem>>, vector<16xf32>,
      tpu.vector_store_idx %arg11[%add3A_5, %broadcast_in_dim3A_1446], %get3A_1454 : memref<32x129xf32, #tpu.memory_space<vmem>>[vector<16xi32>, vector<16xi32>], vector<16xf32>,
      %broadcast_in_dim3A_1455 = arith.constant 124 : i32
      %broadcast_in_dim3A_1456 = vector.broadcast %broadcast_in_dim3A_1455 : i32 to vector<16xi32>
      %get3A_1457 = arith.constant 124 : i32
      %get3A_1458 = arith.index_cast %get3A_1457 : i32 to index
      %get3A_1459 = arith.constant 0 : index
      %get3A_1460 = tpu.vector_load %arg7[%get3A_1458, %get3A_1459] {strides = array<i32>} : memref<128x16xf32, #tpu.memory_space<vmem>>, vector<16xf32>,
      tpu.vector_store_idx %arg11[%iota3A, %broadcast_in_dim3A_1456], %get3A_1460 : memref<32x129xf32, #tpu.memory_space<vmem>>[vector<16xi32>, vector<16xi32>], vector<16xf32>,
      %get3A_1461 = arith.constant 124 : i32
      %get3A_1462 = arith.index_cast %get3A_1461 : i32 to index
      %get3A_1463 = arith.constant 0 : index
      %get3A_1464 = tpu.vector_load %arg9[%get3A_1462, %get3A_1463] {strides = array<i32>} : memref<128x16xf32, #tpu.memory_space<vmem>>, vector<16xf32>,
      tpu.vector_store_idx %arg11[%add3A_5, %broadcast_in_dim3A_1456], %get3A_1464 : memref<32x129xf32, #tpu.memory_space<vmem>>[vector<16xi32>, vector<16xi32>], vector<16xf32>,
      %broadcast_in_dim3A_1465 = arith.constant 125 : i32
      %broadcast_in_dim3A_1466 = vector.broadcast %broadcast_in_dim3A_1465 : i32 to vector<16xi32>
      %get3A_1467 = arith.constant 125 : i32
      %get3A_1468 = arith.index_cast %get3A_1467 : i32 to index
      %get3A_1469 = arith.constant 0 : index
      %get3A_1470 = tpu.vector_load %arg7[%get3A_1468, %get3A_1469] {strides = array<i32>} : memref<128x16xf32, #tpu.memory_space<vmem>>, vector<16xf32>,
      tpu.vector_store_idx %arg11[%iota3A, %broadcast_in_dim3A_1466], %get3A_1470 : memref<32x129xf32, #tpu.memory_space<vmem>>[vector<16xi32>, vector<16xi32>], vector<16xf32>,
      %get3A_1471 = arith.constant 125 : i32
      %get3A_1472 = arith.index_cast %get3A_1471 : i32 to index
      %get3A_1473 = arith.constant 0 : index
      %get3A_1474 = tpu.vector_load %arg9[%get3A_1472, %get3A_1473] {strides = array<i32>} : memref<128x16xf32, #tpu.memory_space<vmem>>, vector<16xf32>,
      tpu.vector_store_idx %arg11[%add3A_5, %broadcast_in_dim3A_1466], %get3A_1474 : memref<32x129xf32, #tpu.memory_space<vmem>>[vector<16xi32>, vector<16xi32>], vector<16xf32>,
      %broadcast_in_dim3A_1475 = arith.constant 126 : i32
      %broadcast_in_dim3A_1476 = vector.broadcast %broadcast_in_dim3A_1475 : i32 to vector<16xi32>
      %get3A_1477 = arith.constant 126 : i32
      %get3A_1478 = arith.index_cast %get3A_1477 : i32 to index
      %get3A_1479 = arith.constant 0 : index
      %get3A_1480 = tpu.vector_load %arg7[%get3A_1478, %get3A_1479] {strides = array<i32>} : memref<128x16xf32, #tpu.memory_space<vmem>>, vector<16xf32>,
      tpu.vector_store_idx %arg11[%iota3A, %broadcast_in_dim3A_1476], %get3A_1480 : memref<32x129xf32, #tpu.memory_space<vmem>>[vector<16xi32>, vector<16xi32>], vector<16xf32>,
      %get3A_1481 = arith.constant 126 : i32
      %get3A_1482 = arith.index_cast %get3A_1481 : i32 to index
      %get3A_1483 = arith.constant 0 : index
      %get3A_1484 = tpu.vector_load %arg9[%get3A_1482, %get3A_1483] {strides = array<i32>} : memref<128x16xf32, #tpu.memory_space<vmem>>, vector<16xf32>,
      tpu.vector_store_idx %arg11[%add3A_5, %broadcast_in_dim3A_1476], %get3A_1484 : memref<32x129xf32, #tpu.memory_space<vmem>>[vector<16xi32>, vector<16xi32>], vector<16xf32>,
      %broadcast_in_dim3A_1485 = arith.constant 127 : i32
      %broadcast_in_dim3A_1486 = vector.broadcast %broadcast_in_dim3A_1485 : i32 to vector<16xi32>
      %get3A_1487 = arith.constant 127 : i32
      %get3A_1488 = arith.index_cast %get3A_1487 : i32 to index
      %get3A_1489 = arith.constant 0 : index
      %get3A_1490 = tpu.vector_load %arg7[%get3A_1488, %get3A_1489] {strides = array<i32>} : memref<128x16xf32, #tpu.memory_space<vmem>>, vector<16xf32>,
      tpu.vector_store_idx %arg11[%iota3A, %broadcast_in_dim3A_1486], %get3A_1490 : memref<32x129xf32, #tpu.memory_space<vmem>>[vector<16xi32>, vector<16xi32>], vector<16xf32>,
      %get3A_1491 = arith.constant 127 : i32
      %get3A_1492 = arith.index_cast %get3A_1491 : i32 to index
      %get3A_1493 = arith.constant 0 : index
      %get3A_1494 = tpu.vector_load %arg9[%get3A_1492, %get3A_1493] {strides = array<i32>} : memref<128x16xf32, #tpu.memory_space<vmem>>, vector<16xf32>,
      tpu.vector_store_idx %arg11[%add3A_5, %broadcast_in_dim3A_1486], %get3A_1494 : memref<32x129xf32, #tpu.memory_space<vmem>>[vector<16xi32>, vector<16xi32>], vector<16xf32>,
      %jit3A_1495 = arith.constant 4 : i32
      %div3A_1496 = arith.divsi %add3A_165, %jit3A_1495 : i32
      %sign3A_1497 = arith.constant 0 : i32
      %sign3A_1498 = arith.cmpi sgt, %add3A_165, %sign3A_1497 : i32
      %sign3A_1499 = arith.extui %sign3A_1498 : i1 to i32
      %sign3A_1500 = arith.constant 0 : i32
      %sign3A_1501 = arith.cmpi slt, %add3A_165, %sign3A_1500 : i32
      %sign3A_1502 = arith.extui %sign3A_1501 : i1 to i32
      %sign3A_1503 = arith.subi %sign3A_1499, %sign3A_1502 : i32
      %sign3A_1504 = arith.constant 0 : i32
      %sign3A_1505 = arith.cmpi sgt, %jit3A_1495, %sign3A_1504 : i32
      %sign3A_1506 = arith.extui %sign3A_1505 : i1 to i32
      %sign3A_1507 = arith.constant 0 : i32
      %sign3A_1508 = arith.cmpi slt, %jit3A_1495, %sign3A_1507 : i32
      %sign3A_1509 = arith.extui %sign3A_1508 : i1 to i32
      %sign3A_1510 = arith.subi %sign3A_1506, %sign3A_1509 : i32
      %ne3A_1511 = arith.cmpi ne, %sign3A_1503, %sign3A_1510 : i32
      %rem3A_1512 = arith.remsi %add3A_165, %jit3A_1495 : i32
      %ne3A_1513 = arith.constant 0 : i32
      %ne3A_1514 = arith.cmpi ne, %rem3A_1512, %ne3A_1513 : i32
      %and3A_1515 = arith.andi %ne3A_1511, %ne3A_1514 : i1
      %sub3A_1516 = arith.constant 1 : i32
      %sub3A_1517 = arith.subi %div3A_1496, %sub3A_1516 : i32
      %select_n3A_1518 = arith.select %and3A_1515, %sub3A_1517, %div3A_1496 : i32
      %mul3A_1519 = arith.constant 4 : i32
      %mul3A_1520 = arith.muli %add3A, %mul3A_1519 : i32
      %jit3A_1521 = arith.constant 4 : i32
      %eq3A_1522 = arith.constant 0 : i32
      %eq3A_1523 = arith.cmpi eq, %jit3A_1521, %eq3A_1522 : i32
      %jit3A_1524 = arith.constant 1 : i32
      %select_n3A_1525 = arith.select %eq3A_1523, %jit3A_1524, %jit3A_1521 : i32
      %rem3A_1526 = arith.remsi %add3A_165, %select_n3A_1525 : i32
      %ne3A_1527 = arith.constant 0 : i32
      %ne3A_1528 = arith.cmpi ne, %rem3A_1526, %ne3A_1527 : i32
      %lt3A_1529 = arith.constant 0 : i32
      %lt3A_1530 = arith.cmpi slt, %rem3A_1526, %lt3A_1529 : i32
      %lt3A_1531 = arith.constant 0 : i32
      %lt3A_1532 = arith.cmpi slt, %select_n3A_1525, %lt3A_1531 : i32
      %ne3A_1533 = arith.xori %lt3A_1530, %lt3A_1532 : i1
      %and3A_1534 = arith.andi %ne3A_1533, %ne3A_1528 : i1
      %add3A_1535 = arith.addi %rem3A_1526, %select_n3A_1525 : i32
      %select_n3A_1536 = arith.select %and3A_1534, %add3A_1535, %rem3A_1526 : i32
      %add3A_1537 = arith.addi %mul3A_1520, %select_n3A_1536 : i32
      %dma_start3A_1538 = arith.constant 0 : i32
      %dma_start3A_1539 = arith.constant 0 : i32
      %dma_start3A_1540 = arith.constant 0 : i32
      %dma_start3A_1541 = tpu.memref_slice %arg11[%dma_start3A_1539, %dma_start3A_1540] : memref<32x129xf32, #tpu.memory_space<vmem>> -> memref<8x128xf32, #tpu.memory_space<vmem>>
      %dma_start3A_1542 = arith.constant 0 : i32
      %dma_start3A_1543 = arith.constant 0 : i32
      %dma_start3A_1544 = tpu.memref_slice %arg5[%select_n3A_1518, %dma_start3A_1538, %add3A_1537, %dma_start3A_1542, %dma_start3A_1543] : memref<26x4x128x8x128xf32, #tpu.memory_space<hbm>> -> memref<1x1x1x8x128xf32, #tpu.memory_space<hbm>>
      %dma_start3A_1545 = tpu.memref_squeeze %dma_start3A_1544 : memref<1x1x1x8x128xf32, #tpu.memory_space<hbm>> -> memref<8x128xf32, #tpu.memory_space<hbm>>
      %dma_start3A_1546 = arith.constant 0 : i32
      %dma_start3A_1547 = arith.constant 0 : i32
      %dma_start3A_1548 = tpu.memref_slice %arg5[%select_n3A_1518, %dma_start3A_1538, %add3A_1537, %dma_start3A_1546, %dma_start3A_1547] : memref<26x4x128x8x128xf32, #tpu.memory_space<hbm>> -> memref<1x1x1x8x128xf32, #tpu.memory_space<hbm>>
      %dma_start3A_1549 = tpu.memref_squeeze %dma_start3A_1548 : memref<1x1x1x8x128xf32, #tpu.memory_space<hbm>> -> memref<8x128xf32, #tpu.memory_space<hbm>>
      %dma_start3A_1550 = arith.constant 0 : i32
      %dma_start3A_1551 = arith.constant 0 : i32
      %dma_start3A_1552 = tpu.memref_slice %arg11[%dma_start3A_1550, %dma_start3A_1551] : memref<32x129xf32, #tpu.memory_space<vmem>> -> memref<8x128xf32, #tpu.memory_space<vmem>>
      tpu.enqueue_dma source(%dma_start3A_1552 : memref<8x128xf32, #tpu.memory_space<vmem>>) target(%dma_start3A_1549 : memref<8x128xf32, #tpu.memory_space<hbm>>) target_semaphore(%arg15 : memref<!tpu.dma_semaphore, #tpu.memory_space<semaphore_mem>>)
      %dma_start3A_1553 = arith.constant 1 : i32
      %dma_start3A_1554 = arith.constant 8 : i32
      %dma_start3A_1555 = arith.constant 0 : i32
      %dma_start3A_1556 = tpu.memref_slice %arg11[%dma_start3A_1554, %dma_start3A_1555] : memref<32x129xf32, #tpu.memory_space<vmem>> -> memref<8x128xf32, #tpu.memory_space<vmem>>
      %dma_start3A_1557 = arith.constant 0 : i32
      %dma_start3A_1558 = arith.constant 0 : i32
      %dma_start3A_1559 = tpu.memref_slice %arg5[%select_n3A_1518, %dma_start3A_1553, %add3A_1537, %dma_start3A_1557, %dma_start3A_1558] : memref<26x4x128x8x128xf32, #tpu.memory_space<hbm>> -> memref<1x1x1x8x128xf32, #tpu.memory_space<hbm>>
      %dma_start3A_1560 = tpu.memref_squeeze %dma_start3A_1559 : memref<1x1x1x8x128xf32, #tpu.memory_space<hbm>> -> memref<8x128xf32, #tpu.memory_space<hbm>>
      %dma_start3A_1561 = arith.constant 0 : i32
      %dma_start3A_1562 = arith.constant 0 : i32
      %dma_start3A_1563 = tpu.memref_slice %arg5[%select_n3A_1518, %dma_start3A_1553, %add3A_1537, %dma_start3A_1561, %dma_start3A_1562] : memref<26x4x128x8x128xf32, #tpu.memory_space<hbm>> -> memref<1x1x1x8x128xf32, #tpu.memory_space<hbm>>
      %dma_start3A_1564 = tpu.memref_squeeze %dma_start3A_1563 : memref<1x1x1x8x128xf32, #tpu.memory_space<hbm>> -> memref<8x128xf32, #tpu.memory_space<hbm>>
      %dma_start3A_1565 = arith.constant 8 : i32
      %dma_start3A_1566 = arith.constant 0 : i32
      %dma_start3A_1567 = tpu.memref_slice %arg11[%dma_start3A_1565, %dma_start3A_1566] : memref<32x129xf32, #tpu.memory_space<vmem>> -> memref<8x128xf32, #tpu.memory_space<vmem>>
      tpu.enqueue_dma source(%dma_start3A_1567 : memref<8x128xf32, #tpu.memory_space<vmem>>) target(%dma_start3A_1564 : memref<8x128xf32, #tpu.memory_space<hbm>>) target_semaphore(%arg15 : memref<!tpu.dma_semaphore, #tpu.memory_space<semaphore_mem>>)
      %dma_start3A_1568 = arith.constant 2 : i32
      %dma_start3A_1569 = arith.constant 16 : i32
      %dma_start3A_1570 = arith.constant 0 : i32
      %dma_start3A_1571 = tpu.memref_slice %arg11[%dma_start3A_1569, %dma_start3A_1570] : memref<32x129xf32, #tpu.memory_space<vmem>> -> memref<8x128xf32, #tpu.memory_space<vmem>>
      %dma_start3A_1572 = arith.constant 0 : i32
      %dma_start3A_1573 = arith.constant 0 : i32
      %dma_start3A_1574 = tpu.memref_slice %arg5[%select_n3A_1518, %dma_start3A_1568, %add3A_1537, %dma_start3A_1572, %dma_start3A_1573] : memref<26x4x128x8x128xf32, #tpu.memory_space<hbm>> -> memref<1x1x1x8x128xf32, #tpu.memory_space<hbm>>
      %dma_start3A_1575 = tpu.memref_squeeze %dma_start3A_1574 : memref<1x1x1x8x128xf32, #tpu.memory_space<hbm>> -> memref<8x128xf32, #tpu.memory_space<hbm>>
      %dma_start3A_1576 = arith.constant 0 : i32
      %dma_start3A_1577 = arith.constant 0 : i32
      %dma_start3A_1578 = tpu.memref_slice %arg5[%select_n3A_1518, %dma_start3A_1568, %add3A_1537, %dma_start3A_1576, %dma_start3A_1577] : memref<26x4x128x8x128xf32, #tpu.memory_space<hbm>> -> memref<1x1x1x8x128xf32, #tpu.memory_space<hbm>>
      %dma_start3A_1579 = tpu.memref_squeeze %dma_start3A_1578 : memref<1x1x1x8x128xf32, #tpu.memory_space<hbm>> -> memref<8x128xf32, #tpu.memory_space<hbm>>
      %dma_start3A_1580 = arith.constant 16 : i32
      %dma_start3A_1581 = arith.constant 0 : i32
      %dma_start3A_1582 = tpu.memref_slice %arg11[%dma_start3A_1580, %dma_start3A_1581] : memref<32x129xf32, #tpu.memory_space<vmem>> -> memref<8x128xf32, #tpu.memory_space<vmem>>
      tpu.enqueue_dma source(%dma_start3A_1582 : memref<8x128xf32, #tpu.memory_space<vmem>>) target(%dma_start3A_1579 : memref<8x128xf32, #tpu.memory_space<hbm>>) target_semaphore(%arg15 : memref<!tpu.dma_semaphore, #tpu.memory_space<semaphore_mem>>)
      %dma_start3A_1583 = arith.constant 3 : i32
      %dma_start3A_1584 = arith.constant 24 : i32
      %dma_start3A_1585 = arith.constant 0 : i32
      %dma_start3A_1586 = tpu.memref_slice %arg11[%dma_start3A_1584, %dma_start3A_1585] : memref<32x129xf32, #tpu.memory_space<vmem>> -> memref<8x128xf32, #tpu.memory_space<vmem>>
      %dma_start3A_1587 = arith.constant 0 : i32
      %dma_start3A_1588 = arith.constant 0 : i32
      %dma_start3A_1589 = tpu.memref_slice %arg5[%select_n3A_1518, %dma_start3A_1583, %add3A_1537, %dma_start3A_1587, %dma_start3A_1588] : memref<26x4x128x8x128xf32, #tpu.memory_space<hbm>> -> memref<1x1x1x8x128xf32, #tpu.memory_space<hbm>>
      %dma_start3A_1590 = tpu.memref_squeeze %dma_start3A_1589 : memref<1x1x1x8x128xf32, #tpu.memory_space<hbm>> -> memref<8x128xf32, #tpu.memory_space<hbm>>
      %dma_start3A_1591 = arith.constant 0 : i32
      %dma_start3A_1592 = arith.constant 0 : i32
      %dma_start3A_1593 = tpu.memref_slice %arg5[%select_n3A_1518, %dma_start3A_1583, %add3A_1537, %dma_start3A_1591, %dma_start3A_1592] : memref<26x4x128x8x128xf32, #tpu.memory_space<hbm>> -> memref<1x1x1x8x128xf32, #tpu.memory_space<hbm>>
      %dma_start3A_1594 = tpu.memref_squeeze %dma_start3A_1593 : memref<1x1x1x8x128xf32, #tpu.memory_space<hbm>> -> memref<8x128xf32, #tpu.memory_space<hbm>>
      %dma_start3A_1595 = arith.constant 24 : i32
      %dma_start3A_1596 = arith.constant 0 : i32
      %dma_start3A_1597 = tpu.memref_slice %arg11[%dma_start3A_1595, %dma_start3A_1596] : memref<32x129xf32, #tpu.memory_space<vmem>> -> memref<8x128xf32, #tpu.memory_space<vmem>>
      tpu.enqueue_dma source(%dma_start3A_1597 : memref<8x128xf32, #tpu.memory_space<vmem>>) target(%dma_start3A_1594 : memref<8x128xf32, #tpu.memory_space<hbm>>) target_semaphore(%arg15 : memref<!tpu.dma_semaphore, #tpu.memory_space<semaphore_mem>>)
      %mul3A_1598 = arith.constant 2 : i32
      %mul3A_1599 = arith.muli %mul3A_1598, %scan3A_161 : i32
      %add3A_1600 = arith.constant 1 : i32
      %add3A_1601 = arith.addi %mul3A_1599, %add3A_1600 : i32
      %add3A_1602 = arith.constant 1 : i32
      %add3A_1603 = arith.addi %add3A_1601, %add3A_1602 : i32
      %lt3A_1604 = arith.constant 104 : i32
      %lt3A_1605 = arith.cmpi slt, %add3A_1603, %lt3A_1604 : i32
      %convert_element_type3A_1606 = arith.extui %lt3A_1605 : i1 to i32
      %cond3A_1607 = arith.constant 0 : i32
      %cond3A_1608 = arith.cmpi ne, %convert_element_type3A_1606, %cond3A_1607 : i32
      scf.if %cond3A_1608 {
        %add3A_3049 = arith.constant 1 : i32
        %add3A_3050 = arith.addi %add3A_1601, %add3A_3049 : i32
        %jit3A_3051 = arith.constant 4 : i32
        %div3A_3052 = arith.divsi %add3A_3050, %jit3A_3051 : i32
        %sign3A_3053 = arith.constant 0 : i32
        %sign3A_3054 = arith.cmpi sgt, %add3A_3050, %sign3A_3053 : i32
        %sign3A_3055 = arith.extui %sign3A_3054 : i1 to i32
        %sign3A_3056 = arith.constant 0 : i32
        %sign3A_3057 = arith.cmpi slt, %add3A_3050, %sign3A_3056 : i32
        %sign3A_3058 = arith.extui %sign3A_3057 : i1 to i32
        %sign3A_3059 = arith.subi %sign3A_3055, %sign3A_3058 : i32
        %sign3A_3060 = arith.constant 0 : i32
        %sign3A_3061 = arith.cmpi sgt, %jit3A_3051, %sign3A_3060 : i32
        %sign3A_3062 = arith.extui %sign3A_3061 : i1 to i32
        %sign3A_3063 = arith.constant 0 : i32
        %sign3A_3064 = arith.cmpi slt, %jit3A_3051, %sign3A_3063 : i32
        %sign3A_3065 = arith.extui %sign3A_3064 : i1 to i32
        %sign3A_3066 = arith.subi %sign3A_3062, %sign3A_3065 : i32
        %ne3A_3067 = arith.cmpi ne, %sign3A_3059, %sign3A_3066 : i32
        %rem3A_3068 = arith.remsi %add3A_3050, %jit3A_3051 : i32
        %ne3A_3069 = arith.constant 0 : i32
        %ne3A_3070 = arith.cmpi ne, %rem3A_3068, %ne3A_3069 : i32
        %and3A_3071 = arith.andi %ne3A_3067, %ne3A_3070 : i1
        %sub3A_3072 = arith.constant 1 : i32
        %sub3A_3073 = arith.subi %div3A_3052, %sub3A_3072 : i32
        %select_n3A_3074 = arith.select %and3A_3071, %sub3A_3073, %div3A_3052 : i32
        %jit3A_3075 = arith.constant 4 : i32
        %eq3A_3076 = arith.constant 0 : i32
        %eq3A_3077 = arith.cmpi eq, %jit3A_3075, %eq3A_3076 : i32
        %jit3A_3078 = arith.constant 1 : i32
        %select_n3A_3079 = arith.select %eq3A_3077, %jit3A_3078, %jit3A_3075 : i32
        %rem3A_3080 = arith.remsi %add3A_3050, %select_n3A_3079 : i32
        %ne3A_3081 = arith.constant 0 : i32
        %ne3A_3082 = arith.cmpi ne, %rem3A_3080, %ne3A_3081 : i32
        %lt3A_3083 = arith.constant 0 : i32
        %lt3A_3084 = arith.cmpi slt, %rem3A_3080, %lt3A_3083 : i32
        %lt3A_3085 = arith.constant 0 : i32
        %lt3A_3086 = arith.cmpi slt, %select_n3A_3079, %lt3A_3085 : i32
        %ne3A_3087 = arith.xori %lt3A_3084, %lt3A_3086 : i1
        %and3A_3088 = arith.andi %ne3A_3087, %ne3A_3082 : i1
        %add3A_3089 = arith.addi %rem3A_3080, %select_n3A_3079 : i32
        %select_n3A_3090 = arith.select %and3A_3088, %add3A_3089, %rem3A_3080 : i32
        %dma_start3A_3091 = arith.constant 0 : i32
        %dma_start3A_3092 = tpu.memref_slice %arg6[%select_n3A_3074, %select_n3A_3090, %dma_start3A_3091] : memref<26x4x128xi32, #tpu.memory_space<vmem>> -> memref<1x1x128xi32, #tpu.memory_space<vmem>>
        %dma_start3A_3093 = tpu.memref_squeeze %dma_start3A_3092 : memref<1x1x128xi32, #tpu.memory_space<vmem>> -> memref<128xi32, #tpu.memory_space<vmem>>
        %dma_start3A_3094 = arith.constant 0 : i32
        %dma_start3A_3095 = arith.constant 0 : i32
        %dma_start3A_3096 = tpu.memref_slice %arg3[%dma_start3A_3094, %dma_start3A_3095] : memref<1000000x16xf32, #tpu.memory_space<hbm>> -> memref<1000000x16xf32, #tpu.memory_space<hbm>>
        tpu.enqueue_indirect_dma source(%dma_start3A_3096 : memref<1000000x16xf32, #tpu.memory_space<hbm>>) target(%arg7 : memref<128x16xf32, #tpu.memory_space<vmem>>) offsets(%dma_start3A_3093 : memref<128xi32, #tpu.memory_space<vmem>>) semaphore(%arg13 : memref<!tpu.dma_semaphore, #tpu.memory_space<semaphore_mem>>)
        %dma_start3A_3097 = arith.constant 0 : i32
        %dma_start3A_3098 = tpu.memref_slice %arg6[%select_n3A_3074, %select_n3A_3090, %dma_start3A_3097] : memref<26x4x128xi32, #tpu.memory_space<vmem>> -> memref<1x1x128xi32, #tpu.memory_space<vmem>>
        %dma_start3A_3099 = tpu.memref_squeeze %dma_start3A_3098 : memref<1x1x128xi32, #tpu.memory_space<vmem>> -> memref<128xi32, #tpu.memory_space<vmem>>
        %dma_start3A_3100 = arith.constant 0 : i32
        %dma_start3A_3101 = arith.constant 0 : i32
        %dma_start3A_3102 = tpu.memref_slice %arg4[%dma_start3A_3100, %dma_start3A_3101] : memref<1000000x16xf32, #tpu.memory_space<hbm>> -> memref<1000000x16xf32, #tpu.memory_space<hbm>>
        tpu.enqueue_indirect_dma source(%dma_start3A_3102 : memref<1000000x16xf32, #tpu.memory_space<hbm>>) target(%arg9 : memref<128x16xf32, #tpu.memory_space<vmem>>) offsets(%dma_start3A_3099 : memref<128xi32, #tpu.memory_space<vmem>>) semaphore(%arg13 : memref<!tpu.dma_semaphore, #tpu.memory_space<semaphore_mem>>)
      } else {
      }
      %jit3A_1609 = arith.constant 4 : i32
      %div3A_1610 = arith.divsi %add3A_1601, %jit3A_1609 : i32
      %sign3A_1611 = arith.constant 0 : i32
      %sign3A_1612 = arith.cmpi sgt, %add3A_1601, %sign3A_1611 : i32
      %sign3A_1613 = arith.extui %sign3A_1612 : i1 to i32
      %sign3A_1614 = arith.constant 0 : i32
      %sign3A_1615 = arith.cmpi slt, %add3A_1601, %sign3A_1614 : i32
      %sign3A_1616 = arith.extui %sign3A_1615 : i1 to i32
      %sign3A_1617 = arith.subi %sign3A_1613, %sign3A_1616 : i32
      %sign3A_1618 = arith.constant 0 : i32
      %sign3A_1619 = arith.cmpi sgt, %jit3A_1609, %sign3A_1618 : i32
      %sign3A_1620 = arith.extui %sign3A_1619 : i1 to i32
      %sign3A_1621 = arith.constant 0 : i32
      %sign3A_1622 = arith.cmpi slt, %jit3A_1609, %sign3A_1621 : i32
      %sign3A_1623 = arith.extui %sign3A_1622 : i1 to i32
      %sign3A_1624 = arith.subi %sign3A_1620, %sign3A_1623 : i32
      %ne3A_1625 = arith.cmpi ne, %sign3A_1617, %sign3A_1624 : i32
      %rem3A_1626 = arith.remsi %add3A_1601, %jit3A_1609 : i32
      %ne3A_1627 = arith.constant 0 : i32
      %ne3A_1628 = arith.cmpi ne, %rem3A_1626, %ne3A_1627 : i32
      %and3A_1629 = arith.andi %ne3A_1625, %ne3A_1628 : i1
      %sub3A_1630 = arith.constant 1 : i32
      %sub3A_1631 = arith.subi %div3A_1610, %sub3A_1630 : i32
      %select_n3A_1632 = arith.select %and3A_1629, %sub3A_1631, %div3A_1610 : i32
      %jit3A_1633 = arith.constant 4 : i32
      %eq3A_1634 = arith.constant 0 : i32
      %eq3A_1635 = arith.cmpi eq, %jit3A_1633, %eq3A_1634 : i32
      %jit3A_1636 = arith.constant 1 : i32
      %select_n3A_1637 = arith.select %eq3A_1635, %jit3A_1636, %jit3A_1633 : i32
      %rem3A_1638 = arith.remsi %add3A_1601, %select_n3A_1637 : i32
      %ne3A_1639 = arith.constant 0 : i32
      %ne3A_1640 = arith.cmpi ne, %rem3A_1638, %ne3A_1639 : i32
      %lt3A_1641 = arith.constant 0 : i32
      %lt3A_1642 = arith.cmpi slt, %rem3A_1638, %lt3A_1641 : i32
      %lt3A_1643 = arith.constant 0 : i32
      %lt3A_1644 = arith.cmpi slt, %select_n3A_1637, %lt3A_1643 : i32
      %ne3A_1645 = arith.xori %lt3A_1642, %lt3A_1644 : i1
      %and3A_1646 = arith.andi %ne3A_1645, %ne3A_1640 : i1
      %add3A_1647 = arith.addi %rem3A_1638, %select_n3A_1637 : i32
      %select_n3A_1648 = arith.select %and3A_1646, %add3A_1647, %rem3A_1638 : i32
      %dma_wait3A_1649 = arith.constant 0 : i32
      %dma_wait3A_1650 = tpu.memref_slice %arg6[%select_n3A_1632, %select_n3A_1648, %dma_wait3A_1649] : memref<26x4x128xi32, #tpu.memory_space<vmem>> -> memref<1x1x128xi32, #tpu.memory_space<vmem>>
      %dma_wait3A_1651 = tpu.memref_squeeze %dma_wait3A_1650 : memref<1x1x128xi32, #tpu.memory_space<vmem>> -> memref<128xi32, #tpu.memory_space<vmem>>
      %dma_wait3A_1652 = arith.constant 0 : i32
      %dma_wait3A_1653 = arith.constant 0 : i32
      %dma_wait3A_1654 = tpu.memref_slice %arg3[%dma_wait3A_1652, %dma_wait3A_1653] : memref<1000000x16xf32, #tpu.memory_space<hbm>> -> memref<1000000x16xf32, #tpu.memory_space<hbm>>
      tpu.wait_indirect_dma semaphore(%arg14 : memref<!tpu.dma_semaphore, #tpu.memory_space<semaphore_mem>>) src(%dma_wait3A_1654 : memref<1000000x16xf32, #tpu.memory_space<hbm>>) dst(%arg8 : memref<128x16xf32, #tpu.memory_space<vmem>>)
      %dma_wait3A_1655 = arith.constant 0 : i32
      %dma_wait3A_1656 = tpu.memref_slice %arg6[%select_n3A_1632, %select_n3A_1648, %dma_wait3A_1655] : memref<26x4x128xi32, #tpu.memory_space<vmem>> -> memref<1x1x128xi32, #tpu.memory_space<vmem>>
      %dma_wait3A_1657 = tpu.memref_squeeze %dma_wait3A_1656 : memref<1x1x128xi32, #tpu.memory_space<vmem>> -> memref<128xi32, #tpu.memory_space<vmem>>
      %dma_wait3A_1658 = arith.constant 0 : i32
      %dma_wait3A_1659 = arith.constant 0 : i32
      %dma_wait3A_1660 = tpu.memref_slice %arg4[%dma_wait3A_1658, %dma_wait3A_1659] : memref<1000000x16xf32, #tpu.memory_space<hbm>> -> memref<1000000x16xf32, #tpu.memory_space<hbm>>
      tpu.wait_indirect_dma semaphore(%arg14 : memref<!tpu.dma_semaphore, #tpu.memory_space<semaphore_mem>>) src(%dma_wait3A_1660 : memref<1000000x16xf32, #tpu.memory_space<hbm>>) dst(%arg10 : memref<128x16xf32, #tpu.memory_space<vmem>>)
      %ge3A_1661 = arith.constant 1 : i32
      %ge3A_1662 = arith.cmpi sge, %scan3A_161, %ge3A_1661 : i32
      %convert_element_type3A_1663 = arith.extui %ge3A_1662 : i1 to i32
      %cond3A_1664 = arith.constant 0 : i32
      %cond3A_1665 = arith.cmpi ne, %convert_element_type3A_1663, %cond3A_1664 : i32
      scf.if %cond3A_1665 {
        %sub3A_3049 = arith.constant 2 : i32
        %sub3A_3050 = arith.subi %add3A_1601, %sub3A_3049 : i32
        %jit3A_3051 = arith.constant 4 : i32
        %div3A_3052 = arith.divsi %sub3A_3050, %jit3A_3051 : i32
        %sign3A_3053 = arith.constant 0 : i32
        %sign3A_3054 = arith.cmpi sgt, %sub3A_3050, %sign3A_3053 : i32
        %sign3A_3055 = arith.extui %sign3A_3054 : i1 to i32
        %sign3A_3056 = arith.constant 0 : i32
        %sign3A_3057 = arith.cmpi slt, %sub3A_3050, %sign3A_3056 : i32
        %sign3A_3058 = arith.extui %sign3A_3057 : i1 to i32
        %sign3A_3059 = arith.subi %sign3A_3055, %sign3A_3058 : i32
        %sign3A_3060 = arith.constant 0 : i32
        %sign3A_3061 = arith.cmpi sgt, %jit3A_3051, %sign3A_3060 : i32
        %sign3A_3062 = arith.extui %sign3A_3061 : i1 to i32
        %sign3A_3063 = arith.constant 0 : i32
        %sign3A_3064 = arith.cmpi slt, %jit3A_3051, %sign3A_3063 : i32
        %sign3A_3065 = arith.extui %sign3A_3064 : i1 to i32
        %sign3A_3066 = arith.subi %sign3A_3062, %sign3A_3065 : i32
        %ne3A_3067 = arith.cmpi ne, %sign3A_3059, %sign3A_3066 : i32
        %rem3A_3068 = arith.remsi %sub3A_3050, %jit3A_3051 : i32
        %ne3A_3069 = arith.constant 0 : i32
        %ne3A_3070 = arith.cmpi ne, %rem3A_3068, %ne3A_3069 : i32
        %and3A_3071 = arith.andi %ne3A_3067, %ne3A_3070 : i1
        %sub3A_3072 = arith.constant 1 : i32
        %sub3A_3073 = arith.subi %div3A_3052, %sub3A_3072 : i32
        %select_n3A_3074 = arith.select %and3A_3071, %sub3A_3073, %div3A_3052 : i32
        %mul3A_3075 = arith.constant 4 : i32
        %mul3A_3076 = arith.muli %add3A, %mul3A_3075 : i32
        %jit3A_3077 = arith.constant 4 : i32
        %eq3A_3078 = arith.constant 0 : i32
        %eq3A_3079 = arith.cmpi eq, %jit3A_3077, %eq3A_3078 : i32
        %jit3A_3080 = arith.constant 1 : i32
        %select_n3A_3081 = arith.select %eq3A_3079, %jit3A_3080, %jit3A_3077 : i32
        %rem3A_3082 = arith.remsi %sub3A_3050, %select_n3A_3081 : i32
        %ne3A_3083 = arith.constant 0 : i32
        %ne3A_3084 = arith.cmpi ne, %rem3A_3082, %ne3A_3083 : i32
        %lt3A_3085 = arith.constant 0 : i32
        %lt3A_3086 = arith.cmpi slt, %rem3A_3082, %lt3A_3085 : i32
        %lt3A_3087 = arith.constant 0 : i32
        %lt3A_3088 = arith.cmpi slt, %select_n3A_3081, %lt3A_3087 : i32
        %ne3A_3089 = arith.xori %lt3A_3086, %lt3A_3088 : i1
        %and3A_3090 = arith.andi %ne3A_3089, %ne3A_3084 : i1
        %add3A_3091 = arith.addi %rem3A_3082, %select_n3A_3081 : i32
        %select_n3A_3092 = arith.select %and3A_3090, %add3A_3091, %rem3A_3082 : i32
        %add3A_3093 = arith.addi %mul3A_3076, %select_n3A_3092 : i32
        %dma_wait3A_3094 = arith.constant 0 : i32
        %dma_wait3A_3095 = arith.constant 0 : i32
        %dma_wait3A_3096 = arith.constant 0 : i32
        %dma_wait3A_3097 = tpu.memref_slice %arg12[%dma_wait3A_3095, %dma_wait3A_3096] : memref<32x129xf32, #tpu.memory_space<vmem>> -> memref<8x128xf32, #tpu.memory_space<vmem>>
        %dma_wait3A_3098 = arith.constant 0 : i32
        %dma_wait3A_3099 = arith.constant 0 : i32
        %dma_wait3A_3100 = tpu.memref_slice %arg5[%select_n3A_3074, %dma_wait3A_3094, %add3A_3093, %dma_wait3A_3098, %dma_wait3A_3099] : memref<26x4x128x8x128xf32, #tpu.memory_space<hbm>> -> memref<1x1x1x8x128xf32, #tpu.memory_space<hbm>>
        %dma_wait3A_3101 = tpu.memref_squeeze %dma_wait3A_3100 : memref<1x1x1x8x128xf32, #tpu.memory_space<hbm>> -> memref<8x128xf32, #tpu.memory_space<hbm>>
        %dma_wait3A_3102 = arith.constant 0 : i32
        %dma_wait3A_3103 = arith.constant 0 : i32
        %dma_wait3A_3104 = tpu.memref_slice %arg5[%select_n3A_3074, %dma_wait3A_3094, %add3A_3093, %dma_wait3A_3102, %dma_wait3A_3103] : memref<26x4x128x8x128xf32, #tpu.memory_space<hbm>> -> memref<1x1x1x8x128xf32, #tpu.memory_space<hbm>>
        %dma_wait3A_3105 = tpu.memref_squeeze %dma_wait3A_3104 : memref<1x1x1x8x128xf32, #tpu.memory_space<hbm>> -> memref<8x128xf32, #tpu.memory_space<hbm>>
        %dma_wait3A_3106 = arith.constant 0 : i32
        %dma_wait3A_3107 = arith.constant 0 : i32
        %dma_wait3A_3108 = tpu.memref_slice %arg12[%dma_wait3A_3106, %dma_wait3A_3107] : memref<32x129xf32, #tpu.memory_space<vmem>> -> memref<8x128xf32, #tpu.memory_space<vmem>>
        tpu.wait_dma2 semaphore(%arg16 : memref<!tpu.dma_semaphore, #tpu.memory_space<semaphore_mem>>) src(%dma_wait3A_3108 : memref<8x128xf32, #tpu.memory_space<vmem>>) dst(%dma_wait3A_3105 : memref<8x128xf32, #tpu.memory_space<hbm>>)
        %dma_wait3A_3109 = arith.constant 1 : i32
        %dma_wait3A_3110 = arith.constant 8 : i32
        %dma_wait3A_3111 = arith.constant 0 : i32
        %dma_wait3A_3112 = tpu.memref_slice %arg12[%dma_wait3A_3110, %dma_wait3A_3111] : memref<32x129xf32, #tpu.memory_space<vmem>> -> memref<8x128xf32, #tpu.memory_space<vmem>>
        %dma_wait3A_3113 = arith.constant 0 : i32
        %dma_wait3A_3114 = arith.constant 0 : i32
        %dma_wait3A_3115 = tpu.memref_slice %arg5[%select_n3A_3074, %dma_wait3A_3109, %add3A_3093, %dma_wait3A_3113, %dma_wait3A_3114] : memref<26x4x128x8x128xf32, #tpu.memory_space<hbm>> -> memref<1x1x1x8x128xf32, #tpu.memory_space<hbm>>
        %dma_wait3A_3116 = tpu.memref_squeeze %dma_wait3A_3115 : memref<1x1x1x8x128xf32, #tpu.memory_space<hbm>> -> memref<8x128xf32, #tpu.memory_space<hbm>>
        %dma_wait3A_3117 = arith.constant 0 : i32
        %dma_wait3A_3118 = arith.constant 0 : i32
        %dma_wait3A_3119 = tpu.memref_slice %arg5[%select_n3A_3074, %dma_wait3A_3109, %add3A_3093, %dma_wait3A_3117, %dma_wait3A_3118] : memref<26x4x128x8x128xf32, #tpu.memory_space<hbm>> -> memref<1x1x1x8x128xf32, #tpu.memory_space<hbm>>
        %dma_wait3A_3120 = tpu.memref_squeeze %dma_wait3A_3119 : memref<1x1x1x8x128xf32, #tpu.memory_space<hbm>> -> memref<8x128xf32, #tpu.memory_space<hbm>>
        %dma_wait3A_3121 = arith.constant 8 : i32
        %dma_wait3A_3122 = arith.constant 0 : i32
        %dma_wait3A_3123 = tpu.memref_slice %arg12[%dma_wait3A_3121, %dma_wait3A_3122] : memref<32x129xf32, #tpu.memory_space<vmem>> -> memref<8x128xf32, #tpu.memory_space<vmem>>
        tpu.wait_dma2 semaphore(%arg16 : memref<!tpu.dma_semaphore, #tpu.memory_space<semaphore_mem>>) src(%dma_wait3A_3123 : memref<8x128xf32, #tpu.memory_space<vmem>>) dst(%dma_wait3A_3120 : memref<8x128xf32, #tpu.memory_space<hbm>>)
        %dma_wait3A_3124 = arith.constant 2 : i32
        %dma_wait3A_3125 = arith.constant 16 : i32
        %dma_wait3A_3126 = arith.constant 0 : i32
        %dma_wait3A_3127 = tpu.memref_slice %arg12[%dma_wait3A_3125, %dma_wait3A_3126] : memref<32x129xf32, #tpu.memory_space<vmem>> -> memref<8x128xf32, #tpu.memory_space<vmem>>
        %dma_wait3A_3128 = arith.constant 0 : i32
        %dma_wait3A_3129 = arith.constant 0 : i32
        %dma_wait3A_3130 = tpu.memref_slice %arg5[%select_n3A_3074, %dma_wait3A_3124, %add3A_3093, %dma_wait3A_3128, %dma_wait3A_3129] : memref<26x4x128x8x128xf32, #tpu.memory_space<hbm>> -> memref<1x1x1x8x128xf32, #tpu.memory_space<hbm>>
        %dma_wait3A_3131 = tpu.memref_squeeze %dma_wait3A_3130 : memref<1x1x1x8x128xf32, #tpu.memory_space<hbm>> -> memref<8x128xf32, #tpu.memory_space<hbm>>
        %dma_wait3A_3132 = arith.constant 0 : i32
        %dma_wait3A_3133 = arith.constant 0 : i32
        %dma_wait3A_3134 = tpu.memref_slice %arg5[%select_n3A_3074, %dma_wait3A_3124, %add3A_3093, %dma_wait3A_3132, %dma_wait3A_3133] : memref<26x4x128x8x128xf32, #tpu.memory_space<hbm>> -> memref<1x1x1x8x128xf32, #tpu.memory_space<hbm>>
        %dma_wait3A_3135 = tpu.memref_squeeze %dma_wait3A_3134 : memref<1x1x1x8x128xf32, #tpu.memory_space<hbm>> -> memref<8x128xf32, #tpu.memory_space<hbm>>
        %dma_wait3A_3136 = arith.constant 16 : i32
        %dma_wait3A_3137 = arith.constant 0 : i32
        %dma_wait3A_3138 = tpu.memref_slice %arg12[%dma_wait3A_3136, %dma_wait3A_3137] : memref<32x129xf32, #tpu.memory_space<vmem>> -> memref<8x128xf32, #tpu.memory_space<vmem>>
        tpu.wait_dma2 semaphore(%arg16 : memref<!tpu.dma_semaphore, #tpu.memory_space<semaphore_mem>>) src(%dma_wait3A_3138 : memref<8x128xf32, #tpu.memory_space<vmem>>) dst(%dma_wait3A_3135 : memref<8x128xf32, #tpu.memory_space<hbm>>)
        %dma_wait3A_3139 = arith.constant 3 : i32
        %dma_wait3A_3140 = arith.constant 24 : i32
        %dma_wait3A_3141 = arith.constant 0 : i32
        %dma_wait3A_3142 = tpu.memref_slice %arg12[%dma_wait3A_3140, %dma_wait3A_3141] : memref<32x129xf32, #tpu.memory_space<vmem>> -> memref<8x128xf32, #tpu.memory_space<vmem>>
        %dma_wait3A_3143 = arith.constant 0 : i32
        %dma_wait3A_3144 = arith.constant 0 : i32
        %dma_wait3A_3145 = tpu.memref_slice %arg5[%select_n3A_3074, %dma_wait3A_3139, %add3A_3093, %dma_wait3A_3143, %dma_wait3A_3144] : memref<26x4x128x8x128xf32, #tpu.memory_space<hbm>> -> memref<1x1x1x8x128xf32, #tpu.memory_space<hbm>>
        %dma_wait3A_3146 = tpu.memref_squeeze %dma_wait3A_3145 : memref<1x1x1x8x128xf32, #tpu.memory_space<hbm>> -> memref<8x128xf32, #tpu.memory_space<hbm>>
        %dma_wait3A_3147 = arith.constant 0 : i32
        %dma_wait3A_3148 = arith.constant 0 : i32
        %dma_wait3A_3149 = tpu.memref_slice %arg5[%select_n3A_3074, %dma_wait3A_3139, %add3A_3093, %dma_wait3A_3147, %dma_wait3A_3148] : memref<26x4x128x8x128xf32, #tpu.memory_space<hbm>> -> memref<1x1x1x8x128xf32, #tpu.memory_space<hbm>>
        %dma_wait3A_3150 = tpu.memref_squeeze %dma_wait3A_3149 : memref<1x1x1x8x128xf32, #tpu.memory_space<hbm>> -> memref<8x128xf32, #tpu.memory_space<hbm>>
        %dma_wait3A_3151 = arith.constant 24 : i32
        %dma_wait3A_3152 = arith.constant 0 : i32
        %dma_wait3A_3153 = tpu.memref_slice %arg12[%dma_wait3A_3151, %dma_wait3A_3152] : memref<32x129xf32, #tpu.memory_space<vmem>> -> memref<8x128xf32, #tpu.memory_space<vmem>>
        tpu.wait_dma2 semaphore(%arg16 : memref<!tpu.dma_semaphore, #tpu.memory_space<semaphore_mem>>) src(%dma_wait3A_3153 : memref<8x128xf32, #tpu.memory_space<vmem>>) dst(%dma_wait3A_3150 : memref<8x128xf32, #tpu.memory_space<hbm>>)
      } else {
      }
      %broadcast_in_dim3A_1666 = arith.constant 0 : i32
      %broadcast_in_dim3A_1667 = vector.broadcast %broadcast_in_dim3A_1666 : i32 to vector<16xi32>
      %get3A_1668 = arith.constant 0 : i32
      %get3A_1669 = arith.index_cast %get3A_1668 : i32 to index
      %get3A_1670 = arith.constant 0 : index
      %get3A_1671 = tpu.vector_load %arg8[%get3A_1669, %get3A_1670] {strides = array<i32>} : memref<128x16xf32, #tpu.memory_space<vmem>>, vector<16xf32>,
      tpu.vector_store_idx %arg12[%iota3A, %broadcast_in_dim3A_1667], %get3A_1671 : memref<32x129xf32, #tpu.memory_space<vmem>>[vector<16xi32>, vector<16xi32>], vector<16xf32>,
      %get3A_1672 = arith.constant 0 : i32
      %get3A_1673 = arith.index_cast %get3A_1672 : i32 to index
      %get3A_1674 = arith.constant 0 : index
      %get3A_1675 = tpu.vector_load %arg10[%get3A_1673, %get3A_1674] {strides = array<i32>} : memref<128x16xf32, #tpu.memory_space<vmem>>, vector<16xf32>,
      tpu.vector_store_idx %arg12[%add3A_5, %broadcast_in_dim3A_1667], %get3A_1675 : memref<32x129xf32, #tpu.memory_space<vmem>>[vector<16xi32>, vector<16xi32>], vector<16xf32>,
      %broadcast_in_dim3A_1676 = arith.constant 1 : i32
      %broadcast_in_dim3A_1677 = vector.broadcast %broadcast_in_dim3A_1676 : i32 to vector<16xi32>
      %get3A_1678 = arith.constant 1 : i32
      %get3A_1679 = arith.index_cast %get3A_1678 : i32 to index
      %get3A_1680 = arith.constant 0 : index
      %get3A_1681 = tpu.vector_load %arg8[%get3A_1679, %get3A_1680] {strides = array<i32>} : memref<128x16xf32, #tpu.memory_space<vmem>>, vector<16xf32>,
      tpu.vector_store_idx %arg12[%iota3A, %broadcast_in_dim3A_1677], %get3A_1681 : memref<32x129xf32, #tpu.memory_space<vmem>>[vector<16xi32>, vector<16xi32>], vector<16xf32>,
      %get3A_1682 = arith.constant 1 : i32
      %get3A_1683 = arith.index_cast %get3A_1682 : i32 to index
      %get3A_1684 = arith.constant 0 : index
      %get3A_1685 = tpu.vector_load %arg10[%get3A_1683, %get3A_1684] {strides = array<i32>} : memref<128x16xf32, #tpu.memory_space<vmem>>, vector<16xf32>,
      tpu.vector_store_idx %arg12[%add3A_5, %broadcast_in_dim3A_1677], %get3A_1685 : memref<32x129xf32, #tpu.memory_space<vmem>>[vector<16xi32>, vector<16xi32>], vector<16xf32>,
      %broadcast_in_dim3A_1686 = arith.constant 2 : i32
      %broadcast_in_dim3A_1687 = vector.broadcast %broadcast_in_dim3A_1686 : i32 to vector<16xi32>
      %get3A_1688 = arith.constant 2 : i32
      %get3A_1689 = arith.index_cast %get3A_1688 : i32 to index
      %get3A_1690 = arith.constant 0 : index
      %get3A_1691 = tpu.vector_load %arg8[%get3A_1689, %get3A_1690] {strides = array<i32>} : memref<128x16xf32, #tpu.memory_space<vmem>>, vector<16xf32>,
      tpu.vector_store_idx %arg12[%iota3A, %broadcast_in_dim3A_1687], %get3A_1691 : memref<32x129xf32, #tpu.memory_space<vmem>>[vector<16xi32>, vector<16xi32>], vector<16xf32>,
      %get3A_1692 = arith.constant 2 : i32
      %get3A_1693 = arith.index_cast %get3A_1692 : i32 to index
      %get3A_1694 = arith.constant 0 : index
      %get3A_1695 = tpu.vector_load %arg10[%get3A_1693, %get3A_1694] {strides = array<i32>} : memref<128x16xf32, #tpu.memory_space<vmem>>, vector<16xf32>,
      tpu.vector_store_idx %arg12[%add3A_5, %broadcast_in_dim3A_1687], %get3A_1695 : memref<32x129xf32, #tpu.memory_space<vmem>>[vector<16xi32>, vector<16xi32>], vector<16xf32>,
      %broadcast_in_dim3A_1696 = arith.constant 3 : i32
      %broadcast_in_dim3A_1697 = vector.broadcast %broadcast_in_dim3A_1696 : i32 to vector<16xi32>
      %get3A_1698 = arith.constant 3 : i32
      %get3A_1699 = arith.index_cast %get3A_1698 : i32 to index
      %get3A_1700 = arith.constant 0 : index
      %get3A_1701 = tpu.vector_load %arg8[%get3A_1699, %get3A_1700] {strides = array<i32>} : memref<128x16xf32, #tpu.memory_space<vmem>>, vector<16xf32>,
      tpu.vector_store_idx %arg12[%iota3A, %broadcast_in_dim3A_1697], %get3A_1701 : memref<32x129xf32, #tpu.memory_space<vmem>>[vector<16xi32>, vector<16xi32>], vector<16xf32>,
      %get3A_1702 = arith.constant 3 : i32
      %get3A_1703 = arith.index_cast %get3A_1702 : i32 to index
      %get3A_1704 = arith.constant 0 : index
      %get3A_1705 = tpu.vector_load %arg10[%get3A_1703, %get3A_1704] {strides = array<i32>} : memref<128x16xf32, #tpu.memory_space<vmem>>, vector<16xf32>,
      tpu.vector_store_idx %arg12[%add3A_5, %broadcast_in_dim3A_1697], %get3A_1705 : memref<32x129xf32, #tpu.memory_space<vmem>>[vector<16xi32>, vector<16xi32>], vector<16xf32>,
      %broadcast_in_dim3A_1706 = arith.constant 4 : i32
      %broadcast_in_dim3A_1707 = vector.broadcast %broadcast_in_dim3A_1706 : i32 to vector<16xi32>
      %get3A_1708 = arith.constant 4 : i32
      %get3A_1709 = arith.index_cast %get3A_1708 : i32 to index
      %get3A_1710 = arith.constant 0 : index
      %get3A_1711 = tpu.vector_load %arg8[%get3A_1709, %get3A_1710] {strides = array<i32>} : memref<128x16xf32, #tpu.memory_space<vmem>>, vector<16xf32>,
      tpu.vector_store_idx %arg12[%iota3A, %broadcast_in_dim3A_1707], %get3A_1711 : memref<32x129xf32, #tpu.memory_space<vmem>>[vector<16xi32>, vector<16xi32>], vector<16xf32>,
      %get3A_1712 = arith.constant 4 : i32
      %get3A_1713 = arith.index_cast %get3A_1712 : i32 to index
      %get3A_1714 = arith.constant 0 : index
      %get3A_1715 = tpu.vector_load %arg10[%get3A_1713, %get3A_1714] {strides = array<i32>} : memref<128x16xf32, #tpu.memory_space<vmem>>, vector<16xf32>,
      tpu.vector_store_idx %arg12[%add3A_5, %broadcast_in_dim3A_1707], %get3A_1715 : memref<32x129xf32, #tpu.memory_space<vmem>>[vector<16xi32>, vector<16xi32>], vector<16xf32>,
      %broadcast_in_dim3A_1716 = arith.constant 5 : i32
      %broadcast_in_dim3A_1717 = vector.broadcast %broadcast_in_dim3A_1716 : i32 to vector<16xi32>
      %get3A_1718 = arith.constant 5 : i32
      %get3A_1719 = arith.index_cast %get3A_1718 : i32 to index
      %get3A_1720 = arith.constant 0 : index
      %get3A_1721 = tpu.vector_load %arg8[%get3A_1719, %get3A_1720] {strides = array<i32>} : memref<128x16xf32, #tpu.memory_space<vmem>>, vector<16xf32>,
      tpu.vector_store_idx %arg12[%iota3A, %broadcast_in_dim3A_1717], %get3A_1721 : memref<32x129xf32, #tpu.memory_space<vmem>>[vector<16xi32>, vector<16xi32>], vector<16xf32>,
      %get3A_1722 = arith.constant 5 : i32
      %get3A_1723 = arith.index_cast %get3A_1722 : i32 to index
      %get3A_1724 = arith.constant 0 : index
      %get3A_1725 = tpu.vector_load %arg10[%get3A_1723, %get3A_1724] {strides = array<i32>} : memref<128x16xf32, #tpu.memory_space<vmem>>, vector<16xf32>,
      tpu.vector_store_idx %arg12[%add3A_5, %broadcast_in_dim3A_1717], %get3A_1725 : memref<32x129xf32, #tpu.memory_space<vmem>>[vector<16xi32>, vector<16xi32>], vector<16xf32>,
      %broadcast_in_dim3A_1726 = arith.constant 6 : i32
      %broadcast_in_dim3A_1727 = vector.broadcast %broadcast_in_dim3A_1726 : i32 to vector<16xi32>
      %get3A_1728 = arith.constant 6 : i32
      %get3A_1729 = arith.index_cast %get3A_1728 : i32 to index
      %get3A_1730 = arith.constant 0 : index
      %get3A_1731 = tpu.vector_load %arg8[%get3A_1729, %get3A_1730] {strides = array<i32>} : memref<128x16xf32, #tpu.memory_space<vmem>>, vector<16xf32>,
      tpu.vector_store_idx %arg12[%iota3A, %broadcast_in_dim3A_1727], %get3A_1731 : memref<32x129xf32, #tpu.memory_space<vmem>>[vector<16xi32>, vector<16xi32>], vector<16xf32>,
      %get3A_1732 = arith.constant 6 : i32
      %get3A_1733 = arith.index_cast %get3A_1732 : i32 to index
      %get3A_1734 = arith.constant 0 : index
      %get3A_1735 = tpu.vector_load %arg10[%get3A_1733, %get3A_1734] {strides = array<i32>} : memref<128x16xf32, #tpu.memory_space<vmem>>, vector<16xf32>,
      tpu.vector_store_idx %arg12[%add3A_5, %broadcast_in_dim3A_1727], %get3A_1735 : memref<32x129xf32, #tpu.memory_space<vmem>>[vector<16xi32>, vector<16xi32>], vector<16xf32>,
      %broadcast_in_dim3A_1736 = arith.constant 7 : i32
      %broadcast_in_dim3A_1737 = vector.broadcast %broadcast_in_dim3A_1736 : i32 to vector<16xi32>
      %get3A_1738 = arith.constant 7 : i32
      %get3A_1739 = arith.index_cast %get3A_1738 : i32 to index
      %get3A_1740 = arith.constant 0 : index
      %get3A_1741 = tpu.vector_load %arg8[%get3A_1739, %get3A_1740] {strides = array<i32>} : memref<128x16xf32, #tpu.memory_space<vmem>>, vector<16xf32>,
      tpu.vector_store_idx %arg12[%iota3A, %broadcast_in_dim3A_1737], %get3A_1741 : memref<32x129xf32, #tpu.memory_space<vmem>>[vector<16xi32>, vector<16xi32>], vector<16xf32>,
      %get3A_1742 = arith.constant 7 : i32
      %get3A_1743 = arith.index_cast %get3A_1742 : i32 to index
      %get3A_1744 = arith.constant 0 : index
      %get3A_1745 = tpu.vector_load %arg10[%get3A_1743, %get3A_1744] {strides = array<i32>} : memref<128x16xf32, #tpu.memory_space<vmem>>, vector<16xf32>,
      tpu.vector_store_idx %arg12[%add3A_5, %broadcast_in_dim3A_1737], %get3A_1745 : memref<32x129xf32, #tpu.memory_space<vmem>>[vector<16xi32>, vector<16xi32>], vector<16xf32>,
      %broadcast_in_dim3A_1746 = arith.constant 8 : i32
      %broadcast_in_dim3A_1747 = vector.broadcast %broadcast_in_dim3A_1746 : i32 to vector<16xi32>
      %get3A_1748 = arith.constant 8 : i32
      %get3A_1749 = arith.index_cast %get3A_1748 : i32 to index
      %get3A_1750 = arith.constant 0 : index
      %get3A_1751 = tpu.vector_load %arg8[%get3A_1749, %get3A_1750] {strides = array<i32>} : memref<128x16xf32, #tpu.memory_space<vmem>>, vector<16xf32>,
      tpu.vector_store_idx %arg12[%iota3A, %broadcast_in_dim3A_1747], %get3A_1751 : memref<32x129xf32, #tpu.memory_space<vmem>>[vector<16xi32>, vector<16xi32>], vector<16xf32>,
      %get3A_1752 = arith.constant 8 : i32
      %get3A_1753 = arith.index_cast %get3A_1752 : i32 to index
      %get3A_1754 = arith.constant 0 : index
      %get3A_1755 = tpu.vector_load %arg10[%get3A_1753, %get3A_1754] {strides = array<i32>} : memref<128x16xf32, #tpu.memory_space<vmem>>, vector<16xf32>,
      tpu.vector_store_idx %arg12[%add3A_5, %broadcast_in_dim3A_1747], %get3A_1755 : memref<32x129xf32, #tpu.memory_space<vmem>>[vector<16xi32>, vector<16xi32>], vector<16xf32>,
      %broadcast_in_dim3A_1756 = arith.constant 9 : i32
      %broadcast_in_dim3A_1757 = vector.broadcast %broadcast_in_dim3A_1756 : i32 to vector<16xi32>
      %get3A_1758 = arith.constant 9 : i32
      %get3A_1759 = arith.index_cast %get3A_1758 : i32 to index
      %get3A_1760 = arith.constant 0 : index
      %get3A_1761 = tpu.vector_load %arg8[%get3A_1759, %get3A_1760] {strides = array<i32>} : memref<128x16xf32, #tpu.memory_space<vmem>>, vector<16xf32>,
      tpu.vector_store_idx %arg12[%iota3A, %broadcast_in_dim3A_1757], %get3A_1761 : memref<32x129xf32, #tpu.memory_space<vmem>>[vector<16xi32>, vector<16xi32>], vector<16xf32>,
      %get3A_1762 = arith.constant 9 : i32
      %get3A_1763 = arith.index_cast %get3A_1762 : i32 to index
      %get3A_1764 = arith.constant 0 : index
      %get3A_1765 = tpu.vector_load %arg10[%get3A_1763, %get3A_1764] {strides = array<i32>} : memref<128x16xf32, #tpu.memory_space<vmem>>, vector<16xf32>,
      tpu.vector_store_idx %arg12[%add3A_5, %broadcast_in_dim3A_1757], %get3A_1765 : memref<32x129xf32, #tpu.memory_space<vmem>>[vector<16xi32>, vector<16xi32>], vector<16xf32>,
      %broadcast_in_dim3A_1766 = arith.constant 10 : i32
      %broadcast_in_dim3A_1767 = vector.broadcast %broadcast_in_dim3A_1766 : i32 to vector<16xi32>
      %get3A_1768 = arith.constant 10 : i32
      %get3A_1769 = arith.index_cast %get3A_1768 : i32 to index
      %get3A_1770 = arith.constant 0 : index
      %get3A_1771 = tpu.vector_load %arg8[%get3A_1769, %get3A_1770] {strides = array<i32>} : memref<128x16xf32, #tpu.memory_space<vmem>>, vector<16xf32>,
      tpu.vector_store_idx %arg12[%iota3A, %broadcast_in_dim3A_1767], %get3A_1771 : memref<32x129xf32, #tpu.memory_space<vmem>>[vector<16xi32>, vector<16xi32>], vector<16xf32>,
      %get3A_1772 = arith.constant 10 : i32
      %get3A_1773 = arith.index_cast %get3A_1772 : i32 to index
      %get3A_1774 = arith.constant 0 : index
      %get3A_1775 = tpu.vector_load %arg10[%get3A_1773, %get3A_1774] {strides = array<i32>} : memref<128x16xf32, #tpu.memory_space<vmem>>, vector<16xf32>,
      tpu.vector_store_idx %arg12[%add3A_5, %broadcast_in_dim3A_1767], %get3A_1775 : memref<32x129xf32, #tpu.memory_space<vmem>>[vector<16xi32>, vector<16xi32>], vector<16xf32>,
      %broadcast_in_dim3A_1776 = arith.constant 11 : i32
      %broadcast_in_dim3A_1777 = vector.broadcast %broadcast_in_dim3A_1776 : i32 to vector<16xi32>
      %get3A_1778 = arith.constant 11 : i32
      %get3A_1779 = arith.index_cast %get3A_1778 : i32 to index
      %get3A_1780 = arith.constant 0 : index
      %get3A_1781 = tpu.vector_load %arg8[%get3A_1779, %get3A_1780] {strides = array<i32>} : memref<128x16xf32, #tpu.memory_space<vmem>>, vector<16xf32>,
      tpu.vector_store_idx %arg12[%iota3A, %broadcast_in_dim3A_1777], %get3A_1781 : memref<32x129xf32, #tpu.memory_space<vmem>>[vector<16xi32>, vector<16xi32>], vector<16xf32>,
      %get3A_1782 = arith.constant 11 : i32
      %get3A_1783 = arith.index_cast %get3A_1782 : i32 to index
      %get3A_1784 = arith.constant 0 : index
      %get3A_1785 = tpu.vector_load %arg10[%get3A_1783, %get3A_1784] {strides = array<i32>} : memref<128x16xf32, #tpu.memory_space<vmem>>, vector<16xf32>,
      tpu.vector_store_idx %arg12[%add3A_5, %broadcast_in_dim3A_1777], %get3A_1785 : memref<32x129xf32, #tpu.memory_space<vmem>>[vector<16xi32>, vector<16xi32>], vector<16xf32>,
      %broadcast_in_dim3A_1786 = arith.constant 12 : i32
      %broadcast_in_dim3A_1787 = vector.broadcast %broadcast_in_dim3A_1786 : i32 to vector<16xi32>
      %get3A_1788 = arith.constant 12 : i32
      %get3A_1789 = arith.index_cast %get3A_1788 : i32 to index
      %get3A_1790 = arith.constant 0 : index
      %get3A_1791 = tpu.vector_load %arg8[%get3A_1789, %get3A_1790] {strides = array<i32>} : memref<128x16xf32, #tpu.memory_space<vmem>>, vector<16xf32>,
      tpu.vector_store_idx %arg12[%iota3A, %broadcast_in_dim3A_1787], %get3A_1791 : memref<32x129xf32, #tpu.memory_space<vmem>>[vector<16xi32>, vector<16xi32>], vector<16xf32>,
      %get3A_1792 = arith.constant 12 : i32
      %get3A_1793 = arith.index_cast %get3A_1792 : i32 to index
      %get3A_1794 = arith.constant 0 : index
      %get3A_1795 = tpu.vector_load %arg10[%get3A_1793, %get3A_1794] {strides = array<i32>} : memref<128x16xf32, #tpu.memory_space<vmem>>, vector<16xf32>,
      tpu.vector_store_idx %arg12[%add3A_5, %broadcast_in_dim3A_1787], %get3A_1795 : memref<32x129xf32, #tpu.memory_space<vmem>>[vector<16xi32>, vector<16xi32>], vector<16xf32>,
      %broadcast_in_dim3A_1796 = arith.constant 13 : i32
      %broadcast_in_dim3A_1797 = vector.broadcast %broadcast_in_dim3A_1796 : i32 to vector<16xi32>
      %get3A_1798 = arith.constant 13 : i32
      %get3A_1799 = arith.index_cast %get3A_1798 : i32 to index
      %get3A_1800 = arith.constant 0 : index
      %get3A_1801 = tpu.vector_load %arg8[%get3A_1799, %get3A_1800] {strides = array<i32>} : memref<128x16xf32, #tpu.memory_space<vmem>>, vector<16xf32>,
      tpu.vector_store_idx %arg12[%iota3A, %broadcast_in_dim3A_1797], %get3A_1801 : memref<32x129xf32, #tpu.memory_space<vmem>>[vector<16xi32>, vector<16xi32>], vector<16xf32>,
      %get3A_1802 = arith.constant 13 : i32
      %get3A_1803 = arith.index_cast %get3A_1802 : i32 to index
      %get3A_1804 = arith.constant 0 : index
      %get3A_1805 = tpu.vector_load %arg10[%get3A_1803, %get3A_1804] {strides = array<i32>} : memref<128x16xf32, #tpu.memory_space<vmem>>, vector<16xf32>,
      tpu.vector_store_idx %arg12[%add3A_5, %broadcast_in_dim3A_1797], %get3A_1805 : memref<32x129xf32, #tpu.memory_space<vmem>>[vector<16xi32>, vector<16xi32>], vector<16xf32>,
      %broadcast_in_dim3A_1806 = arith.constant 14 : i32
      %broadcast_in_dim3A_1807 = vector.broadcast %broadcast_in_dim3A_1806 : i32 to vector<16xi32>
      %get3A_1808 = arith.constant 14 : i32
      %get3A_1809 = arith.index_cast %get3A_1808 : i32 to index
      %get3A_1810 = arith.constant 0 : index
      %get3A_1811 = tpu.vector_load %arg8[%get3A_1809, %get3A_1810] {strides = array<i32>} : memref<128x16xf32, #tpu.memory_space<vmem>>, vector<16xf32>,
      tpu.vector_store_idx %arg12[%iota3A, %broadcast_in_dim3A_1807], %get3A_1811 : memref<32x129xf32, #tpu.memory_space<vmem>>[vector<16xi32>, vector<16xi32>], vector<16xf32>,
      %get3A_1812 = arith.constant 14 : i32
      %get3A_1813 = arith.index_cast %get3A_1812 : i32 to index
      %get3A_1814 = arith.constant 0 : index
      %get3A_1815 = tpu.vector_load %arg10[%get3A_1813, %get3A_1814] {strides = array<i32>} : memref<128x16xf32, #tpu.memory_space<vmem>>, vector<16xf32>,
      tpu.vector_store_idx %arg12[%add3A_5, %broadcast_in_dim3A_1807], %get3A_1815 : memref<32x129xf32, #tpu.memory_space<vmem>>[vector<16xi32>, vector<16xi32>], vector<16xf32>,
      %broadcast_in_dim3A_1816 = arith.constant 15 : i32
      %broadcast_in_dim3A_1817 = vector.broadcast %broadcast_in_dim3A_1816 : i32 to vector<16xi32>
      %get3A_1818 = arith.constant 15 : i32
      %get3A_1819 = arith.index_cast %get3A_1818 : i32 to index
      %get3A_1820 = arith.constant 0 : index
      %get3A_1821 = tpu.vector_load %arg8[%get3A_1819, %get3A_1820] {strides = array<i32>} : memref<128x16xf32, #tpu.memory_space<vmem>>, vector<16xf32>,
      tpu.vector_store_idx %arg12[%iota3A, %broadcast_in_dim3A_1817], %get3A_1821 : memref<32x129xf32, #tpu.memory_space<vmem>>[vector<16xi32>, vector<16xi32>], vector<16xf32>,
      %get3A_1822 = arith.constant 15 : i32
      %get3A_1823 = arith.index_cast %get3A_1822 : i32 to index
      %get3A_1824 = arith.constant 0 : index
      %get3A_1825 = tpu.vector_load %arg10[%get3A_1823, %get3A_1824] {strides = array<i32>} : memref<128x16xf32, #tpu.memory_space<vmem>>, vector<16xf32>,
      tpu.vector_store_idx %arg12[%add3A_5, %broadcast_in_dim3A_1817], %get3A_1825 : memref<32x129xf32, #tpu.memory_space<vmem>>[vector<16xi32>, vector<16xi32>], vector<16xf32>,
      %broadcast_in_dim3A_1826 = arith.constant 16 : i32
      %broadcast_in_dim3A_1827 = vector.broadcast %broadcast_in_dim3A_1826 : i32 to vector<16xi32>
      %get3A_1828 = arith.constant 16 : i32
      %get3A_1829 = arith.index_cast %get3A_1828 : i32 to index
      %get3A_1830 = arith.constant 0 : index
      %get3A_1831 = tpu.vector_load %arg8[%get3A_1829, %get3A_1830] {strides = array<i32>} : memref<128x16xf32, #tpu.memory_space<vmem>>, vector<16xf32>,
      tpu.vector_store_idx %arg12[%iota3A, %broadcast_in_dim3A_1827], %get3A_1831 : memref<32x129xf32, #tpu.memory_space<vmem>>[vector<16xi32>, vector<16xi32>], vector<16xf32>,
      %get3A_1832 = arith.constant 16 : i32
      %get3A_1833 = arith.index_cast %get3A_1832 : i32 to index
      %get3A_1834 = arith.constant 0 : index
      %get3A_1835 = tpu.vector_load %arg10[%get3A_1833, %get3A_1834] {strides = array<i32>} : memref<128x16xf32, #tpu.memory_space<vmem>>, vector<16xf32>,
      tpu.vector_store_idx %arg12[%add3A_5, %broadcast_in_dim3A_1827], %get3A_1835 : memref<32x129xf32, #tpu.memory_space<vmem>>[vector<16xi32>, vector<16xi32>], vector<16xf32>,
      %broadcast_in_dim3A_1836 = arith.constant 17 : i32
      %broadcast_in_dim3A_1837 = vector.broadcast %broadcast_in_dim3A_1836 : i32 to vector<16xi32>
      %get3A_1838 = arith.constant 17 : i32
      %get3A_1839 = arith.index_cast %get3A_1838 : i32 to index
      %get3A_1840 = arith.constant 0 : index
      %get3A_1841 = tpu.vector_load %arg8[%get3A_1839, %get3A_1840] {strides = array<i32>} : memref<128x16xf32, #tpu.memory_space<vmem>>, vector<16xf32>,
      tpu.vector_store_idx %arg12[%iota3A, %broadcast_in_dim3A_1837], %get3A_1841 : memref<32x129xf32, #tpu.memory_space<vmem>>[vector<16xi32>, vector<16xi32>], vector<16xf32>,
      %get3A_1842 = arith.constant 17 : i32
      %get3A_1843 = arith.index_cast %get3A_1842 : i32 to index
      %get3A_1844 = arith.constant 0 : index
      %get3A_1845 = tpu.vector_load %arg10[%get3A_1843, %get3A_1844] {strides = array<i32>} : memref<128x16xf32, #tpu.memory_space<vmem>>, vector<16xf32>,
      tpu.vector_store_idx %arg12[%add3A_5, %broadcast_in_dim3A_1837], %get3A_1845 : memref<32x129xf32, #tpu.memory_space<vmem>>[vector<16xi32>, vector<16xi32>], vector<16xf32>,
      %broadcast_in_dim3A_1846 = arith.constant 18 : i32
      %broadcast_in_dim3A_1847 = vector.broadcast %broadcast_in_dim3A_1846 : i32 to vector<16xi32>
      %get3A_1848 = arith.constant 18 : i32
      %get3A_1849 = arith.index_cast %get3A_1848 : i32 to index
      %get3A_1850 = arith.constant 0 : index
      %get3A_1851 = tpu.vector_load %arg8[%get3A_1849, %get3A_1850] {strides = array<i32>} : memref<128x16xf32, #tpu.memory_space<vmem>>, vector<16xf32>,
      tpu.vector_store_idx %arg12[%iota3A, %broadcast_in_dim3A_1847], %get3A_1851 : memref<32x129xf32, #tpu.memory_space<vmem>>[vector<16xi32>, vector<16xi32>], vector<16xf32>,
      %get3A_1852 = arith.constant 18 : i32
      %get3A_1853 = arith.index_cast %get3A_1852 : i32 to index
      %get3A_1854 = arith.constant 0 : index
      %get3A_1855 = tpu.vector_load %arg10[%get3A_1853, %get3A_1854] {strides = array<i32>} : memref<128x16xf32, #tpu.memory_space<vmem>>, vector<16xf32>,
      tpu.vector_store_idx %arg12[%add3A_5, %broadcast_in_dim3A_1847], %get3A_1855 : memref<32x129xf32, #tpu.memory_space<vmem>>[vector<16xi32>, vector<16xi32>], vector<16xf32>,
      %broadcast_in_dim3A_1856 = arith.constant 19 : i32
      %broadcast_in_dim3A_1857 = vector.broadcast %broadcast_in_dim3A_1856 : i32 to vector<16xi32>
      %get3A_1858 = arith.constant 19 : i32
      %get3A_1859 = arith.index_cast %get3A_1858 : i32 to index
      %get3A_1860 = arith.constant 0 : index
      %get3A_1861 = tpu.vector_load %arg8[%get3A_1859, %get3A_1860] {strides = array<i32>} : memref<128x16xf32, #tpu.memory_space<vmem>>, vector<16xf32>,
      tpu.vector_store_idx %arg12[%iota3A, %broadcast_in_dim3A_1857], %get3A_1861 : memref<32x129xf32, #tpu.memory_space<vmem>>[vector<16xi32>, vector<16xi32>], vector<16xf32>,
      %get3A_1862 = arith.constant 19 : i32
      %get3A_1863 = arith.index_cast %get3A_1862 : i32 to index
      %get3A_1864 = arith.constant 0 : index
      %get3A_1865 = tpu.vector_load %arg10[%get3A_1863, %get3A_1864] {strides = array<i32>} : memref<128x16xf32, #tpu.memory_space<vmem>>, vector<16xf32>,
      tpu.vector_store_idx %arg12[%add3A_5, %broadcast_in_dim3A_1857], %get3A_1865 : memref<32x129xf32, #tpu.memory_space<vmem>>[vector<16xi32>, vector<16xi32>], vector<16xf32>,
      %broadcast_in_dim3A_1866 = arith.constant 20 : i32
      %broadcast_in_dim3A_1867 = vector.broadcast %broadcast_in_dim3A_1866 : i32 to vector<16xi32>
      %get3A_1868 = arith.constant 20 : i32
      %get3A_1869 = arith.index_cast %get3A_1868 : i32 to index
      %get3A_1870 = arith.constant 0 : index
      %get3A_1871 = tpu.vector_load %arg8[%get3A_1869, %get3A_1870] {strides = array<i32>} : memref<128x16xf32, #tpu.memory_space<vmem>>, vector<16xf32>,
      tpu.vector_store_idx %arg12[%iota3A, %broadcast_in_dim3A_1867], %get3A_1871 : memref<32x129xf32, #tpu.memory_space<vmem>>[vector<16xi32>, vector<16xi32>], vector<16xf32>,
      %get3A_1872 = arith.constant 20 : i32
      %get3A_1873 = arith.index_cast %get3A_1872 : i32 to index
      %get3A_1874 = arith.constant 0 : index
      %get3A_1875 = tpu.vector_load %arg10[%get3A_1873, %get3A_1874] {strides = array<i32>} : memref<128x16xf32, #tpu.memory_space<vmem>>, vector<16xf32>,
      tpu.vector_store_idx %arg12[%add3A_5, %broadcast_in_dim3A_1867], %get3A_1875 : memref<32x129xf32, #tpu.memory_space<vmem>>[vector<16xi32>, vector<16xi32>], vector<16xf32>,
      %broadcast_in_dim3A_1876 = arith.constant 21 : i32
      %broadcast_in_dim3A_1877 = vector.broadcast %broadcast_in_dim3A_1876 : i32 to vector<16xi32>
      %get3A_1878 = arith.constant 21 : i32
      %get3A_1879 = arith.index_cast %get3A_1878 : i32 to index
      %get3A_1880 = arith.constant 0 : index
      %get3A_1881 = tpu.vector_load %arg8[%get3A_1879, %get3A_1880] {strides = array<i32>} : memref<128x16xf32, #tpu.memory_space<vmem>>, vector<16xf32>,
      tpu.vector_store_idx %arg12[%iota3A, %broadcast_in_dim3A_1877], %get3A_1881 : memref<32x129xf32, #tpu.memory_space<vmem>>[vector<16xi32>, vector<16xi32>], vector<16xf32>,
      %get3A_1882 = arith.constant 21 : i32
      %get3A_1883 = arith.index_cast %get3A_1882 : i32 to index
      %get3A_1884 = arith.constant 0 : index
      %get3A_1885 = tpu.vector_load %arg10[%get3A_1883, %get3A_1884] {strides = array<i32>} : memref<128x16xf32, #tpu.memory_space<vmem>>, vector<16xf32>,
      tpu.vector_store_idx %arg12[%add3A_5, %broadcast_in_dim3A_1877], %get3A_1885 : memref<32x129xf32, #tpu.memory_space<vmem>>[vector<16xi32>, vector<16xi32>], vector<16xf32>,
      %broadcast_in_dim3A_1886 = arith.constant 22 : i32
      %broadcast_in_dim3A_1887 = vector.broadcast %broadcast_in_dim3A_1886 : i32 to vector<16xi32>
      %get3A_1888 = arith.constant 22 : i32
      %get3A_1889 = arith.index_cast %get3A_1888 : i32 to index
      %get3A_1890 = arith.constant 0 : index
      %get3A_1891 = tpu.vector_load %arg8[%get3A_1889, %get3A_1890] {strides = array<i32>} : memref<128x16xf32, #tpu.memory_space<vmem>>, vector<16xf32>,
      tpu.vector_store_idx %arg12[%iota3A, %broadcast_in_dim3A_1887], %get3A_1891 : memref<32x129xf32, #tpu.memory_space<vmem>>[vector<16xi32>, vector<16xi32>], vector<16xf32>,
      %get3A_1892 = arith.constant 22 : i32
      %get3A_1893 = arith.index_cast %get3A_1892 : i32 to index
      %get3A_1894 = arith.constant 0 : index
      %get3A_1895 = tpu.vector_load %arg10[%get3A_1893, %get3A_1894] {strides = array<i32>} : memref<128x16xf32, #tpu.memory_space<vmem>>, vector<16xf32>,
      tpu.vector_store_idx %arg12[%add3A_5, %broadcast_in_dim3A_1887], %get3A_1895 : memref<32x129xf32, #tpu.memory_space<vmem>>[vector<16xi32>, vector<16xi32>], vector<16xf32>,
      %broadcast_in_dim3A_1896 = arith.constant 23 : i32
      %broadcast_in_dim3A_1897 = vector.broadcast %broadcast_in_dim3A_1896 : i32 to vector<16xi32>
      %get3A_1898 = arith.constant 23 : i32
      %get3A_1899 = arith.index_cast %get3A_1898 : i32 to index
      %get3A_1900 = arith.constant 0 : index
      %get3A_1901 = tpu.vector_load %arg8[%get3A_1899, %get3A_1900] {strides = array<i32>} : memref<128x16xf32, #tpu.memory_space<vmem>>, vector<16xf32>,
      tpu.vector_store_idx %arg12[%iota3A, %broadcast_in_dim3A_1897], %get3A_1901 : memref<32x129xf32, #tpu.memory_space<vmem>>[vector<16xi32>, vector<16xi32>], vector<16xf32>,
      %get3A_1902 = arith.constant 23 : i32
      %get3A_1903 = arith.index_cast %get3A_1902 : i32 to index
      %get3A_1904 = arith.constant 0 : index
      %get3A_1905 = tpu.vector_load %arg10[%get3A_1903, %get3A_1904] {strides = array<i32>} : memref<128x16xf32, #tpu.memory_space<vmem>>, vector<16xf32>,
      tpu.vector_store_idx %arg12[%add3A_5, %broadcast_in_dim3A_1897], %get3A_1905 : memref<32x129xf32, #tpu.memory_space<vmem>>[vector<16xi32>, vector<16xi32>], vector<16xf32>,
      %broadcast_in_dim3A_1906 = arith.constant 24 : i32
      %broadcast_in_dim3A_1907 = vector.broadcast %broadcast_in_dim3A_1906 : i32 to vector<16xi32>
      %get3A_1908 = arith.constant 24 : i32
      %get3A_1909 = arith.index_cast %get3A_1908 : i32 to index
      %get3A_1910 = arith.constant 0 : index
      %get3A_1911 = tpu.vector_load %arg8[%get3A_1909, %get3A_1910] {strides = array<i32>} : memref<128x16xf32, #tpu.memory_space<vmem>>, vector<16xf32>,
      tpu.vector_store_idx %arg12[%iota3A, %broadcast_in_dim3A_1907], %get3A_1911 : memref<32x129xf32, #tpu.memory_space<vmem>>[vector<16xi32>, vector<16xi32>], vector<16xf32>,
      %get3A_1912 = arith.constant 24 : i32
      %get3A_1913 = arith.index_cast %get3A_1912 : i32 to index
      %get3A_1914 = arith.constant 0 : index
      %get3A_1915 = tpu.vector_load %arg10[%get3A_1913, %get3A_1914] {strides = array<i32>} : memref<128x16xf32, #tpu.memory_space<vmem>>, vector<16xf32>,
      tpu.vector_store_idx %arg12[%add3A_5, %broadcast_in_dim3A_1907], %get3A_1915 : memref<32x129xf32, #tpu.memory_space<vmem>>[vector<16xi32>, vector<16xi32>], vector<16xf32>,
      %broadcast_in_dim3A_1916 = arith.constant 25 : i32
      %broadcast_in_dim3A_1917 = vector.broadcast %broadcast_in_dim3A_1916 : i32 to vector<16xi32>
      %get3A_1918 = arith.constant 25 : i32
      %get3A_1919 = arith.index_cast %get3A_1918 : i32 to index
      %get3A_1920 = arith.constant 0 : index
      %get3A_1921 = tpu.vector_load %arg8[%get3A_1919, %get3A_1920] {strides = array<i32>} : memref<128x16xf32, #tpu.memory_space<vmem>>, vector<16xf32>,
      tpu.vector_store_idx %arg12[%iota3A, %broadcast_in_dim3A_1917], %get3A_1921 : memref<32x129xf32, #tpu.memory_space<vmem>>[vector<16xi32>, vector<16xi32>], vector<16xf32>,
      %get3A_1922 = arith.constant 25 : i32
      %get3A_1923 = arith.index_cast %get3A_1922 : i32 to index
      %get3A_1924 = arith.constant 0 : index
      %get3A_1925 = tpu.vector_load %arg10[%get3A_1923, %get3A_1924] {strides = array<i32>} : memref<128x16xf32, #tpu.memory_space<vmem>>, vector<16xf32>,
      tpu.vector_store_idx %arg12[%add3A_5, %broadcast_in_dim3A_1917], %get3A_1925 : memref<32x129xf32, #tpu.memory_space<vmem>>[vector<16xi32>, vector<16xi32>], vector<16xf32>,
      %broadcast_in_dim3A_1926 = arith.constant 26 : i32
      %broadcast_in_dim3A_1927 = vector.broadcast %broadcast_in_dim3A_1926 : i32 to vector<16xi32>
      %get3A_1928 = arith.constant 26 : i32
      %get3A_1929 = arith.index_cast %get3A_1928 : i32 to index
      %get3A_1930 = arith.constant 0 : index
      %get3A_1931 = tpu.vector_load %arg8[%get3A_1929, %get3A_1930] {strides = array<i32>} : memref<128x16xf32, #tpu.memory_space<vmem>>, vector<16xf32>,
      tpu.vector_store_idx %arg12[%iota3A, %broadcast_in_dim3A_1927], %get3A_1931 : memref<32x129xf32, #tpu.memory_space<vmem>>[vector<16xi32>, vector<16xi32>], vector<16xf32>,
      %get3A_1932 = arith.constant 26 : i32
      %get3A_1933 = arith.index_cast %get3A_1932 : i32 to index
      %get3A_1934 = arith.constant 0 : index
      %get3A_1935 = tpu.vector_load %arg10[%get3A_1933, %get3A_1934] {strides = array<i32>} : memref<128x16xf32, #tpu.memory_space<vmem>>, vector<16xf32>,
      tpu.vector_store_idx %arg12[%add3A_5, %broadcast_in_dim3A_1927], %get3A_1935 : memref<32x129xf32, #tpu.memory_space<vmem>>[vector<16xi32>, vector<16xi32>], vector<16xf32>,
      %broadcast_in_dim3A_1936 = arith.constant 27 : i32
      %broadcast_in_dim3A_1937 = vector.broadcast %broadcast_in_dim3A_1936 : i32 to vector<16xi32>
      %get3A_1938 = arith.constant 27 : i32
      %get3A_1939 = arith.index_cast %get3A_1938 : i32 to index
      %get3A_1940 = arith.constant 0 : index
      %get3A_1941 = tpu.vector_load %arg8[%get3A_1939, %get3A_1940] {strides = array<i32>} : memref<128x16xf32, #tpu.memory_space<vmem>>, vector<16xf32>,
      tpu.vector_store_idx %arg12[%iota3A, %broadcast_in_dim3A_1937], %get3A_1941 : memref<32x129xf32, #tpu.memory_space<vmem>>[vector<16xi32>, vector<16xi32>], vector<16xf32>,
      %get3A_1942 = arith.constant 27 : i32
      %get3A_1943 = arith.index_cast %get3A_1942 : i32 to index
      %get3A_1944 = arith.constant 0 : index
      %get3A_1945 = tpu.vector_load %arg10[%get3A_1943, %get3A_1944] {strides = array<i32>} : memref<128x16xf32, #tpu.memory_space<vmem>>, vector<16xf32>,
      tpu.vector_store_idx %arg12[%add3A_5, %broadcast_in_dim3A_1937], %get3A_1945 : memref<32x129xf32, #tpu.memory_space<vmem>>[vector<16xi32>, vector<16xi32>], vector<16xf32>,
      %broadcast_in_dim3A_1946 = arith.constant 28 : i32
      %broadcast_in_dim3A_1947 = vector.broadcast %broadcast_in_dim3A_1946 : i32 to vector<16xi32>
      %get3A_1948 = arith.constant 28 : i32
      %get3A_1949 = arith.index_cast %get3A_1948 : i32 to index
      %get3A_1950 = arith.constant 0 : index
      %get3A_1951 = tpu.vector_load %arg8[%get3A_1949, %get3A_1950] {strides = array<i32>} : memref<128x16xf32, #tpu.memory_space<vmem>>, vector<16xf32>,
      tpu.vector_store_idx %arg12[%iota3A, %broadcast_in_dim3A_1947], %get3A_1951 : memref<32x129xf32, #tpu.memory_space<vmem>>[vector<16xi32>, vector<16xi32>], vector<16xf32>,
      %get3A_1952 = arith.constant 28 : i32
      %get3A_1953 = arith.index_cast %get3A_1952 : i32 to index
      %get3A_1954 = arith.constant 0 : index
      %get3A_1955 = tpu.vector_load %arg10[%get3A_1953, %get3A_1954] {strides = array<i32>} : memref<128x16xf32, #tpu.memory_space<vmem>>, vector<16xf32>,
      tpu.vector_store_idx %arg12[%add3A_5, %broadcast_in_dim3A_1947], %get3A_1955 : memref<32x129xf32, #tpu.memory_space<vmem>>[vector<16xi32>, vector<16xi32>], vector<16xf32>,
      %broadcast_in_dim3A_1956 = arith.constant 29 : i32
      %broadcast_in_dim3A_1957 = vector.broadcast %broadcast_in_dim3A_1956 : i32 to vector<16xi32>
      %get3A_1958 = arith.constant 29 : i32
      %get3A_1959 = arith.index_cast %get3A_1958 : i32 to index
      %get3A_1960 = arith.constant 0 : index
      %get3A_1961 = tpu.vector_load %arg8[%get3A_1959, %get3A_1960] {strides = array<i32>} : memref<128x16xf32, #tpu.memory_space<vmem>>, vector<16xf32>,
      tpu.vector_store_idx %arg12[%iota3A, %broadcast_in_dim3A_1957], %get3A_1961 : memref<32x129xf32, #tpu.memory_space<vmem>>[vector<16xi32>, vector<16xi32>], vector<16xf32>,
      %get3A_1962 = arith.constant 29 : i32
      %get3A_1963 = arith.index_cast %get3A_1962 : i32 to index
      %get3A_1964 = arith.constant 0 : index
      %get3A_1965 = tpu.vector_load %arg10[%get3A_1963, %get3A_1964] {strides = array<i32>} : memref<128x16xf32, #tpu.memory_space<vmem>>, vector<16xf32>,
      tpu.vector_store_idx %arg12[%add3A_5, %broadcast_in_dim3A_1957], %get3A_1965 : memref<32x129xf32, #tpu.memory_space<vmem>>[vector<16xi32>, vector<16xi32>], vector<16xf32>,
      %broadcast_in_dim3A_1966 = arith.constant 30 : i32
      %broadcast_in_dim3A_1967 = vector.broadcast %broadcast_in_dim3A_1966 : i32 to vector<16xi32>
      %get3A_1968 = arith.constant 30 : i32
      %get3A_1969 = arith.index_cast %get3A_1968 : i32 to index
      %get3A_1970 = arith.constant 0 : index
      %get3A_1971 = tpu.vector_load %arg8[%get3A_1969, %get3A_1970] {strides = array<i32>} : memref<128x16xf32, #tpu.memory_space<vmem>>, vector<16xf32>,
      tpu.vector_store_idx %arg12[%iota3A, %broadcast_in_dim3A_1967], %get3A_1971 : memref<32x129xf32, #tpu.memory_space<vmem>>[vector<16xi32>, vector<16xi32>], vector<16xf32>,
      %get3A_1972 = arith.constant 30 : i32
      %get3A_1973 = arith.index_cast %get3A_1972 : i32 to index
      %get3A_1974 = arith.constant 0 : index
      %get3A_1975 = tpu.vector_load %arg10[%get3A_1973, %get3A_1974] {strides = array<i32>} : memref<128x16xf32, #tpu.memory_space<vmem>>, vector<16xf32>,
      tpu.vector_store_idx %arg12[%add3A_5, %broadcast_in_dim3A_1967], %get3A_1975 : memref<32x129xf32, #tpu.memory_space<vmem>>[vector<16xi32>, vector<16xi32>], vector<16xf32>,
      %broadcast_in_dim3A_1976 = arith.constant 31 : i32
      %broadcast_in_dim3A_1977 = vector.broadcast %broadcast_in_dim3A_1976 : i32 to vector<16xi32>
      %get3A_1978 = arith.constant 31 : i32
      %get3A_1979 = arith.index_cast %get3A_1978 : i32 to index
      %get3A_1980 = arith.constant 0 : index
      %get3A_1981 = tpu.vector_load %arg8[%get3A_1979, %get3A_1980] {strides = array<i32>} : memref<128x16xf32, #tpu.memory_space<vmem>>, vector<16xf32>,
      tpu.vector_store_idx %arg12[%iota3A, %broadcast_in_dim3A_1977], %get3A_1981 : memref<32x129xf32, #tpu.memory_space<vmem>>[vector<16xi32>, vector<16xi32>], vector<16xf32>,
      %get3A_1982 = arith.constant 31 : i32
      %get3A_1983 = arith.index_cast %get3A_1982 : i32 to index
      %get3A_1984 = arith.constant 0 : index
      %get3A_1985 = tpu.vector_load %arg10[%get3A_1983, %get3A_1984] {strides = array<i32>} : memref<128x16xf32, #tpu.memory_space<vmem>>, vector<16xf32>,
      tpu.vector_store_idx %arg12[%add3A_5, %broadcast_in_dim3A_1977], %get3A_1985 : memref<32x129xf32, #tpu.memory_space<vmem>>[vector<16xi32>, vector<16xi32>], vector<16xf32>,
      %broadcast_in_dim3A_1986 = arith.constant 32 : i32
      %broadcast_in_dim3A_1987 = vector.broadcast %broadcast_in_dim3A_1986 : i32 to vector<16xi32>
      %get3A_1988 = arith.constant 32 : i32
      %get3A_1989 = arith.index_cast %get3A_1988 : i32 to index
      %get3A_1990 = arith.constant 0 : index
      %get3A_1991 = tpu.vector_load %arg8[%get3A_1989, %get3A_1990] {strides = array<i32>} : memref<128x16xf32, #tpu.memory_space<vmem>>, vector<16xf32>,
      tpu.vector_store_idx %arg12[%iota3A, %broadcast_in_dim3A_1987], %get3A_1991 : memref<32x129xf32, #tpu.memory_space<vmem>>[vector<16xi32>, vector<16xi32>], vector<16xf32>,
      %get3A_1992 = arith.constant 32 : i32
      %get3A_1993 = arith.index_cast %get3A_1992 : i32 to index
      %get3A_1994 = arith.constant 0 : index
      %get3A_1995 = tpu.vector_load %arg10[%get3A_1993, %get3A_1994] {strides = array<i32>} : memref<128x16xf32, #tpu.memory_space<vmem>>, vector<16xf32>,
      tpu.vector_store_idx %arg12[%add3A_5, %broadcast_in_dim3A_1987], %get3A_1995 : memref<32x129xf32, #tpu.memory_space<vmem>>[vector<16xi32>, vector<16xi32>], vector<16xf32>,
      %broadcast_in_dim3A_1996 = arith.constant 33 : i32
      %broadcast_in_dim3A_1997 = vector.broadcast %broadcast_in_dim3A_1996 : i32 to vector<16xi32>
      %get3A_1998 = arith.constant 33 : i32
      %get3A_1999 = arith.index_cast %get3A_1998 : i32 to index
      %get3A_2000 = arith.constant 0 : index
      %get3A_2001 = tpu.vector_load %arg8[%get3A_1999, %get3A_2000] {strides = array<i32>} : memref<128x16xf32, #tpu.memory_space<vmem>>, vector<16xf32>,
      tpu.vector_store_idx %arg12[%iota3A, %broadcast_in_dim3A_1997], %get3A_2001 : memref<32x129xf32, #tpu.memory_space<vmem>>[vector<16xi32>, vector<16xi32>], vector<16xf32>,
      %get3A_2002 = arith.constant 33 : i32
      %get3A_2003 = arith.index_cast %get3A_2002 : i32 to index
      %get3A_2004 = arith.constant 0 : index
      %get3A_2005 = tpu.vector_load %arg10[%get3A_2003, %get3A_2004] {strides = array<i32>} : memref<128x16xf32, #tpu.memory_space<vmem>>, vector<16xf32>,
      tpu.vector_store_idx %arg12[%add3A_5, %broadcast_in_dim3A_1997], %get3A_2005 : memref<32x129xf32, #tpu.memory_space<vmem>>[vector<16xi32>, vector<16xi32>], vector<16xf32>,
      %broadcast_in_dim3A_2006 = arith.constant 34 : i32
      %broadcast_in_dim3A_2007 = vector.broadcast %broadcast_in_dim3A_2006 : i32 to vector<16xi32>
      %get3A_2008 = arith.constant 34 : i32
      %get3A_2009 = arith.index_cast %get3A_2008 : i32 to index
      %get3A_2010 = arith.constant 0 : index
      %get3A_2011 = tpu.vector_load %arg8[%get3A_2009, %get3A_2010] {strides = array<i32>} : memref<128x16xf32, #tpu.memory_space<vmem>>, vector<16xf32>,
      tpu.vector_store_idx %arg12[%iota3A, %broadcast_in_dim3A_2007], %get3A_2011 : memref<32x129xf32, #tpu.memory_space<vmem>>[vector<16xi32>, vector<16xi32>], vector<16xf32>,
      %get3A_2012 = arith.constant 34 : i32
      %get3A_2013 = arith.index_cast %get3A_2012 : i32 to index
      %get3A_2014 = arith.constant 0 : index
      %get3A_2015 = tpu.vector_load %arg10[%get3A_2013, %get3A_2014] {strides = array<i32>} : memref<128x16xf32, #tpu.memory_space<vmem>>, vector<16xf32>,
      tpu.vector_store_idx %arg12[%add3A_5, %broadcast_in_dim3A_2007], %get3A_2015 : memref<32x129xf32, #tpu.memory_space<vmem>>[vector<16xi32>, vector<16xi32>], vector<16xf32>,
      %broadcast_in_dim3A_2016 = arith.constant 35 : i32
      %broadcast_in_dim3A_2017 = vector.broadcast %broadcast_in_dim3A_2016 : i32 to vector<16xi32>
      %get3A_2018 = arith.constant 35 : i32
      %get3A_2019 = arith.index_cast %get3A_2018 : i32 to index
      %get3A_2020 = arith.constant 0 : index
      %get3A_2021 = tpu.vector_load %arg8[%get3A_2019, %get3A_2020] {strides = array<i32>} : memref<128x16xf32, #tpu.memory_space<vmem>>, vector<16xf32>,
      tpu.vector_store_idx %arg12[%iota3A, %broadcast_in_dim3A_2017], %get3A_2021 : memref<32x129xf32, #tpu.memory_space<vmem>>[vector<16xi32>, vector<16xi32>], vector<16xf32>,
      %get3A_2022 = arith.constant 35 : i32
      %get3A_2023 = arith.index_cast %get3A_2022 : i32 to index
      %get3A_2024 = arith.constant 0 : index
      %get3A_2025 = tpu.vector_load %arg10[%get3A_2023, %get3A_2024] {strides = array<i32>} : memref<128x16xf32, #tpu.memory_space<vmem>>, vector<16xf32>,
      tpu.vector_store_idx %arg12[%add3A_5, %broadcast_in_dim3A_2017], %get3A_2025 : memref<32x129xf32, #tpu.memory_space<vmem>>[vector<16xi32>, vector<16xi32>], vector<16xf32>,
      %broadcast_in_dim3A_2026 = arith.constant 36 : i32
      %broadcast_in_dim3A_2027 = vector.broadcast %broadcast_in_dim3A_2026 : i32 to vector<16xi32>
      %get3A_2028 = arith.constant 36 : i32
      %get3A_2029 = arith.index_cast %get3A_2028 : i32 to index
      %get3A_2030 = arith.constant 0 : index
      %get3A_2031 = tpu.vector_load %arg8[%get3A_2029, %get3A_2030] {strides = array<i32>} : memref<128x16xf32, #tpu.memory_space<vmem>>, vector<16xf32>,
      tpu.vector_store_idx %arg12[%iota3A, %broadcast_in_dim3A_2027], %get3A_2031 : memref<32x129xf32, #tpu.memory_space<vmem>>[vector<16xi32>, vector<16xi32>], vector<16xf32>,
      %get3A_2032 = arith.constant 36 : i32
      %get3A_2033 = arith.index_cast %get3A_2032 : i32 to index
      %get3A_2034 = arith.constant 0 : index
      %get3A_2035 = tpu.vector_load %arg10[%get3A_2033, %get3A_2034] {strides = array<i32>} : memref<128x16xf32, #tpu.memory_space<vmem>>, vector<16xf32>,
      tpu.vector_store_idx %arg12[%add3A_5, %broadcast_in_dim3A_2027], %get3A_2035 : memref<32x129xf32, #tpu.memory_space<vmem>>[vector<16xi32>, vector<16xi32>], vector<16xf32>,
      %broadcast_in_dim3A_2036 = arith.constant 37 : i32
      %broadcast_in_dim3A_2037 = vector.broadcast %broadcast_in_dim3A_2036 : i32 to vector<16xi32>
      %get3A_2038 = arith.constant 37 : i32
      %get3A_2039 = arith.index_cast %get3A_2038 : i32 to index
      %get3A_2040 = arith.constant 0 : index
      %get3A_2041 = tpu.vector_load %arg8[%get3A_2039, %get3A_2040] {strides = array<i32>} : memref<128x16xf32, #tpu.memory_space<vmem>>, vector<16xf32>,
      tpu.vector_store_idx %arg12[%iota3A, %broadcast_in_dim3A_2037], %get3A_2041 : memref<32x129xf32, #tpu.memory_space<vmem>>[vector<16xi32>, vector<16xi32>], vector<16xf32>,
      %get3A_2042 = arith.constant 37 : i32
      %get3A_2043 = arith.index_cast %get3A_2042 : i32 to index
      %get3A_2044 = arith.constant 0 : index
      %get3A_2045 = tpu.vector_load %arg10[%get3A_2043, %get3A_2044] {strides = array<i32>} : memref<128x16xf32, #tpu.memory_space<vmem>>, vector<16xf32>,
      tpu.vector_store_idx %arg12[%add3A_5, %broadcast_in_dim3A_2037], %get3A_2045 : memref<32x129xf32, #tpu.memory_space<vmem>>[vector<16xi32>, vector<16xi32>], vector<16xf32>,
      %broadcast_in_dim3A_2046 = arith.constant 38 : i32
      %broadcast_in_dim3A_2047 = vector.broadcast %broadcast_in_dim3A_2046 : i32 to vector<16xi32>
      %get3A_2048 = arith.constant 38 : i32
      %get3A_2049 = arith.index_cast %get3A_2048 : i32 to index
      %get3A_2050 = arith.constant 0 : index
      %get3A_2051 = tpu.vector_load %arg8[%get3A_2049, %get3A_2050] {strides = array<i32>} : memref<128x16xf32, #tpu.memory_space<vmem>>, vector<16xf32>,
      tpu.vector_store_idx %arg12[%iota3A, %broadcast_in_dim3A_2047], %get3A_2051 : memref<32x129xf32, #tpu.memory_space<vmem>>[vector<16xi32>, vector<16xi32>], vector<16xf32>,
      %get3A_2052 = arith.constant 38 : i32
      %get3A_2053 = arith.index_cast %get3A_2052 : i32 to index
      %get3A_2054 = arith.constant 0 : index
      %get3A_2055 = tpu.vector_load %arg10[%get3A_2053, %get3A_2054] {strides = array<i32>} : memref<128x16xf32, #tpu.memory_space<vmem>>, vector<16xf32>,
      tpu.vector_store_idx %arg12[%add3A_5, %broadcast_in_dim3A_2047], %get3A_2055 : memref<32x129xf32, #tpu.memory_space<vmem>>[vector<16xi32>, vector<16xi32>], vector<16xf32>,
      %broadcast_in_dim3A_2056 = arith.constant 39 : i32
      %broadcast_in_dim3A_2057 = vector.broadcast %broadcast_in_dim3A_2056 : i32 to vector<16xi32>
      %get3A_2058 = arith.constant 39 : i32
      %get3A_2059 = arith.index_cast %get3A_2058 : i32 to index
      %get3A_2060 = arith.constant 0 : index
      %get3A_2061 = tpu.vector_load %arg8[%get3A_2059, %get3A_2060] {strides = array<i32>} : memref<128x16xf32, #tpu.memory_space<vmem>>, vector<16xf32>,
      tpu.vector_store_idx %arg12[%iota3A, %broadcast_in_dim3A_2057], %get3A_2061 : memref<32x129xf32, #tpu.memory_space<vmem>>[vector<16xi32>, vector<16xi32>], vector<16xf32>,
      %get3A_2062 = arith.constant 39 : i32
      %get3A_2063 = arith.index_cast %get3A_2062 : i32 to index
      %get3A_2064 = arith.constant 0 : index
      %get3A_2065 = tpu.vector_load %arg10[%get3A_2063, %get3A_2064] {strides = array<i32>} : memref<128x16xf32, #tpu.memory_space<vmem>>, vector<16xf32>,
      tpu.vector_store_idx %arg12[%add3A_5, %broadcast_in_dim3A_2057], %get3A_2065 : memref<32x129xf32, #tpu.memory_space<vmem>>[vector<16xi32>, vector<16xi32>], vector<16xf32>,
      %broadcast_in_dim3A_2066 = arith.constant 40 : i32
      %broadcast_in_dim3A_2067 = vector.broadcast %broadcast_in_dim3A_2066 : i32 to vector<16xi32>
      %get3A_2068 = arith.constant 40 : i32
      %get3A_2069 = arith.index_cast %get3A_2068 : i32 to index
      %get3A_2070 = arith.constant 0 : index
      %get3A_2071 = tpu.vector_load %arg8[%get3A_2069, %get3A_2070] {strides = array<i32>} : memref<128x16xf32, #tpu.memory_space<vmem>>, vector<16xf32>,
      tpu.vector_store_idx %arg12[%iota3A, %broadcast_in_dim3A_2067], %get3A_2071 : memref<32x129xf32, #tpu.memory_space<vmem>>[vector<16xi32>, vector<16xi32>], vector<16xf32>,
      %get3A_2072 = arith.constant 40 : i32
      %get3A_2073 = arith.index_cast %get3A_2072 : i32 to index
      %get3A_2074 = arith.constant 0 : index
      %get3A_2075 = tpu.vector_load %arg10[%get3A_2073, %get3A_2074] {strides = array<i32>} : memref<128x16xf32, #tpu.memory_space<vmem>>, vector<16xf32>,
      tpu.vector_store_idx %arg12[%add3A_5, %broadcast_in_dim3A_2067], %get3A_2075 : memref<32x129xf32, #tpu.memory_space<vmem>>[vector<16xi32>, vector<16xi32>], vector<16xf32>,
      %broadcast_in_dim3A_2076 = arith.constant 41 : i32
      %broadcast_in_dim3A_2077 = vector.broadcast %broadcast_in_dim3A_2076 : i32 to vector<16xi32>
      %get3A_2078 = arith.constant 41 : i32
      %get3A_2079 = arith.index_cast %get3A_2078 : i32 to index
      %get3A_2080 = arith.constant 0 : index
      %get3A_2081 = tpu.vector_load %arg8[%get3A_2079, %get3A_2080] {strides = array<i32>} : memref<128x16xf32, #tpu.memory_space<vmem>>, vector<16xf32>,
      tpu.vector_store_idx %arg12[%iota3A, %broadcast_in_dim3A_2077], %get3A_2081 : memref<32x129xf32, #tpu.memory_space<vmem>>[vector<16xi32>, vector<16xi32>], vector<16xf32>,
      %get3A_2082 = arith.constant 41 : i32
      %get3A_2083 = arith.index_cast %get3A_2082 : i32 to index
      %get3A_2084 = arith.constant 0 : index
      %get3A_2085 = tpu.vector_load %arg10[%get3A_2083, %get3A_2084] {strides = array<i32>} : memref<128x16xf32, #tpu.memory_space<vmem>>, vector<16xf32>,
      tpu.vector_store_idx %arg12[%add3A_5, %broadcast_in_dim3A_2077], %get3A_2085 : memref<32x129xf32, #tpu.memory_space<vmem>>[vector<16xi32>, vector<16xi32>], vector<16xf32>,
      %broadcast_in_dim3A_2086 = arith.constant 42 : i32
      %broadcast_in_dim3A_2087 = vector.broadcast %broadcast_in_dim3A_2086 : i32 to vector<16xi32>
      %get3A_2088 = arith.constant 42 : i32
      %get3A_2089 = arith.index_cast %get3A_2088 : i32 to index
      %get3A_2090 = arith.constant 0 : index
      %get3A_2091 = tpu.vector_load %arg8[%get3A_2089, %get3A_2090] {strides = array<i32>} : memref<128x16xf32, #tpu.memory_space<vmem>>, vector<16xf32>,
      tpu.vector_store_idx %arg12[%iota3A, %broadcast_in_dim3A_2087], %get3A_2091 : memref<32x129xf32, #tpu.memory_space<vmem>>[vector<16xi32>, vector<16xi32>], vector<16xf32>,
      %get3A_2092 = arith.constant 42 : i32
      %get3A_2093 = arith.index_cast %get3A_2092 : i32 to index
      %get3A_2094 = arith.constant 0 : index
      %get3A_2095 = tpu.vector_load %arg10[%get3A_2093, %get3A_2094] {strides = array<i32>} : memref<128x16xf32, #tpu.memory_space<vmem>>, vector<16xf32>,
      tpu.vector_store_idx %arg12[%add3A_5, %broadcast_in_dim3A_2087], %get3A_2095 : memref<32x129xf32, #tpu.memory_space<vmem>>[vector<16xi32>, vector<16xi32>], vector<16xf32>,
      %broadcast_in_dim3A_2096 = arith.constant 43 : i32
      %broadcast_in_dim3A_2097 = vector.broadcast %broadcast_in_dim3A_2096 : i32 to vector<16xi32>
      %get3A_2098 = arith.constant 43 : i32
      %get3A_2099 = arith.index_cast %get3A_2098 : i32 to index
      %get3A_2100 = arith.constant 0 : index
      %get3A_2101 = tpu.vector_load %arg8[%get3A_2099, %get3A_2100] {strides = array<i32>} : memref<128x16xf32, #tpu.memory_space<vmem>>, vector<16xf32>,
      tpu.vector_store_idx %arg12[%iota3A, %broadcast_in_dim3A_2097], %get3A_2101 : memref<32x129xf32, #tpu.memory_space<vmem>>[vector<16xi32>, vector<16xi32>], vector<16xf32>,
      %get3A_2102 = arith.constant 43 : i32
      %get3A_2103 = arith.index_cast %get3A_2102 : i32 to index
      %get3A_2104 = arith.constant 0 : index
      %get3A_2105 = tpu.vector_load %arg10[%get3A_2103, %get3A_2104] {strides = array<i32>} : memref<128x16xf32, #tpu.memory_space<vmem>>, vector<16xf32>,
      tpu.vector_store_idx %arg12[%add3A_5, %broadcast_in_dim3A_2097], %get3A_2105 : memref<32x129xf32, #tpu.memory_space<vmem>>[vector<16xi32>, vector<16xi32>], vector<16xf32>,
      %broadcast_in_dim3A_2106 = arith.constant 44 : i32
      %broadcast_in_dim3A_2107 = vector.broadcast %broadcast_in_dim3A_2106 : i32 to vector<16xi32>
      %get3A_2108 = arith.constant 44 : i32
      %get3A_2109 = arith.index_cast %get3A_2108 : i32 to index
      %get3A_2110 = arith.constant 0 : index
      %get3A_2111 = tpu.vector_load %arg8[%get3A_2109, %get3A_2110] {strides = array<i32>} : memref<128x16xf32, #tpu.memory_space<vmem>>, vector<16xf32>,
      tpu.vector_store_idx %arg12[%iota3A, %broadcast_in_dim3A_2107], %get3A_2111 : memref<32x129xf32, #tpu.memory_space<vmem>>[vector<16xi32>, vector<16xi32>], vector<16xf32>,
      %get3A_2112 = arith.constant 44 : i32
      %get3A_2113 = arith.index_cast %get3A_2112 : i32 to index
      %get3A_2114 = arith.constant 0 : index
      %get3A_2115 = tpu.vector_load %arg10[%get3A_2113, %get3A_2114] {strides = array<i32>} : memref<128x16xf32, #tpu.memory_space<vmem>>, vector<16xf32>,
      tpu.vector_store_idx %arg12[%add3A_5, %broadcast_in_dim3A_2107], %get3A_2115 : memref<32x129xf32, #tpu.memory_space<vmem>>[vector<16xi32>, vector<16xi32>], vector<16xf32>,
      %broadcast_in_dim3A_2116 = arith.constant 45 : i32
      %broadcast_in_dim3A_2117 = vector.broadcast %broadcast_in_dim3A_2116 : i32 to vector<16xi32>
      %get3A_2118 = arith.constant 45 : i32
      %get3A_2119 = arith.index_cast %get3A_2118 : i32 to index
      %get3A_2120 = arith.constant 0 : index
      %get3A_2121 = tpu.vector_load %arg8[%get3A_2119, %get3A_2120] {strides = array<i32>} : memref<128x16xf32, #tpu.memory_space<vmem>>, vector<16xf32>,
      tpu.vector_store_idx %arg12[%iota3A, %broadcast_in_dim3A_2117], %get3A_2121 : memref<32x129xf32, #tpu.memory_space<vmem>>[vector<16xi32>, vector<16xi32>], vector<16xf32>,
      %get3A_2122 = arith.constant 45 : i32
      %get3A_2123 = arith.index_cast %get3A_2122 : i32 to index
      %get3A_2124 = arith.constant 0 : index
      %get3A_2125 = tpu.vector_load %arg10[%get3A_2123, %get3A_2124] {strides = array<i32>} : memref<128x16xf32, #tpu.memory_space<vmem>>, vector<16xf32>,
      tpu.vector_store_idx %arg12[%add3A_5, %broadcast_in_dim3A_2117], %get3A_2125 : memref<32x129xf32, #tpu.memory_space<vmem>>[vector<16xi32>, vector<16xi32>], vector<16xf32>,
      %broadcast_in_dim3A_2126 = arith.constant 46 : i32
      %broadcast_in_dim3A_2127 = vector.broadcast %broadcast_in_dim3A_2126 : i32 to vector<16xi32>
      %get3A_2128 = arith.constant 46 : i32
      %get3A_2129 = arith.index_cast %get3A_2128 : i32 to index
      %get3A_2130 = arith.constant 0 : index
      %get3A_2131 = tpu.vector_load %arg8[%get3A_2129, %get3A_2130] {strides = array<i32>} : memref<128x16xf32, #tpu.memory_space<vmem>>, vector<16xf32>,
      tpu.vector_store_idx %arg12[%iota3A, %broadcast_in_dim3A_2127], %get3A_2131 : memref<32x129xf32, #tpu.memory_space<vmem>>[vector<16xi32>, vector<16xi32>], vector<16xf32>,
      %get3A_2132 = arith.constant 46 : i32
      %get3A_2133 = arith.index_cast %get3A_2132 : i32 to index
      %get3A_2134 = arith.constant 0 : index
      %get3A_2135 = tpu.vector_load %arg10[%get3A_2133, %get3A_2134] {strides = array<i32>} : memref<128x16xf32, #tpu.memory_space<vmem>>, vector<16xf32>,
      tpu.vector_store_idx %arg12[%add3A_5, %broadcast_in_dim3A_2127], %get3A_2135 : memref<32x129xf32, #tpu.memory_space<vmem>>[vector<16xi32>, vector<16xi32>], vector<16xf32>,
      %broadcast_in_dim3A_2136 = arith.constant 47 : i32
      %broadcast_in_dim3A_2137 = vector.broadcast %broadcast_in_dim3A_2136 : i32 to vector<16xi32>
      %get3A_2138 = arith.constant 47 : i32
      %get3A_2139 = arith.index_cast %get3A_2138 : i32 to index
      %get3A_2140 = arith.constant 0 : index
      %get3A_2141 = tpu.vector_load %arg8[%get3A_2139, %get3A_2140] {strides = array<i32>} : memref<128x16xf32, #tpu.memory_space<vmem>>, vector<16xf32>,
      tpu.vector_store_idx %arg12[%iota3A, %broadcast_in_dim3A_2137], %get3A_2141 : memref<32x129xf32, #tpu.memory_space<vmem>>[vector<16xi32>, vector<16xi32>], vector<16xf32>,
      %get3A_2142 = arith.constant 47 : i32
      %get3A_2143 = arith.index_cast %get3A_2142 : i32 to index
      %get3A_2144 = arith.constant 0 : index
      %get3A_2145 = tpu.vector_load %arg10[%get3A_2143, %get3A_2144] {strides = array<i32>} : memref<128x16xf32, #tpu.memory_space<vmem>>, vector<16xf32>,
      tpu.vector_store_idx %arg12[%add3A_5, %broadcast_in_dim3A_2137], %get3A_2145 : memref<32x129xf32, #tpu.memory_space<vmem>>[vector<16xi32>, vector<16xi32>], vector<16xf32>,
      %broadcast_in_dim3A_2146 = arith.constant 48 : i32
      %broadcast_in_dim3A_2147 = vector.broadcast %broadcast_in_dim3A_2146 : i32 to vector<16xi32>
      %get3A_2148 = arith.constant 48 : i32
      %get3A_2149 = arith.index_cast %get3A_2148 : i32 to index
      %get3A_2150 = arith.constant 0 : index
      %get3A_2151 = tpu.vector_load %arg8[%get3A_2149, %get3A_2150] {strides = array<i32>} : memref<128x16xf32, #tpu.memory_space<vmem>>, vector<16xf32>,
      tpu.vector_store_idx %arg12[%iota3A, %broadcast_in_dim3A_2147], %get3A_2151 : memref<32x129xf32, #tpu.memory_space<vmem>>[vector<16xi32>, vector<16xi32>], vector<16xf32>,
      %get3A_2152 = arith.constant 48 : i32
      %get3A_2153 = arith.index_cast %get3A_2152 : i32 to index
      %get3A_2154 = arith.constant 0 : index
      %get3A_2155 = tpu.vector_load %arg10[%get3A_2153, %get3A_2154] {strides = array<i32>} : memref<128x16xf32, #tpu.memory_space<vmem>>, vector<16xf32>,
      tpu.vector_store_idx %arg12[%add3A_5, %broadcast_in_dim3A_2147], %get3A_2155 : memref<32x129xf32, #tpu.memory_space<vmem>>[vector<16xi32>, vector<16xi32>], vector<16xf32>,
      %broadcast_in_dim3A_2156 = arith.constant 49 : i32
      %broadcast_in_dim3A_2157 = vector.broadcast %broadcast_in_dim3A_2156 : i32 to vector<16xi32>
      %get3A_2158 = arith.constant 49 : i32
      %get3A_2159 = arith.index_cast %get3A_2158 : i32 to index
      %get3A_2160 = arith.constant 0 : index
      %get3A_2161 = tpu.vector_load %arg8[%get3A_2159, %get3A_2160] {strides = array<i32>} : memref<128x16xf32, #tpu.memory_space<vmem>>, vector<16xf32>,
      tpu.vector_store_idx %arg12[%iota3A, %broadcast_in_dim3A_2157], %get3A_2161 : memref<32x129xf32, #tpu.memory_space<vmem>>[vector<16xi32>, vector<16xi32>], vector<16xf32>,
      %get3A_2162 = arith.constant 49 : i32
      %get3A_2163 = arith.index_cast %get3A_2162 : i32 to index
      %get3A_2164 = arith.constant 0 : index
      %get3A_2165 = tpu.vector_load %arg10[%get3A_2163, %get3A_2164] {strides = array<i32>} : memref<128x16xf32, #tpu.memory_space<vmem>>, vector<16xf32>,
      tpu.vector_store_idx %arg12[%add3A_5, %broadcast_in_dim3A_2157], %get3A_2165 : memref<32x129xf32, #tpu.memory_space<vmem>>[vector<16xi32>, vector<16xi32>], vector<16xf32>,
      %broadcast_in_dim3A_2166 = arith.constant 50 : i32
      %broadcast_in_dim3A_2167 = vector.broadcast %broadcast_in_dim3A_2166 : i32 to vector<16xi32>
      %get3A_2168 = arith.constant 50 : i32
      %get3A_2169 = arith.index_cast %get3A_2168 : i32 to index
      %get3A_2170 = arith.constant 0 : index
      %get3A_2171 = tpu.vector_load %arg8[%get3A_2169, %get3A_2170] {strides = array<i32>} : memref<128x16xf32, #tpu.memory_space<vmem>>, vector<16xf32>,
      tpu.vector_store_idx %arg12[%iota3A, %broadcast_in_dim3A_2167], %get3A_2171 : memref<32x129xf32, #tpu.memory_space<vmem>>[vector<16xi32>, vector<16xi32>], vector<16xf32>,
      %get3A_2172 = arith.constant 50 : i32
      %get3A_2173 = arith.index_cast %get3A_2172 : i32 to index
      %get3A_2174 = arith.constant 0 : index
      %get3A_2175 = tpu.vector_load %arg10[%get3A_2173, %get3A_2174] {strides = array<i32>} : memref<128x16xf32, #tpu.memory_space<vmem>>, vector<16xf32>,
      tpu.vector_store_idx %arg12[%add3A_5, %broadcast_in_dim3A_2167], %get3A_2175 : memref<32x129xf32, #tpu.memory_space<vmem>>[vector<16xi32>, vector<16xi32>], vector<16xf32>,
      %broadcast_in_dim3A_2176 = arith.constant 51 : i32
      %broadcast_in_dim3A_2177 = vector.broadcast %broadcast_in_dim3A_2176 : i32 to vector<16xi32>
      %get3A_2178 = arith.constant 51 : i32
      %get3A_2179 = arith.index_cast %get3A_2178 : i32 to index
      %get3A_2180 = arith.constant 0 : index
      %get3A_2181 = tpu.vector_load %arg8[%get3A_2179, %get3A_2180] {strides = array<i32>} : memref<128x16xf32, #tpu.memory_space<vmem>>, vector<16xf32>,
      tpu.vector_store_idx %arg12[%iota3A, %broadcast_in_dim3A_2177], %get3A_2181 : memref<32x129xf32, #tpu.memory_space<vmem>>[vector<16xi32>, vector<16xi32>], vector<16xf32>,
      %get3A_2182 = arith.constant 51 : i32
      %get3A_2183 = arith.index_cast %get3A_2182 : i32 to index
      %get3A_2184 = arith.constant 0 : index
      %get3A_2185 = tpu.vector_load %arg10[%get3A_2183, %get3A_2184] {strides = array<i32>} : memref<128x16xf32, #tpu.memory_space<vmem>>, vector<16xf32>,
      tpu.vector_store_idx %arg12[%add3A_5, %broadcast_in_dim3A_2177], %get3A_2185 : memref<32x129xf32, #tpu.memory_space<vmem>>[vector<16xi32>, vector<16xi32>], vector<16xf32>,
      %broadcast_in_dim3A_2186 = arith.constant 52 : i32
      %broadcast_in_dim3A_2187 = vector.broadcast %broadcast_in_dim3A_2186 : i32 to vector<16xi32>
      %get3A_2188 = arith.constant 52 : i32
      %get3A_2189 = arith.index_cast %get3A_2188 : i32 to index
      %get3A_2190 = arith.constant 0 : index
      %get3A_2191 = tpu.vector_load %arg8[%get3A_2189, %get3A_2190] {strides = array<i32>} : memref<128x16xf32, #tpu.memory_space<vmem>>, vector<16xf32>,
      tpu.vector_store_idx %arg12[%iota3A, %broadcast_in_dim3A_2187], %get3A_2191 : memref<32x129xf32, #tpu.memory_space<vmem>>[vector<16xi32>, vector<16xi32>], vector<16xf32>,
      %get3A_2192 = arith.constant 52 : i32
      %get3A_2193 = arith.index_cast %get3A_2192 : i32 to index
      %get3A_2194 = arith.constant 0 : index
      %get3A_2195 = tpu.vector_load %arg10[%get3A_2193, %get3A_2194] {strides = array<i32>} : memref<128x16xf32, #tpu.memory_space<vmem>>, vector<16xf32>,
      tpu.vector_store_idx %arg12[%add3A_5, %broadcast_in_dim3A_2187], %get3A_2195 : memref<32x129xf32, #tpu.memory_space<vmem>>[vector<16xi32>, vector<16xi32>], vector<16xf32>,
      %broadcast_in_dim3A_2196 = arith.constant 53 : i32
      %broadcast_in_dim3A_2197 = vector.broadcast %broadcast_in_dim3A_2196 : i32 to vector<16xi32>
      %get3A_2198 = arith.constant 53 : i32
      %get3A_2199 = arith.index_cast %get3A_2198 : i32 to index
      %get3A_2200 = arith.constant 0 : index
      %get3A_2201 = tpu.vector_load %arg8[%get3A_2199, %get3A_2200] {strides = array<i32>} : memref<128x16xf32, #tpu.memory_space<vmem>>, vector<16xf32>,
      tpu.vector_store_idx %arg12[%iota3A, %broadcast_in_dim3A_2197], %get3A_2201 : memref<32x129xf32, #tpu.memory_space<vmem>>[vector<16xi32>, vector<16xi32>], vector<16xf32>,
      %get3A_2202 = arith.constant 53 : i32
      %get3A_2203 = arith.index_cast %get3A_2202 : i32 to index
      %get3A_2204 = arith.constant 0 : index
      %get3A_2205 = tpu.vector_load %arg10[%get3A_2203, %get3A_2204] {strides = array<i32>} : memref<128x16xf32, #tpu.memory_space<vmem>>, vector<16xf32>,
      tpu.vector_store_idx %arg12[%add3A_5, %broadcast_in_dim3A_2197], %get3A_2205 : memref<32x129xf32, #tpu.memory_space<vmem>>[vector<16xi32>, vector<16xi32>], vector<16xf32>,
      %broadcast_in_dim3A_2206 = arith.constant 54 : i32
      %broadcast_in_dim3A_2207 = vector.broadcast %broadcast_in_dim3A_2206 : i32 to vector<16xi32>
      %get3A_2208 = arith.constant 54 : i32
      %get3A_2209 = arith.index_cast %get3A_2208 : i32 to index
      %get3A_2210 = arith.constant 0 : index
      %get3A_2211 = tpu.vector_load %arg8[%get3A_2209, %get3A_2210] {strides = array<i32>} : memref<128x16xf32, #tpu.memory_space<vmem>>, vector<16xf32>,
      tpu.vector_store_idx %arg12[%iota3A, %broadcast_in_dim3A_2207], %get3A_2211 : memref<32x129xf32, #tpu.memory_space<vmem>>[vector<16xi32>, vector<16xi32>], vector<16xf32>,
      %get3A_2212 = arith.constant 54 : i32
      %get3A_2213 = arith.index_cast %get3A_2212 : i32 to index
      %get3A_2214 = arith.constant 0 : index
      %get3A_2215 = tpu.vector_load %arg10[%get3A_2213, %get3A_2214] {strides = array<i32>} : memref<128x16xf32, #tpu.memory_space<vmem>>, vector<16xf32>,
      tpu.vector_store_idx %arg12[%add3A_5, %broadcast_in_dim3A_2207], %get3A_2215 : memref<32x129xf32, #tpu.memory_space<vmem>>[vector<16xi32>, vector<16xi32>], vector<16xf32>,
      %broadcast_in_dim3A_2216 = arith.constant 55 : i32
      %broadcast_in_dim3A_2217 = vector.broadcast %broadcast_in_dim3A_2216 : i32 to vector<16xi32>
      %get3A_2218 = arith.constant 55 : i32
      %get3A_2219 = arith.index_cast %get3A_2218 : i32 to index
      %get3A_2220 = arith.constant 0 : index
      %get3A_2221 = tpu.vector_load %arg8[%get3A_2219, %get3A_2220] {strides = array<i32>} : memref<128x16xf32, #tpu.memory_space<vmem>>, vector<16xf32>,
      tpu.vector_store_idx %arg12[%iota3A, %broadcast_in_dim3A_2217], %get3A_2221 : memref<32x129xf32, #tpu.memory_space<vmem>>[vector<16xi32>, vector<16xi32>], vector<16xf32>,
      %get3A_2222 = arith.constant 55 : i32
      %get3A_2223 = arith.index_cast %get3A_2222 : i32 to index
      %get3A_2224 = arith.constant 0 : index
      %get3A_2225 = tpu.vector_load %arg10[%get3A_2223, %get3A_2224] {strides = array<i32>} : memref<128x16xf32, #tpu.memory_space<vmem>>, vector<16xf32>,
      tpu.vector_store_idx %arg12[%add3A_5, %broadcast_in_dim3A_2217], %get3A_2225 : memref<32x129xf32, #tpu.memory_space<vmem>>[vector<16xi32>, vector<16xi32>], vector<16xf32>,
      %broadcast_in_dim3A_2226 = arith.constant 56 : i32
      %broadcast_in_dim3A_2227 = vector.broadcast %broadcast_in_dim3A_2226 : i32 to vector<16xi32>
      %get3A_2228 = arith.constant 56 : i32
      %get3A_2229 = arith.index_cast %get3A_2228 : i32 to index
      %get3A_2230 = arith.constant 0 : index
      %get3A_2231 = tpu.vector_load %arg8[%get3A_2229, %get3A_2230] {strides = array<i32>} : memref<128x16xf32, #tpu.memory_space<vmem>>, vector<16xf32>,
      tpu.vector_store_idx %arg12[%iota3A, %broadcast_in_dim3A_2227], %get3A_2231 : memref<32x129xf32, #tpu.memory_space<vmem>>[vector<16xi32>, vector<16xi32>], vector<16xf32>,
      %get3A_2232 = arith.constant 56 : i32
      %get3A_2233 = arith.index_cast %get3A_2232 : i32 to index
      %get3A_2234 = arith.constant 0 : index
      %get3A_2235 = tpu.vector_load %arg10[%get3A_2233, %get3A_2234] {strides = array<i32>} : memref<128x16xf32, #tpu.memory_space<vmem>>, vector<16xf32>,
      tpu.vector_store_idx %arg12[%add3A_5, %broadcast_in_dim3A_2227], %get3A_2235 : memref<32x129xf32, #tpu.memory_space<vmem>>[vector<16xi32>, vector<16xi32>], vector<16xf32>,
      %broadcast_in_dim3A_2236 = arith.constant 57 : i32
      %broadcast_in_dim3A_2237 = vector.broadcast %broadcast_in_dim3A_2236 : i32 to vector<16xi32>
      %get3A_2238 = arith.constant 57 : i32
      %get3A_2239 = arith.index_cast %get3A_2238 : i32 to index
      %get3A_2240 = arith.constant 0 : index
      %get3A_2241 = tpu.vector_load %arg8[%get3A_2239, %get3A_2240] {strides = array<i32>} : memref<128x16xf32, #tpu.memory_space<vmem>>, vector<16xf32>,
      tpu.vector_store_idx %arg12[%iota3A, %broadcast_in_dim3A_2237], %get3A_2241 : memref<32x129xf32, #tpu.memory_space<vmem>>[vector<16xi32>, vector<16xi32>], vector<16xf32>,
      %get3A_2242 = arith.constant 57 : i32
      %get3A_2243 = arith.index_cast %get3A_2242 : i32 to index
      %get3A_2244 = arith.constant 0 : index
      %get3A_2245 = tpu.vector_load %arg10[%get3A_2243, %get3A_2244] {strides = array<i32>} : memref<128x16xf32, #tpu.memory_space<vmem>>, vector<16xf32>,
      tpu.vector_store_idx %arg12[%add3A_5, %broadcast_in_dim3A_2237], %get3A_2245 : memref<32x129xf32, #tpu.memory_space<vmem>>[vector<16xi32>, vector<16xi32>], vector<16xf32>,
      %broadcast_in_dim3A_2246 = arith.constant 58 : i32
      %broadcast_in_dim3A_2247 = vector.broadcast %broadcast_in_dim3A_2246 : i32 to vector<16xi32>
      %get3A_2248 = arith.constant 58 : i32
      %get3A_2249 = arith.index_cast %get3A_2248 : i32 to index
      %get3A_2250 = arith.constant 0 : index
      %get3A_2251 = tpu.vector_load %arg8[%get3A_2249, %get3A_2250] {strides = array<i32>} : memref<128x16xf32, #tpu.memory_space<vmem>>, vector<16xf32>,
      tpu.vector_store_idx %arg12[%iota3A, %broadcast_in_dim3A_2247], %get3A_2251 : memref<32x129xf32, #tpu.memory_space<vmem>>[vector<16xi32>, vector<16xi32>], vector<16xf32>,
      %get3A_2252 = arith.constant 58 : i32
      %get3A_2253 = arith.index_cast %get3A_2252 : i32 to index
      %get3A_2254 = arith.constant 0 : index
      %get3A_2255 = tpu.vector_load %arg10[%get3A_2253, %get3A_2254] {strides = array<i32>} : memref<128x16xf32, #tpu.memory_space<vmem>>, vector<16xf32>,
      tpu.vector_store_idx %arg12[%add3A_5, %broadcast_in_dim3A_2247], %get3A_2255 : memref<32x129xf32, #tpu.memory_space<vmem>>[vector<16xi32>, vector<16xi32>], vector<16xf32>,
      %broadcast_in_dim3A_2256 = arith.constant 59 : i32
      %broadcast_in_dim3A_2257 = vector.broadcast %broadcast_in_dim3A_2256 : i32 to vector<16xi32>
      %get3A_2258 = arith.constant 59 : i32
      %get3A_2259 = arith.index_cast %get3A_2258 : i32 to index
      %get3A_2260 = arith.constant 0 : index
      %get3A_2261 = tpu.vector_load %arg8[%get3A_2259, %get3A_2260] {strides = array<i32>} : memref<128x16xf32, #tpu.memory_space<vmem>>, vector<16xf32>,
      tpu.vector_store_idx %arg12[%iota3A, %broadcast_in_dim3A_2257], %get3A_2261 : memref<32x129xf32, #tpu.memory_space<vmem>>[vector<16xi32>, vector<16xi32>], vector<16xf32>,
      %get3A_2262 = arith.constant 59 : i32
      %get3A_2263 = arith.index_cast %get3A_2262 : i32 to index
      %get3A_2264 = arith.constant 0 : index
      %get3A_2265 = tpu.vector_load %arg10[%get3A_2263, %get3A_2264] {strides = array<i32>} : memref<128x16xf32, #tpu.memory_space<vmem>>, vector<16xf32>,
      tpu.vector_store_idx %arg12[%add3A_5, %broadcast_in_dim3A_2257], %get3A_2265 : memref<32x129xf32, #tpu.memory_space<vmem>>[vector<16xi32>, vector<16xi32>], vector<16xf32>,
      %broadcast_in_dim3A_2266 = arith.constant 60 : i32
      %broadcast_in_dim3A_2267 = vector.broadcast %broadcast_in_dim3A_2266 : i32 to vector<16xi32>
      %get3A_2268 = arith.constant 60 : i32
      %get3A_2269 = arith.index_cast %get3A_2268 : i32 to index
      %get3A_2270 = arith.constant 0 : index
      %get3A_2271 = tpu.vector_load %arg8[%get3A_2269, %get3A_2270] {strides = array<i32>} : memref<128x16xf32, #tpu.memory_space<vmem>>, vector<16xf32>,
      tpu.vector_store_idx %arg12[%iota3A, %broadcast_in_dim3A_2267], %get3A_2271 : memref<32x129xf32, #tpu.memory_space<vmem>>[vector<16xi32>, vector<16xi32>], vector<16xf32>,
      %get3A_2272 = arith.constant 60 : i32
      %get3A_2273 = arith.index_cast %get3A_2272 : i32 to index
      %get3A_2274 = arith.constant 0 : index
      %get3A_2275 = tpu.vector_load %arg10[%get3A_2273, %get3A_2274] {strides = array<i32>} : memref<128x16xf32, #tpu.memory_space<vmem>>, vector<16xf32>,
      tpu.vector_store_idx %arg12[%add3A_5, %broadcast_in_dim3A_2267], %get3A_2275 : memref<32x129xf32, #tpu.memory_space<vmem>>[vector<16xi32>, vector<16xi32>], vector<16xf32>,
      %broadcast_in_dim3A_2276 = arith.constant 61 : i32
      %broadcast_in_dim3A_2277 = vector.broadcast %broadcast_in_dim3A_2276 : i32 to vector<16xi32>
      %get3A_2278 = arith.constant 61 : i32
      %get3A_2279 = arith.index_cast %get3A_2278 : i32 to index
      %get3A_2280 = arith.constant 0 : index
      %get3A_2281 = tpu.vector_load %arg8[%get3A_2279, %get3A_2280] {strides = array<i32>} : memref<128x16xf32, #tpu.memory_space<vmem>>, vector<16xf32>,
      tpu.vector_store_idx %arg12[%iota3A, %broadcast_in_dim3A_2277], %get3A_2281 : memref<32x129xf32, #tpu.memory_space<vmem>>[vector<16xi32>, vector<16xi32>], vector<16xf32>,
      %get3A_2282 = arith.constant 61 : i32
      %get3A_2283 = arith.index_cast %get3A_2282 : i32 to index
      %get3A_2284 = arith.constant 0 : index
      %get3A_2285 = tpu.vector_load %arg10[%get3A_2283, %get3A_2284] {strides = array<i32>} : memref<128x16xf32, #tpu.memory_space<vmem>>, vector<16xf32>,
      tpu.vector_store_idx %arg12[%add3A_5, %broadcast_in_dim3A_2277], %get3A_2285 : memref<32x129xf32, #tpu.memory_space<vmem>>[vector<16xi32>, vector<16xi32>], vector<16xf32>,
      %broadcast_in_dim3A_2286 = arith.constant 62 : i32
      %broadcast_in_dim3A_2287 = vector.broadcast %broadcast_in_dim3A_2286 : i32 to vector<16xi32>
      %get3A_2288 = arith.constant 62 : i32
      %get3A_2289 = arith.index_cast %get3A_2288 : i32 to index
      %get3A_2290 = arith.constant 0 : index
      %get3A_2291 = tpu.vector_load %arg8[%get3A_2289, %get3A_2290] {strides = array<i32>} : memref<128x16xf32, #tpu.memory_space<vmem>>, vector<16xf32>,
      tpu.vector_store_idx %arg12[%iota3A, %broadcast_in_dim3A_2287], %get3A_2291 : memref<32x129xf32, #tpu.memory_space<vmem>>[vector<16xi32>, vector<16xi32>], vector<16xf32>,
      %get3A_2292 = arith.constant 62 : i32
      %get3A_2293 = arith.index_cast %get3A_2292 : i32 to index
      %get3A_2294 = arith.constant 0 : index
      %get3A_2295 = tpu.vector_load %arg10[%get3A_2293, %get3A_2294] {strides = array<i32>} : memref<128x16xf32, #tpu.memory_space<vmem>>, vector<16xf32>,
      tpu.vector_store_idx %arg12[%add3A_5, %broadcast_in_dim3A_2287], %get3A_2295 : memref<32x129xf32, #tpu.memory_space<vmem>>[vector<16xi32>, vector<16xi32>], vector<16xf32>,
      %broadcast_in_dim3A_2296 = arith.constant 63 : i32
      %broadcast_in_dim3A_2297 = vector.broadcast %broadcast_in_dim3A_2296 : i32 to vector<16xi32>
      %get3A_2298 = arith.constant 63 : i32
      %get3A_2299 = arith.index_cast %get3A_2298 : i32 to index
      %get3A_2300 = arith.constant 0 : index
      %get3A_2301 = tpu.vector_load %arg8[%get3A_2299, %get3A_2300] {strides = array<i32>} : memref<128x16xf32, #tpu.memory_space<vmem>>, vector<16xf32>,
      tpu.vector_store_idx %arg12[%iota3A, %broadcast_in_dim3A_2297], %get3A_2301 : memref<32x129xf32, #tpu.memory_space<vmem>>[vector<16xi32>, vector<16xi32>], vector<16xf32>,
      %get3A_2302 = arith.constant 63 : i32
      %get3A_2303 = arith.index_cast %get3A_2302 : i32 to index
      %get3A_2304 = arith.constant 0 : index
      %get3A_2305 = tpu.vector_load %arg10[%get3A_2303, %get3A_2304] {strides = array<i32>} : memref<128x16xf32, #tpu.memory_space<vmem>>, vector<16xf32>,
      tpu.vector_store_idx %arg12[%add3A_5, %broadcast_in_dim3A_2297], %get3A_2305 : memref<32x129xf32, #tpu.memory_space<vmem>>[vector<16xi32>, vector<16xi32>], vector<16xf32>,
      %broadcast_in_dim3A_2306 = arith.constant 64 : i32
      %broadcast_in_dim3A_2307 = vector.broadcast %broadcast_in_dim3A_2306 : i32 to vector<16xi32>
      %get3A_2308 = arith.constant 64 : i32
      %get3A_2309 = arith.index_cast %get3A_2308 : i32 to index
      %get3A_2310 = arith.constant 0 : index
      %get3A_2311 = tpu.vector_load %arg8[%get3A_2309, %get3A_2310] {strides = array<i32>} : memref<128x16xf32, #tpu.memory_space<vmem>>, vector<16xf32>,
      tpu.vector_store_idx %arg12[%iota3A, %broadcast_in_dim3A_2307], %get3A_2311 : memref<32x129xf32, #tpu.memory_space<vmem>>[vector<16xi32>, vector<16xi32>], vector<16xf32>,
      %get3A_2312 = arith.constant 64 : i32
      %get3A_2313 = arith.index_cast %get3A_2312 : i32 to index
      %get3A_2314 = arith.constant 0 : index
      %get3A_2315 = tpu.vector_load %arg10[%get3A_2313, %get3A_2314] {strides = array<i32>} : memref<128x16xf32, #tpu.memory_space<vmem>>, vector<16xf32>,
      tpu.vector_store_idx %arg12[%add3A_5, %broadcast_in_dim3A_2307], %get3A_2315 : memref<32x129xf32, #tpu.memory_space<vmem>>[vector<16xi32>, vector<16xi32>], vector<16xf32>,
      %broadcast_in_dim3A_2316 = arith.constant 65 : i32
      %broadcast_in_dim3A_2317 = vector.broadcast %broadcast_in_dim3A_2316 : i32 to vector<16xi32>
      %get3A_2318 = arith.constant 65 : i32
      %get3A_2319 = arith.index_cast %get3A_2318 : i32 to index
      %get3A_2320 = arith.constant 0 : index
      %get3A_2321 = tpu.vector_load %arg8[%get3A_2319, %get3A_2320] {strides = array<i32>} : memref<128x16xf32, #tpu.memory_space<vmem>>, vector<16xf32>,
      tpu.vector_store_idx %arg12[%iota3A, %broadcast_in_dim3A_2317], %get3A_2321 : memref<32x129xf32, #tpu.memory_space<vmem>>[vector<16xi32>, vector<16xi32>], vector<16xf32>,
      %get3A_2322 = arith.constant 65 : i32
      %get3A_2323 = arith.index_cast %get3A_2322 : i32 to index
      %get3A_2324 = arith.constant 0 : index
      %get3A_2325 = tpu.vector_load %arg10[%get3A_2323, %get3A_2324] {strides = array<i32>} : memref<128x16xf32, #tpu.memory_space<vmem>>, vector<16xf32>,
      tpu.vector_store_idx %arg12[%add3A_5, %broadcast_in_dim3A_2317], %get3A_2325 : memref<32x129xf32, #tpu.memory_space<vmem>>[vector<16xi32>, vector<16xi32>], vector<16xf32>,
      %broadcast_in_dim3A_2326 = arith.constant 66 : i32
      %broadcast_in_dim3A_2327 = vector.broadcast %broadcast_in_dim3A_2326 : i32 to vector<16xi32>
      %get3A_2328 = arith.constant 66 : i32
      %get3A_2329 = arith.index_cast %get3A_2328 : i32 to index
      %get3A_2330 = arith.constant 0 : index
      %get3A_2331 = tpu.vector_load %arg8[%get3A_2329, %get3A_2330] {strides = array<i32>} : memref<128x16xf32, #tpu.memory_space<vmem>>, vector<16xf32>,
      tpu.vector_store_idx %arg12[%iota3A, %broadcast_in_dim3A_2327], %get3A_2331 : memref<32x129xf32, #tpu.memory_space<vmem>>[vector<16xi32>, vector<16xi32>], vector<16xf32>,
      %get3A_2332 = arith.constant 66 : i32
      %get3A_2333 = arith.index_cast %get3A_2332 : i32 to index
      %get3A_2334 = arith.constant 0 : index
      %get3A_2335 = tpu.vector_load %arg10[%get3A_2333, %get3A_2334] {strides = array<i32>} : memref<128x16xf32, #tpu.memory_space<vmem>>, vector<16xf32>,
      tpu.vector_store_idx %arg12[%add3A_5, %broadcast_in_dim3A_2327], %get3A_2335 : memref<32x129xf32, #tpu.memory_space<vmem>>[vector<16xi32>, vector<16xi32>], vector<16xf32>,
      %broadcast_in_dim3A_2336 = arith.constant 67 : i32
      %broadcast_in_dim3A_2337 = vector.broadcast %broadcast_in_dim3A_2336 : i32 to vector<16xi32>
      %get3A_2338 = arith.constant 67 : i32
      %get3A_2339 = arith.index_cast %get3A_2338 : i32 to index
      %get3A_2340 = arith.constant 0 : index
      %get3A_2341 = tpu.vector_load %arg8[%get3A_2339, %get3A_2340] {strides = array<i32>} : memref<128x16xf32, #tpu.memory_space<vmem>>, vector<16xf32>,
      tpu.vector_store_idx %arg12[%iota3A, %broadcast_in_dim3A_2337], %get3A_2341 : memref<32x129xf32, #tpu.memory_space<vmem>>[vector<16xi32>, vector<16xi32>], vector<16xf32>,
      %get3A_2342 = arith.constant 67 : i32
      %get3A_2343 = arith.index_cast %get3A_2342 : i32 to index
      %get3A_2344 = arith.constant 0 : index
      %get3A_2345 = tpu.vector_load %arg10[%get3A_2343, %get3A_2344] {strides = array<i32>} : memref<128x16xf32, #tpu.memory_space<vmem>>, vector<16xf32>,
      tpu.vector_store_idx %arg12[%add3A_5, %broadcast_in_dim3A_2337], %get3A_2345 : memref<32x129xf32, #tpu.memory_space<vmem>>[vector<16xi32>, vector<16xi32>], vector<16xf32>,
      %broadcast_in_dim3A_2346 = arith.constant 68 : i32
      %broadcast_in_dim3A_2347 = vector.broadcast %broadcast_in_dim3A_2346 : i32 to vector<16xi32>
      %get3A_2348 = arith.constant 68 : i32
      %get3A_2349 = arith.index_cast %get3A_2348 : i32 to index
      %get3A_2350 = arith.constant 0 : index
      %get3A_2351 = tpu.vector_load %arg8[%get3A_2349, %get3A_2350] {strides = array<i32>} : memref<128x16xf32, #tpu.memory_space<vmem>>, vector<16xf32>,
      tpu.vector_store_idx %arg12[%iota3A, %broadcast_in_dim3A_2347], %get3A_2351 : memref<32x129xf32, #tpu.memory_space<vmem>>[vector<16xi32>, vector<16xi32>], vector<16xf32>,
      %get3A_2352 = arith.constant 68 : i32
      %get3A_2353 = arith.index_cast %get3A_2352 : i32 to index
      %get3A_2354 = arith.constant 0 : index
      %get3A_2355 = tpu.vector_load %arg10[%get3A_2353, %get3A_2354] {strides = array<i32>} : memref<128x16xf32, #tpu.memory_space<vmem>>, vector<16xf32>,
      tpu.vector_store_idx %arg12[%add3A_5, %broadcast_in_dim3A_2347], %get3A_2355 : memref<32x129xf32, #tpu.memory_space<vmem>>[vector<16xi32>, vector<16xi32>], vector<16xf32>,
      %broadcast_in_dim3A_2356 = arith.constant 69 : i32
      %broadcast_in_dim3A_2357 = vector.broadcast %broadcast_in_dim3A_2356 : i32 to vector<16xi32>
      %get3A_2358 = arith.constant 69 : i32
      %get3A_2359 = arith.index_cast %get3A_2358 : i32 to index
      %get3A_2360 = arith.constant 0 : index
      %get3A_2361 = tpu.vector_load %arg8[%get3A_2359, %get3A_2360] {strides = array<i32>} : memref<128x16xf32, #tpu.memory_space<vmem>>, vector<16xf32>,
      tpu.vector_store_idx %arg12[%iota3A, %broadcast_in_dim3A_2357], %get3A_2361 : memref<32x129xf32, #tpu.memory_space<vmem>>[vector<16xi32>, vector<16xi32>], vector<16xf32>,
      %get3A_2362 = arith.constant 69 : i32
      %get3A_2363 = arith.index_cast %get3A_2362 : i32 to index
      %get3A_2364 = arith.constant 0 : index
      %get3A_2365 = tpu.vector_load %arg10[%get3A_2363, %get3A_2364] {strides = array<i32>} : memref<128x16xf32, #tpu.memory_space<vmem>>, vector<16xf32>,
      tpu.vector_store_idx %arg12[%add3A_5, %broadcast_in_dim3A_2357], %get3A_2365 : memref<32x129xf32, #tpu.memory_space<vmem>>[vector<16xi32>, vector<16xi32>], vector<16xf32>,
      %broadcast_in_dim3A_2366 = arith.constant 70 : i32
      %broadcast_in_dim3A_2367 = vector.broadcast %broadcast_in_dim3A_2366 : i32 to vector<16xi32>
      %get3A_2368 = arith.constant 70 : i32
      %get3A_2369 = arith.index_cast %get3A_2368 : i32 to index
      %get3A_2370 = arith.constant 0 : index
      %get3A_2371 = tpu.vector_load %arg8[%get3A_2369, %get3A_2370] {strides = array<i32>} : memref<128x16xf32, #tpu.memory_space<vmem>>, vector<16xf32>,
      tpu.vector_store_idx %arg12[%iota3A, %broadcast_in_dim3A_2367], %get3A_2371 : memref<32x129xf32, #tpu.memory_space<vmem>>[vector<16xi32>, vector<16xi32>], vector<16xf32>,
      %get3A_2372 = arith.constant 70 : i32
      %get3A_2373 = arith.index_cast %get3A_2372 : i32 to index
      %get3A_2374 = arith.constant 0 : index
      %get3A_2375 = tpu.vector_load %arg10[%get3A_2373, %get3A_2374] {strides = array<i32>} : memref<128x16xf32, #tpu.memory_space<vmem>>, vector<16xf32>,
      tpu.vector_store_idx %arg12[%add3A_5, %broadcast_in_dim3A_2367], %get3A_2375 : memref<32x129xf32, #tpu.memory_space<vmem>>[vector<16xi32>, vector<16xi32>], vector<16xf32>,
      %broadcast_in_dim3A_2376 = arith.constant 71 : i32
      %broadcast_in_dim3A_2377 = vector.broadcast %broadcast_in_dim3A_2376 : i32 to vector<16xi32>
      %get3A_2378 = arith.constant 71 : i32
      %get3A_2379 = arith.index_cast %get3A_2378 : i32 to index
      %get3A_2380 = arith.constant 0 : index
      %get3A_2381 = tpu.vector_load %arg8[%get3A_2379, %get3A_2380] {strides = array<i32>} : memref<128x16xf32, #tpu.memory_space<vmem>>, vector<16xf32>,
      tpu.vector_store_idx %arg12[%iota3A, %broadcast_in_dim3A_2377], %get3A_2381 : memref<32x129xf32, #tpu.memory_space<vmem>>[vector<16xi32>, vector<16xi32>], vector<16xf32>,
      %get3A_2382 = arith.constant 71 : i32
      %get3A_2383 = arith.index_cast %get3A_2382 : i32 to index
      %get3A_2384 = arith.constant 0 : index
      %get3A_2385 = tpu.vector_load %arg10[%get3A_2383, %get3A_2384] {strides = array<i32>} : memref<128x16xf32, #tpu.memory_space<vmem>>, vector<16xf32>,
      tpu.vector_store_idx %arg12[%add3A_5, %broadcast_in_dim3A_2377], %get3A_2385 : memref<32x129xf32, #tpu.memory_space<vmem>>[vector<16xi32>, vector<16xi32>], vector<16xf32>,
      %broadcast_in_dim3A_2386 = arith.constant 72 : i32
      %broadcast_in_dim3A_2387 = vector.broadcast %broadcast_in_dim3A_2386 : i32 to vector<16xi32>
      %get3A_2388 = arith.constant 72 : i32
      %get3A_2389 = arith.index_cast %get3A_2388 : i32 to index
      %get3A_2390 = arith.constant 0 : index
      %get3A_2391 = tpu.vector_load %arg8[%get3A_2389, %get3A_2390] {strides = array<i32>} : memref<128x16xf32, #tpu.memory_space<vmem>>, vector<16xf32>,
      tpu.vector_store_idx %arg12[%iota3A, %broadcast_in_dim3A_2387], %get3A_2391 : memref<32x129xf32, #tpu.memory_space<vmem>>[vector<16xi32>, vector<16xi32>], vector<16xf32>,
      %get3A_2392 = arith.constant 72 : i32
      %get3A_2393 = arith.index_cast %get3A_2392 : i32 to index
      %get3A_2394 = arith.constant 0 : index
      %get3A_2395 = tpu.vector_load %arg10[%get3A_2393, %get3A_2394] {strides = array<i32>} : memref<128x16xf32, #tpu.memory_space<vmem>>, vector<16xf32>,
      tpu.vector_store_idx %arg12[%add3A_5, %broadcast_in_dim3A_2387], %get3A_2395 : memref<32x129xf32, #tpu.memory_space<vmem>>[vector<16xi32>, vector<16xi32>], vector<16xf32>,
      %broadcast_in_dim3A_2396 = arith.constant 73 : i32
      %broadcast_in_dim3A_2397 = vector.broadcast %broadcast_in_dim3A_2396 : i32 to vector<16xi32>
      %get3A_2398 = arith.constant 73 : i32
      %get3A_2399 = arith.index_cast %get3A_2398 : i32 to index
      %get3A_2400 = arith.constant 0 : index
      %get3A_2401 = tpu.vector_load %arg8[%get3A_2399, %get3A_2400] {strides = array<i32>} : memref<128x16xf32, #tpu.memory_space<vmem>>, vector<16xf32>,
      tpu.vector_store_idx %arg12[%iota3A, %broadcast_in_dim3A_2397], %get3A_2401 : memref<32x129xf32, #tpu.memory_space<vmem>>[vector<16xi32>, vector<16xi32>], vector<16xf32>,
      %get3A_2402 = arith.constant 73 : i32
      %get3A_2403 = arith.index_cast %get3A_2402 : i32 to index
      %get3A_2404 = arith.constant 0 : index
      %get3A_2405 = tpu.vector_load %arg10[%get3A_2403, %get3A_2404] {strides = array<i32>} : memref<128x16xf32, #tpu.memory_space<vmem>>, vector<16xf32>,
      tpu.vector_store_idx %arg12[%add3A_5, %broadcast_in_dim3A_2397], %get3A_2405 : memref<32x129xf32, #tpu.memory_space<vmem>>[vector<16xi32>, vector<16xi32>], vector<16xf32>,
      %broadcast_in_dim3A_2406 = arith.constant 74 : i32
      %broadcast_in_dim3A_2407 = vector.broadcast %broadcast_in_dim3A_2406 : i32 to vector<16xi32>
      %get3A_2408 = arith.constant 74 : i32
      %get3A_2409 = arith.index_cast %get3A_2408 : i32 to index
      %get3A_2410 = arith.constant 0 : index
      %get3A_2411 = tpu.vector_load %arg8[%get3A_2409, %get3A_2410] {strides = array<i32>} : memref<128x16xf32, #tpu.memory_space<vmem>>, vector<16xf32>,
      tpu.vector_store_idx %arg12[%iota3A, %broadcast_in_dim3A_2407], %get3A_2411 : memref<32x129xf32, #tpu.memory_space<vmem>>[vector<16xi32>, vector<16xi32>], vector<16xf32>,
      %get3A_2412 = arith.constant 74 : i32
      %get3A_2413 = arith.index_cast %get3A_2412 : i32 to index
      %get3A_2414 = arith.constant 0 : index
      %get3A_2415 = tpu.vector_load %arg10[%get3A_2413, %get3A_2414] {strides = array<i32>} : memref<128x16xf32, #tpu.memory_space<vmem>>, vector<16xf32>,
      tpu.vector_store_idx %arg12[%add3A_5, %broadcast_in_dim3A_2407], %get3A_2415 : memref<32x129xf32, #tpu.memory_space<vmem>>[vector<16xi32>, vector<16xi32>], vector<16xf32>,
      %broadcast_in_dim3A_2416 = arith.constant 75 : i32
      %broadcast_in_dim3A_2417 = vector.broadcast %broadcast_in_dim3A_2416 : i32 to vector<16xi32>
      %get3A_2418 = arith.constant 75 : i32
      %get3A_2419 = arith.index_cast %get3A_2418 : i32 to index
      %get3A_2420 = arith.constant 0 : index
      %get3A_2421 = tpu.vector_load %arg8[%get3A_2419, %get3A_2420] {strides = array<i32>} : memref<128x16xf32, #tpu.memory_space<vmem>>, vector<16xf32>,
      tpu.vector_store_idx %arg12[%iota3A, %broadcast_in_dim3A_2417], %get3A_2421 : memref<32x129xf32, #tpu.memory_space<vmem>>[vector<16xi32>, vector<16xi32>], vector<16xf32>,
      %get3A_2422 = arith.constant 75 : i32
      %get3A_2423 = arith.index_cast %get3A_2422 : i32 to index
      %get3A_2424 = arith.constant 0 : index
      %get3A_2425 = tpu.vector_load %arg10[%get3A_2423, %get3A_2424] {strides = array<i32>} : memref<128x16xf32, #tpu.memory_space<vmem>>, vector<16xf32>,
      tpu.vector_store_idx %arg12[%add3A_5, %broadcast_in_dim3A_2417], %get3A_2425 : memref<32x129xf32, #tpu.memory_space<vmem>>[vector<16xi32>, vector<16xi32>], vector<16xf32>,
      %broadcast_in_dim3A_2426 = arith.constant 76 : i32
      %broadcast_in_dim3A_2427 = vector.broadcast %broadcast_in_dim3A_2426 : i32 to vector<16xi32>
      %get3A_2428 = arith.constant 76 : i32
      %get3A_2429 = arith.index_cast %get3A_2428 : i32 to index
      %get3A_2430 = arith.constant 0 : index
      %get3A_2431 = tpu.vector_load %arg8[%get3A_2429, %get3A_2430] {strides = array<i32>} : memref<128x16xf32, #tpu.memory_space<vmem>>, vector<16xf32>,
      tpu.vector_store_idx %arg12[%iota3A, %broadcast_in_dim3A_2427], %get3A_2431 : memref<32x129xf32, #tpu.memory_space<vmem>>[vector<16xi32>, vector<16xi32>], vector<16xf32>,
      %get3A_2432 = arith.constant 76 : i32
      %get3A_2433 = arith.index_cast %get3A_2432 : i32 to index
      %get3A_2434 = arith.constant 0 : index
      %get3A_2435 = tpu.vector_load %arg10[%get3A_2433, %get3A_2434] {strides = array<i32>} : memref<128x16xf32, #tpu.memory_space<vmem>>, vector<16xf32>,
      tpu.vector_store_idx %arg12[%add3A_5, %broadcast_in_dim3A_2427], %get3A_2435 : memref<32x129xf32, #tpu.memory_space<vmem>>[vector<16xi32>, vector<16xi32>], vector<16xf32>,
      %broadcast_in_dim3A_2436 = arith.constant 77 : i32
      %broadcast_in_dim3A_2437 = vector.broadcast %broadcast_in_dim3A_2436 : i32 to vector<16xi32>
      %get3A_2438 = arith.constant 77 : i32
      %get3A_2439 = arith.index_cast %get3A_2438 : i32 to index
      %get3A_2440 = arith.constant 0 : index
      %get3A_2441 = tpu.vector_load %arg8[%get3A_2439, %get3A_2440] {strides = array<i32>} : memref<128x16xf32, #tpu.memory_space<vmem>>, vector<16xf32>,
      tpu.vector_store_idx %arg12[%iota3A, %broadcast_in_dim3A_2437], %get3A_2441 : memref<32x129xf32, #tpu.memory_space<vmem>>[vector<16xi32>, vector<16xi32>], vector<16xf32>,
      %get3A_2442 = arith.constant 77 : i32
      %get3A_2443 = arith.index_cast %get3A_2442 : i32 to index
      %get3A_2444 = arith.constant 0 : index
      %get3A_2445 = tpu.vector_load %arg10[%get3A_2443, %get3A_2444] {strides = array<i32>} : memref<128x16xf32, #tpu.memory_space<vmem>>, vector<16xf32>,
      tpu.vector_store_idx %arg12[%add3A_5, %broadcast_in_dim3A_2437], %get3A_2445 : memref<32x129xf32, #tpu.memory_space<vmem>>[vector<16xi32>, vector<16xi32>], vector<16xf32>,
      %broadcast_in_dim3A_2446 = arith.constant 78 : i32
      %broadcast_in_dim3A_2447 = vector.broadcast %broadcast_in_dim3A_2446 : i32 to vector<16xi32>
      %get3A_2448 = arith.constant 78 : i32
      %get3A_2449 = arith.index_cast %get3A_2448 : i32 to index
      %get3A_2450 = arith.constant 0 : index
      %get3A_2451 = tpu.vector_load %arg8[%get3A_2449, %get3A_2450] {strides = array<i32>} : memref<128x16xf32, #tpu.memory_space<vmem>>, vector<16xf32>,
      tpu.vector_store_idx %arg12[%iota3A, %broadcast_in_dim3A_2447], %get3A_2451 : memref<32x129xf32, #tpu.memory_space<vmem>>[vector<16xi32>, vector<16xi32>], vector<16xf32>,
      %get3A_2452 = arith.constant 78 : i32
      %get3A_2453 = arith.index_cast %get3A_2452 : i32 to index
      %get3A_2454 = arith.constant 0 : index
      %get3A_2455 = tpu.vector_load %arg10[%get3A_2453, %get3A_2454] {strides = array<i32>} : memref<128x16xf32, #tpu.memory_space<vmem>>, vector<16xf32>,
      tpu.vector_store_idx %arg12[%add3A_5, %broadcast_in_dim3A_2447], %get3A_2455 : memref<32x129xf32, #tpu.memory_space<vmem>>[vector<16xi32>, vector<16xi32>], vector<16xf32>,
      %broadcast_in_dim3A_2456 = arith.constant 79 : i32
      %broadcast_in_dim3A_2457 = vector.broadcast %broadcast_in_dim3A_2456 : i32 to vector<16xi32>
      %get3A_2458 = arith.constant 79 : i32
      %get3A_2459 = arith.index_cast %get3A_2458 : i32 to index
      %get3A_2460 = arith.constant 0 : index
      %get3A_2461 = tpu.vector_load %arg8[%get3A_2459, %get3A_2460] {strides = array<i32>} : memref<128x16xf32, #tpu.memory_space<vmem>>, vector<16xf32>,
      tpu.vector_store_idx %arg12[%iota3A, %broadcast_in_dim3A_2457], %get3A_2461 : memref<32x129xf32, #tpu.memory_space<vmem>>[vector<16xi32>, vector<16xi32>], vector<16xf32>,
      %get3A_2462 = arith.constant 79 : i32
      %get3A_2463 = arith.index_cast %get3A_2462 : i32 to index
      %get3A_2464 = arith.constant 0 : index
      %get3A_2465 = tpu.vector_load %arg10[%get3A_2463, %get3A_2464] {strides = array<i32>} : memref<128x16xf32, #tpu.memory_space<vmem>>, vector<16xf32>,
      tpu.vector_store_idx %arg12[%add3A_5, %broadcast_in_dim3A_2457], %get3A_2465 : memref<32x129xf32, #tpu.memory_space<vmem>>[vector<16xi32>, vector<16xi32>], vector<16xf32>,
      %broadcast_in_dim3A_2466 = arith.constant 80 : i32
      %broadcast_in_dim3A_2467 = vector.broadcast %broadcast_in_dim3A_2466 : i32 to vector<16xi32>
      %get3A_2468 = arith.constant 80 : i32
      %get3A_2469 = arith.index_cast %get3A_2468 : i32 to index
      %get3A_2470 = arith.constant 0 : index
      %get3A_2471 = tpu.vector_load %arg8[%get3A_2469, %get3A_2470] {strides = array<i32>} : memref<128x16xf32, #tpu.memory_space<vmem>>, vector<16xf32>,
      tpu.vector_store_idx %arg12[%iota3A, %broadcast_in_dim3A_2467], %get3A_2471 : memref<32x129xf32, #tpu.memory_space<vmem>>[vector<16xi32>, vector<16xi32>], vector<16xf32>,
      %get3A_2472 = arith.constant 80 : i32
      %get3A_2473 = arith.index_cast %get3A_2472 : i32 to index
      %get3A_2474 = arith.constant 0 : index
      %get3A_2475 = tpu.vector_load %arg10[%get3A_2473, %get3A_2474] {strides = array<i32>} : memref<128x16xf32, #tpu.memory_space<vmem>>, vector<16xf32>,
      tpu.vector_store_idx %arg12[%add3A_5, %broadcast_in_dim3A_2467], %get3A_2475 : memref<32x129xf32, #tpu.memory_space<vmem>>[vector<16xi32>, vector<16xi32>], vector<16xf32>,
      %broadcast_in_dim3A_2476 = arith.constant 81 : i32
      %broadcast_in_dim3A_2477 = vector.broadcast %broadcast_in_dim3A_2476 : i32 to vector<16xi32>
      %get3A_2478 = arith.constant 81 : i32
      %get3A_2479 = arith.index_cast %get3A_2478 : i32 to index
      %get3A_2480 = arith.constant 0 : index
      %get3A_2481 = tpu.vector_load %arg8[%get3A_2479, %get3A_2480] {strides = array<i32>} : memref<128x16xf32, #tpu.memory_space<vmem>>, vector<16xf32>,
      tpu.vector_store_idx %arg12[%iota3A, %broadcast_in_dim3A_2477], %get3A_2481 : memref<32x129xf32, #tpu.memory_space<vmem>>[vector<16xi32>, vector<16xi32>], vector<16xf32>,
      %get3A_2482 = arith.constant 81 : i32
      %get3A_2483 = arith.index_cast %get3A_2482 : i32 to index
      %get3A_2484 = arith.constant 0 : index
      %get3A_2485 = tpu.vector_load %arg10[%get3A_2483, %get3A_2484] {strides = array<i32>} : memref<128x16xf32, #tpu.memory_space<vmem>>, vector<16xf32>,
      tpu.vector_store_idx %arg12[%add3A_5, %broadcast_in_dim3A_2477], %get3A_2485 : memref<32x129xf32, #tpu.memory_space<vmem>>[vector<16xi32>, vector<16xi32>], vector<16xf32>,
      %broadcast_in_dim3A_2486 = arith.constant 82 : i32
      %broadcast_in_dim3A_2487 = vector.broadcast %broadcast_in_dim3A_2486 : i32 to vector<16xi32>
      %get3A_2488 = arith.constant 82 : i32
      %get3A_2489 = arith.index_cast %get3A_2488 : i32 to index
      %get3A_2490 = arith.constant 0 : index
      %get3A_2491 = tpu.vector_load %arg8[%get3A_2489, %get3A_2490] {strides = array<i32>} : memref<128x16xf32, #tpu.memory_space<vmem>>, vector<16xf32>,
      tpu.vector_store_idx %arg12[%iota3A, %broadcast_in_dim3A_2487], %get3A_2491 : memref<32x129xf32, #tpu.memory_space<vmem>>[vector<16xi32>, vector<16xi32>], vector<16xf32>,
      %get3A_2492 = arith.constant 82 : i32
      %get3A_2493 = arith.index_cast %get3A_2492 : i32 to index
      %get3A_2494 = arith.constant 0 : index
      %get3A_2495 = tpu.vector_load %arg10[%get3A_2493, %get3A_2494] {strides = array<i32>} : memref<128x16xf32, #tpu.memory_space<vmem>>, vector<16xf32>,
      tpu.vector_store_idx %arg12[%add3A_5, %broadcast_in_dim3A_2487], %get3A_2495 : memref<32x129xf32, #tpu.memory_space<vmem>>[vector<16xi32>, vector<16xi32>], vector<16xf32>,
      %broadcast_in_dim3A_2496 = arith.constant 83 : i32
      %broadcast_in_dim3A_2497 = vector.broadcast %broadcast_in_dim3A_2496 : i32 to vector<16xi32>
      %get3A_2498 = arith.constant 83 : i32
      %get3A_2499 = arith.index_cast %get3A_2498 : i32 to index
      %get3A_2500 = arith.constant 0 : index
      %get3A_2501 = tpu.vector_load %arg8[%get3A_2499, %get3A_2500] {strides = array<i32>} : memref<128x16xf32, #tpu.memory_space<vmem>>, vector<16xf32>,
      tpu.vector_store_idx %arg12[%iota3A, %broadcast_in_dim3A_2497], %get3A_2501 : memref<32x129xf32, #tpu.memory_space<vmem>>[vector<16xi32>, vector<16xi32>], vector<16xf32>,
      %get3A_2502 = arith.constant 83 : i32
      %get3A_2503 = arith.index_cast %get3A_2502 : i32 to index
      %get3A_2504 = arith.constant 0 : index
      %get3A_2505 = tpu.vector_load %arg10[%get3A_2503, %get3A_2504] {strides = array<i32>} : memref<128x16xf32, #tpu.memory_space<vmem>>, vector<16xf32>,
      tpu.vector_store_idx %arg12[%add3A_5, %broadcast_in_dim3A_2497], %get3A_2505 : memref<32x129xf32, #tpu.memory_space<vmem>>[vector<16xi32>, vector<16xi32>], vector<16xf32>,
      %broadcast_in_dim3A_2506 = arith.constant 84 : i32
      %broadcast_in_dim3A_2507 = vector.broadcast %broadcast_in_dim3A_2506 : i32 to vector<16xi32>
      %get3A_2508 = arith.constant 84 : i32
      %get3A_2509 = arith.index_cast %get3A_2508 : i32 to index
      %get3A_2510 = arith.constant 0 : index
      %get3A_2511 = tpu.vector_load %arg8[%get3A_2509, %get3A_2510] {strides = array<i32>} : memref<128x16xf32, #tpu.memory_space<vmem>>, vector<16xf32>,
      tpu.vector_store_idx %arg12[%iota3A, %broadcast_in_dim3A_2507], %get3A_2511 : memref<32x129xf32, #tpu.memory_space<vmem>>[vector<16xi32>, vector<16xi32>], vector<16xf32>,
      %get3A_2512 = arith.constant 84 : i32
      %get3A_2513 = arith.index_cast %get3A_2512 : i32 to index
      %get3A_2514 = arith.constant 0 : index
      %get3A_2515 = tpu.vector_load %arg10[%get3A_2513, %get3A_2514] {strides = array<i32>} : memref<128x16xf32, #tpu.memory_space<vmem>>, vector<16xf32>,
      tpu.vector_store_idx %arg12[%add3A_5, %broadcast_in_dim3A_2507], %get3A_2515 : memref<32x129xf32, #tpu.memory_space<vmem>>[vector<16xi32>, vector<16xi32>], vector<16xf32>,
      %broadcast_in_dim3A_2516 = arith.constant 85 : i32
      %broadcast_in_dim3A_2517 = vector.broadcast %broadcast_in_dim3A_2516 : i32 to vector<16xi32>
      %get3A_2518 = arith.constant 85 : i32
      %get3A_2519 = arith.index_cast %get3A_2518 : i32 to index
      %get3A_2520 = arith.constant 0 : index
      %get3A_2521 = tpu.vector_load %arg8[%get3A_2519, %get3A_2520] {strides = array<i32>} : memref<128x16xf32, #tpu.memory_space<vmem>>, vector<16xf32>,
      tpu.vector_store_idx %arg12[%iota3A, %broadcast_in_dim3A_2517], %get3A_2521 : memref<32x129xf32, #tpu.memory_space<vmem>>[vector<16xi32>, vector<16xi32>], vector<16xf32>,
      %get3A_2522 = arith.constant 85 : i32
      %get3A_2523 = arith.index_cast %get3A_2522 : i32 to index
      %get3A_2524 = arith.constant 0 : index
      %get3A_2525 = tpu.vector_load %arg10[%get3A_2523, %get3A_2524] {strides = array<i32>} : memref<128x16xf32, #tpu.memory_space<vmem>>, vector<16xf32>,
      tpu.vector_store_idx %arg12[%add3A_5, %broadcast_in_dim3A_2517], %get3A_2525 : memref<32x129xf32, #tpu.memory_space<vmem>>[vector<16xi32>, vector<16xi32>], vector<16xf32>,
      %broadcast_in_dim3A_2526 = arith.constant 86 : i32
      %broadcast_in_dim3A_2527 = vector.broadcast %broadcast_in_dim3A_2526 : i32 to vector<16xi32>
      %get3A_2528 = arith.constant 86 : i32
      %get3A_2529 = arith.index_cast %get3A_2528 : i32 to index
      %get3A_2530 = arith.constant 0 : index
      %get3A_2531 = tpu.vector_load %arg8[%get3A_2529, %get3A_2530] {strides = array<i32>} : memref<128x16xf32, #tpu.memory_space<vmem>>, vector<16xf32>,
      tpu.vector_store_idx %arg12[%iota3A, %broadcast_in_dim3A_2527], %get3A_2531 : memref<32x129xf32, #tpu.memory_space<vmem>>[vector<16xi32>, vector<16xi32>], vector<16xf32>,
      %get3A_2532 = arith.constant 86 : i32
      %get3A_2533 = arith.index_cast %get3A_2532 : i32 to index
      %get3A_2534 = arith.constant 0 : index
      %get3A_2535 = tpu.vector_load %arg10[%get3A_2533, %get3A_2534] {strides = array<i32>} : memref<128x16xf32, #tpu.memory_space<vmem>>, vector<16xf32>,
      tpu.vector_store_idx %arg12[%add3A_5, %broadcast_in_dim3A_2527], %get3A_2535 : memref<32x129xf32, #tpu.memory_space<vmem>>[vector<16xi32>, vector<16xi32>], vector<16xf32>,
      %broadcast_in_dim3A_2536 = arith.constant 87 : i32
      %broadcast_in_dim3A_2537 = vector.broadcast %broadcast_in_dim3A_2536 : i32 to vector<16xi32>
      %get3A_2538 = arith.constant 87 : i32
      %get3A_2539 = arith.index_cast %get3A_2538 : i32 to index
      %get3A_2540 = arith.constant 0 : index
      %get3A_2541 = tpu.vector_load %arg8[%get3A_2539, %get3A_2540] {strides = array<i32>} : memref<128x16xf32, #tpu.memory_space<vmem>>, vector<16xf32>,
      tpu.vector_store_idx %arg12[%iota3A, %broadcast_in_dim3A_2537], %get3A_2541 : memref<32x129xf32, #tpu.memory_space<vmem>>[vector<16xi32>, vector<16xi32>], vector<16xf32>,
      %get3A_2542 = arith.constant 87 : i32
      %get3A_2543 = arith.index_cast %get3A_2542 : i32 to index
      %get3A_2544 = arith.constant 0 : index
      %get3A_2545 = tpu.vector_load %arg10[%get3A_2543, %get3A_2544] {strides = array<i32>} : memref<128x16xf32, #tpu.memory_space<vmem>>, vector<16xf32>,
      tpu.vector_store_idx %arg12[%add3A_5, %broadcast_in_dim3A_2537], %get3A_2545 : memref<32x129xf32, #tpu.memory_space<vmem>>[vector<16xi32>, vector<16xi32>], vector<16xf32>,
      %broadcast_in_dim3A_2546 = arith.constant 88 : i32
      %broadcast_in_dim3A_2547 = vector.broadcast %broadcast_in_dim3A_2546 : i32 to vector<16xi32>
      %get3A_2548 = arith.constant 88 : i32
      %get3A_2549 = arith.index_cast %get3A_2548 : i32 to index
      %get3A_2550 = arith.constant 0 : index
      %get3A_2551 = tpu.vector_load %arg8[%get3A_2549, %get3A_2550] {strides = array<i32>} : memref<128x16xf32, #tpu.memory_space<vmem>>, vector<16xf32>,
      tpu.vector_store_idx %arg12[%iota3A, %broadcast_in_dim3A_2547], %get3A_2551 : memref<32x129xf32, #tpu.memory_space<vmem>>[vector<16xi32>, vector<16xi32>], vector<16xf32>,
      %get3A_2552 = arith.constant 88 : i32
      %get3A_2553 = arith.index_cast %get3A_2552 : i32 to index
      %get3A_2554 = arith.constant 0 : index
      %get3A_2555 = tpu.vector_load %arg10[%get3A_2553, %get3A_2554] {strides = array<i32>} : memref<128x16xf32, #tpu.memory_space<vmem>>, vector<16xf32>,
      tpu.vector_store_idx %arg12[%add3A_5, %broadcast_in_dim3A_2547], %get3A_2555 : memref<32x129xf32, #tpu.memory_space<vmem>>[vector<16xi32>, vector<16xi32>], vector<16xf32>,
      %broadcast_in_dim3A_2556 = arith.constant 89 : i32
      %broadcast_in_dim3A_2557 = vector.broadcast %broadcast_in_dim3A_2556 : i32 to vector<16xi32>
      %get3A_2558 = arith.constant 89 : i32
      %get3A_2559 = arith.index_cast %get3A_2558 : i32 to index
      %get3A_2560 = arith.constant 0 : index
      %get3A_2561 = tpu.vector_load %arg8[%get3A_2559, %get3A_2560] {strides = array<i32>} : memref<128x16xf32, #tpu.memory_space<vmem>>, vector<16xf32>,
      tpu.vector_store_idx %arg12[%iota3A, %broadcast_in_dim3A_2557], %get3A_2561 : memref<32x129xf32, #tpu.memory_space<vmem>>[vector<16xi32>, vector<16xi32>], vector<16xf32>,
      %get3A_2562 = arith.constant 89 : i32
      %get3A_2563 = arith.index_cast %get3A_2562 : i32 to index
      %get3A_2564 = arith.constant 0 : index
      %get3A_2565 = tpu.vector_load %arg10[%get3A_2563, %get3A_2564] {strides = array<i32>} : memref<128x16xf32, #tpu.memory_space<vmem>>, vector<16xf32>,
      tpu.vector_store_idx %arg12[%add3A_5, %broadcast_in_dim3A_2557], %get3A_2565 : memref<32x129xf32, #tpu.memory_space<vmem>>[vector<16xi32>, vector<16xi32>], vector<16xf32>,
      %broadcast_in_dim3A_2566 = arith.constant 90 : i32
      %broadcast_in_dim3A_2567 = vector.broadcast %broadcast_in_dim3A_2566 : i32 to vector<16xi32>
      %get3A_2568 = arith.constant 90 : i32
      %get3A_2569 = arith.index_cast %get3A_2568 : i32 to index
      %get3A_2570 = arith.constant 0 : index
      %get3A_2571 = tpu.vector_load %arg8[%get3A_2569, %get3A_2570] {strides = array<i32>} : memref<128x16xf32, #tpu.memory_space<vmem>>, vector<16xf32>,
      tpu.vector_store_idx %arg12[%iota3A, %broadcast_in_dim3A_2567], %get3A_2571 : memref<32x129xf32, #tpu.memory_space<vmem>>[vector<16xi32>, vector<16xi32>], vector<16xf32>,
      %get3A_2572 = arith.constant 90 : i32
      %get3A_2573 = arith.index_cast %get3A_2572 : i32 to index
      %get3A_2574 = arith.constant 0 : index
      %get3A_2575 = tpu.vector_load %arg10[%get3A_2573, %get3A_2574] {strides = array<i32>} : memref<128x16xf32, #tpu.memory_space<vmem>>, vector<16xf32>,
      tpu.vector_store_idx %arg12[%add3A_5, %broadcast_in_dim3A_2567], %get3A_2575 : memref<32x129xf32, #tpu.memory_space<vmem>>[vector<16xi32>, vector<16xi32>], vector<16xf32>,
      %broadcast_in_dim3A_2576 = arith.constant 91 : i32
      %broadcast_in_dim3A_2577 = vector.broadcast %broadcast_in_dim3A_2576 : i32 to vector<16xi32>
      %get3A_2578 = arith.constant 91 : i32
      %get3A_2579 = arith.index_cast %get3A_2578 : i32 to index
      %get3A_2580 = arith.constant 0 : index
      %get3A_2581 = tpu.vector_load %arg8[%get3A_2579, %get3A_2580] {strides = array<i32>} : memref<128x16xf32, #tpu.memory_space<vmem>>, vector<16xf32>,
      tpu.vector_store_idx %arg12[%iota3A, %broadcast_in_dim3A_2577], %get3A_2581 : memref<32x129xf32, #tpu.memory_space<vmem>>[vector<16xi32>, vector<16xi32>], vector<16xf32>,
      %get3A_2582 = arith.constant 91 : i32
      %get3A_2583 = arith.index_cast %get3A_2582 : i32 to index
      %get3A_2584 = arith.constant 0 : index
      %get3A_2585 = tpu.vector_load %arg10[%get3A_2583, %get3A_2584] {strides = array<i32>} : memref<128x16xf32, #tpu.memory_space<vmem>>, vector<16xf32>,
      tpu.vector_store_idx %arg12[%add3A_5, %broadcast_in_dim3A_2577], %get3A_2585 : memref<32x129xf32, #tpu.memory_space<vmem>>[vector<16xi32>, vector<16xi32>], vector<16xf32>,
      %broadcast_in_dim3A_2586 = arith.constant 92 : i32
      %broadcast_in_dim3A_2587 = vector.broadcast %broadcast_in_dim3A_2586 : i32 to vector<16xi32>
      %get3A_2588 = arith.constant 92 : i32
      %get3A_2589 = arith.index_cast %get3A_2588 : i32 to index
      %get3A_2590 = arith.constant 0 : index
      %get3A_2591 = tpu.vector_load %arg8[%get3A_2589, %get3A_2590] {strides = array<i32>} : memref<128x16xf32, #tpu.memory_space<vmem>>, vector<16xf32>,
      tpu.vector_store_idx %arg12[%iota3A, %broadcast_in_dim3A_2587], %get3A_2591 : memref<32x129xf32, #tpu.memory_space<vmem>>[vector<16xi32>, vector<16xi32>], vector<16xf32>,
      %get3A_2592 = arith.constant 92 : i32
      %get3A_2593 = arith.index_cast %get3A_2592 : i32 to index
      %get3A_2594 = arith.constant 0 : index
      %get3A_2595 = tpu.vector_load %arg10[%get3A_2593, %get3A_2594] {strides = array<i32>} : memref<128x16xf32, #tpu.memory_space<vmem>>, vector<16xf32>,
      tpu.vector_store_idx %arg12[%add3A_5, %broadcast_in_dim3A_2587], %get3A_2595 : memref<32x129xf32, #tpu.memory_space<vmem>>[vector<16xi32>, vector<16xi32>], vector<16xf32>,
      %broadcast_in_dim3A_2596 = arith.constant 93 : i32
      %broadcast_in_dim3A_2597 = vector.broadcast %broadcast_in_dim3A_2596 : i32 to vector<16xi32>
      %get3A_2598 = arith.constant 93 : i32
      %get3A_2599 = arith.index_cast %get3A_2598 : i32 to index
      %get3A_2600 = arith.constant 0 : index
      %get3A_2601 = tpu.vector_load %arg8[%get3A_2599, %get3A_2600] {strides = array<i32>} : memref<128x16xf32, #tpu.memory_space<vmem>>, vector<16xf32>,
      tpu.vector_store_idx %arg12[%iota3A, %broadcast_in_dim3A_2597], %get3A_2601 : memref<32x129xf32, #tpu.memory_space<vmem>>[vector<16xi32>, vector<16xi32>], vector<16xf32>,
      %get3A_2602 = arith.constant 93 : i32
      %get3A_2603 = arith.index_cast %get3A_2602 : i32 to index
      %get3A_2604 = arith.constant 0 : index
      %get3A_2605 = tpu.vector_load %arg10[%get3A_2603, %get3A_2604] {strides = array<i32>} : memref<128x16xf32, #tpu.memory_space<vmem>>, vector<16xf32>,
      tpu.vector_store_idx %arg12[%add3A_5, %broadcast_in_dim3A_2597], %get3A_2605 : memref<32x129xf32, #tpu.memory_space<vmem>>[vector<16xi32>, vector<16xi32>], vector<16xf32>,
      %broadcast_in_dim3A_2606 = arith.constant 94 : i32
      %broadcast_in_dim3A_2607 = vector.broadcast %broadcast_in_dim3A_2606 : i32 to vector<16xi32>
      %get3A_2608 = arith.constant 94 : i32
      %get3A_2609 = arith.index_cast %get3A_2608 : i32 to index
      %get3A_2610 = arith.constant 0 : index
      %get3A_2611 = tpu.vector_load %arg8[%get3A_2609, %get3A_2610] {strides = array<i32>} : memref<128x16xf32, #tpu.memory_space<vmem>>, vector<16xf32>,
      tpu.vector_store_idx %arg12[%iota3A, %broadcast_in_dim3A_2607], %get3A_2611 : memref<32x129xf32, #tpu.memory_space<vmem>>[vector<16xi32>, vector<16xi32>], vector<16xf32>,
      %get3A_2612 = arith.constant 94 : i32
      %get3A_2613 = arith.index_cast %get3A_2612 : i32 to index
      %get3A_2614 = arith.constant 0 : index
      %get3A_2615 = tpu.vector_load %arg10[%get3A_2613, %get3A_2614] {strides = array<i32>} : memref<128x16xf32, #tpu.memory_space<vmem>>, vector<16xf32>,
      tpu.vector_store_idx %arg12[%add3A_5, %broadcast_in_dim3A_2607], %get3A_2615 : memref<32x129xf32, #tpu.memory_space<vmem>>[vector<16xi32>, vector<16xi32>], vector<16xf32>,
      %broadcast_in_dim3A_2616 = arith.constant 95 : i32
      %broadcast_in_dim3A_2617 = vector.broadcast %broadcast_in_dim3A_2616 : i32 to vector<16xi32>
      %get3A_2618 = arith.constant 95 : i32
      %get3A_2619 = arith.index_cast %get3A_2618 : i32 to index
      %get3A_2620 = arith.constant 0 : index
      %get3A_2621 = tpu.vector_load %arg8[%get3A_2619, %get3A_2620] {strides = array<i32>} : memref<128x16xf32, #tpu.memory_space<vmem>>, vector<16xf32>,
      tpu.vector_store_idx %arg12[%iota3A, %broadcast_in_dim3A_2617], %get3A_2621 : memref<32x129xf32, #tpu.memory_space<vmem>>[vector<16xi32>, vector<16xi32>], vector<16xf32>,
      %get3A_2622 = arith.constant 95 : i32
      %get3A_2623 = arith.index_cast %get3A_2622 : i32 to index
      %get3A_2624 = arith.constant 0 : index
      %get3A_2625 = tpu.vector_load %arg10[%get3A_2623, %get3A_2624] {strides = array<i32>} : memref<128x16xf32, #tpu.memory_space<vmem>>, vector<16xf32>,
      tpu.vector_store_idx %arg12[%add3A_5, %broadcast_in_dim3A_2617], %get3A_2625 : memref<32x129xf32, #tpu.memory_space<vmem>>[vector<16xi32>, vector<16xi32>], vector<16xf32>,
      %broadcast_in_dim3A_2626 = arith.constant 96 : i32
      %broadcast_in_dim3A_2627 = vector.broadcast %broadcast_in_dim3A_2626 : i32 to vector<16xi32>
      %get3A_2628 = arith.constant 96 : i32
      %get3A_2629 = arith.index_cast %get3A_2628 : i32 to index
      %get3A_2630 = arith.constant 0 : index
      %get3A_2631 = tpu.vector_load %arg8[%get3A_2629, %get3A_2630] {strides = array<i32>} : memref<128x16xf32, #tpu.memory_space<vmem>>, vector<16xf32>,
      tpu.vector_store_idx %arg12[%iota3A, %broadcast_in_dim3A_2627], %get3A_2631 : memref<32x129xf32, #tpu.memory_space<vmem>>[vector<16xi32>, vector<16xi32>], vector<16xf32>,
      %get3A_2632 = arith.constant 96 : i32
      %get3A_2633 = arith.index_cast %get3A_2632 : i32 to index
      %get3A_2634 = arith.constant 0 : index
      %get3A_2635 = tpu.vector_load %arg10[%get3A_2633, %get3A_2634] {strides = array<i32>} : memref<128x16xf32, #tpu.memory_space<vmem>>, vector<16xf32>,
      tpu.vector_store_idx %arg12[%add3A_5, %broadcast_in_dim3A_2627], %get3A_2635 : memref<32x129xf32, #tpu.memory_space<vmem>>[vector<16xi32>, vector<16xi32>], vector<16xf32>,
      %broadcast_in_dim3A_2636 = arith.constant 97 : i32
      %broadcast_in_dim3A_2637 = vector.broadcast %broadcast_in_dim3A_2636 : i32 to vector<16xi32>
      %get3A_2638 = arith.constant 97 : i32
      %get3A_2639 = arith.index_cast %get3A_2638 : i32 to index
      %get3A_2640 = arith.constant 0 : index
      %get3A_2641 = tpu.vector_load %arg8[%get3A_2639, %get3A_2640] {strides = array<i32>} : memref<128x16xf32, #tpu.memory_space<vmem>>, vector<16xf32>,
      tpu.vector_store_idx %arg12[%iota3A, %broadcast_in_dim3A_2637], %get3A_2641 : memref<32x129xf32, #tpu.memory_space<vmem>>[vector<16xi32>, vector<16xi32>], vector<16xf32>,
      %get3A_2642 = arith.constant 97 : i32
      %get3A_2643 = arith.index_cast %get3A_2642 : i32 to index
      %get3A_2644 = arith.constant 0 : index
      %get3A_2645 = tpu.vector_load %arg10[%get3A_2643, %get3A_2644] {strides = array<i32>} : memref<128x16xf32, #tpu.memory_space<vmem>>, vector<16xf32>,
      tpu.vector_store_idx %arg12[%add3A_5, %broadcast_in_dim3A_2637], %get3A_2645 : memref<32x129xf32, #tpu.memory_space<vmem>>[vector<16xi32>, vector<16xi32>], vector<16xf32>,
      %broadcast_in_dim3A_2646 = arith.constant 98 : i32
      %broadcast_in_dim3A_2647 = vector.broadcast %broadcast_in_dim3A_2646 : i32 to vector<16xi32>
      %get3A_2648 = arith.constant 98 : i32
      %get3A_2649 = arith.index_cast %get3A_2648 : i32 to index
      %get3A_2650 = arith.constant 0 : index
      %get3A_2651 = tpu.vector_load %arg8[%get3A_2649, %get3A_2650] {strides = array<i32>} : memref<128x16xf32, #tpu.memory_space<vmem>>, vector<16xf32>,
      tpu.vector_store_idx %arg12[%iota3A, %broadcast_in_dim3A_2647], %get3A_2651 : memref<32x129xf32, #tpu.memory_space<vmem>>[vector<16xi32>, vector<16xi32>], vector<16xf32>,
      %get3A_2652 = arith.constant 98 : i32
      %get3A_2653 = arith.index_cast %get3A_2652 : i32 to index
      %get3A_2654 = arith.constant 0 : index
      %get3A_2655 = tpu.vector_load %arg10[%get3A_2653, %get3A_2654] {strides = array<i32>} : memref<128x16xf32, #tpu.memory_space<vmem>>, vector<16xf32>,
      tpu.vector_store_idx %arg12[%add3A_5, %broadcast_in_dim3A_2647], %get3A_2655 : memref<32x129xf32, #tpu.memory_space<vmem>>[vector<16xi32>, vector<16xi32>], vector<16xf32>,
      %broadcast_in_dim3A_2656 = arith.constant 99 : i32
      %broadcast_in_dim3A_2657 = vector.broadcast %broadcast_in_dim3A_2656 : i32 to vector<16xi32>
      %get3A_2658 = arith.constant 99 : i32
      %get3A_2659 = arith.index_cast %get3A_2658 : i32 to index
      %get3A_2660 = arith.constant 0 : index
      %get3A_2661 = tpu.vector_load %arg8[%get3A_2659, %get3A_2660] {strides = array<i32>} : memref<128x16xf32, #tpu.memory_space<vmem>>, vector<16xf32>,
      tpu.vector_store_idx %arg12[%iota3A, %broadcast_in_dim3A_2657], %get3A_2661 : memref<32x129xf32, #tpu.memory_space<vmem>>[vector<16xi32>, vector<16xi32>], vector<16xf32>,
      %get3A_2662 = arith.constant 99 : i32
      %get3A_2663 = arith.index_cast %get3A_2662 : i32 to index
      %get3A_2664 = arith.constant 0 : index
      %get3A_2665 = tpu.vector_load %arg10[%get3A_2663, %get3A_2664] {strides = array<i32>} : memref<128x16xf32, #tpu.memory_space<vmem>>, vector<16xf32>,
      tpu.vector_store_idx %arg12[%add3A_5, %broadcast_in_dim3A_2657], %get3A_2665 : memref<32x129xf32, #tpu.memory_space<vmem>>[vector<16xi32>, vector<16xi32>], vector<16xf32>,
      %broadcast_in_dim3A_2666 = arith.constant 100 : i32
      %broadcast_in_dim3A_2667 = vector.broadcast %broadcast_in_dim3A_2666 : i32 to vector<16xi32>
      %get3A_2668 = arith.constant 100 : i32
      %get3A_2669 = arith.index_cast %get3A_2668 : i32 to index
      %get3A_2670 = arith.constant 0 : index
      %get3A_2671 = tpu.vector_load %arg8[%get3A_2669, %get3A_2670] {strides = array<i32>} : memref<128x16xf32, #tpu.memory_space<vmem>>, vector<16xf32>,
      tpu.vector_store_idx %arg12[%iota3A, %broadcast_in_dim3A_2667], %get3A_2671 : memref<32x129xf32, #tpu.memory_space<vmem>>[vector<16xi32>, vector<16xi32>], vector<16xf32>,
      %get3A_2672 = arith.constant 100 : i32
      %get3A_2673 = arith.index_cast %get3A_2672 : i32 to index
      %get3A_2674 = arith.constant 0 : index
      %get3A_2675 = tpu.vector_load %arg10[%get3A_2673, %get3A_2674] {strides = array<i32>} : memref<128x16xf32, #tpu.memory_space<vmem>>, vector<16xf32>,
      tpu.vector_store_idx %arg12[%add3A_5, %broadcast_in_dim3A_2667], %get3A_2675 : memref<32x129xf32, #tpu.memory_space<vmem>>[vector<16xi32>, vector<16xi32>], vector<16xf32>,
      %broadcast_in_dim3A_2676 = arith.constant 101 : i32
      %broadcast_in_dim3A_2677 = vector.broadcast %broadcast_in_dim3A_2676 : i32 to vector<16xi32>
      %get3A_2678 = arith.constant 101 : i32
      %get3A_2679 = arith.index_cast %get3A_2678 : i32 to index
      %get3A_2680 = arith.constant 0 : index
      %get3A_2681 = tpu.vector_load %arg8[%get3A_2679, %get3A_2680] {strides = array<i32>} : memref<128x16xf32, #tpu.memory_space<vmem>>, vector<16xf32>,
      tpu.vector_store_idx %arg12[%iota3A, %broadcast_in_dim3A_2677], %get3A_2681 : memref<32x129xf32, #tpu.memory_space<vmem>>[vector<16xi32>, vector<16xi32>], vector<16xf32>,
      %get3A_2682 = arith.constant 101 : i32
      %get3A_2683 = arith.index_cast %get3A_2682 : i32 to index
      %get3A_2684 = arith.constant 0 : index
      %get3A_2685 = tpu.vector_load %arg10[%get3A_2683, %get3A_2684] {strides = array<i32>} : memref<128x16xf32, #tpu.memory_space<vmem>>, vector<16xf32>,
      tpu.vector_store_idx %arg12[%add3A_5, %broadcast_in_dim3A_2677], %get3A_2685 : memref<32x129xf32, #tpu.memory_space<vmem>>[vector<16xi32>, vector<16xi32>], vector<16xf32>,
      %broadcast_in_dim3A_2686 = arith.constant 102 : i32
      %broadcast_in_dim3A_2687 = vector.broadcast %broadcast_in_dim3A_2686 : i32 to vector<16xi32>
      %get3A_2688 = arith.constant 102 : i32
      %get3A_2689 = arith.index_cast %get3A_2688 : i32 to index
      %get3A_2690 = arith.constant 0 : index
      %get3A_2691 = tpu.vector_load %arg8[%get3A_2689, %get3A_2690] {strides = array<i32>} : memref<128x16xf32, #tpu.memory_space<vmem>>, vector<16xf32>,
      tpu.vector_store_idx %arg12[%iota3A, %broadcast_in_dim3A_2687], %get3A_2691 : memref<32x129xf32, #tpu.memory_space<vmem>>[vector<16xi32>, vector<16xi32>], vector<16xf32>,
      %get3A_2692 = arith.constant 102 : i32
      %get3A_2693 = arith.index_cast %get3A_2692 : i32 to index
      %get3A_2694 = arith.constant 0 : index
      %get3A_2695 = tpu.vector_load %arg10[%get3A_2693, %get3A_2694] {strides = array<i32>} : memref<128x16xf32, #tpu.memory_space<vmem>>, vector<16xf32>,
      tpu.vector_store_idx %arg12[%add3A_5, %broadcast_in_dim3A_2687], %get3A_2695 : memref<32x129xf32, #tpu.memory_space<vmem>>[vector<16xi32>, vector<16xi32>], vector<16xf32>,
      %broadcast_in_dim3A_2696 = arith.constant 103 : i32
      %broadcast_in_dim3A_2697 = vector.broadcast %broadcast_in_dim3A_2696 : i32 to vector<16xi32>
      %get3A_2698 = arith.constant 103 : i32
      %get3A_2699 = arith.index_cast %get3A_2698 : i32 to index
      %get3A_2700 = arith.constant 0 : index
      %get3A_2701 = tpu.vector_load %arg8[%get3A_2699, %get3A_2700] {strides = array<i32>} : memref<128x16xf32, #tpu.memory_space<vmem>>, vector<16xf32>,
      tpu.vector_store_idx %arg12[%iota3A, %broadcast_in_dim3A_2697], %get3A_2701 : memref<32x129xf32, #tpu.memory_space<vmem>>[vector<16xi32>, vector<16xi32>], vector<16xf32>,
      %get3A_2702 = arith.constant 103 : i32
      %get3A_2703 = arith.index_cast %get3A_2702 : i32 to index
      %get3A_2704 = arith.constant 0 : index
      %get3A_2705 = tpu.vector_load %arg10[%get3A_2703, %get3A_2704] {strides = array<i32>} : memref<128x16xf32, #tpu.memory_space<vmem>>, vector<16xf32>,
      tpu.vector_store_idx %arg12[%add3A_5, %broadcast_in_dim3A_2697], %get3A_2705 : memref<32x129xf32, #tpu.memory_space<vmem>>[vector<16xi32>, vector<16xi32>], vector<16xf32>,
      %broadcast_in_dim3A_2706 = arith.constant 104 : i32
      %broadcast_in_dim3A_2707 = vector.broadcast %broadcast_in_dim3A_2706 : i32 to vector<16xi32>
      %get3A_2708 = arith.constant 104 : i32
      %get3A_2709 = arith.index_cast %get3A_2708 : i32 to index
      %get3A_2710 = arith.constant 0 : index
      %get3A_2711 = tpu.vector_load %arg8[%get3A_2709, %get3A_2710] {strides = array<i32>} : memref<128x16xf32, #tpu.memory_space<vmem>>, vector<16xf32>,
      tpu.vector_store_idx %arg12[%iota3A, %broadcast_in_dim3A_2707], %get3A_2711 : memref<32x129xf32, #tpu.memory_space<vmem>>[vector<16xi32>, vector<16xi32>], vector<16xf32>,
      %get3A_2712 = arith.constant 104 : i32
      %get3A_2713 = arith.index_cast %get3A_2712 : i32 to index
      %get3A_2714 = arith.constant 0 : index
      %get3A_2715 = tpu.vector_load %arg10[%get3A_2713, %get3A_2714] {strides = array<i32>} : memref<128x16xf32, #tpu.memory_space<vmem>>, vector<16xf32>,
      tpu.vector_store_idx %arg12[%add3A_5, %broadcast_in_dim3A_2707], %get3A_2715 : memref<32x129xf32, #tpu.memory_space<vmem>>[vector<16xi32>, vector<16xi32>], vector<16xf32>,
      %broadcast_in_dim3A_2716 = arith.constant 105 : i32
      %broadcast_in_dim3A_2717 = vector.broadcast %broadcast_in_dim3A_2716 : i32 to vector<16xi32>
      %get3A_2718 = arith.constant 105 : i32
      %get3A_2719 = arith.index_cast %get3A_2718 : i32 to index
      %get3A_2720 = arith.constant 0 : index
      %get3A_2721 = tpu.vector_load %arg8[%get3A_2719, %get3A_2720] {strides = array<i32>} : memref<128x16xf32, #tpu.memory_space<vmem>>, vector<16xf32>,
      tpu.vector_store_idx %arg12[%iota3A, %broadcast_in_dim3A_2717], %get3A_2721 : memref<32x129xf32, #tpu.memory_space<vmem>>[vector<16xi32>, vector<16xi32>], vector<16xf32>,
      %get3A_2722 = arith.constant 105 : i32
      %get3A_2723 = arith.index_cast %get3A_2722 : i32 to index
      %get3A_2724 = arith.constant 0 : index
      %get3A_2725 = tpu.vector_load %arg10[%get3A_2723, %get3A_2724] {strides = array<i32>} : memref<128x16xf32, #tpu.memory_space<vmem>>, vector<16xf32>,
      tpu.vector_store_idx %arg12[%add3A_5, %broadcast_in_dim3A_2717], %get3A_2725 : memref<32x129xf32, #tpu.memory_space<vmem>>[vector<16xi32>, vector<16xi32>], vector<16xf32>,
      %broadcast_in_dim3A_2726 = arith.constant 106 : i32
      %broadcast_in_dim3A_2727 = vector.broadcast %broadcast_in_dim3A_2726 : i32 to vector<16xi32>
      %get3A_2728 = arith.constant 106 : i32
      %get3A_2729 = arith.index_cast %get3A_2728 : i32 to index
      %get3A_2730 = arith.constant 0 : index
      %get3A_2731 = tpu.vector_load %arg8[%get3A_2729, %get3A_2730] {strides = array<i32>} : memref<128x16xf32, #tpu.memory_space<vmem>>, vector<16xf32>,
      tpu.vector_store_idx %arg12[%iota3A, %broadcast_in_dim3A_2727], %get3A_2731 : memref<32x129xf32, #tpu.memory_space<vmem>>[vector<16xi32>, vector<16xi32>], vector<16xf32>,
      %get3A_2732 = arith.constant 106 : i32
      %get3A_2733 = arith.index_cast %get3A_2732 : i32 to index
      %get3A_2734 = arith.constant 0 : index
      %get3A_2735 = tpu.vector_load %arg10[%get3A_2733, %get3A_2734] {strides = array<i32>} : memref<128x16xf32, #tpu.memory_space<vmem>>, vector<16xf32>,
      tpu.vector_store_idx %arg12[%add3A_5, %broadcast_in_dim3A_2727], %get3A_2735 : memref<32x129xf32, #tpu.memory_space<vmem>>[vector<16xi32>, vector<16xi32>], vector<16xf32>,
      %broadcast_in_dim3A_2736 = arith.constant 107 : i32
      %broadcast_in_dim3A_2737 = vector.broadcast %broadcast_in_dim3A_2736 : i32 to vector<16xi32>
      %get3A_2738 = arith.constant 107 : i32
      %get3A_2739 = arith.index_cast %get3A_2738 : i32 to index
      %get3A_2740 = arith.constant 0 : index
      %get3A_2741 = tpu.vector_load %arg8[%get3A_2739, %get3A_2740] {strides = array<i32>} : memref<128x16xf32, #tpu.memory_space<vmem>>, vector<16xf32>,
      tpu.vector_store_idx %arg12[%iota3A, %broadcast_in_dim3A_2737], %get3A_2741 : memref<32x129xf32, #tpu.memory_space<vmem>>[vector<16xi32>, vector<16xi32>], vector<16xf32>,
      %get3A_2742 = arith.constant 107 : i32
      %get3A_2743 = arith.index_cast %get3A_2742 : i32 to index
      %get3A_2744 = arith.constant 0 : index
      %get3A_2745 = tpu.vector_load %arg10[%get3A_2743, %get3A_2744] {strides = array<i32>} : memref<128x16xf32, #tpu.memory_space<vmem>>, vector<16xf32>,
      tpu.vector_store_idx %arg12[%add3A_5, %broadcast_in_dim3A_2737], %get3A_2745 : memref<32x129xf32, #tpu.memory_space<vmem>>[vector<16xi32>, vector<16xi32>], vector<16xf32>,
      %broadcast_in_dim3A_2746 = arith.constant 108 : i32
      %broadcast_in_dim3A_2747 = vector.broadcast %broadcast_in_dim3A_2746 : i32 to vector<16xi32>
      %get3A_2748 = arith.constant 108 : i32
      %get3A_2749 = arith.index_cast %get3A_2748 : i32 to index
      %get3A_2750 = arith.constant 0 : index
      %get3A_2751 = tpu.vector_load %arg8[%get3A_2749, %get3A_2750] {strides = array<i32>} : memref<128x16xf32, #tpu.memory_space<vmem>>, vector<16xf32>,
      tpu.vector_store_idx %arg12[%iota3A, %broadcast_in_dim3A_2747], %get3A_2751 : memref<32x129xf32, #tpu.memory_space<vmem>>[vector<16xi32>, vector<16xi32>], vector<16xf32>,
      %get3A_2752 = arith.constant 108 : i32
      %get3A_2753 = arith.index_cast %get3A_2752 : i32 to index
      %get3A_2754 = arith.constant 0 : index
      %get3A_2755 = tpu.vector_load %arg10[%get3A_2753, %get3A_2754] {strides = array<i32>} : memref<128x16xf32, #tpu.memory_space<vmem>>, vector<16xf32>,
      tpu.vector_store_idx %arg12[%add3A_5, %broadcast_in_dim3A_2747], %get3A_2755 : memref<32x129xf32, #tpu.memory_space<vmem>>[vector<16xi32>, vector<16xi32>], vector<16xf32>,
      %broadcast_in_dim3A_2756 = arith.constant 109 : i32
      %broadcast_in_dim3A_2757 = vector.broadcast %broadcast_in_dim3A_2756 : i32 to vector<16xi32>
      %get3A_2758 = arith.constant 109 : i32
      %get3A_2759 = arith.index_cast %get3A_2758 : i32 to index
      %get3A_2760 = arith.constant 0 : index
      %get3A_2761 = tpu.vector_load %arg8[%get3A_2759, %get3A_2760] {strides = array<i32>} : memref<128x16xf32, #tpu.memory_space<vmem>>, vector<16xf32>,
      tpu.vector_store_idx %arg12[%iota3A, %broadcast_in_dim3A_2757], %get3A_2761 : memref<32x129xf32, #tpu.memory_space<vmem>>[vector<16xi32>, vector<16xi32>], vector<16xf32>,
      %get3A_2762 = arith.constant 109 : i32
      %get3A_2763 = arith.index_cast %get3A_2762 : i32 to index
      %get3A_2764 = arith.constant 0 : index
      %get3A_2765 = tpu.vector_load %arg10[%get3A_2763, %get3A_2764] {strides = array<i32>} : memref<128x16xf32, #tpu.memory_space<vmem>>, vector<16xf32>,
      tpu.vector_store_idx %arg12[%add3A_5, %broadcast_in_dim3A_2757], %get3A_2765 : memref<32x129xf32, #tpu.memory_space<vmem>>[vector<16xi32>, vector<16xi32>], vector<16xf32>,
      %broadcast_in_dim3A_2766 = arith.constant 110 : i32
      %broadcast_in_dim3A_2767 = vector.broadcast %broadcast_in_dim3A_2766 : i32 to vector<16xi32>
      %get3A_2768 = arith.constant 110 : i32
      %get3A_2769 = arith.index_cast %get3A_2768 : i32 to index
      %get3A_2770 = arith.constant 0 : index
      %get3A_2771 = tpu.vector_load %arg8[%get3A_2769, %get3A_2770] {strides = array<i32>} : memref<128x16xf32, #tpu.memory_space<vmem>>, vector<16xf32>,
      tpu.vector_store_idx %arg12[%iota3A, %broadcast_in_dim3A_2767], %get3A_2771 : memref<32x129xf32, #tpu.memory_space<vmem>>[vector<16xi32>, vector<16xi32>], vector<16xf32>,
      %get3A_2772 = arith.constant 110 : i32
      %get3A_2773 = arith.index_cast %get3A_2772 : i32 to index
      %get3A_2774 = arith.constant 0 : index
      %get3A_2775 = tpu.vector_load %arg10[%get3A_2773, %get3A_2774] {strides = array<i32>} : memref<128x16xf32, #tpu.memory_space<vmem>>, vector<16xf32>,
      tpu.vector_store_idx %arg12[%add3A_5, %broadcast_in_dim3A_2767], %get3A_2775 : memref<32x129xf32, #tpu.memory_space<vmem>>[vector<16xi32>, vector<16xi32>], vector<16xf32>,
      %broadcast_in_dim3A_2776 = arith.constant 111 : i32
      %broadcast_in_dim3A_2777 = vector.broadcast %broadcast_in_dim3A_2776 : i32 to vector<16xi32>
      %get3A_2778 = arith.constant 111 : i32
      %get3A_2779 = arith.index_cast %get3A_2778 : i32 to index
      %get3A_2780 = arith.constant 0 : index
      %get3A_2781 = tpu.vector_load %arg8[%get3A_2779, %get3A_2780] {strides = array<i32>} : memref<128x16xf32, #tpu.memory_space<vmem>>, vector<16xf32>,
      tpu.vector_store_idx %arg12[%iota3A, %broadcast_in_dim3A_2777], %get3A_2781 : memref<32x129xf32, #tpu.memory_space<vmem>>[vector<16xi32>, vector<16xi32>], vector<16xf32>,
      %get3A_2782 = arith.constant 111 : i32
      %get3A_2783 = arith.index_cast %get3A_2782 : i32 to index
      %get3A_2784 = arith.constant 0 : index
      %get3A_2785 = tpu.vector_load %arg10[%get3A_2783, %get3A_2784] {strides = array<i32>} : memref<128x16xf32, #tpu.memory_space<vmem>>, vector<16xf32>,
      tpu.vector_store_idx %arg12[%add3A_5, %broadcast_in_dim3A_2777], %get3A_2785 : memref<32x129xf32, #tpu.memory_space<vmem>>[vector<16xi32>, vector<16xi32>], vector<16xf32>,
      %broadcast_in_dim3A_2786 = arith.constant 112 : i32
      %broadcast_in_dim3A_2787 = vector.broadcast %broadcast_in_dim3A_2786 : i32 to vector<16xi32>
      %get3A_2788 = arith.constant 112 : i32
      %get3A_2789 = arith.index_cast %get3A_2788 : i32 to index
      %get3A_2790 = arith.constant 0 : index
      %get3A_2791 = tpu.vector_load %arg8[%get3A_2789, %get3A_2790] {strides = array<i32>} : memref<128x16xf32, #tpu.memory_space<vmem>>, vector<16xf32>,
      tpu.vector_store_idx %arg12[%iota3A, %broadcast_in_dim3A_2787], %get3A_2791 : memref<32x129xf32, #tpu.memory_space<vmem>>[vector<16xi32>, vector<16xi32>], vector<16xf32>,
      %get3A_2792 = arith.constant 112 : i32
      %get3A_2793 = arith.index_cast %get3A_2792 : i32 to index
      %get3A_2794 = arith.constant 0 : index
      %get3A_2795 = tpu.vector_load %arg10[%get3A_2793, %get3A_2794] {strides = array<i32>} : memref<128x16xf32, #tpu.memory_space<vmem>>, vector<16xf32>,
      tpu.vector_store_idx %arg12[%add3A_5, %broadcast_in_dim3A_2787], %get3A_2795 : memref<32x129xf32, #tpu.memory_space<vmem>>[vector<16xi32>, vector<16xi32>], vector<16xf32>,
      %broadcast_in_dim3A_2796 = arith.constant 113 : i32
      %broadcast_in_dim3A_2797 = vector.broadcast %broadcast_in_dim3A_2796 : i32 to vector<16xi32>
      %get3A_2798 = arith.constant 113 : i32
      %get3A_2799 = arith.index_cast %get3A_2798 : i32 to index
      %get3A_2800 = arith.constant 0 : index
      %get3A_2801 = tpu.vector_load %arg8[%get3A_2799, %get3A_2800] {strides = array<i32>} : memref<128x16xf32, #tpu.memory_space<vmem>>, vector<16xf32>,
      tpu.vector_store_idx %arg12[%iota3A, %broadcast_in_dim3A_2797], %get3A_2801 : memref<32x129xf32, #tpu.memory_space<vmem>>[vector<16xi32>, vector<16xi32>], vector<16xf32>,
      %get3A_2802 = arith.constant 113 : i32
      %get3A_2803 = arith.index_cast %get3A_2802 : i32 to index
      %get3A_2804 = arith.constant 0 : index
      %get3A_2805 = tpu.vector_load %arg10[%get3A_2803, %get3A_2804] {strides = array<i32>} : memref<128x16xf32, #tpu.memory_space<vmem>>, vector<16xf32>,
      tpu.vector_store_idx %arg12[%add3A_5, %broadcast_in_dim3A_2797], %get3A_2805 : memref<32x129xf32, #tpu.memory_space<vmem>>[vector<16xi32>, vector<16xi32>], vector<16xf32>,
      %broadcast_in_dim3A_2806 = arith.constant 114 : i32
      %broadcast_in_dim3A_2807 = vector.broadcast %broadcast_in_dim3A_2806 : i32 to vector<16xi32>
      %get3A_2808 = arith.constant 114 : i32
      %get3A_2809 = arith.index_cast %get3A_2808 : i32 to index
      %get3A_2810 = arith.constant 0 : index
      %get3A_2811 = tpu.vector_load %arg8[%get3A_2809, %get3A_2810] {strides = array<i32>} : memref<128x16xf32, #tpu.memory_space<vmem>>, vector<16xf32>,
      tpu.vector_store_idx %arg12[%iota3A, %broadcast_in_dim3A_2807], %get3A_2811 : memref<32x129xf32, #tpu.memory_space<vmem>>[vector<16xi32>, vector<16xi32>], vector<16xf32>,
      %get3A_2812 = arith.constant 114 : i32
      %get3A_2813 = arith.index_cast %get3A_2812 : i32 to index
      %get3A_2814 = arith.constant 0 : index
      %get3A_2815 = tpu.vector_load %arg10[%get3A_2813, %get3A_2814] {strides = array<i32>} : memref<128x16xf32, #tpu.memory_space<vmem>>, vector<16xf32>,
      tpu.vector_store_idx %arg12[%add3A_5, %broadcast_in_dim3A_2807], %get3A_2815 : memref<32x129xf32, #tpu.memory_space<vmem>>[vector<16xi32>, vector<16xi32>], vector<16xf32>,
      %broadcast_in_dim3A_2816 = arith.constant 115 : i32
      %broadcast_in_dim3A_2817 = vector.broadcast %broadcast_in_dim3A_2816 : i32 to vector<16xi32>
      %get3A_2818 = arith.constant 115 : i32
      %get3A_2819 = arith.index_cast %get3A_2818 : i32 to index
      %get3A_2820 = arith.constant 0 : index
      %get3A_2821 = tpu.vector_load %arg8[%get3A_2819, %get3A_2820] {strides = array<i32>} : memref<128x16xf32, #tpu.memory_space<vmem>>, vector<16xf32>,
      tpu.vector_store_idx %arg12[%iota3A, %broadcast_in_dim3A_2817], %get3A_2821 : memref<32x129xf32, #tpu.memory_space<vmem>>[vector<16xi32>, vector<16xi32>], vector<16xf32>,
      %get3A_2822 = arith.constant 115 : i32
      %get3A_2823 = arith.index_cast %get3A_2822 : i32 to index
      %get3A_2824 = arith.constant 0 : index
      %get3A_2825 = tpu.vector_load %arg10[%get3A_2823, %get3A_2824] {strides = array<i32>} : memref<128x16xf32, #tpu.memory_space<vmem>>, vector<16xf32>,
      tpu.vector_store_idx %arg12[%add3A_5, %broadcast_in_dim3A_2817], %get3A_2825 : memref<32x129xf32, #tpu.memory_space<vmem>>[vector<16xi32>, vector<16xi32>], vector<16xf32>,
      %broadcast_in_dim3A_2826 = arith.constant 116 : i32
      %broadcast_in_dim3A_2827 = vector.broadcast %broadcast_in_dim3A_2826 : i32 to vector<16xi32>
      %get3A_2828 = arith.constant 116 : i32
      %get3A_2829 = arith.index_cast %get3A_2828 : i32 to index
      %get3A_2830 = arith.constant 0 : index
      %get3A_2831 = tpu.vector_load %arg8[%get3A_2829, %get3A_2830] {strides = array<i32>} : memref<128x16xf32, #tpu.memory_space<vmem>>, vector<16xf32>,
      tpu.vector_store_idx %arg12[%iota3A, %broadcast_in_dim3A_2827], %get3A_2831 : memref<32x129xf32, #tpu.memory_space<vmem>>[vector<16xi32>, vector<16xi32>], vector<16xf32>,
      %get3A_2832 = arith.constant 116 : i32
      %get3A_2833 = arith.index_cast %get3A_2832 : i32 to index
      %get3A_2834 = arith.constant 0 : index
      %get3A_2835 = tpu.vector_load %arg10[%get3A_2833, %get3A_2834] {strides = array<i32>} : memref<128x16xf32, #tpu.memory_space<vmem>>, vector<16xf32>,
      tpu.vector_store_idx %arg12[%add3A_5, %broadcast_in_dim3A_2827], %get3A_2835 : memref<32x129xf32, #tpu.memory_space<vmem>>[vector<16xi32>, vector<16xi32>], vector<16xf32>,
      %broadcast_in_dim3A_2836 = arith.constant 117 : i32
      %broadcast_in_dim3A_2837 = vector.broadcast %broadcast_in_dim3A_2836 : i32 to vector<16xi32>
      %get3A_2838 = arith.constant 117 : i32
      %get3A_2839 = arith.index_cast %get3A_2838 : i32 to index
      %get3A_2840 = arith.constant 0 : index
      %get3A_2841 = tpu.vector_load %arg8[%get3A_2839, %get3A_2840] {strides = array<i32>} : memref<128x16xf32, #tpu.memory_space<vmem>>, vector<16xf32>,
      tpu.vector_store_idx %arg12[%iota3A, %broadcast_in_dim3A_2837], %get3A_2841 : memref<32x129xf32, #tpu.memory_space<vmem>>[vector<16xi32>, vector<16xi32>], vector<16xf32>,
      %get3A_2842 = arith.constant 117 : i32
      %get3A_2843 = arith.index_cast %get3A_2842 : i32 to index
      %get3A_2844 = arith.constant 0 : index
      %get3A_2845 = tpu.vector_load %arg10[%get3A_2843, %get3A_2844] {strides = array<i32>} : memref<128x16xf32, #tpu.memory_space<vmem>>, vector<16xf32>,
      tpu.vector_store_idx %arg12[%add3A_5, %broadcast_in_dim3A_2837], %get3A_2845 : memref<32x129xf32, #tpu.memory_space<vmem>>[vector<16xi32>, vector<16xi32>], vector<16xf32>,
      %broadcast_in_dim3A_2846 = arith.constant 118 : i32
      %broadcast_in_dim3A_2847 = vector.broadcast %broadcast_in_dim3A_2846 : i32 to vector<16xi32>
      %get3A_2848 = arith.constant 118 : i32
      %get3A_2849 = arith.index_cast %get3A_2848 : i32 to index
      %get3A_2850 = arith.constant 0 : index
      %get3A_2851 = tpu.vector_load %arg8[%get3A_2849, %get3A_2850] {strides = array<i32>} : memref<128x16xf32, #tpu.memory_space<vmem>>, vector<16xf32>,
      tpu.vector_store_idx %arg12[%iota3A, %broadcast_in_dim3A_2847], %get3A_2851 : memref<32x129xf32, #tpu.memory_space<vmem>>[vector<16xi32>, vector<16xi32>], vector<16xf32>,
      %get3A_2852 = arith.constant 118 : i32
      %get3A_2853 = arith.index_cast %get3A_2852 : i32 to index
      %get3A_2854 = arith.constant 0 : index
      %get3A_2855 = tpu.vector_load %arg10[%get3A_2853, %get3A_2854] {strides = array<i32>} : memref<128x16xf32, #tpu.memory_space<vmem>>, vector<16xf32>,
      tpu.vector_store_idx %arg12[%add3A_5, %broadcast_in_dim3A_2847], %get3A_2855 : memref<32x129xf32, #tpu.memory_space<vmem>>[vector<16xi32>, vector<16xi32>], vector<16xf32>,
      %broadcast_in_dim3A_2856 = arith.constant 119 : i32
      %broadcast_in_dim3A_2857 = vector.broadcast %broadcast_in_dim3A_2856 : i32 to vector<16xi32>
      %get3A_2858 = arith.constant 119 : i32
      %get3A_2859 = arith.index_cast %get3A_2858 : i32 to index
      %get3A_2860 = arith.constant 0 : index
      %get3A_2861 = tpu.vector_load %arg8[%get3A_2859, %get3A_2860] {strides = array<i32>} : memref<128x16xf32, #tpu.memory_space<vmem>>, vector<16xf32>,
      tpu.vector_store_idx %arg12[%iota3A, %broadcast_in_dim3A_2857], %get3A_2861 : memref<32x129xf32, #tpu.memory_space<vmem>>[vector<16xi32>, vector<16xi32>], vector<16xf32>,
      %get3A_2862 = arith.constant 119 : i32
      %get3A_2863 = arith.index_cast %get3A_2862 : i32 to index
      %get3A_2864 = arith.constant 0 : index
      %get3A_2865 = tpu.vector_load %arg10[%get3A_2863, %get3A_2864] {strides = array<i32>} : memref<128x16xf32, #tpu.memory_space<vmem>>, vector<16xf32>,
      tpu.vector_store_idx %arg12[%add3A_5, %broadcast_in_dim3A_2857], %get3A_2865 : memref<32x129xf32, #tpu.memory_space<vmem>>[vector<16xi32>, vector<16xi32>], vector<16xf32>,
      %broadcast_in_dim3A_2866 = arith.constant 120 : i32
      %broadcast_in_dim3A_2867 = vector.broadcast %broadcast_in_dim3A_2866 : i32 to vector<16xi32>
      %get3A_2868 = arith.constant 120 : i32
      %get3A_2869 = arith.index_cast %get3A_2868 : i32 to index
      %get3A_2870 = arith.constant 0 : index
      %get3A_2871 = tpu.vector_load %arg8[%get3A_2869, %get3A_2870] {strides = array<i32>} : memref<128x16xf32, #tpu.memory_space<vmem>>, vector<16xf32>,
      tpu.vector_store_idx %arg12[%iota3A, %broadcast_in_dim3A_2867], %get3A_2871 : memref<32x129xf32, #tpu.memory_space<vmem>>[vector<16xi32>, vector<16xi32>], vector<16xf32>,
      %get3A_2872 = arith.constant 120 : i32
      %get3A_2873 = arith.index_cast %get3A_2872 : i32 to index
      %get3A_2874 = arith.constant 0 : index
      %get3A_2875 = tpu.vector_load %arg10[%get3A_2873, %get3A_2874] {strides = array<i32>} : memref<128x16xf32, #tpu.memory_space<vmem>>, vector<16xf32>,
      tpu.vector_store_idx %arg12[%add3A_5, %broadcast_in_dim3A_2867], %get3A_2875 : memref<32x129xf32, #tpu.memory_space<vmem>>[vector<16xi32>, vector<16xi32>], vector<16xf32>,
      %broadcast_in_dim3A_2876 = arith.constant 121 : i32
      %broadcast_in_dim3A_2877 = vector.broadcast %broadcast_in_dim3A_2876 : i32 to vector<16xi32>
      %get3A_2878 = arith.constant 121 : i32
      %get3A_2879 = arith.index_cast %get3A_2878 : i32 to index
      %get3A_2880 = arith.constant 0 : index
      %get3A_2881 = tpu.vector_load %arg8[%get3A_2879, %get3A_2880] {strides = array<i32>} : memref<128x16xf32, #tpu.memory_space<vmem>>, vector<16xf32>,
      tpu.vector_store_idx %arg12[%iota3A, %broadcast_in_dim3A_2877], %get3A_2881 : memref<32x129xf32, #tpu.memory_space<vmem>>[vector<16xi32>, vector<16xi32>], vector<16xf32>,
      %get3A_2882 = arith.constant 121 : i32
      %get3A_2883 = arith.index_cast %get3A_2882 : i32 to index
      %get3A_2884 = arith.constant 0 : index
      %get3A_2885 = tpu.vector_load %arg10[%get3A_2883, %get3A_2884] {strides = array<i32>} : memref<128x16xf32, #tpu.memory_space<vmem>>, vector<16xf32>,
      tpu.vector_store_idx %arg12[%add3A_5, %broadcast_in_dim3A_2877], %get3A_2885 : memref<32x129xf32, #tpu.memory_space<vmem>>[vector<16xi32>, vector<16xi32>], vector<16xf32>,
      %broadcast_in_dim3A_2886 = arith.constant 122 : i32
      %broadcast_in_dim3A_2887 = vector.broadcast %broadcast_in_dim3A_2886 : i32 to vector<16xi32>
      %get3A_2888 = arith.constant 122 : i32
      %get3A_2889 = arith.index_cast %get3A_2888 : i32 to index
      %get3A_2890 = arith.constant 0 : index
      %get3A_2891 = tpu.vector_load %arg8[%get3A_2889, %get3A_2890] {strides = array<i32>} : memref<128x16xf32, #tpu.memory_space<vmem>>, vector<16xf32>,
      tpu.vector_store_idx %arg12[%iota3A, %broadcast_in_dim3A_2887], %get3A_2891 : memref<32x129xf32, #tpu.memory_space<vmem>>[vector<16xi32>, vector<16xi32>], vector<16xf32>,
      %get3A_2892 = arith.constant 122 : i32
      %get3A_2893 = arith.index_cast %get3A_2892 : i32 to index
      %get3A_2894 = arith.constant 0 : index
      %get3A_2895 = tpu.vector_load %arg10[%get3A_2893, %get3A_2894] {strides = array<i32>} : memref<128x16xf32, #tpu.memory_space<vmem>>, vector<16xf32>,
      tpu.vector_store_idx %arg12[%add3A_5, %broadcast_in_dim3A_2887], %get3A_2895 : memref<32x129xf32, #tpu.memory_space<vmem>>[vector<16xi32>, vector<16xi32>], vector<16xf32>,
      %broadcast_in_dim3A_2896 = arith.constant 123 : i32
      %broadcast_in_dim3A_2897 = vector.broadcast %broadcast_in_dim3A_2896 : i32 to vector<16xi32>
      %get3A_2898 = arith.constant 123 : i32
      %get3A_2899 = arith.index_cast %get3A_2898 : i32 to index
      %get3A_2900 = arith.constant 0 : index
      %get3A_2901 = tpu.vector_load %arg8[%get3A_2899, %get3A_2900] {strides = array<i32>} : memref<128x16xf32, #tpu.memory_space<vmem>>, vector<16xf32>,
      tpu.vector_store_idx %arg12[%iota3A, %broadcast_in_dim3A_2897], %get3A_2901 : memref<32x129xf32, #tpu.memory_space<vmem>>[vector<16xi32>, vector<16xi32>], vector<16xf32>,
      %get3A_2902 = arith.constant 123 : i32
      %get3A_2903 = arith.index_cast %get3A_2902 : i32 to index
      %get3A_2904 = arith.constant 0 : index
      %get3A_2905 = tpu.vector_load %arg10[%get3A_2903, %get3A_2904] {strides = array<i32>} : memref<128x16xf32, #tpu.memory_space<vmem>>, vector<16xf32>,
      tpu.vector_store_idx %arg12[%add3A_5, %broadcast_in_dim3A_2897], %get3A_2905 : memref<32x129xf32, #tpu.memory_space<vmem>>[vector<16xi32>, vector<16xi32>], vector<16xf32>,
      %broadcast_in_dim3A_2906 = arith.constant 124 : i32
      %broadcast_in_dim3A_2907 = vector.broadcast %broadcast_in_dim3A_2906 : i32 to vector<16xi32>
      %get3A_2908 = arith.constant 124 : i32
      %get3A_2909 = arith.index_cast %get3A_2908 : i32 to index
      %get3A_2910 = arith.constant 0 : index
      %get3A_2911 = tpu.vector_load %arg8[%get3A_2909, %get3A_2910] {strides = array<i32>} : memref<128x16xf32, #tpu.memory_space<vmem>>, vector<16xf32>,
      tpu.vector_store_idx %arg12[%iota3A, %broadcast_in_dim3A_2907], %get3A_2911 : memref<32x129xf32, #tpu.memory_space<vmem>>[vector<16xi32>, vector<16xi32>], vector<16xf32>,
      %get3A_2912 = arith.constant 124 : i32
      %get3A_2913 = arith.index_cast %get3A_2912 : i32 to index
      %get3A_2914 = arith.constant 0 : index
      %get3A_2915 = tpu.vector_load %arg10[%get3A_2913, %get3A_2914] {strides = array<i32>} : memref<128x16xf32, #tpu.memory_space<vmem>>, vector<16xf32>,
      tpu.vector_store_idx %arg12[%add3A_5, %broadcast_in_dim3A_2907], %get3A_2915 : memref<32x129xf32, #tpu.memory_space<vmem>>[vector<16xi32>, vector<16xi32>], vector<16xf32>,
      %broadcast_in_dim3A_2916 = arith.constant 125 : i32
      %broadcast_in_dim3A_2917 = vector.broadcast %broadcast_in_dim3A_2916 : i32 to vector<16xi32>
      %get3A_2918 = arith.constant 125 : i32
      %get3A_2919 = arith.index_cast %get3A_2918 : i32 to index
      %get3A_2920 = arith.constant 0 : index
      %get3A_2921 = tpu.vector_load %arg8[%get3A_2919, %get3A_2920] {strides = array<i32>} : memref<128x16xf32, #tpu.memory_space<vmem>>, vector<16xf32>,
      tpu.vector_store_idx %arg12[%iota3A, %broadcast_in_dim3A_2917], %get3A_2921 : memref<32x129xf32, #tpu.memory_space<vmem>>[vector<16xi32>, vector<16xi32>], vector<16xf32>,
      %get3A_2922 = arith.constant 125 : i32
      %get3A_2923 = arith.index_cast %get3A_2922 : i32 to index
      %get3A_2924 = arith.constant 0 : index
      %get3A_2925 = tpu.vector_load %arg10[%get3A_2923, %get3A_2924] {strides = array<i32>} : memref<128x16xf32, #tpu.memory_space<vmem>>, vector<16xf32>,
      tpu.vector_store_idx %arg12[%add3A_5, %broadcast_in_dim3A_2917], %get3A_2925 : memref<32x129xf32, #tpu.memory_space<vmem>>[vector<16xi32>, vector<16xi32>], vector<16xf32>,
      %broadcast_in_dim3A_2926 = arith.constant 126 : i32
      %broadcast_in_dim3A_2927 = vector.broadcast %broadcast_in_dim3A_2926 : i32 to vector<16xi32>
      %get3A_2928 = arith.constant 126 : i32
      %get3A_2929 = arith.index_cast %get3A_2928 : i32 to index
      %get3A_2930 = arith.constant 0 : index
      %get3A_2931 = tpu.vector_load %arg8[%get3A_2929, %get3A_2930] {strides = array<i32>} : memref<128x16xf32, #tpu.memory_space<vmem>>, vector<16xf32>,
      tpu.vector_store_idx %arg12[%iota3A, %broadcast_in_dim3A_2927], %get3A_2931 : memref<32x129xf32, #tpu.memory_space<vmem>>[vector<16xi32>, vector<16xi32>], vector<16xf32>,
      %get3A_2932 = arith.constant 126 : i32
      %get3A_2933 = arith.index_cast %get3A_2932 : i32 to index
      %get3A_2934 = arith.constant 0 : index
      %get3A_2935 = tpu.vector_load %arg10[%get3A_2933, %get3A_2934] {strides = array<i32>} : memref<128x16xf32, #tpu.memory_space<vmem>>, vector<16xf32>,
      tpu.vector_store_idx %arg12[%add3A_5, %broadcast_in_dim3A_2927], %get3A_2935 : memref<32x129xf32, #tpu.memory_space<vmem>>[vector<16xi32>, vector<16xi32>], vector<16xf32>,
      %broadcast_in_dim3A_2936 = arith.constant 127 : i32
      %broadcast_in_dim3A_2937 = vector.broadcast %broadcast_in_dim3A_2936 : i32 to vector<16xi32>
      %get3A_2938 = arith.constant 127 : i32
      %get3A_2939 = arith.index_cast %get3A_2938 : i32 to index
      %get3A_2940 = arith.constant 0 : index
      %get3A_2941 = tpu.vector_load %arg8[%get3A_2939, %get3A_2940] {strides = array<i32>} : memref<128x16xf32, #tpu.memory_space<vmem>>, vector<16xf32>,
      tpu.vector_store_idx %arg12[%iota3A, %broadcast_in_dim3A_2937], %get3A_2941 : memref<32x129xf32, #tpu.memory_space<vmem>>[vector<16xi32>, vector<16xi32>], vector<16xf32>,
      %get3A_2942 = arith.constant 127 : i32
      %get3A_2943 = arith.index_cast %get3A_2942 : i32 to index
      %get3A_2944 = arith.constant 0 : index
      %get3A_2945 = tpu.vector_load %arg10[%get3A_2943, %get3A_2944] {strides = array<i32>} : memref<128x16xf32, #tpu.memory_space<vmem>>, vector<16xf32>,
      tpu.vector_store_idx %arg12[%add3A_5, %broadcast_in_dim3A_2937], %get3A_2945 : memref<32x129xf32, #tpu.memory_space<vmem>>[vector<16xi32>, vector<16xi32>], vector<16xf32>,
      %jit3A_2946 = arith.constant 4 : i32
      %div3A_2947 = arith.divsi %add3A_1601, %jit3A_2946 : i32
      %sign3A_2948 = arith.constant 0 : i32
      %sign3A_2949 = arith.cmpi sgt, %add3A_1601, %sign3A_2948 : i32
      %sign3A_2950 = arith.extui %sign3A_2949 : i1 to i32
      %sign3A_2951 = arith.constant 0 : i32
      %sign3A_2952 = arith.cmpi slt, %add3A_1601, %sign3A_2951 : i32
      %sign3A_2953 = arith.extui %sign3A_2952 : i1 to i32
      %sign3A_2954 = arith.subi %sign3A_2950, %sign3A_2953 : i32
      %sign3A_2955 = arith.constant 0 : i32
      %sign3A_2956 = arith.cmpi sgt, %jit3A_2946, %sign3A_2955 : i32
      %sign3A_2957 = arith.extui %sign3A_2956 : i1 to i32
      %sign3A_2958 = arith.constant 0 : i32
      %sign3A_2959 = arith.cmpi slt, %jit3A_2946, %sign3A_2958 : i32
      %sign3A_2960 = arith.extui %sign3A_2959 : i1 to i32
      %sign3A_2961 = arith.subi %sign3A_2957, %sign3A_2960 : i32
      %ne3A_2962 = arith.cmpi ne, %sign3A_2954, %sign3A_2961 : i32
      %rem3A_2963 = arith.remsi %add3A_1601, %jit3A_2946 : i32
      %ne3A_2964 = arith.constant 0 : i32
      %ne3A_2965 = arith.cmpi ne, %rem3A_2963, %ne3A_2964 : i32
      %and3A_2966 = arith.andi %ne3A_2962, %ne3A_2965 : i1
      %sub3A_2967 = arith.constant 1 : i32
      %sub3A_2968 = arith.subi %div3A_2947, %sub3A_2967 : i32
      %select_n3A_2969 = arith.select %and3A_2966, %sub3A_2968, %div3A_2947 : i32
      %mul3A_2970 = arith.constant 4 : i32
      %mul3A_2971 = arith.muli %add3A, %mul3A_2970 : i32
      %jit3A_2972 = arith.constant 4 : i32
      %eq3A_2973 = arith.constant 0 : i32
      %eq3A_2974 = arith.cmpi eq, %jit3A_2972, %eq3A_2973 : i32
      %jit3A_2975 = arith.constant 1 : i32
      %select_n3A_2976 = arith.select %eq3A_2974, %jit3A_2975, %jit3A_2972 : i32
      %rem3A_2977 = arith.remsi %add3A_1601, %select_n3A_2976 : i32
      %ne3A_2978 = arith.constant 0 : i32
      %ne3A_2979 = arith.cmpi ne, %rem3A_2977, %ne3A_2978 : i32
      %lt3A_2980 = arith.constant 0 : i32
      %lt3A_2981 = arith.cmpi slt, %rem3A_2977, %lt3A_2980 : i32
      %lt3A_2982 = arith.constant 0 : i32
      %lt3A_2983 = arith.cmpi slt, %select_n3A_2976, %lt3A_2982 : i32
      %ne3A_2984 = arith.xori %lt3A_2981, %lt3A_2983 : i1
      %and3A_2985 = arith.andi %ne3A_2984, %ne3A_2979 : i1
      %add3A_2986 = arith.addi %rem3A_2977, %select_n3A_2976 : i32
      %select_n3A_2987 = arith.select %and3A_2985, %add3A_2986, %rem3A_2977 : i32
      %add3A_2988 = arith.addi %mul3A_2971, %select_n3A_2987 : i32
      %dma_start3A_2989 = arith.constant 0 : i32
      %dma_start3A_2990 = arith.constant 0 : i32
      %dma_start3A_2991 = arith.constant 0 : i32
      %dma_start3A_2992 = tpu.memref_slice %arg12[%dma_start3A_2990, %dma_start3A_2991] : memref<32x129xf32, #tpu.memory_space<vmem>> -> memref<8x128xf32, #tpu.memory_space<vmem>>
      %dma_start3A_2993 = arith.constant 0 : i32
      %dma_start3A_2994 = arith.constant 0 : i32
      %dma_start3A_2995 = tpu.memref_slice %arg5[%select_n3A_2969, %dma_start3A_2989, %add3A_2988, %dma_start3A_2993, %dma_start3A_2994] : memref<26x4x128x8x128xf32, #tpu.memory_space<hbm>> -> memref<1x1x1x8x128xf32, #tpu.memory_space<hbm>>
      %dma_start3A_2996 = tpu.memref_squeeze %dma_start3A_2995 : memref<1x1x1x8x128xf32, #tpu.memory_space<hbm>> -> memref<8x128xf32, #tpu.memory_space<hbm>>
      %dma_start3A_2997 = arith.constant 0 : i32
      %dma_start3A_2998 = arith.constant 0 : i32
      %dma_start3A_2999 = tpu.memref_slice %arg5[%select_n3A_2969, %dma_start3A_2989, %add3A_2988, %dma_start3A_2997, %dma_start3A_2998] : memref<26x4x128x8x128xf32, #tpu.memory_space<hbm>> -> memref<1x1x1x8x128xf32, #tpu.memory_space<hbm>>
      %dma_start3A_3000 = tpu.memref_squeeze %dma_start3A_2999 : memref<1x1x1x8x128xf32, #tpu.memory_space<hbm>> -> memref<8x128xf32, #tpu.memory_space<hbm>>
      %dma_start3A_3001 = arith.constant 0 : i32
      %dma_start3A_3002 = arith.constant 0 : i32
      %dma_start3A_3003 = tpu.memref_slice %arg12[%dma_start3A_3001, %dma_start3A_3002] : memref<32x129xf32, #tpu.memory_space<vmem>> -> memref<8x128xf32, #tpu.memory_space<vmem>>
      tpu.enqueue_dma source(%dma_start3A_3003 : memref<8x128xf32, #tpu.memory_space<vmem>>) target(%dma_start3A_3000 : memref<8x128xf32, #tpu.memory_space<hbm>>) target_semaphore(%arg16 : memref<!tpu.dma_semaphore, #tpu.memory_space<semaphore_mem>>)
      %dma_start3A_3004 = arith.constant 1 : i32
      %dma_start3A_3005 = arith.constant 8 : i32
      %dma_start3A_3006 = arith.constant 0 : i32
      %dma_start3A_3007 = tpu.memref_slice %arg12[%dma_start3A_3005, %dma_start3A_3006] : memref<32x129xf32, #tpu.memory_space<vmem>> -> memref<8x128xf32, #tpu.memory_space<vmem>>
      %dma_start3A_3008 = arith.constant 0 : i32
      %dma_start3A_3009 = arith.constant 0 : i32
      %dma_start3A_3010 = tpu.memref_slice %arg5[%select_n3A_2969, %dma_start3A_3004, %add3A_2988, %dma_start3A_3008, %dma_start3A_3009] : memref<26x4x128x8x128xf32, #tpu.memory_space<hbm>> -> memref<1x1x1x8x128xf32, #tpu.memory_space<hbm>>
      %dma_start3A_3011 = tpu.memref_squeeze %dma_start3A_3010 : memref<1x1x1x8x128xf32, #tpu.memory_space<hbm>> -> memref<8x128xf32, #tpu.memory_space<hbm>>
      %dma_start3A_3012 = arith.constant 0 : i32
      %dma_start3A_3013 = arith.constant 0 : i32
      %dma_start3A_3014 = tpu.memref_slice %arg5[%select_n3A_2969, %dma_start3A_3004, %add3A_2988, %dma_start3A_3012, %dma_start3A_3013] : memref<26x4x128x8x128xf32, #tpu.memory_space<hbm>> -> memref<1x1x1x8x128xf32, #tpu.memory_space<hbm>>
      %dma_start3A_3015 = tpu.memref_squeeze %dma_start3A_3014 : memref<1x1x1x8x128xf32, #tpu.memory_space<hbm>> -> memref<8x128xf32, #tpu.memory_space<hbm>>
      %dma_start3A_3016 = arith.constant 8 : i32
      %dma_start3A_3017 = arith.constant 0 : i32
      %dma_start3A_3018 = tpu.memref_slice %arg12[%dma_start3A_3016, %dma_start3A_3017] : memref<32x129xf32, #tpu.memory_space<vmem>> -> memref<8x128xf32, #tpu.memory_space<vmem>>
      tpu.enqueue_dma source(%dma_start3A_3018 : memref<8x128xf32, #tpu.memory_space<vmem>>) target(%dma_start3A_3015 : memref<8x128xf32, #tpu.memory_space<hbm>>) target_semaphore(%arg16 : memref<!tpu.dma_semaphore, #tpu.memory_space<semaphore_mem>>)
      %dma_start3A_3019 = arith.constant 2 : i32
      %dma_start3A_3020 = arith.constant 16 : i32
      %dma_start3A_3021 = arith.constant 0 : i32
      %dma_start3A_3022 = tpu.memref_slice %arg12[%dma_start3A_3020, %dma_start3A_3021] : memref<32x129xf32, #tpu.memory_space<vmem>> -> memref<8x128xf32, #tpu.memory_space<vmem>>
      %dma_start3A_3023 = arith.constant 0 : i32
      %dma_start3A_3024 = arith.constant 0 : i32
      %dma_start3A_3025 = tpu.memref_slice %arg5[%select_n3A_2969, %dma_start3A_3019, %add3A_2988, %dma_start3A_3023, %dma_start3A_3024] : memref<26x4x128x8x128xf32, #tpu.memory_space<hbm>> -> memref<1x1x1x8x128xf32, #tpu.memory_space<hbm>>
      %dma_start3A_3026 = tpu.memref_squeeze %dma_start3A_3025 : memref<1x1x1x8x128xf32, #tpu.memory_space<hbm>> -> memref<8x128xf32, #tpu.memory_space<hbm>>
      %dma_start3A_3027 = arith.constant 0 : i32
      %dma_start3A_3028 = arith.constant 0 : i32
      %dma_start3A_3029 = tpu.memref_slice %arg5[%select_n3A_2969, %dma_start3A_3019, %add3A_2988, %dma_start3A_3027, %dma_start3A_3028] : memref<26x4x128x8x128xf32, #tpu.memory_space<hbm>> -> memref<1x1x1x8x128xf32, #tpu.memory_space<hbm>>
      %dma_start3A_3030 = tpu.memref_squeeze %dma_start3A_3029 : memref<1x1x1x8x128xf32, #tpu.memory_space<hbm>> -> memref<8x128xf32, #tpu.memory_space<hbm>>
      %dma_start3A_3031 = arith.constant 16 : i32
      %dma_start3A_3032 = arith.constant 0 : i32
      %dma_start3A_3033 = tpu.memref_slice %arg12[%dma_start3A_3031, %dma_start3A_3032] : memref<32x129xf32, #tpu.memory_space<vmem>> -> memref<8x128xf32, #tpu.memory_space<vmem>>
      tpu.enqueue_dma source(%dma_start3A_3033 : memref<8x128xf32, #tpu.memory_space<vmem>>) target(%dma_start3A_3030 : memref<8x128xf32, #tpu.memory_space<hbm>>) target_semaphore(%arg16 : memref<!tpu.dma_semaphore, #tpu.memory_space<semaphore_mem>>)
      %dma_start3A_3034 = arith.constant 3 : i32
      %dma_start3A_3035 = arith.constant 24 : i32
      %dma_start3A_3036 = arith.constant 0 : i32
      %dma_start3A_3037 = tpu.memref_slice %arg12[%dma_start3A_3035, %dma_start3A_3036] : memref<32x129xf32, #tpu.memory_space<vmem>> -> memref<8x128xf32, #tpu.memory_space<vmem>>
      %dma_start3A_3038 = arith.constant 0 : i32
      %dma_start3A_3039 = arith.constant 0 : i32
      %dma_start3A_3040 = tpu.memref_slice %arg5[%select_n3A_2969, %dma_start3A_3034, %add3A_2988, %dma_start3A_3038, %dma_start3A_3039] : memref<26x4x128x8x128xf32, #tpu.memory_space<hbm>> -> memref<1x1x1x8x128xf32, #tpu.memory_space<hbm>>
      %dma_start3A_3041 = tpu.memref_squeeze %dma_start3A_3040 : memref<1x1x1x8x128xf32, #tpu.memory_space<hbm>> -> memref<8x128xf32, #tpu.memory_space<hbm>>
      %dma_start3A_3042 = arith.constant 0 : i32
      %dma_start3A_3043 = arith.constant 0 : i32
      %dma_start3A_3044 = tpu.memref_slice %arg5[%select_n3A_2969, %dma_start3A_3034, %add3A_2988, %dma_start3A_3042, %dma_start3A_3043] : memref<26x4x128x8x128xf32, #tpu.memory_space<hbm>> -> memref<1x1x1x8x128xf32, #tpu.memory_space<hbm>>
      %dma_start3A_3045 = tpu.memref_squeeze %dma_start3A_3044 : memref<1x1x1x8x128xf32, #tpu.memory_space<hbm>> -> memref<8x128xf32, #tpu.memory_space<hbm>>
      %dma_start3A_3046 = arith.constant 24 : i32
      %dma_start3A_3047 = arith.constant 0 : i32
      %dma_start3A_3048 = tpu.memref_slice %arg12[%dma_start3A_3046, %dma_start3A_3047] : memref<32x129xf32, #tpu.memory_space<vmem>> -> memref<8x128xf32, #tpu.memory_space<vmem>>
      tpu.enqueue_dma source(%dma_start3A_3048 : memref<8x128xf32, #tpu.memory_space<vmem>>) target(%dma_start3A_3045 : memref<8x128xf32, #tpu.memory_space<hbm>>) target_semaphore(%arg16 : memref<!tpu.dma_semaphore, #tpu.memory_space<semaphore_mem>>)
    }
    %scan3A_25 = arith.constant 52 : i32
    %mul3A_26 = arith.constant 4 : i32
    %mul3A_27 = arith.muli %add3A, %mul3A_26 : i32
    %add3A_28 = arith.constant 2 : i32
    %add3A_29 = arith.addi %mul3A_27, %add3A_28 : i32
    %dma_wait3A = arith.constant 25 : i32
    %dma_wait3A_30 = arith.constant 0 : i32
    %dma_wait3A_31 = arith.constant 0 : i32
    %dma_wait3A_32 = arith.constant 0 : i32
    %dma_wait3A_33 = tpu.memref_slice %arg11[%dma_wait3A_31, %dma_wait3A_32] : memref<32x129xf32, #tpu.memory_space<vmem>> -> memref<8x128xf32, #tpu.memory_space<vmem>>
    %dma_wait3A_34 = arith.constant 0 : i32
    %dma_wait3A_35 = arith.constant 0 : i32
    %dma_wait3A_36 = tpu.memref_slice %arg5[%dma_wait3A, %dma_wait3A_30, %add3A_29, %dma_wait3A_34, %dma_wait3A_35] : memref<26x4x128x8x128xf32, #tpu.memory_space<hbm>> -> memref<1x1x1x8x128xf32, #tpu.memory_space<hbm>>
    %dma_wait3A_37 = tpu.memref_squeeze %dma_wait3A_36 : memref<1x1x1x8x128xf32, #tpu.memory_space<hbm>> -> memref<8x128xf32, #tpu.memory_space<hbm>>
    %dma_wait3A_38 = arith.constant 0 : i32
    %dma_wait3A_39 = arith.constant 0 : i32
    %dma_wait3A_40 = tpu.memref_slice %arg5[%dma_wait3A, %dma_wait3A_30, %add3A_29, %dma_wait3A_38, %dma_wait3A_39] : memref<26x4x128x8x128xf32, #tpu.memory_space<hbm>> -> memref<1x1x1x8x128xf32, #tpu.memory_space<hbm>>
    %dma_wait3A_41 = tpu.memref_squeeze %dma_wait3A_40 : memref<1x1x1x8x128xf32, #tpu.memory_space<hbm>> -> memref<8x128xf32, #tpu.memory_space<hbm>>
    %dma_wait3A_42 = arith.constant 0 : i32
    %dma_wait3A_43 = arith.constant 0 : i32
    %dma_wait3A_44 = tpu.memref_slice %arg11[%dma_wait3A_42, %dma_wait3A_43] : memref<32x129xf32, #tpu.memory_space<vmem>> -> memref<8x128xf32, #tpu.memory_space<vmem>>
    tpu.wait_dma2 semaphore(%arg15 : memref<!tpu.dma_semaphore, #tpu.memory_space<semaphore_mem>>) src(%dma_wait3A_44 : memref<8x128xf32, #tpu.memory_space<vmem>>) dst(%dma_wait3A_41 : memref<8x128xf32, #tpu.memory_space<hbm>>)
    %dma_wait3A_45 = arith.constant 25 : i32
    %dma_wait3A_46 = arith.constant 1 : i32
    %dma_wait3A_47 = arith.constant 8 : i32
    %dma_wait3A_48 = arith.constant 0 : i32
    %dma_wait3A_49 = tpu.memref_slice %arg11[%dma_wait3A_47, %dma_wait3A_48] : memref<32x129xf32, #tpu.memory_space<vmem>> -> memref<8x128xf32, #tpu.memory_space<vmem>>
    %dma_wait3A_50 = arith.constant 0 : i32
    %dma_wait3A_51 = arith.constant 0 : i32
    %dma_wait3A_52 = tpu.memref_slice %arg5[%dma_wait3A_45, %dma_wait3A_46, %add3A_29, %dma_wait3A_50, %dma_wait3A_51] : memref<26x4x128x8x128xf32, #tpu.memory_space<hbm>> -> memref<1x1x1x8x128xf32, #tpu.memory_space<hbm>>
    %dma_wait3A_53 = tpu.memref_squeeze %dma_wait3A_52 : memref<1x1x1x8x128xf32, #tpu.memory_space<hbm>> -> memref<8x128xf32, #tpu.memory_space<hbm>>
    %dma_wait3A_54 = arith.constant 0 : i32
    %dma_wait3A_55 = arith.constant 0 : i32
    %dma_wait3A_56 = tpu.memref_slice %arg5[%dma_wait3A_45, %dma_wait3A_46, %add3A_29, %dma_wait3A_54, %dma_wait3A_55] : memref<26x4x128x8x128xf32, #tpu.memory_space<hbm>> -> memref<1x1x1x8x128xf32, #tpu.memory_space<hbm>>
    %dma_wait3A_57 = tpu.memref_squeeze %dma_wait3A_56 : memref<1x1x1x8x128xf32, #tpu.memory_space<hbm>> -> memref<8x128xf32, #tpu.memory_space<hbm>>
    %dma_wait3A_58 = arith.constant 8 : i32
    %dma_wait3A_59 = arith.constant 0 : i32
    %dma_wait3A_60 = tpu.memref_slice %arg11[%dma_wait3A_58, %dma_wait3A_59] : memref<32x129xf32, #tpu.memory_space<vmem>> -> memref<8x128xf32, #tpu.memory_space<vmem>>
    tpu.wait_dma2 semaphore(%arg15 : memref<!tpu.dma_semaphore, #tpu.memory_space<semaphore_mem>>) src(%dma_wait3A_60 : memref<8x128xf32, #tpu.memory_space<vmem>>) dst(%dma_wait3A_57 : memref<8x128xf32, #tpu.memory_space<hbm>>)
    %dma_wait3A_61 = arith.constant 25 : i32
    %dma_wait3A_62 = arith.constant 2 : i32
    %dma_wait3A_63 = arith.constant 16 : i32
    %dma_wait3A_64 = arith.constant 0 : i32
    %dma_wait3A_65 = tpu.memref_slice %arg11[%dma_wait3A_63, %dma_wait3A_64] : memref<32x129xf32, #tpu.memory_space<vmem>> -> memref<8x128xf32, #tpu.memory_space<vmem>>
    %dma_wait3A_66 = arith.constant 0 : i32
    %dma_wait3A_67 = arith.constant 0 : i32
    %dma_wait3A_68 = tpu.memref_slice %arg5[%dma_wait3A_61, %dma_wait3A_62, %add3A_29, %dma_wait3A_66, %dma_wait3A_67] : memref<26x4x128x8x128xf32, #tpu.memory_space<hbm>> -> memref<1x1x1x8x128xf32, #tpu.memory_space<hbm>>
    %dma_wait3A_69 = tpu.memref_squeeze %dma_wait3A_68 : memref<1x1x1x8x128xf32, #tpu.memory_space<hbm>> -> memref<8x128xf32, #tpu.memory_space<hbm>>
    %dma_wait3A_70 = arith.constant 0 : i32
    %dma_wait3A_71 = arith.constant 0 : i32
    %dma_wait3A_72 = tpu.memref_slice %arg5[%dma_wait3A_61, %dma_wait3A_62, %add3A_29, %dma_wait3A_70, %dma_wait3A_71] : memref<26x4x128x8x128xf32, #tpu.memory_space<hbm>> -> memref<1x1x1x8x128xf32, #tpu.memory_space<hbm>>
    %dma_wait3A_73 = tpu.memref_squeeze %dma_wait3A_72 : memref<1x1x1x8x128xf32, #tpu.memory_space<hbm>> -> memref<8x128xf32, #tpu.memory_space<hbm>>
    %dma_wait3A_74 = arith.constant 16 : i32
    %dma_wait3A_75 = arith.constant 0 : i32
    %dma_wait3A_76 = tpu.memref_slice %arg11[%dma_wait3A_74, %dma_wait3A_75] : memref<32x129xf32, #tpu.memory_space<vmem>> -> memref<8x128xf32, #tpu.memory_space<vmem>>
    tpu.wait_dma2 semaphore(%arg15 : memref<!tpu.dma_semaphore, #tpu.memory_space<semaphore_mem>>) src(%dma_wait3A_76 : memref<8x128xf32, #tpu.memory_space<vmem>>) dst(%dma_wait3A_73 : memref<8x128xf32, #tpu.memory_space<hbm>>)
    %dma_wait3A_77 = arith.constant 25 : i32
    %dma_wait3A_78 = arith.constant 3 : i32
    %dma_wait3A_79 = arith.constant 24 : i32
    %dma_wait3A_80 = arith.constant 0 : i32
    %dma_wait3A_81 = tpu.memref_slice %arg11[%dma_wait3A_79, %dma_wait3A_80] : memref<32x129xf32, #tpu.memory_space<vmem>> -> memref<8x128xf32, #tpu.memory_space<vmem>>
    %dma_wait3A_82 = arith.constant 0 : i32
    %dma_wait3A_83 = arith.constant 0 : i32
    %dma_wait3A_84 = tpu.memref_slice %arg5[%dma_wait3A_77, %dma_wait3A_78, %add3A_29, %dma_wait3A_82, %dma_wait3A_83] : memref<26x4x128x8x128xf32, #tpu.memory_space<hbm>> -> memref<1x1x1x8x128xf32, #tpu.memory_space<hbm>>
    %dma_wait3A_85 = tpu.memref_squeeze %dma_wait3A_84 : memref<1x1x1x8x128xf32, #tpu.memory_space<hbm>> -> memref<8x128xf32, #tpu.memory_space<hbm>>
    %dma_wait3A_86 = arith.constant 0 : i32
    %dma_wait3A_87 = arith.constant 0 : i32
    %dma_wait3A_88 = tpu.memref_slice %arg5[%dma_wait3A_77, %dma_wait3A_78, %add3A_29, %dma_wait3A_86, %dma_wait3A_87] : memref<26x4x128x8x128xf32, #tpu.memory_space<hbm>> -> memref<1x1x1x8x128xf32, #tpu.memory_space<hbm>>
    %dma_wait3A_89 = tpu.memref_squeeze %dma_wait3A_88 : memref<1x1x1x8x128xf32, #tpu.memory_space<hbm>> -> memref<8x128xf32, #tpu.memory_space<hbm>>
    %dma_wait3A_90 = arith.constant 24 : i32
    %dma_wait3A_91 = arith.constant 0 : i32
    %dma_wait3A_92 = tpu.memref_slice %arg11[%dma_wait3A_90, %dma_wait3A_91] : memref<32x129xf32, #tpu.memory_space<vmem>> -> memref<8x128xf32, #tpu.memory_space<vmem>>
    tpu.wait_dma2 semaphore(%arg15 : memref<!tpu.dma_semaphore, #tpu.memory_space<semaphore_mem>>) src(%dma_wait3A_92 : memref<8x128xf32, #tpu.memory_space<vmem>>) dst(%dma_wait3A_89 : memref<8x128xf32, #tpu.memory_space<hbm>>)
    %mul3A_93 = arith.constant 4 : i32
    %mul3A_94 = arith.muli %add3A, %mul3A_93 : i32
    %add3A_95 = arith.constant 3 : i32
    %add3A_96 = arith.addi %mul3A_94, %add3A_95 : i32
    %dma_wait3A_97 = arith.constant 25 : i32
    %dma_wait3A_98 = arith.constant 0 : i32
    %dma_wait3A_99 = arith.constant 0 : i32
    %dma_wait3A_100 = arith.constant 0 : i32
    %dma_wait3A_101 = tpu.memref_slice %arg12[%dma_wait3A_99, %dma_wait3A_100] : memref<32x129xf32, #tpu.memory_space<vmem>> -> memref<8x128xf32, #tpu.memory_space<vmem>>
    %dma_wait3A_102 = arith.constant 0 : i32
    %dma_wait3A_103 = arith.constant 0 : i32
    %dma_wait3A_104 = tpu.memref_slice %arg5[%dma_wait3A_97, %dma_wait3A_98, %add3A_96, %dma_wait3A_102, %dma_wait3A_103] : memref<26x4x128x8x128xf32, #tpu.memory_space<hbm>> -> memref<1x1x1x8x128xf32, #tpu.memory_space<hbm>>
    %dma_wait3A_105 = tpu.memref_squeeze %dma_wait3A_104 : memref<1x1x1x8x128xf32, #tpu.memory_space<hbm>> -> memref<8x128xf32, #tpu.memory_space<hbm>>
    %dma_wait3A_106 = arith.constant 0 : i32
    %dma_wait3A_107 = arith.constant 0 : i32
    %dma_wait3A_108 = tpu.memref_slice %arg5[%dma_wait3A_97, %dma_wait3A_98, %add3A_96, %dma_wait3A_106, %dma_wait3A_107] : memref<26x4x128x8x128xf32, #tpu.memory_space<hbm>> -> memref<1x1x1x8x128xf32, #tpu.memory_space<hbm>>
    %dma_wait3A_109 = tpu.memref_squeeze %dma_wait3A_108 : memref<1x1x1x8x128xf32, #tpu.memory_space<hbm>> -> memref<8x128xf32, #tpu.memory_space<hbm>>
    %dma_wait3A_110 = arith.constant 0 : i32
    %dma_wait3A_111 = arith.constant 0 : i32
    %dma_wait3A_112 = tpu.memref_slice %arg12[%dma_wait3A_110, %dma_wait3A_111] : memref<32x129xf32, #tpu.memory_space<vmem>> -> memref<8x128xf32, #tpu.memory_space<vmem>>
    tpu.wait_dma2 semaphore(%arg16 : memref<!tpu.dma_semaphore, #tpu.memory_space<semaphore_mem>>) src(%dma_wait3A_112 : memref<8x128xf32, #tpu.memory_space<vmem>>) dst(%dma_wait3A_109 : memref<8x128xf32, #tpu.memory_space<hbm>>)
    %dma_wait3A_113 = arith.constant 25 : i32
    %dma_wait3A_114 = arith.constant 1 : i32
    %dma_wait3A_115 = arith.constant 8 : i32
    %dma_wait3A_116 = arith.constant 0 : i32
    %dma_wait3A_117 = tpu.memref_slice %arg12[%dma_wait3A_115, %dma_wait3A_116] : memref<32x129xf32, #tpu.memory_space<vmem>> -> memref<8x128xf32, #tpu.memory_space<vmem>>
    %dma_wait3A_118 = arith.constant 0 : i32
    %dma_wait3A_119 = arith.constant 0 : i32
    %dma_wait3A_120 = tpu.memref_slice %arg5[%dma_wait3A_113, %dma_wait3A_114, %add3A_96, %dma_wait3A_118, %dma_wait3A_119] : memref<26x4x128x8x128xf32, #tpu.memory_space<hbm>> -> memref<1x1x1x8x128xf32, #tpu.memory_space<hbm>>
    %dma_wait3A_121 = tpu.memref_squeeze %dma_wait3A_120 : memref<1x1x1x8x128xf32, #tpu.memory_space<hbm>> -> memref<8x128xf32, #tpu.memory_space<hbm>>
    %dma_wait3A_122 = arith.constant 0 : i32
    %dma_wait3A_123 = arith.constant 0 : i32
    %dma_wait3A_124 = tpu.memref_slice %arg5[%dma_wait3A_113, %dma_wait3A_114, %add3A_96, %dma_wait3A_122, %dma_wait3A_123] : memref<26x4x128x8x128xf32, #tpu.memory_space<hbm>> -> memref<1x1x1x8x128xf32, #tpu.memory_space<hbm>>
    %dma_wait3A_125 = tpu.memref_squeeze %dma_wait3A_124 : memref<1x1x1x8x128xf32, #tpu.memory_space<hbm>> -> memref<8x128xf32, #tpu.memory_space<hbm>>
    %dma_wait3A_126 = arith.constant 8 : i32
    %dma_wait3A_127 = arith.constant 0 : i32
    %dma_wait3A_128 = tpu.memref_slice %arg12[%dma_wait3A_126, %dma_wait3A_127] : memref<32x129xf32, #tpu.memory_space<vmem>> -> memref<8x128xf32, #tpu.memory_space<vmem>>
    tpu.wait_dma2 semaphore(%arg16 : memref<!tpu.dma_semaphore, #tpu.memory_space<semaphore_mem>>) src(%dma_wait3A_128 : memref<8x128xf32, #tpu.memory_space<vmem>>) dst(%dma_wait3A_125 : memref<8x128xf32, #tpu.memory_space<hbm>>)
    %dma_wait3A_129 = arith.constant 25 : i32
    %dma_wait3A_130 = arith.constant 2 : i32
    %dma_wait3A_131 = arith.constant 16 : i32
    %dma_wait3A_132 = arith.constant 0 : i32
    %dma_wait3A_133 = tpu.memref_slice %arg12[%dma_wait3A_131, %dma_wait3A_132] : memref<32x129xf32, #tpu.memory_space<vmem>> -> memref<8x128xf32, #tpu.memory_space<vmem>>
    %dma_wait3A_134 = arith.constant 0 : i32
    %dma_wait3A_135 = arith.constant 0 : i32
    %dma_wait3A_136 = tpu.memref_slice %arg5[%dma_wait3A_129, %dma_wait3A_130, %add3A_96, %dma_wait3A_134, %dma_wait3A_135] : memref<26x4x128x8x128xf32, #tpu.memory_space<hbm>> -> memref<1x1x1x8x128xf32, #tpu.memory_space<hbm>>
    %dma_wait3A_137 = tpu.memref_squeeze %dma_wait3A_136 : memref<1x1x1x8x128xf32, #tpu.memory_space<hbm>> -> memref<8x128xf32, #tpu.memory_space<hbm>>
    %dma_wait3A_138 = arith.constant 0 : i32
    %dma_wait3A_139 = arith.constant 0 : i32
    %dma_wait3A_140 = tpu.memref_slice %arg5[%dma_wait3A_129, %dma_wait3A_130, %add3A_96, %dma_wait3A_138, %dma_wait3A_139] : memref<26x4x128x8x128xf32, #tpu.memory_space<hbm>> -> memref<1x1x1x8x128xf32, #tpu.memory_space<hbm>>
    %dma_wait3A_141 = tpu.memref_squeeze %dma_wait3A_140 : memref<1x1x1x8x128xf32, #tpu.memory_space<hbm>> -> memref<8x128xf32, #tpu.memory_space<hbm>>
    %dma_wait3A_142 = arith.constant 16 : i32
    %dma_wait3A_143 = arith.constant 0 : i32
    %dma_wait3A_144 = tpu.memref_slice %arg12[%dma_wait3A_142, %dma_wait3A_143] : memref<32x129xf32, #tpu.memory_space<vmem>> -> memref<8x128xf32, #tpu.memory_space<vmem>>
    tpu.wait_dma2 semaphore(%arg16 : memref<!tpu.dma_semaphore, #tpu.memory_space<semaphore_mem>>) src(%dma_wait3A_144 : memref<8x128xf32, #tpu.memory_space<vmem>>) dst(%dma_wait3A_141 : memref<8x128xf32, #tpu.memory_space<hbm>>)
    %dma_wait3A_145 = arith.constant 25 : i32
    %dma_wait3A_146 = arith.constant 3 : i32
    %dma_wait3A_147 = arith.constant 24 : i32
    %dma_wait3A_148 = arith.constant 0 : i32
    %dma_wait3A_149 = tpu.memref_slice %arg12[%dma_wait3A_147, %dma_wait3A_148] : memref<32x129xf32, #tpu.memory_space<vmem>> -> memref<8x128xf32, #tpu.memory_space<vmem>>
    %dma_wait3A_150 = arith.constant 0 : i32
    %dma_wait3A_151 = arith.constant 0 : i32
    %dma_wait3A_152 = tpu.memref_slice %arg5[%dma_wait3A_145, %dma_wait3A_146, %add3A_96, %dma_wait3A_150, %dma_wait3A_151] : memref<26x4x128x8x128xf32, #tpu.memory_space<hbm>> -> memref<1x1x1x8x128xf32, #tpu.memory_space<hbm>>
    %dma_wait3A_153 = tpu.memref_squeeze %dma_wait3A_152 : memref<1x1x1x8x128xf32, #tpu.memory_space<hbm>> -> memref<8x128xf32, #tpu.memory_space<hbm>>
    %dma_wait3A_154 = arith.constant 0 : i32
    %dma_wait3A_155 = arith.constant 0 : i32
    %dma_wait3A_156 = tpu.memref_slice %arg5[%dma_wait3A_145, %dma_wait3A_146, %add3A_96, %dma_wait3A_154, %dma_wait3A_155] : memref<26x4x128x8x128xf32, #tpu.memory_space<hbm>> -> memref<1x1x1x8x128xf32, #tpu.memory_space<hbm>>
    %dma_wait3A_157 = tpu.memref_squeeze %dma_wait3A_156 : memref<1x1x1x8x128xf32, #tpu.memory_space<hbm>> -> memref<8x128xf32, #tpu.memory_space<hbm>>
    %dma_wait3A_158 = arith.constant 24 : i32
    %dma_wait3A_159 = arith.constant 0 : i32
    %dma_wait3A_160 = tpu.memref_slice %arg12[%dma_wait3A_158, %dma_wait3A_159] : memref<32x129xf32, #tpu.memory_space<vmem>> -> memref<8x128xf32, #tpu.memory_space<vmem>>
    tpu.wait_dma2 semaphore(%arg16 : memref<!tpu.dma_semaphore, #tpu.memory_space<semaphore_mem>>) src(%dma_wait3A_160 : memref<8x128xf32, #tpu.memory_space<vmem>>) dst(%dma_wait3A_157 : memref<8x128xf32, #tpu.memory_space<hbm>>)
    return
  }
}

</mosaic_0001>

<sc_bundles>
// kernel: _run.3.cloned.1.call-start
scs
__scs_entry_jumppad:
0x0: {  	(pc) =	sbr.rel $0x88, $3  }
0x1: {  	(tag) =	ssettag $0x0;
	lr =	simm.s32 $0x1  }
0x2: {  	[smem:$0x3F9E] =	sst lr;
	_ =	strace $0xD0000000  }
0x3: {  	_ = 	snop  }
0x4: {  	_ = 	snop  }
0x5: {  	_ = 	snop  }
0x6: {  	_ = 	snop  }
0x7: {  	_ = 	snop  }
__scs_overlays_trampoline_lowered:
0x8: {  	[smem:$0x3FAD] =	sst s0  }
0x9: {  	[smem:$0x3FAE] =	sst s1  }
0xa: {  	[smem:$0x3FAF] =	sst s2  }
0xb: {  	[smem:$0x3FB0] =	sst s3  }
0xc: {  	[smem:$0x3FB1] =	sst s4  }
0xd: {  	[smem:$0x3FB2] =	sst s5  }
0xe: {  	[smem:$0x3FB3] =	sst s6  }
0xf: {  	[smem:$0x3FB4] =	sst s7  }
0x10: {  	[smem:$0x3FB5] =	sst s8  }
0x11: {  	[smem:$0x3FB6] =	sst s9;
	s0 =	simm.s32 @!p0 $0x0  }
0x12: {  	s1 =	sld [smem:$0x3F9C];
	s0 =	simm.s32 @p0 $0x1  }
0x13: {  	[smem:$0x3FB7] =	sst s0;
	s0 =	simm.s32 @!p1 $0x0  }
0x14: {  	s2 =	sld [smem:$0x3F9B];
	s0 =	simm.s32 @p1 $0x1  }
0x15: {  	[smem:$0x3FB8] =	sst s0;
	s0 =	simm.s32 @!p2 $0x0  }
0x16: {  	s3 =	sld [smem:$0x3FDB];
	s0 =	simm.s32 @p2 $0x1  }
0x17: {  	s4 =	simm.s32 $0x1BF5;
	[smem:$0x3FBA] =	sst s0  }
0x18: {  	s0 =	sld [smem:$0x3F9D];
	_ =	swait.ge [sflag:s4], $0x0  }
0x19: {  	s7 =	sld [smem:$0x3F9E]  }
0x1a: {  	s8 =	sadd.s32 $0xFFFFE003, lr  }
0x1b: {  	s9 =	sadd.s32 $0xFFFFFEF7, lr;
	s5 =	simm.s32 $0xFFFFFFFF;
	p2 =	slt.u32 s8, $0xFFFFF086  }
0x1c: {  	p1 =	slt.u32 s9, $0xF7A;
	s5 =	simm.s32 @!p2 $0x0  }
0x1d: {  	s5 =	simm.s32 @p1 $0x1;
	p0 =	seq.s32 s7, s2  }
0x1e: {  	s7 =	smul.u32 @!p0 $0xF7A, s2;
	p2 =	seq.s32 @!p0 s5, $0x0  }
0x1f: {  	s9 =	smul.u32 $0xF7A, s1;
	s8 =	simm.s32 @!p0 $0x1BF5;
	p2 =	por !p2, p0  }
0x20: {  	[sflag:s8] =	ssyncset.s32 @!p0 $0xFFFFF086;
	s6 =	sadd.s32 @!p0 s3, s7;
	s7 =	simm.s32 @!p0 $0x108  }
0x21: {  	s3 =	sadd.s32 s3, s9;
	s6 =	sadd.s32 @!p0 $0x88, s6;
	s7 =	simm.s32 @p2 $0x1082  }
0x22: {  	[simem:s7], [sflag:s8] =	dma.local @!p0 [hbm:s6], $0xF7A  }
0x23: {  	s9 =	sor.u32 $0xD0000000, s2;
	s6 =	simm.s32 $0x108;
	_ =	swait.ge @!p0 [sflag:s8], $0x0  }
0x24: {  	s3 =	sadd.s32 $0x88, s3;
	s6 =	simm.s32 @!p1 $0x1082;
	[sflag:s4] =	ssyncset.s32 $0xFFFFF086  }
0x25: {  	[simem:s6], [sflag:s4] =	dma.local [hbm:s3], $0xF7A  }
0x26: {  	[smem:$0x3F9E] =	sst s1;
	(tag) =	ssettag s2;
	_ =	strace s9  }
0x27: {  	s1 =	sld [smem:$0x3FAE]  }
0x28: {  	s2 =	sld [smem:$0x3FAF]  }
0x29: {  	s4 =	sld [smem:$0x3FB1]  }
0x2a: {  	p0 =	seq.s32 s5, $0x0;
	s5 =	sld [smem:$0x3FB2]  }
0x2b: {  	s6 =	sld [smem:$0x3FB3]  }
0x2c: {  	s7 =	sld [smem:$0x3FB4]  }
0x2d: {  	s3 =	simm.s32 $0x108;
	s8 =	sld [smem:$0x3FB5]  }
0x2e: {  	s3 =	simm.s32 @!p0 $0x1082;
	s9 =	sld [smem:$0x3FB6]  }
0x2f: {  	lr =	sadd.s32 s0, s3;
	s0 =	sld [smem:$0x3FAD]  }
0x30: {  	s3 =	sld [smem:$0x3FB0]  }
0x31: {  	[smem:$0x3FB9] =	sst s10  }
0x32: {  	s10 =	sld [smem:$0x3FB7];
	_ =	sdelay $0x3  }
0x33: {  	p0 =	seq.s32 s10, $0x1;
	s10 =	sld [smem:$0x3FB9];
	_ =	sdelay $0x3  }
0x34: {  	[smem:$0x3FB9] =	sst s10  }
0x35: {  	s10 =	sld [smem:$0x3FB8];
	_ =	sdelay $0x3  }
0x36: {  	p1 =	seq.s32 s10, $0x1;
	s10 =	sld [smem:$0x3FB9];
	_ =	sdelay $0x3  }
0x37: {  	[smem:$0x3FB9] =	sst s10  }
0x38: {  	s10 =	sld [smem:$0x3FBA]  }
0x39: {  	_ = 	snop;
	(pc) =	sbr.ind lr, $3  }
0x3a: {  	_ = 	snop  }
0x3b: {  	_ = 	snop  }
0x3c: {  	p2 =	seq.s32 s10, $0x1;
	s10 =	sld [smem:$0x3FB9]  }
0x3d: {  	_ =	shalt  }
0x3e: {  	_ =	shalt  }
0x3f: {  	_ =	shalt  }
0x40: {  	_ =	shalt  }
0x41: {  	_ =	shalt  }
0x42: {  	_ =	shalt  }
0x43: {  	_ =	shalt  }
0x44: {  	_ =	shalt  }
0x45: {  	_ =	shalt  }
0x46: {  	_ =	shalt  }
0x47: {  	_ =	shalt  }
0x48: {  	_ =	shalt  }
0x49: {  	_ =	shalt  }
0x4a: {  	_ =	shalt  }
0x4b: {  	_ =	shalt  }
0x4c: {  	_ =	shalt  }
0x4d: {  	_ =	shalt  }
0x4e: {  	_ =	shalt  }
0x4f: {  	_ =	shalt  }
0x50: {  	_ =	shalt  }
0x51: {  	_ =	shalt  }
0x52: {  	_ =	shalt  }
0x53: {  	_ =	shalt  }
0x54: {  	_ =	shalt  }
0x55: {  	_ =	shalt  }
0x56: {  	_ =	shalt  }
0x57: {  	_ =	shalt  }
0x58: {  	_ =	shalt  }
0x59: {  	_ =	shalt  }
0x5a: {  	_ =	shalt  }
0x5b: {  	_ =	shalt  }
0x5c: {  	_ =	shalt  }
0x5d: {  	_ =	shalt  }
0x5e: {  	_ =	shalt  }
0x5f: {  	_ =	shalt  }
0x60: {  	_ =	shalt  }
0x61: {  	_ =	shalt  }
0x62: {  	_ =	shalt  }
0x63: {  	_ =	shalt  }
0x64: {  	_ =	shalt  }
0x65: {  	_ =	shalt  }
0x66: {  	_ =	shalt  }
0x67: {  	_ =	shalt  }
0x68: {  	_ =	shalt  }
0x69: {  	_ =	shalt  }
0x6a: {  	_ =	shalt  }
0x6b: {  	_ =	shalt  }
0x6c: {  	_ =	shalt  }
0x6d: {  	_ =	shalt  }
0x6e: {  	_ =	shalt  }
0x6f: {  	_ =	shalt  }
0x70: {  	_ =	shalt  }
0x71: {  	_ =	shalt  }
0x72: {  	_ =	shalt  }
0x73: {  	_ =	shalt  }
0x74: {  	_ =	shalt  }
0x75: {  	_ =	shalt  }
0x76: {  	_ =	shalt  }
0x77: {  	_ =	shalt  }
0x78: {  	_ =	shalt  }
0x79: {  	_ =	shalt  }
0x7a: {  	_ =	shalt  }
0x7b: {  	_ =	shalt  }
0x7c: {  	_ =	shalt  }
0x7d: {  	_ =	shalt  }
0x7e: {  	_ =	shalt  }
0x7f: {  	_ =	shalt  }
0x80: {  	_ =	shalt  }
0x81: {  	_ =	shalt  }
0x82: {  	_ =	shalt  }
0x83: {  	_ =	shalt  }
0x84: {  	_ =	shalt  }
0x85: {  	_ =	shalt  }
0x86: {  	_ =	shalt  }
0x87: {  	_ =	shalt  }
.Lfunc_end0:
.L_simem_size_0:
called_computation_lowered:
.L_overlay_start_0:
0x88: {  	s2 =	sld [smem:$0x3FD9]  }
0x89: {  	s3 =	sld [smem:$0x3FFE];
	_ =	sdelay $0x1  }
0x8a: {  	s1 =	srdreg.scid  }
0x8b: {  	s0 =	sand.u32 $0x1, s1  }
0x8c: {  	s17 =	sshll.u32 s0, $0xA;
	s2 =	sadd.s32 s3, s2  }
0x8d: {  	s2 =	sadd.s32 s2, s17  }
0x8e: {  	[smem:$0x3FC5] =	sst s2  }
0x8f: {  	_ = 	snop  }
0x90: {  	s2 =	sld [smem:$0x3FC9]  }
0x91: {  	s18 =	sld [smem:$0x3FD0];
	(tm) =	ssettm $0x1  }
0x92: {  	s4 =	sld [smem:$0x3FFB];
	_ =	sdelay $0x3  }
0x93: {  	_ =	strace s4  }
0x94: {  	s4 =	sld [smem:$0x3FFC];
	_ =	sdelay $0x3  }
0x95: {  	_ =	strace s4  }
0x96: {  	s4 =	sld [smem:$0x3FFD];
	_ =	sdelay $0x3  }
0x97: {  	_ =	strace s4  }
0x98: {  	_ =	strace $0x8FFFFFFF  }
0x99: {  	s19 =	sld [smem:$0x3FDB];
	_ =	sdelay $0x1  }
0x9a: {  	s5 =	simm.s32 $_scs_section_size  }
0x9b: {  	s6 =	simm.s32 $_size__tile_overlayer_lowered;
	s7 =	simm.s32 $_tile_overlayer_lowered  }
0x9c: {  	s22 =	simm.s32 $0x1BFF;
	s21 =	sshll.u32 s7, $0x1;
	s4 =	sadd.s32 s5, s19  }
0x9d: {  	s8 =	simm.s32 $0x0;
	s20 =	sshll.u32 s6, $0x1;
	s6 =	sadd.s32 s21, s4  }
0x9e: {  	[timem:s8], [sflag:s22] =	dma.local [hbm:s6], s20  }
0x9f: {  	_ =	swait.ge [sflag:s22], s20  }
0xa0: {  	s5 =	ssub.s32 $0x0, s20;
	[sflag:s22] =	ssyncset.done $0x0  }
0xa1: {  	[sflag:s22] =	ssyncadd.s32 s5;
	_ =	sdelay $0x1  }
0xa2: {  	s23 =	simm.s32 $0x1B8B  }
0xa3: {  	_ =	swait.ge [sflag:s23], $0x1  }
0xa4: {  	[sflag:s23] =	ssyncset.done $0x0  }
0xa5: {  	s25 =	simm.s32 $0x1B8E;
	s24 =	sld [smem:$0x3FFE];
	[sflag:s23] =	ssyncadd.s32 $0xFFFFFFFF  }
0xa6: {  	s26 =	simm.s32 $execute0_lowered;
	[smem:$0x3FD2] =	sst s25  }
0xa7: {  	s6 =	sshll.u32 s26, $0x1;
	_ =	strace $0x80000046;
	[dreg:$0x1] =	wrdreg $0xFFFFFFFF  }
0xa8: {  	s28 =	simm.s32 $_size_execute0_lowered;
	s4 =	sadd.s32 s4, s6;
	[dreg:$0x0] =	wrdreg $0x0  }
0xa9: {  	s6 =	sshll.u32 s28, $0x1;
	[dreg:$0x2] =	wrdreg s4  }
0xaa: {  	[dreg:$0x3] =	wrdreg s6  }
0xab: {  	[dreg:$0x4] =	wrdreg $0xC0  }
0xac: {  	_ =	task [dreg:s8], $0x5FFFF  }
0xad: {  	[dreg:$0x1] =	wrdreg $0xFFFFFFFF  }
0xae: {  	[dreg:$0x0] =	wrdreg $0x60  }
0xaf: {  	[dreg:$0x2] =	wrdreg s2  }
0xb0: {  	[dreg:$0x3] =	wrdreg s24  }
0xb1: {  	[dreg:$0x4] =	wrdreg s18  }
0xb2: {  	[dreg:$0x5] =	wrdreg $0x9  }
0xb3: {  	_ =	task.clear_ibuf [dreg:s8], $0x6FFFF;
	_ =	strace $0x90000046  }
0xb4: {  	s29 =	simm.s32 $0x9;
	_ =	strace $0x80000048  }
0xb5: {  	_ =	swait.ge [sflag:s29], $0x1  }
0xb6: {  	[sflag:s29] =	ssyncadd.s32 $0xFFFFFFFF  }
0xb7: {  	_ =	strace $0x90000048  }
0xb8: {  	_ =	sfence  }
0xb9: {  	s30 =	sld [smem:$0x0];
	_ =	sdelay $0x2  }
0xba: {  	s31 =	sshll.u32 s1, $0xD;
	s1 =	sshrl.u32 s1, $0x2  }
0xbb: {  	s3 =	sand.u32 $0x4000, s31;
	s1 =	sadd.s32 s1, s30  }
0xbc: {  	s0 =	sor.u32 s3, s0;
	s1 =	sshll.u32 s1, $0x11  }
0xbd: {  	s0 =	sor.u32 s1, s0  }
0xbe: {  	s0 =	sadd.s32 $0x8F2B, s0  }
0xbf: {  	[sflag:s0] =	ssyncadd.remote.s32 $0x1  }
0xc0: {  	_ =	sfence.sel $0xFFFF  }
0xc1: {  	[dreg:$0x0] =	wrdreg $0xFFFFFFFF;
	(pc) =	sbr.abs _section_cstart, $3  }
0xc2: {  	[dreg:$0x1] =	wrdreg $0xFFFFFFFF  }
0xc3: {  	_ =	task.clear_ibuf [dreg:s8], $0x2FFFF;
	_ =	strace $0x9FFFFFFF  }
0xc4: {  	(tm) =	ssettm $0x7FFFFFFF  }
0xc5: {  	_ =	shalt  }
tec
execute0_lowered:
.L_overlay_start_1:
0x0: {  	(tag) =	ssettag $0x1  }
0x1: {  	s7 =	rddreg [dreg:$0x0]  }
0x2: {  	s4 =	rddreg [dreg:$0x1]  }
0x3: {  	s1 =	rddreg [dreg:$0x2]  }
0x4: {  	s0 =	rddreg [dreg:$0x3];
	s2 =	simm.s32 $0x0  }
0x5: {  	s3 =	simm.s32 $0x3C00;
	[smem:$0x7FF] =	sst s2  }
0x6: {  	s28 =	simm.s32 $0x4C00;
	_ =	strace $0x80000047;
	[dreg:$0x4] =	wrdreg s3  }
0x7: {  	s29 =	simm.s32 $0x5488;
	[dreg:$0x5] =	wrdreg s28  }
0x8: {  	s30 =	simm.s32 $0x5510;
	[dreg:$0x6] =	wrdreg s29  }
0x9: {  	s31 =	simm.s32 $0x5598;
	[dreg:$0x7] =	wrdreg s30  }
0xa: {  	s5 =	simm.s32 $0x5620;
	[dreg:$0x8] =	wrdreg s31  }
0xb: {  	s6 =	simm.s32 $0x56A8;
	[dreg:$0x9] =	wrdreg s5  }
0xc: {  	s8 =	simm.s32 $0x5730;
	[dreg:$0xa] =	wrdreg s6  }
0xd: {  	s9 =	simm.s32 $0x57B8;
	[dreg:$0xb] =	wrdreg s8  }
0xe: {  	s10 =	simm.s32 $0x5840;
	[dreg:$0xc] =	wrdreg s9  }
0xf: {  	s11 =	simm.s32 $0x58C8;
	[dreg:$0xd] =	wrdreg s10  }
0x10: {  	s12 =	simm.s32 $0x5950;
	[dreg:$0xe] =	wrdreg s11  }
0x11: {  	s13 =	simm.s32 $0x59D8;
	[dreg:$0xf] =	wrdreg s12  }
0x12: {  	s14 =	simm.s32 $0x5A60;
	[dreg:$0x10] =	wrdreg s13  }
0x13: {  	s15 =	simm.s32 $0x5AE8;
	[dreg:$0x11] =	wrdreg s14  }
0x14: {  	s16 =	simm.s32 $0x5B70;
	[dreg:$0x12] =	wrdreg s15  }
0x15: {  	s17 =	simm.s32 $0x5BF8;
	[dreg:$0x13] =	wrdreg s16  }
0x16: {  	s18 =	simm.s32 $0x5C80;
	[dreg:$0x14] =	wrdreg s17  }
0x17: {  	s19 =	simm.s32 $0x5D08;
	[dreg:$0x15] =	wrdreg s18  }
0x18: {  	s20 =	simm.s32 $0x5D90;
	[dreg:$0x16] =	wrdreg s19  }
0x19: {  	s21 =	simm.s32 $0x5E18;
	[dreg:$0x17] =	wrdreg s20  }
0x1a: {  	s22 =	simm.s32 $0x5EA0;
	[dreg:$0x18] =	wrdreg s21  }
0x1b: {  	s23 =	simm.s32 $0x5F28;
	[dreg:$0x19] =	wrdreg s22  }
0x1c: {  	s24 =	simm.s32 $0x5FB0;
	[dreg:$0x1a] =	wrdreg s23  }
0x1d: {  	s25 =	simm.s32 $0x6038;
	[dreg:$0x1b] =	wrdreg s24  }
0x1e: {  	s26 =	simm.s32 $0x60C0;
	[dreg:$0x1c] =	wrdreg s25  }
0x1f: {  	[dreg:$0x1d] =	wrdreg s26;
	s28 =	simm.s32 $0x6148  }
0x20: {  	s29 =	simm.s32 $0x61D0;
	[dreg:$0x1e] =	wrdreg s28  }
0x21: {  	s30 =	simm.s32 $0x6258;
	[dreg:$0x1f] =	wrdreg s29  }
0x22: {  	s31 =	simm.s32 $0x62E0;
	[smem:$0x7DA] =	sst s30  }
0x23: {  	s5 =	simm.s32 $0x6368;
	[smem:$0x7DB] =	sst s31  }
0x24: {  	s6 =	simm.s32 $0x63F0;
	[smem:$0x7DC] =	sst s5  }
0x25: {  	s8 =	simm.s32 $0x6478;
	[smem:$0x7DD] =	sst s6  }
0x26: {  	s9 =	simm.s32 $0x6588;
	[smem:$0x7DE] =	sst s8  }
0x27: {  	s10 =	simm.s32 $0x6610;
	[smem:$0x7DF] =	sst s9  }
0x28: {  	s11 =	simm.s32 $0x6698;
	[smem:$0x7E0] =	sst s10  }
0x29: {  	s12 =	simm.s32 $0x6720;
	[smem:$0x7E1] =	sst s11  }
0x2a: {  	s13 =	simm.s32 $0x67A8;
	[smem:$0x7E2] =	sst s12  }
0x2b: {  	s14 =	simm.s32 $0x6830;
	[smem:$0x7E3] =	sst s13  }
0x2c: {  	s15 =	simm.s32 $0x68B8;
	[smem:$0x7E4] =	sst s14  }
0x2d: {  	s16 =	simm.s32 $0x6940;
	[smem:$0x7E5] =	sst s15  }
0x2e: {  	s17 =	simm.s32 $0x6A50;
	[smem:$0x7E6] =	sst s16  }
0x2f: {  	s18 =	simm.s32 $0x6AD8;
	[smem:$0x7E8] =	sst s17  }
0x30: {  	s19 =	simm.s32 $0x6BE8;
	[smem:$0x7E9] =	sst s18  }
0x31: {  	v0 =	vlaneseq.u32;
	s20 =	simm.s32 $0x6C70;
	[smem:$0x7EB] =	sst s19  }
0x32: {  	v0 =	vmul.u32 $0x88, v0;
	s21 =	simm.s32 $0x6CF8;
	[smem:$0x7EC] =	sst s20  }
0x33: {  	s22 =	simm.s32 $0x6D80;
	[smem:$0x7ED] =	sst s21  }
0x34: {  	s23 =	simm.s32 $0x6E08;
	v2 =	vadd.s32 $0x880, v0;
	v3 =	vor.u32 $0x1, v0;
	v4 =	vadd.s32 $0x881, v0;
	[smem:$0x7EE] =	sst s22  }
0x35: {  	s3 =	sadd.s32 $0xF42800, s4;
	s25 =	simm.s32 $0x6E90;
	v5 =	vor.u32 $0x2, v0;
	v6 =	vadd.s32 $0x882, v0;
	v7 =	vor.u32 $0x3, v0;
	[smem:$0x7EF] =	sst s23  }
0x36: {  	s4 =	sadd.s32 $0x112AE00, s4;
	s26 =	simm.s32 $0x6F18;
	v8 =	vadd.s32 $0x883, v0;
	v9 =	vor.u32 $0x4, v0;
	v10 =	vadd.s32 $0x884, v0;
	[smem:$0x7F0] =	sst s25  }
0x37: {  	s5 =	simm.s32 $0x69C8;
	s6 =	srdreg.scid;
	v11 =	vor.u32 $0x5, v0;
	v12 =	vadd.s32 $0x885, v0;
	v13 =	vor.u32 $0x6, v0;
	[smem:$0x7F1] =	sst s26  }
0x38: {  	s8 =	simm.s32 $0x6B60;
	v14 =	vadd.s32 $0x886, v0;
	v15 =	vor.u32 $0x7, v0;
	v16 =	vadd.s32 $0x887, v0;
	s28 =	simm.s32 $0x6FA0;
	[smem:$0x7E7] =	sst s5  }
0x39: {  	v17 =	vadd.s32 $0x8, v0;
	v18 =	vadd.s32 $0x888, v0;
	v19 =	vadd.s32 $0x9, v0;
	s29 =	simm.s32 $0x7028;
	s30 =	simm.s32 $0x70B0;
	[smem:$0x7EA] =	sst s8  }
0x3a: {  	v20 =	vadd.s32 $0x889, v0;
	v21 =	vadd.s32 $0xA, v0;
	v22 =	vadd.s32 $0x88A, v0;
	s31 =	simm.s32 $0x7138;
	s11 =	simm.s32 $0x71C0;
	[smem:$0x7F2] =	sst s28  }
0x3b: {  	v23 =	vadd.s32 $0xB, v0;
	v24 =	vadd.s32 $0x88B, v0;
	v25 =	vadd.s32 $0xC, v0;
	s12 =	simm.s32 $0x7248;
	s13 =	simm.s32 $0x72D0;
	[smem:$0x7F3] =	sst s29  }
0x3c: {  	v26 =	vadd.s32 $0x88C, v0;
	v27 =	vadd.s32 $0xD, v0;
	v28 =	vadd.s32 $0x88D, v0;
	s14 =	simm.s32 $0x7358;
	s15 =	simm.s32 $0x73E0;
	[smem:$0x7F4] =	sst s30  }
0x3d: {  	v29 =	vadd.s32 $0xE, v0;
	v30 =	vadd.s32 $0x88E, v0;
	v31 =	vadd.s32 $0xF, v0;
	s16 =	simm.s32 $0x7468;
	s17 =	simm.s32 $0x74F0;
	[smem:$0x7F5] =	sst s31  }
0x3e: {  	v32 =	vadd.s32 $0x88F, v0;
	v33 =	vadd.s32 $0x10, v0;
	v34 =	vadd.s32 $0x890, v0;
	s19 =	simm.s32 $0x7578;
	s18 =	simm.s32 $0x6500;
	[smem:$0x7F6] =	sst s11  }
0x3f: {  	v35 =	vadd.s32 $0x11, v0;
	v36 =	vadd.s32 $0x891, v0;
	v37 =	vadd.s32 $0x12, v0;
	s20 =	simm.s32 $0x4;
	s21 =	simm.s32 $0x0;
	[smem:$0x7F7] =	sst s12  }
0x40: {  	v38 =	vadd.s32 $0x892, v0;
	v39 =	vadd.s32 $0x13, v0;
	v40 =	vadd.s32 $0x893, v0;
	s5 =	stileid.u32;
	s6 =	sand.u32 $0x1, s6;
	[smem:$0x7F8] =	sst s13  }
0x41: {  	v41 =	vadd.s32 $0x14, v0;
	v42 =	vadd.s32 $0x894, v0;
	v43 =	vadd.s32 $0x15, v0;
	s11 =	simm.s32 $0x5;
	s12 =	simm.s32 $0x80;
	[smem:$0x7F9] =	sst s14  }
0x42: {  	v44 =	vadd.s32 $0x895, v0;
	v45 =	vadd.s32 $0x16, v0;
	v46 =	vadd.s32 $0x896, v0;
	s13 =	simm.s32 $0x3400;
	s14 =	simm.s32 $0x4400;
	[smem:$0x7FA] =	sst s15  }
0x43: {  	v47 =	vadd.s32 $0x17, v0;
	v48 =	vadd.s32 $0x897, v0;
	v49 =	vadd.s32 $0x18, v0;
	s15 =	simm.s32 $0x1;
	[smem:$0x7FB] =	sst s16;
	s16 =	simm.s32 $0x5400  }
0x44: {  	v50 =	vadd.s32 $0x898, v0;
	v51 =	vadd.s32 $0x19, v0;
	v52 =	vadd.s32 $0x899, v0;
	s9 =	ssub.s32 $0x2, s6;
	s24 =	sshll.u32 s5, $0x3;
	s6 =	sshll.u32 s6, $0x2  }
0x45: {  	v53 =	vadd.s32 $0x1A, v0;
	v54 =	vadd.s32 $0x89A, v0;
	v55 =	vadd.s32 $0x1B, v0;
	[smem:$0x7FC] =	sst s17;
	s10 =	sshrl.u32 s9, $0x1;
	s6 =	sor.u32 s6, s24  }
0x46: {  	v56 =	vadd.s32 $0x89B, v0;
	v57 =	vadd.s32 $0x1C, v0;
	v1 =	vadd.s32 $0x89F, v0;
	s17 =	simm.s32 $0x2;
	s9 =	ssub.s32 s9, s10;
	s10 =	sshll.u32 s6, $0x4  }
0x47: {  	v58 =	vadd.s32 $0x89C, v0;
	v59 =	vadd.s32 $0x1D, v0;
	v60 =	vadd.s32 $0x89D, v0;
	[smem:$0x7FD] =	sst s19;
	[tilespmem:$0x1FFE0] =	vst v1;
	s19 =	simm.s32 $0x3;
	s7 =	sadd.s32 s7, s10  }
0x48: {  	v61 =	vadd.s32 $0x1E, v0;
	v62 =	vadd.s32 $0x89E, v0;
	v63 =	vadd.s32 $0x1F, v0;
	[tilespmem:$0x1FFF0] =	vst v6;
	s8 =	smax.u32 s9, $0x1;
	s9 =	simm.s32 $0x200;
	s10 =	simm.s32 $0x4000  }
.LBB2_1:
0x49: {  	[tilespmem:s2], [sflag:$0x5] =	stream.strided.gather [hbm4b:s7+s9], $0x3400, s10, s9, $0x38;
	[tilespmem:$0x7600] =	vst v63  }
0x4a: {  	_ =	swait.ge [sflag:s11], $0x3400  }
0x4b: {  	[sflag:s11] =	ssyncset.done $0x0  }
0x4c: {  	s22 =	simm.s32 $0x100;
	[sflag:s11] =	ssyncadd.s32 $0xFFFFCC00  }
0x4d: {  	[tilespmem:s13], [sflag:$0x1] =	stream.indirect.gather [hbm4b:s3+s12], $0x10, s2, s12, $0xb8;
	[tilespmem:$0x7600] =	vst v63  }
0x4e: {  	s23 =	simm.s32 $0x400;
	s24 =	simm.s32 $0x0;
	s25 =	simm.s32 $0x0  }
0x4f: {  	[tilespmem:s14], [sflag:$0x1] =	stream.indirect.gather [hbm4b:s4+s12], $0x10, s2, s12, $0xb8;
	[tilespmem:$0x7600] =	vst v63  }
.LBB2_2:
0x50: {  	s26 =	sadd.s32 $0xFFFFFC00, s23  }
0x51: {  	s28 =	sadd.s32 $0xFFFFFF80, s22;
	s26 =	sand.u32 $0xF800, s26  }
0x52: {  	s28 =	sand.u32 $0x180, s28;
	s26 =	sshrl.u32 s26, $0x2  }
0x53: {  	s29 =	rddreg [dreg:$0x4];
	s26 =	sor.u32 s28, s26  }
0x54: {  	[tilespmem:s29], [sflag:$0x2] =	stream.indirect.gather [hbm4b:s3+s12], $0x10, s26, s12, $0xb8;
	[tilespmem:$0x7600] =	vst v63  }
0x55: {  	s31 =	rddreg [dreg:$0x5]  }
0x56: {  	[tilespmem:s31], [sflag:$0x2] =	stream.indirect.gather [hbm4b:s4+s12], $0x10, s26, s12, $0xb8;
	[tilespmem:$0x7600] =	vst v63  }
0x57: {  	_ =	swait.ge [sflag:s15], $0x800  }
0x58: {  	[sflag:s15] =	ssyncset.done $0x0  }
0x59: {  	[sflag:s15] =	ssyncadd.s32 $0xFFFFF800  }
0x5a: {  	_ =	swait.ge [sflag:s15], $0x800  }
0x5b: {  	p0 =	seq.s32 s25, $0x0;
	[sflag:s15] =	ssyncset.done $0x0  }
0x5c: {  	s26 =	simm.s32 @!p0 $0x3;
	[sflag:s15] =	ssyncadd.s32 $0xFFFFF800  }
0x5d: {  	_ =	swait.ge @!p0 [sflag:s26], $0x400  }
0x5e: {  	[sflag:s26] =	ssyncset.done @!p0 $0x0  }
0x5f: {  	[sflag:s26] =	ssyncadd.s32 @!p0 $0xFFFFFC00  }
0x60: {  	_ =	swait.ge @!p0 [sflag:s26], $0x400  }
0x61: {  	[sflag:s26] =	ssyncset.done @!p0 $0x0  }
0x62: {  	[sflag:s26] =	ssyncadd.s32 @!p0 $0xFFFFFC00  }
0x63: {  	_ =	swait.ge @!p0 [sflag:s26], $0x400  }
0x64: {  	[sflag:s26] =	ssyncset.done @!p0 $0x0  }
0x65: {  	[sflag:s26] =	ssyncadd.s32 @!p0 $0xFFFFFC00  }
0x66: {  	_ =	swait.ge @!p0 [sflag:s26], $0x400  }
0x67: {  	[sflag:s26] =	ssyncset.done @!p0 $0x0  }
0x68: {  	[sflag:s26] =	ssyncadd.s32 @!p0 $0xFFFFFC00  }
0x69: {  	v1 =	vld [tilespmem:$0x3400];
	_ =	sdelay $0x4  }
0x6a: {  	[tilespmem:v0+s16+$0x0] =	vst.idx.msk $0xffff, v1  }
0x6b: {  	v1 =	vld [tilespmem:$0x4400];
	_ =	sdelay $0x4  }
0x6c: {  	[tilespmem:v2+s16+$0x0] =	vst.idx.msk $0xffff, v1  }
0x6d: {  	v1 =	vld [tilespmem:$0x3410];
	_ =	sdelay $0x4  }
0x6e: {  	[tilespmem:v3+s16+$0x0] =	vst.idx.msk $0xffff, v1  }
0x6f: {  	v1 =	vld [tilespmem:$0x4410];
	_ =	sdelay $0x4  }
0x70: {  	[tilespmem:v4+s16+$0x0] =	vst.idx.msk $0xffff, v1  }
0x71: {  	v1 =	vld [tilespmem:$0x3420];
	_ =	sdelay $0x4  }
0x72: {  	[tilespmem:v5+s16+$0x0] =	vst.idx.msk $0xffff, v1  }
0x73: {  	v1 =	vld [tilespmem:$0x4420];
	_ =	sdelay $0x4  }
0x74: {  	[tilespmem:v6+s16+$0x0] =	vst.idx.msk $0xffff, v1  }
0x75: {  	v1 =	vld [tilespmem:$0x3430];
	_ =	sdelay $0x4  }
0x76: {  	[tilespmem:v7+s16+$0x0] =	vst.idx.msk $0xffff, v1  }
0x77: {  	v1 =	vld [tilespmem:$0x4430];
	_ =	sdelay $0x4  }
0x78: {  	[tilespmem:v8+s16+$0x0] =	vst.idx.msk $0xffff, v1  }
0x79: {  	v1 =	vld [tilespmem:$0x3440];
	_ =	sdelay $0x4  }
0x7a: {  	[tilespmem:v9+s16+$0x0] =	vst.idx.msk $0xffff, v1  }
0x7b: {  	v1 =	vld [tilespmem:$0x4440];
	_ =	sdelay $0x4  }
0x7c: {  	[tilespmem:v10+s16+$0x0] =	vst.idx.msk $0xffff, v1  }
0x7d: {  	v1 =	vld [tilespmem:$0x3450];
	_ =	sdelay $0x4  }
0x7e: {  	[tilespmem:v11+s16+$0x0] =	vst.idx.msk $0xffff, v1  }
0x7f: {  	v1 =	vld [tilespmem:$0x4450];
	_ =	sdelay $0x4  }
0x80: {  	[tilespmem:v12+s16+$0x0] =	vst.idx.msk $0xffff, v1  }
0x81: {  	v1 =	vld [tilespmem:$0x3460];
	_ =	sdelay $0x4  }
0x82: {  	[tilespmem:v13+s16+$0x0] =	vst.idx.msk $0xffff, v1  }
0x83: {  	v1 =	vld [tilespmem:$0x4460];
	_ =	sdelay $0x4  }
0x84: {  	[tilespmem:v14+s16+$0x0] =	vst.idx.msk $0xffff, v1  }
0x85: {  	v1 =	vld [tilespmem:$0x3470];
	_ =	sdelay $0x4  }
0x86: {  	[tilespmem:v15+s16+$0x0] =	vst.idx.msk $0xffff, v1  }
0x87: {  	v1 =	vld [tilespmem:$0x4470];
	_ =	sdelay $0x4  }
0x88: {  	[tilespmem:v16+s16+$0x0] =	vst.idx.msk $0xffff, v1  }
0x89: {  	v1 =	vld [tilespmem:$0x3480];
	_ =	sdelay $0x4  }
0x8a: {  	[tilespmem:v17+s16+$0x0] =	vst.idx.msk $0xffff, v1  }
0x8b: {  	v1 =	vld [tilespmem:$0x4480];
	_ =	sdelay $0x4  }
0x8c: {  	[tilespmem:v18+s16+$0x0] =	vst.idx.msk $0xffff, v1  }
0x8d: {  	v1 =	vld [tilespmem:$0x3490];
	_ =	sdelay $0x4  }
0x8e: {  	[tilespmem:v19+s16+$0x0] =	vst.idx.msk $0xffff, v1  }
0x8f: {  	v1 =	vld [tilespmem:$0x4490];
	_ =	sdelay $0x4  }
0x90: {  	[tilespmem:v20+s16+$0x0] =	vst.idx.msk $0xffff, v1  }
0x91: {  	v1 =	vld [tilespmem:$0x34A0];
	_ =	sdelay $0x4  }
0x92: {  	[tilespmem:v21+s16+$0x0] =	vst.idx.msk $0xffff, v1  }
0x93: {  	v1 =	vld [tilespmem:$0x44A0];
	_ =	sdelay $0x4  }
0x94: {  	[tilespmem:v22+s16+$0x0] =	vst.idx.msk $0xffff, v1  }
0x95: {  	v1 =	vld [tilespmem:$0x34B0];
	_ =	sdelay $0x4  }
0x96: {  	[tilespmem:v23+s16+$0x0] =	vst.idx.msk $0xffff, v1  }
0x97: {  	v1 =	vld [tilespmem:$0x44B0];
	_ =	sdelay $0x4  }
0x98: {  	[tilespmem:v24+s16+$0x0] =	vst.idx.msk $0xffff, v1  }
0x99: {  	v1 =	vld [tilespmem:$0x34C0];
	_ =	sdelay $0x4  }
0x9a: {  	[tilespmem:v25+s16+$0x0] =	vst.idx.msk $0xffff, v1  }
0x9b: {  	v1 =	vld [tilespmem:$0x44C0];
	_ =	sdelay $0x4  }
0x9c: {  	[tilespmem:v26+s16+$0x0] =	vst.idx.msk $0xffff, v1  }
0x9d: {  	v1 =	vld [tilespmem:$0x34D0];
	_ =	sdelay $0x4  }
0x9e: {  	[tilespmem:v27+s16+$0x0] =	vst.idx.msk $0xffff, v1  }
0x9f: {  	v1 =	vld [tilespmem:$0x44D0];
	_ =	sdelay $0x4  }
0xa0: {  	[tilespmem:v28+s16+$0x0] =	vst.idx.msk $0xffff, v1  }
0xa1: {  	v1 =	vld [tilespmem:$0x34E0];
	_ =	sdelay $0x4  }
0xa2: {  	[tilespmem:v29+s16+$0x0] =	vst.idx.msk $0xffff, v1  }
0xa3: {  	v1 =	vld [tilespmem:$0x44E0];
	_ =	sdelay $0x4  }
0xa4: {  	[tilespmem:v30+s16+$0x0] =	vst.idx.msk $0xffff, v1  }
0xa5: {  	v1 =	vld [tilespmem:$0x34F0];
	_ =	sdelay $0x4  }
0xa6: {  	[tilespmem:v31+s16+$0x0] =	vst.idx.msk $0xffff, v1  }
0xa7: {  	v1 =	vld [tilespmem:$0x44F0];
	_ =	sdelay $0x4  }
0xa8: {  	[tilespmem:v32+s16+$0x0] =	vst.idx.msk $0xffff, v1  }
0xa9: {  	v1 =	vld [tilespmem:$0x3500];
	_ =	sdelay $0x4  }
0xaa: {  	[tilespmem:v33+s16+$0x0] =	vst.idx.msk $0xffff, v1  }
0xab: {  	v1 =	vld [tilespmem:$0x4500];
	_ =	sdelay $0x4  }
0xac: {  	[tilespmem:v34+s16+$0x0] =	vst.idx.msk $0xffff, v1  }
0xad: {  	v1 =	vld [tilespmem:$0x3510];
	_ =	sdelay $0x4  }
0xae: {  	[tilespmem:v35+s16+$0x0] =	vst.idx.msk $0xffff, v1  }
0xaf: {  	v1 =	vld [tilespmem:$0x4510];
	_ =	sdelay $0x4  }
0xb0: {  	[tilespmem:v36+s16+$0x0] =	vst.idx.msk $0xffff, v1  }
0xb1: {  	v1 =	vld [tilespmem:$0x3520];
	_ =	sdelay $0x4  }
0xb2: {  	[tilespmem:v37+s16+$0x0] =	vst.idx.msk $0xffff, v1  }
0xb3: {  	v1 =	vld [tilespmem:$0x4520];
	_ =	sdelay $0x4  }
0xb4: {  	[tilespmem:v38+s16+$0x0] =	vst.idx.msk $0xffff, v1  }
0xb5: {  	v1 =	vld [tilespmem:$0x3530];
	_ =	sdelay $0x4  }
0xb6: {  	[tilespmem:v39+s16+$0x0] =	vst.idx.msk $0xffff, v1  }
0xb7: {  	v1 =	vld [tilespmem:$0x4530];
	_ =	sdelay $0x4  }
0xb8: {  	[tilespmem:v40+s16+$0x0] =	vst.idx.msk $0xffff, v1  }
0xb9: {  	v1 =	vld [tilespmem:$0x3540];
	_ =	sdelay $0x4  }
0xba: {  	[tilespmem:v41+s16+$0x0] =	vst.idx.msk $0xffff, v1  }
0xbb: {  	v1 =	vld [tilespmem:$0x4540];
	_ =	sdelay $0x4  }
0xbc: {  	[tilespmem:v42+s16+$0x0] =	vst.idx.msk $0xffff, v1  }
0xbd: {  	v1 =	vld [tilespmem:$0x3550];
	_ =	sdelay $0x4  }
0xbe: {  	[tilespmem:v43+s16+$0x0] =	vst.idx.msk $0xffff, v1  }
0xbf: {  	v1 =	vld [tilespmem:$0x4550];
	_ =	sdelay $0x4  }
0xc0: {  	[tilespmem:v44+s16+$0x0] =	vst.idx.msk $0xffff, v1  }
0xc1: {  	v1 =	vld [tilespmem:$0x3560];
	_ =	sdelay $0x4  }
0xc2: {  	[tilespmem:v45+s16+$0x0] =	vst.idx.msk $0xffff, v1  }
0xc3: {  	v1 =	vld [tilespmem:$0x4560];
	_ =	sdelay $0x4  }
0xc4: {  	[tilespmem:v46+s16+$0x0] =	vst.idx.msk $0xffff, v1  }
0xc5: {  	v1 =	vld [tilespmem:$0x3570];
	_ =	sdelay $0x4  }
0xc6: {  	[tilespmem:v47+s16+$0x0] =	vst.idx.msk $0xffff, v1  }
0xc7: {  	v1 =	vld [tilespmem:$0x4570];
	_ =	sdelay $0x4  }
0xc8: {  	[tilespmem:v48+s16+$0x0] =	vst.idx.msk $0xffff, v1  }
0xc9: {  	v1 =	vld [tilespmem:$0x3580];
	_ =	sdelay $0x4  }
0xca: {  	[tilespmem:v49+s16+$0x0] =	vst.idx.msk $0xffff, v1  }
0xcb: {  	v1 =	vld [tilespmem:$0x4580];
	_ =	sdelay $0x4  }
0xcc: {  	[tilespmem:v50+s16+$0x0] =	vst.idx.msk $0xffff, v1  }
0xcd: {  	v1 =	vld [tilespmem:$0x3590];
	_ =	sdelay $0x4  }
0xce: {  	[tilespmem:v51+s16+$0x0] =	vst.idx.msk $0xffff, v1  }
0xcf: {  	v1 =	vld [tilespmem:$0x4590];
	_ =	sdelay $0x4  }
0xd0: {  	[tilespmem:v52+s16+$0x0] =	vst.idx.msk $0xffff, v1  }
0xd1: {  	v1 =	vld [tilespmem:$0x35A0];
	_ =	sdelay $0x4  }
0xd2: {  	[tilespmem:v53+s16+$0x0] =	vst.idx.msk $0xffff, v1  }
0xd3: {  	v1 =	vld [tilespmem:$0x45A0];
	_ =	sdelay $0x4  }
0xd4: {  	[tilespmem:v54+s16+$0x0] =	vst.idx.msk $0xffff, v1  }
0xd5: {  	v1 =	vld [tilespmem:$0x35B0];
	_ =	sdelay $0x4  }
0xd6: {  	[tilespmem:v55+s16+$0x0] =	vst.idx.msk $0xffff, v1  }
0xd7: {  	v1 =	vld [tilespmem:$0x45B0];
	_ =	sdelay $0x4  }
0xd8: {  	[tilespmem:v56+s16+$0x0] =	vst.idx.msk $0xffff, v1  }
0xd9: {  	v1 =	vld [tilespmem:$0x35C0];
	_ =	sdelay $0x4  }
0xda: {  	[tilespmem:v57+s16+$0x0] =	vst.idx.msk $0xffff, v1  }
0xdb: {  	v1 =	vld [tilespmem:$0x45C0];
	_ =	sdelay $0x4  }
0xdc: {  	[tilespmem:v58+s16+$0x0] =	vst.idx.msk $0xffff, v1  }
0xdd: {  	v1 =	vld [tilespmem:$0x35D0];
	_ =	sdelay $0x4  }
0xde: {  	[tilespmem:v59+s16+$0x0] =	vst.idx.msk $0xffff, v1  }
0xdf: {  	v1 =	vld [tilespmem:$0x45D0];
	_ =	sdelay $0x4  }
0xe0: {  	[tilespmem:v60+s16+$0x0] =	vst.idx.msk $0xffff, v1  }
0xe1: {  	v1 =	vld [tilespmem:$0x35E0];
	_ =	sdelay $0x4  }
0xe2: {  	[tilespmem:v61+s16+$0x0] =	vst.idx.msk $0xffff, v1  }
0xe3: {  	v1 =	vld [tilespmem:$0x45E0];
	_ =	sdelay $0x4  }
0xe4: {  	[tilespmem:v62+s16+$0x0] =	vst.idx.msk $0xffff, v1  }
0xe5: {  	v1 =	vld [tilespmem:$0x35F0];
	_ =	sdelay $0x2  }
0xe6: {  	v6 =	vld [tilespmem:$0x1FFE0];
	_ =	sdelay $0x1  }
0xe7: {  	[tilespmem:v63+s16+$0x0] =	vst.idx.msk $0xffff, v1  }
0xe8: {  	v1 =	vld [tilespmem:$0x45F0];
	_ =	sdelay $0x4  }
0xe9: {  	[tilespmem:v6+s16+$0x0] =	vst.idx.msk $0xffff, v1  }
0xea: {  	v6 =	vadd.s32 $0x20, v0;
	v1 =	vld [tilespmem:$0x3600];
	_ =	sdelay $0x4  }
0xeb: {  	[tilespmem:v6+s16+$0x0] =	vst.idx.msk $0xffff, v1  }
0xec: {  	[tilespmem:$0x1F3E0] =	vst v6;
	v6 =	vadd.s32 $0x8A0, v0;
	v1 =	vld [tilespmem:$0x4600];
	_ =	sdelay $0x4  }
0xed: {  	[tilespmem:v6+s16+$0x0] =	vst.idx.msk $0xffff, v1  }
0xee: {  	[tilespmem:$0x1F3F0] =	vst v6;
	v6 =	vadd.s32 $0x21, v0;
	v1 =	vld [tilespmem:$0x3610];
	_ =	sdelay $0x4  }
0xef: {  	[tilespmem:v6+s16+$0x0] =	vst.idx.msk $0xffff, v1  }
0xf0: {  	[tilespmem:$0x1F400] =	vst v6;
	v6 =	vadd.s32 $0x8A1, v0;
	v1 =	vld [tilespmem:$0x4610];
	_ =	sdelay $0x4  }
0xf1: {  	[tilespmem:v6+s16+$0x0] =	vst.idx.msk $0xffff, v1  }
0xf2: {  	[tilespmem:$0x1F410] =	vst v6;
	v6 =	vadd.s32 $0x22, v0;
	v1 =	vld [tilespmem:$0x3620];
	_ =	sdelay $0x4  }
0xf3: {  	[tilespmem:v6+s16+$0x0] =	vst.idx.msk $0xffff, v1  }
0xf4: {  	[tilespmem:$0x1F420] =	vst v6;
	v6 =	vadd.s32 $0x8A2, v0;
	v1 =	vld [tilespmem:$0x4620];
	_ =	sdelay $0x4  }
0xf5: {  	[tilespmem:v6+s16+$0x0] =	vst.idx.msk $0xffff, v1  }
0xf6: {  	[tilespmem:$0x1F430] =	vst v6;
	v6 =	vadd.s32 $0x23, v0;
	v1 =	vld [tilespmem:$0x3630];
	_ =	sdelay $0x4  }
0xf7: {  	[tilespmem:v6+s16+$0x0] =	vst.idx.msk $0xffff, v1  }
0xf8: {  	[tilespmem:$0x1F440] =	vst v6;
	v6 =	vadd.s32 $0x8A3, v0;
	v1 =	vld [tilespmem:$0x4630];
	_ =	sdelay $0x4  }
0xf9: {  	[tilespmem:v6+s16+$0x0] =	vst.idx.msk $0xffff, v1  }
0xfa: {  	[tilespmem:$0x1F450] =	vst v6;
	v6 =	vadd.s32 $0x24, v0;
	v1 =	vld [tilespmem:$0x3640];
	_ =	sdelay $0x4  }
0xfb: {  	[tilespmem:v6+s16+$0x0] =	vst.idx.msk $0xffff, v1  }
0xfc: {  	[tilespmem:$0x1F460] =	vst v6;
	v6 =	vadd.s32 $0x8A4, v0;
	v1 =	vld [tilespmem:$0x4640];
	_ =	sdelay $0x4  }
0xfd: {  	[tilespmem:v6+s16+$0x0] =	vst.idx.msk $0xffff, v1  }
0xfe: {  	[tilespmem:$0x1F470] =	vst v6;
	v6 =	vadd.s32 $0x25, v0;
	v1 =	vld [tilespmem:$0x3650];
	_ =	sdelay $0x4  }
0xff: {  	[tilespmem:v6+s16+$0x0] =	vst.idx.msk $0xffff, v1  }
0x100: {  	[tilespmem:$0x1F480] =	vst v6;
	v6 =	vadd.s32 $0x8A5, v0;
	v1 =	vld [tilespmem:$0x4650];
	_ =	sdelay $0x4  }
0x101: {  	[tilespmem:v6+s16+$0x0] =	vst.idx.msk $0xffff, v1  }
0x102: {  	[tilespmem:$0x1F490] =	vst v6;
	v6 =	vadd.s32 $0x26, v0;
	v1 =	vld [tilespmem:$0x3660];
	_ =	sdelay $0x4  }
0x103: {  	[tilespmem:v6+s16+$0x0] =	vst.idx.msk $0xffff, v1  }
0x104: {  	[tilespmem:$0x1F4A0] =	vst v6;
	v6 =	vadd.s32 $0x8A6, v0;
	v1 =	vld [tilespmem:$0x4660];
	_ =	sdelay $0x4  }
0x105: {  	[tilespmem:v6+s16+$0x0] =	vst.idx.msk $0xffff, v1  }
0x106: {  	[tilespmem:$0x1F4B0] =	vst v6;
	v6 =	vadd.s32 $0x27, v0;
	v1 =	vld [tilespmem:$0x3670];
	_ =	sdelay $0x4  }
0x107: {  	[tilespmem:v6+s16+$0x0] =	vst.idx.msk $0xffff, v1  }
0x108: {  	[tilespmem:$0x1F4C0] =	vst v6;
	v6 =	vadd.s32 $0x8A7, v0;
	v1 =	vld [tilespmem:$0x4670];
	_ =	sdelay $0x4  }
0x109: {  	[tilespmem:v6+s16+$0x0] =	vst.idx.msk $0xffff, v1  }
0x10a: {  	[tilespmem:$0x1F4D0] =	vst v6;
	v6 =	vadd.s32 $0x28, v0;
	v1 =	vld [tilespmem:$0x3680];
	_ =	sdelay $0x4  }
0x10b: {  	[tilespmem:v6+s16+$0x0] =	vst.idx.msk $0xffff, v1  }
0x10c: {  	[tilespmem:$0x1F4E0] =	vst v6;
	v6 =	vadd.s32 $0x8A8, v0;
	v1 =	vld [tilespmem:$0x4680];
	_ =	sdelay $0x4  }
0x10d: {  	[tilespmem:v6+s16+$0x0] =	vst.idx.msk $0xffff, v1  }
0x10e: {  	[tilespmem:$0x1F4F0] =	vst v6;
	v6 =	vadd.s32 $0x29, v0;
	v1 =	vld [tilespmem:$0x3690];
	_ =	sdelay $0x4  }
0x10f: {  	[tilespmem:v6+s16+$0x0] =	vst.idx.msk $0xffff, v1  }
0x110: {  	[tilespmem:$0x1F500] =	vst v6;
	v6 =	vadd.s32 $0x8A9, v0;
	v1 =	vld [tilespmem:$0x4690];
	_ =	sdelay $0x4  }
0x111: {  	[tilespmem:v6+s16+$0x0] =	vst.idx.msk $0xffff, v1  }
0x112: {  	[tilespmem:$0x1F510] =	vst v6;
	v6 =	vadd.s32 $0x2A, v0;
	v1 =	vld [tilespmem:$0x36A0];
	_ =	sdelay $0x4  }
0x113: {  	[tilespmem:v6+s16+$0x0] =	vst.idx.msk $0xffff, v1  }
0x114: {  	[tilespmem:$0x1F520] =	vst v6;
	v6 =	vadd.s32 $0x8AA, v0;
	v1 =	vld [tilespmem:$0x46A0];
	_ =	sdelay $0x4  }
0x115: {  	[tilespmem:v6+s16+$0x0] =	vst.idx.msk $0xffff, v1  }
0x116: {  	[tilespmem:$0x1F530] =	vst v6;
	v6 =	vadd.s32 $0x2B, v0;
	v1 =	vld [tilespmem:$0x36B0];
	_ =	sdelay $0x4  }
0x117: {  	[tilespmem:v6+s16+$0x0] =	vst.idx.msk $0xffff, v1  }
0x118: {  	[tilespmem:$0x1F540] =	vst v6;
	v6 =	vadd.s32 $0x8AB, v0;
	v1 =	vld [tilespmem:$0x46B0];
	_ =	sdelay $0x4  }
0x119: {  	[tilespmem:v6+s16+$0x0] =	vst.idx.msk $0xffff, v1  }
0x11a: {  	[tilespmem:$0x1F550] =	vst v6;
	v6 =	vadd.s32 $0x2C, v0;
	v1 =	vld [tilespmem:$0x36C0];
	_ =	sdelay $0x4  }
0x11b: {  	[tilespmem:v6+s16+$0x0] =	vst.idx.msk $0xffff, v1  }
0x11c: {  	[tilespmem:$0x1F560] =	vst v6;
	v6 =	vadd.s32 $0x8AC, v0;
	v1 =	vld [tilespmem:$0x46C0];
	_ =	sdelay $0x4  }
0x11d: {  	[tilespmem:v6+s16+$0x0] =	vst.idx.msk $0xffff, v1  }
0x11e: {  	[tilespmem:$0x1F570] =	vst v6;
	v6 =	vadd.s32 $0x2D, v0;
	v1 =	vld [tilespmem:$0x36D0];
	_ =	sdelay $0x4  }
0x11f: {  	[tilespmem:v6+s16+$0x0] =	vst.idx.msk $0xffff, v1  }
0x120: {  	[tilespmem:$0x1F580] =	vst v6;
	v6 =	vadd.s32 $0x8AD, v0;
	v1 =	vld [tilespmem:$0x46D0];
	_ =	sdelay $0x4  }
0x121: {  	[tilespmem:v6+s16+$0x0] =	vst.idx.msk $0xffff, v1  }
0x122: {  	[tilespmem:$0x1F590] =	vst v6;
	v6 =	vadd.s32 $0x2E, v0;
	v1 =	vld [tilespmem:$0x36E0];
	_ =	sdelay $0x4  }
0x123: {  	[tilespmem:v6+s16+$0x0] =	vst.idx.msk $0xffff, v1  }
0x124: {  	[tilespmem:$0x1F5A0] =	vst v6;
	v6 =	vadd.s32 $0x8AE, v0;
	v1 =	vld [tilespmem:$0x46E0];
	_ =	sdelay $0x4  }
0x125: {  	[tilespmem:v6+s16+$0x0] =	vst.idx.msk $0xffff, v1  }
0x126: {  	[tilespmem:$0x1F5B0] =	vst v6;
	v6 =	vadd.s32 $0x2F, v0;
	v1 =	vld [tilespmem:$0x36F0];
	_ =	sdelay $0x4  }
0x127: {  	[tilespmem:v6+s16+$0x0] =	vst.idx.msk $0xffff, v1  }
0x128: {  	[tilespmem:$0x1F5C0] =	vst v6;
	v6 =	vadd.s32 $0x8AF, v0;
	v1 =	vld [tilespmem:$0x46F0];
	_ =	sdelay $0x4  }
0x129: {  	[tilespmem:v6+s16+$0x0] =	vst.idx.msk $0xffff, v1  }
0x12a: {  	[tilespmem:$0x1F5D0] =	vst v6;
	v6 =	vadd.s32 $0x30, v0;
	v1 =	vld [tilespmem:$0x3700];
	_ =	sdelay $0x4  }
0x12b: {  	[tilespmem:v6+s16+$0x0] =	vst.idx.msk $0xffff, v1  }
0x12c: {  	[tilespmem:$0x1F5E0] =	vst v6;
	v6 =	vadd.s32 $0x8B0, v0;
	v1 =	vld [tilespmem:$0x4700];
	_ =	sdelay $0x4  }
0x12d: {  	[tilespmem:v6+s16+$0x0] =	vst.idx.msk $0xffff, v1  }
0x12e: {  	[tilespmem:$0x1F5F0] =	vst v6;
	v6 =	vadd.s32 $0x31, v0;
	v1 =	vld [tilespmem:$0x3710];
	_ =	sdelay $0x4  }
0x12f: {  	[tilespmem:v6+s16+$0x0] =	vst.idx.msk $0xffff, v1  }
0x130: {  	[tilespmem:$0x1F600] =	vst v6;
	v6 =	vadd.s32 $0x8B1, v0;
	v1 =	vld [tilespmem:$0x4710];
	_ =	sdelay $0x4  }
0x131: {  	[tilespmem:v6+s16+$0x0] =	vst.idx.msk $0xffff, v1  }
0x132: {  	[tilespmem:$0x1F610] =	vst v6;
	v6 =	vadd.s32 $0x32, v0;
	v1 =	vld [tilespmem:$0x3720];
	_ =	sdelay $0x4  }
0x133: {  	[tilespmem:v6+s16+$0x0] =	vst.idx.msk $0xffff, v1  }
0x134: {  	[tilespmem:$0x1F620] =	vst v6;
	v6 =	vadd.s32 $0x8B2, v0;
	v1 =	vld [tilespmem:$0x4720];
	_ =	sdelay $0x4  }
0x135: {  	[tilespmem:v6+s16+$0x0] =	vst.idx.msk $0xffff, v1  }
0x136: {  	[tilespmem:$0x1F630] =	vst v6;
	v6 =	vadd.s32 $0x33, v0;
	v1 =	vld [tilespmem:$0x3730];
	_ =	sdelay $0x4  }
0x137: {  	[tilespmem:v6+s16+$0x0] =	vst.idx.msk $0xffff, v1  }
0x138: {  	[tilespmem:$0x1F640] =	vst v6;
	v6 =	vadd.s32 $0x8B3, v0;
	v1 =	vld [tilespmem:$0x4730];
	_ =	sdelay $0x4  }
0x139: {  	[tilespmem:v6+s16+$0x0] =	vst.idx.msk $0xffff, v1  }
0x13a: {  	[tilespmem:$0x1F650] =	vst v6;
	v6 =	vadd.s32 $0x34, v0;
	v1 =	vld [tilespmem:$0x3740];
	_ =	sdelay $0x4  }
0x13b: {  	[tilespmem:v6+s16+$0x0] =	vst.idx.msk $0xffff, v1  }
0x13c: {  	[tilespmem:$0x1F660] =	vst v6;
	v6 =	vadd.s32 $0x8B4, v0;
	v1 =	vld [tilespmem:$0x4740];
	_ =	sdelay $0x4  }
0x13d: {  	[tilespmem:v6+s16+$0x0] =	vst.idx.msk $0xffff, v1  }
0x13e: {  	[tilespmem:$0x1F670] =	vst v6;
	v6 =	vadd.s32 $0x35, v0;
	v1 =	vld [tilespmem:$0x3750];
	_ =	sdelay $0x4  }
0x13f: {  	[tilespmem:v6+s16+$0x0] =	vst.idx.msk $0xffff, v1  }
0x140: {  	[tilespmem:$0x1F680] =	vst v6;
	v6 =	vadd.s32 $0x8B5, v0;
	v1 =	vld [tilespmem:$0x4750];
	_ =	sdelay $0x4  }
0x141: {  	[tilespmem:v6+s16+$0x0] =	vst.idx.msk $0xffff, v1  }
0x142: {  	[tilespmem:$0x1F690] =	vst v6;
	v6 =	vadd.s32 $0x36, v0;
	v1 =	vld [tilespmem:$0x3760];
	_ =	sdelay $0x4  }
0x143: {  	[tilespmem:v6+s16+$0x0] =	vst.idx.msk $0xffff, v1  }
0x144: {  	[tilespmem:$0x1F6A0] =	vst v6;
	v6 =	vadd.s32 $0x8B6, v0;
	v1 =	vld [tilespmem:$0x4760];
	_ =	sdelay $0x4  }
0x145: {  	[tilespmem:v6+s16+$0x0] =	vst.idx.msk $0xffff, v1  }
0x146: {  	[tilespmem:$0x1F6B0] =	vst v6;
	v6 =	vadd.s32 $0x37, v0;
	v1 =	vld [tilespmem:$0x3770];
	_ =	sdelay $0x4  }
0x147: {  	[tilespmem:v6+s16+$0x0] =	vst.idx.msk $0xffff, v1  }
0x148: {  	[tilespmem:$0x1F6C0] =	vst v6;
	v6 =	vadd.s32 $0x8B7, v0;
	v1 =	vld [tilespmem:$0x4770];
	_ =	sdelay $0x4  }
0x149: {  	[tilespmem:v6+s16+$0x0] =	vst.idx.msk $0xffff, v1  }
0x14a: {  	[tilespmem:$0x1F6D0] =	vst v6;
	v6 =	vadd.s32 $0x38, v0;
	v1 =	vld [tilespmem:$0x3780];
	_ =	sdelay $0x4  }
0x14b: {  	[tilespmem:v6+s16+$0x0] =	vst.idx.msk $0xffff, v1  }
0x14c: {  	[tilespmem:$0x1F6E0] =	vst v6;
	v6 =	vadd.s32 $0x8B8, v0;
	v1 =	vld [tilespmem:$0x4780];
	_ =	sdelay $0x4  }
0x14d: {  	[tilespmem:v6+s16+$0x0] =	vst.idx.msk $0xffff, v1  }
0x14e: {  	[tilespmem:$0x1F6F0] =	vst v6;
	v6 =	vadd.s32 $0x39, v0;
	v1 =	vld [tilespmem:$0x3790];
	_ =	sdelay $0x4  }
0x14f: {  	[tilespmem:v6+s16+$0x0] =	vst.idx.msk $0xffff, v1  }
0x150: {  	[tilespmem:$0x1F700] =	vst v6;
	v6 =	vadd.s32 $0x8B9, v0;
	v1 =	vld [tilespmem:$0x4790];
	_ =	sdelay $0x4  }
0x151: {  	[tilespmem:v6+s16+$0x0] =	vst.idx.msk $0xffff, v1  }
0x152: {  	[tilespmem:$0x1F710] =	vst v6;
	v6 =	vadd.s32 $0x3A, v0;
	v1 =	vld [tilespmem:$0x37A0];
	_ =	sdelay $0x4  }
0x153: {  	[tilespmem:v6+s16+$0x0] =	vst.idx.msk $0xffff, v1  }
0x154: {  	[tilespmem:$0x1F720] =	vst v6;
	v6 =	vadd.s32 $0x8BA, v0;
	v1 =	vld [tilespmem:$0x47A0];
	_ =	sdelay $0x4  }
0x155: {  	[tilespmem:v6+s16+$0x0] =	vst.idx.msk $0xffff, v1  }
0x156: {  	[tilespmem:$0x1F730] =	vst v6;
	v6 =	vadd.s32 $0x3B, v0;
	v1 =	vld [tilespmem:$0x37B0];
	_ =	sdelay $0x4  }
0x157: {  	[tilespmem:v6+s16+$0x0] =	vst.idx.msk $0xffff, v1  }
0x158: {  	[tilespmem:$0x1F740] =	vst v6;
	v6 =	vadd.s32 $0x8BB, v0;
	v1 =	vld [tilespmem:$0x47B0];
	_ =	sdelay $0x4  }
0x159: {  	[tilespmem:v6+s16+$0x0] =	vst.idx.msk $0xffff, v1  }
0x15a: {  	[tilespmem:$0x1F750] =	vst v6;
	v6 =	vadd.s32 $0x3C, v0;
	v1 =	vld [tilespmem:$0x37C0];
	_ =	sdelay $0x4  }
0x15b: {  	[tilespmem:v6+s16+$0x0] =	vst.idx.msk $0xffff, v1  }
0x15c: {  	[tilespmem:$0x1F760] =	vst v6;
	v6 =	vadd.s32 $0x8BC, v0;
	v1 =	vld [tilespmem:$0x47C0];
	_ =	sdelay $0x4  }
0x15d: {  	[tilespmem:v6+s16+$0x0] =	vst.idx.msk $0xffff, v1  }
0x15e: {  	[tilespmem:$0x1F770] =	vst v6;
	v6 =	vadd.s32 $0x3D, v0;
	v1 =	vld [tilespmem:$0x37D0];
	_ =	sdelay $0x4  }
0x15f: {  	[tilespmem:v6+s16+$0x0] =	vst.idx.msk $0xffff, v1  }
0x160: {  	[tilespmem:$0x1F780] =	vst v6;
	v6 =	vadd.s32 $0x8BD, v0;
	v1 =	vld [tilespmem:$0x47D0];
	_ =	sdelay $0x4  }
0x161: {  	[tilespmem:v6+s16+$0x0] =	vst.idx.msk $0xffff, v1  }
0x162: {  	[tilespmem:$0x1F790] =	vst v6;
	v6 =	vadd.s32 $0x3E, v0;
	v1 =	vld [tilespmem:$0x37E0];
	_ =	sdelay $0x4  }
0x163: {  	[tilespmem:v6+s16+$0x0] =	vst.idx.msk $0xffff, v1  }
0x164: {  	[tilespmem:$0x1F7A0] =	vst v6;
	v6 =	vadd.s32 $0x8BE, v0;
	v1 =	vld [tilespmem:$0x47E0];
	_ =	sdelay $0x4  }
0x165: {  	[tilespmem:v6+s16+$0x0] =	vst.idx.msk $0xffff, v1  }
0x166: {  	[tilespmem:$0x1F7B0] =	vst v6;
	v6 =	vadd.s32 $0x3F, v0;
	v1 =	vld [tilespmem:$0x37F0];
	_ =	sdelay $0x4  }
0x167: {  	[tilespmem:v6+s16+$0x0] =	vst.idx.msk $0xffff, v1  }
0x168: {  	[tilespmem:$0x1F7C0] =	vst v6;
	v6 =	vadd.s32 $0x8BF, v0;
	v1 =	vld [tilespmem:$0x47F0];
	_ =	sdelay $0x4  }
0x169: {  	[tilespmem:v6+s16+$0x0] =	vst.idx.msk $0xffff, v1  }
0x16a: {  	[tilespmem:$0x1F7D0] =	vst v6;
	v6 =	vadd.s32 $0x40, v0;
	v1 =	vld [tilespmem:$0x3800];
	_ =	sdelay $0x4  }
0x16b: {  	[tilespmem:v6+s16+$0x0] =	vst.idx.msk $0xffff, v1  }
0x16c: {  	[tilespmem:$0x1F7E0] =	vst v6;
	v6 =	vadd.s32 $0x8C0, v0;
	v1 =	vld [tilespmem:$0x4800];
	_ =	sdelay $0x4  }
0x16d: {  	[tilespmem:v6+s16+$0x0] =	vst.idx.msk $0xffff, v1  }
0x16e: {  	[tilespmem:$0x1F7F0] =	vst v6;
	v6 =	vadd.s32 $0x41, v0;
	v1 =	vld [tilespmem:$0x3810];
	_ =	sdelay $0x4  }
0x16f: {  	[tilespmem:v6+s16+$0x0] =	vst.idx.msk $0xffff, v1  }
0x170: {  	[tilespmem:$0x1F800] =	vst v6;
	v6 =	vadd.s32 $0x8C1, v0;
	v1 =	vld [tilespmem:$0x4810];
	_ =	sdelay $0x4  }
0x171: {  	[tilespmem:v6+s16+$0x0] =	vst.idx.msk $0xffff, v1  }
0x172: {  	[tilespmem:$0x1F810] =	vst v6;
	v6 =	vadd.s32 $0x42, v0;
	v1 =	vld [tilespmem:$0x3820];
	_ =	sdelay $0x4  }
0x173: {  	[tilespmem:v6+s16+$0x0] =	vst.idx.msk $0xffff, v1  }
0x174: {  	[tilespmem:$0x1F820] =	vst v6;
	v6 =	vadd.s32 $0x8C2, v0;
	v1 =	vld [tilespmem:$0x4820];
	_ =	sdelay $0x4  }
0x175: {  	[tilespmem:v6+s16+$0x0] =	vst.idx.msk $0xffff, v1  }
0x176: {  	[tilespmem:$0x1F830] =	vst v6;
	v6 =	vadd.s32 $0x43, v0;
	v1 =	vld [tilespmem:$0x3830];
	_ =	sdelay $0x4  }
0x177: {  	[tilespmem:v6+s16+$0x0] =	vst.idx.msk $0xffff, v1  }
0x178: {  	[tilespmem:$0x1F840] =	vst v6;
	v6 =	vadd.s32 $0x8C3, v0;
	v1 =	vld [tilespmem:$0x4830];
	_ =	sdelay $0x4  }
0x179: {  	[tilespmem:v6+s16+$0x0] =	vst.idx.msk $0xffff, v1  }
0x17a: {  	[tilespmem:$0x1F850] =	vst v6;
	v6 =	vadd.s32 $0x44, v0;
	v1 =	vld [tilespmem:$0x3840];
	_ =	sdelay $0x4  }
0x17b: {  	[tilespmem:v6+s16+$0x0] =	vst.idx.msk $0xffff, v1  }
0x17c: {  	[tilespmem:$0x1F860] =	vst v6;
	v6 =	vadd.s32 $0x8C4, v0;
	v1 =	vld [tilespmem:$0x4840];
	_ =	sdelay $0x4  }
0x17d: {  	[tilespmem:v6+s16+$0x0] =	vst.idx.msk $0xffff, v1  }
0x17e: {  	[tilespmem:$0x1F870] =	vst v6;
	v6 =	vadd.s32 $0x45, v0;
	v1 =	vld [tilespmem:$0x3850];
	_ =	sdelay $0x4  }
0x17f: {  	[tilespmem:v6+s16+$0x0] =	vst.idx.msk $0xffff, v1  }
0x180: {  	[tilespmem:$0x1F880] =	vst v6;
	v6 =	vadd.s32 $0x8C5, v0;
	v1 =	vld [tilespmem:$0x4850];
	_ =	sdelay $0x4  }
0x181: {  	[tilespmem:v6+s16+$0x0] =	vst.idx.msk $0xffff, v1  }
0x182: {  	[tilespmem:$0x1F890] =	vst v6;
	v6 =	vadd.s32 $0x46, v0;
	v1 =	vld [tilespmem:$0x3860];
	_ =	sdelay $0x4  }
0x183: {  	[tilespmem:v6+s16+$0x0] =	vst.idx.msk $0xffff, v1  }
0x184: {  	[tilespmem:$0x1F8A0] =	vst v6;
	v6 =	vadd.s32 $0x8C6, v0;
	v1 =	vld [tilespmem:$0x4860];
	_ =	sdelay $0x4  }
0x185: {  	[tilespmem:v6+s16+$0x0] =	vst.idx.msk $0xffff, v1  }
0x186: {  	[tilespmem:$0x1F8B0] =	vst v6;
	v6 =	vadd.s32 $0x47, v0;
	v1 =	vld [tilespmem:$0x3870];
	_ =	sdelay $0x4  }
0x187: {  	[tilespmem:v6+s16+$0x0] =	vst.idx.msk $0xffff, v1  }
0x188: {  	[tilespmem:$0x1F8C0] =	vst v6;
	v6 =	vadd.s32 $0x8C7, v0;
	v1 =	vld [tilespmem:$0x4870];
	_ =	sdelay $0x4  }
0x189: {  	[tilespmem:v6+s16+$0x0] =	vst.idx.msk $0xffff, v1  }
0x18a: {  	[tilespmem:$0x1F8D0] =	vst v6;
	v6 =	vadd.s32 $0x48, v0;
	v1 =	vld [tilespmem:$0x3880];
	_ =	sdelay $0x4  }
0x18b: {  	[tilespmem:v6+s16+$0x0] =	vst.idx.msk $0xffff, v1  }
0x18c: {  	[tilespmem:$0x1F8E0] =	vst v6;
	v6 =	vadd.s32 $0x8C8, v0;
	v1 =	vld [tilespmem:$0x4880];
	_ =	sdelay $0x4  }
0x18d: {  	[tilespmem:v6+s16+$0x0] =	vst.idx.msk $0xffff, v1  }
0x18e: {  	[tilespmem:$0x1F8F0] =	vst v6;
	v6 =	vadd.s32 $0x49, v0;
	v1 =	vld [tilespmem:$0x3890];
	_ =	sdelay $0x4  }
0x18f: {  	[tilespmem:v6+s16+$0x0] =	vst.idx.msk $0xffff, v1  }
0x190: {  	[tilespmem:$0x1F900] =	vst v6;
	v6 =	vadd.s32 $0x8C9, v0;
	v1 =	vld [tilespmem:$0x4890];
	_ =	sdelay $0x4  }
0x191: {  	[tilespmem:v6+s16+$0x0] =	vst.idx.msk $0xffff, v1  }
0x192: {  	[tilespmem:$0x1F910] =	vst v6;
	v6 =	vadd.s32 $0x4A, v0;
	v1 =	vld [tilespmem:$0x38A0];
	_ =	sdelay $0x4  }
0x193: {  	[tilespmem:v6+s16+$0x0] =	vst.idx.msk $0xffff, v1  }
0x194: {  	[tilespmem:$0x1F920] =	vst v6;
	v6 =	vadd.s32 $0x8CA, v0;
	v1 =	vld [tilespmem:$0x48A0];
	_ =	sdelay $0x4  }
0x195: {  	[tilespmem:v6+s16+$0x0] =	vst.idx.msk $0xffff, v1  }
0x196: {  	[tilespmem:$0x1F930] =	vst v6;
	v6 =	vadd.s32 $0x4B, v0;
	v1 =	vld [tilespmem:$0x38B0];
	_ =	sdelay $0x4  }
0x197: {  	[tilespmem:v6+s16+$0x0] =	vst.idx.msk $0xffff, v1  }
0x198: {  	[tilespmem:$0x1F940] =	vst v6;
	v6 =	vadd.s32 $0x8CB, v0;
	v1 =	vld [tilespmem:$0x48B0];
	_ =	sdelay $0x4  }
0x199: {  	[tilespmem:v6+s16+$0x0] =	vst.idx.msk $0xffff, v1  }
0x19a: {  	[tilespmem:$0x1F950] =	vst v6;
	v6 =	vadd.s32 $0x4C, v0;
	v1 =	vld [tilespmem:$0x38C0];
	_ =	sdelay $0x4  }
0x19b: {  	[tilespmem:v6+s16+$0x0] =	vst.idx.msk $0xffff, v1  }
0x19c: {  	[tilespmem:$0x1F960] =	vst v6;
	v6 =	vadd.s32 $0x8CC, v0;
	v1 =	vld [tilespmem:$0x48C0];
	_ =	sdelay $0x4  }
0x19d: {  	[tilespmem:v6+s16+$0x0] =	vst.idx.msk $0xffff, v1  }
0x19e: {  	[tilespmem:$0x1F970] =	vst v6;
	v6 =	vadd.s32 $0x4D, v0;
	v1 =	vld [tilespmem:$0x38D0];
	_ =	sdelay $0x4  }
0x19f: {  	[tilespmem:v6+s16+$0x0] =	vst.idx.msk $0xffff, v1  }
0x1a0: {  	[tilespmem:$0x1F980] =	vst v6;
	v6 =	vadd.s32 $0x8CD, v0;
	v1 =	vld [tilespmem:$0x48D0];
	_ =	sdelay $0x4  }
0x1a1: {  	[tilespmem:v6+s16+$0x0] =	vst.idx.msk $0xffff, v1  }
0x1a2: {  	[tilespmem:$0x1F990] =	vst v6;
	v6 =	vadd.s32 $0x4E, v0;
	v1 =	vld [tilespmem:$0x38E0];
	_ =	sdelay $0x4  }
0x1a3: {  	[tilespmem:v6+s16+$0x0] =	vst.idx.msk $0xffff, v1  }
0x1a4: {  	[tilespmem:$0x1F9A0] =	vst v6;
	v6 =	vadd.s32 $0x8CE, v0;
	v1 =	vld [tilespmem:$0x48E0];
	_ =	sdelay $0x4  }
0x1a5: {  	[tilespmem:v6+s16+$0x0] =	vst.idx.msk $0xffff, v1  }
0x1a6: {  	[tilespmem:$0x1F9B0] =	vst v6;
	v6 =	vadd.s32 $0x4F, v0;
	v1 =	vld [tilespmem:$0x38F0];
	_ =	sdelay $0x4  }
0x1a7: {  	[tilespmem:v6+s16+$0x0] =	vst.idx.msk $0xffff, v1  }
0x1a8: {  	[tilespmem:$0x1F9C0] =	vst v6;
	v6 =	vadd.s32 $0x8CF, v0;
	v1 =	vld [tilespmem:$0x48F0];
	_ =	sdelay $0x4  }
0x1a9: {  	[tilespmem:v6+s16+$0x0] =	vst.idx.msk $0xffff, v1  }
0x1aa: {  	[tilespmem:$0x1F9D0] =	vst v6;
	v6 =	vadd.s32 $0x50, v0;
	v1 =	vld [tilespmem:$0x3900];
	_ =	sdelay $0x4  }
0x1ab: {  	[tilespmem:v6+s16+$0x0] =	vst.idx.msk $0xffff, v1  }
0x1ac: {  	[tilespmem:$0x1F9E0] =	vst v6;
	v6 =	vadd.s32 $0x8D0, v0;
	v1 =	vld [tilespmem:$0x4900];
	_ =	sdelay $0x4  }
0x1ad: {  	[tilespmem:v6+s16+$0x0] =	vst.idx.msk $0xffff, v1  }
0x1ae: {  	[tilespmem:$0x1F9F0] =	vst v6;
	v6 =	vadd.s32 $0x51, v0;
	v1 =	vld [tilespmem:$0x3910];
	_ =	sdelay $0x4  }
0x1af: {  	[tilespmem:v6+s16+$0x0] =	vst.idx.msk $0xffff, v1  }
0x1b0: {  	[tilespmem:$0x1FA00] =	vst v6;
	v6 =	vadd.s32 $0x8D1, v0;
	v1 =	vld [tilespmem:$0x4910];
	_ =	sdelay $0x4  }
0x1b1: {  	[tilespmem:v6+s16+$0x0] =	vst.idx.msk $0xffff, v1  }
0x1b2: {  	[tilespmem:$0x1FA10] =	vst v6;
	v6 =	vadd.s32 $0x52, v0;
	v1 =	vld [tilespmem:$0x3920];
	_ =	sdelay $0x4  }
0x1b3: {  	[tilespmem:v6+s16+$0x0] =	vst.idx.msk $0xffff, v1  }
0x1b4: {  	[tilespmem:$0x1FA20] =	vst v6;
	v6 =	vadd.s32 $0x8D2, v0;
	v1 =	vld [tilespmem:$0x4920];
	_ =	sdelay $0x4  }
0x1b5: {  	[tilespmem:v6+s16+$0x0] =	vst.idx.msk $0xffff, v1  }
0x1b6: {  	[tilespmem:$0x1FA30] =	vst v6;
	v6 =	vadd.s32 $0x53, v0;
	v1 =	vld [tilespmem:$0x3930];
	_ =	sdelay $0x4  }
0x1b7: {  	[tilespmem:v6+s16+$0x0] =	vst.idx.msk $0xffff, v1  }
0x1b8: {  	[tilespmem:$0x1FA40] =	vst v6;
	v6 =	vadd.s32 $0x8D3, v0;
	v1 =	vld [tilespmem:$0x4930];
	_ =	sdelay $0x4  }
0x1b9: {  	[tilespmem:v6+s16+$0x0] =	vst.idx.msk $0xffff, v1  }
0x1ba: {  	[tilespmem:$0x1FA50] =	vst v6;
	v6 =	vadd.s32 $0x54, v0;
	v1 =	vld [tilespmem:$0x3940];
	_ =	sdelay $0x4  }
0x1bb: {  	[tilespmem:v6+s16+$0x0] =	vst.idx.msk $0xffff, v1  }
0x1bc: {  	[tilespmem:$0x1FA60] =	vst v6;
	v6 =	vadd.s32 $0x8D4, v0;
	v1 =	vld [tilespmem:$0x4940];
	_ =	sdelay $0x4  }
0x1bd: {  	[tilespmem:v6+s16+$0x0] =	vst.idx.msk $0xffff, v1  }
0x1be: {  	[tilespmem:$0x1FA70] =	vst v6;
	v6 =	vadd.s32 $0x55, v0;
	v1 =	vld [tilespmem:$0x3950];
	_ =	sdelay $0x4  }
0x1bf: {  	[tilespmem:v6+s16+$0x0] =	vst.idx.msk $0xffff, v1  }
0x1c0: {  	[tilespmem:$0x1FA80] =	vst v6;
	v6 =	vadd.s32 $0x8D5, v0;
	v1 =	vld [tilespmem:$0x4950];
	_ =	sdelay $0x4  }
0x1c1: {  	[tilespmem:v6+s16+$0x0] =	vst.idx.msk $0xffff, v1  }
0x1c2: {  	[tilespmem:$0x1FA90] =	vst v6;
	v6 =	vadd.s32 $0x56, v0;
	v1 =	vld [tilespmem:$0x3960];
	_ =	sdelay $0x4  }
0x1c3: {  	[tilespmem:v6+s16+$0x0] =	vst.idx.msk $0xffff, v1  }
0x1c4: {  	[tilespmem:$0x1FAA0] =	vst v6;
	v6 =	vadd.s32 $0x8D6, v0;
	v1 =	vld [tilespmem:$0x4960];
	_ =	sdelay $0x4  }
0x1c5: {  	[tilespmem:v6+s16+$0x0] =	vst.idx.msk $0xffff, v1  }
0x1c6: {  	[tilespmem:$0x1FAB0] =	vst v6;
	v6 =	vadd.s32 $0x57, v0;
	v1 =	vld [tilespmem:$0x3970];
	_ =	sdelay $0x4  }
0x1c7: {  	[tilespmem:v6+s16+$0x0] =	vst.idx.msk $0xffff, v1  }
0x1c8: {  	[tilespmem:$0x1FAC0] =	vst v6;
	v6 =	vadd.s32 $0x8D7, v0;
	v1 =	vld [tilespmem:$0x4970];
	_ =	sdelay $0x4  }
0x1c9: {  	[tilespmem:v6+s16+$0x0] =	vst.idx.msk $0xffff, v1  }
0x1ca: {  	[tilespmem:$0x1FAD0] =	vst v6;
	v6 =	vadd.s32 $0x58, v0;
	v1 =	vld [tilespmem:$0x3980];
	_ =	sdelay $0x4  }
0x1cb: {  	[tilespmem:v6+s16+$0x0] =	vst.idx.msk $0xffff, v1  }
0x1cc: {  	[tilespmem:$0x1FAE0] =	vst v6;
	v6 =	vadd.s32 $0x8D8, v0;
	v1 =	vld [tilespmem:$0x4980];
	_ =	sdelay $0x4  }
0x1cd: {  	[tilespmem:v6+s16+$0x0] =	vst.idx.msk $0xffff, v1  }
0x1ce: {  	[tilespmem:$0x1FAF0] =	vst v6;
	v6 =	vadd.s32 $0x59, v0;
	v1 =	vld [tilespmem:$0x3990];
	_ =	sdelay $0x4  }
0x1cf: {  	[tilespmem:v6+s16+$0x0] =	vst.idx.msk $0xffff, v1  }
0x1d0: {  	[tilespmem:$0x1FB00] =	vst v6;
	v6 =	vadd.s32 $0x8D9, v0;
	v1 =	vld [tilespmem:$0x4990];
	_ =	sdelay $0x4  }
0x1d1: {  	[tilespmem:v6+s16+$0x0] =	vst.idx.msk $0xffff, v1  }
0x1d2: {  	[tilespmem:$0x1FB10] =	vst v6;
	v6 =	vadd.s32 $0x5A, v0;
	v1 =	vld [tilespmem:$0x39A0];
	_ =	sdelay $0x4  }
0x1d3: {  	[tilespmem:v6+s16+$0x0] =	vst.idx.msk $0xffff, v1  }
0x1d4: {  	[tilespmem:$0x1FB20] =	vst v6;
	v6 =	vadd.s32 $0x8DA, v0;
	v1 =	vld [tilespmem:$0x49A0];
	_ =	sdelay $0x4  }
0x1d5: {  	[tilespmem:v6+s16+$0x0] =	vst.idx.msk $0xffff, v1  }
0x1d6: {  	[tilespmem:$0x1FB30] =	vst v6;
	v6 =	vadd.s32 $0x5B, v0;
	v1 =	vld [tilespmem:$0x39B0];
	_ =	sdelay $0x4  }
0x1d7: {  	[tilespmem:v6+s16+$0x0] =	vst.idx.msk $0xffff, v1  }
0x1d8: {  	[tilespmem:$0x1FB40] =	vst v6;
	v6 =	vadd.s32 $0x8DB, v0;
	v1 =	vld [tilespmem:$0x49B0];
	_ =	sdelay $0x4  }
0x1d9: {  	[tilespmem:v6+s16+$0x0] =	vst.idx.msk $0xffff, v1  }
0x1da: {  	[tilespmem:$0x1FB50] =	vst v6;
	v6 =	vadd.s32 $0x5C, v0;
	v1 =	vld [tilespmem:$0x39C0];
	_ =	sdelay $0x4  }
0x1db: {  	[tilespmem:v6+s16+$0x0] =	vst.idx.msk $0xffff, v1  }
0x1dc: {  	[tilespmem:$0x1FB60] =	vst v6;
	v6 =	vadd.s32 $0x8DC, v0;
	v1 =	vld [tilespmem:$0x49C0];
	_ =	sdelay $0x4  }
0x1dd: {  	[tilespmem:v6+s16+$0x0] =	vst.idx.msk $0xffff, v1  }
0x1de: {  	[tilespmem:$0x1FB70] =	vst v6;
	v6 =	vadd.s32 $0x5D, v0;
	v1 =	vld [tilespmem:$0x39D0];
	_ =	sdelay $0x4  }
0x1df: {  	[tilespmem:v6+s16+$0x0] =	vst.idx.msk $0xffff, v1  }
0x1e0: {  	[tilespmem:$0x1FB80] =	vst v6;
	v6 =	vadd.s32 $0x8DD, v0;
	v1 =	vld [tilespmem:$0x49D0];
	_ =	sdelay $0x4  }
0x1e1: {  	[tilespmem:v6+s16+$0x0] =	vst.idx.msk $0xffff, v1  }
0x1e2: {  	[tilespmem:$0x1FB90] =	vst v6;
	v6 =	vadd.s32 $0x5E, v0;
	v1 =	vld [tilespmem:$0x39E0];
	_ =	sdelay $0x4  }
0x1e3: {  	[tilespmem:v6+s16+$0x0] =	vst.idx.msk $0xffff, v1  }
0x1e4: {  	[tilespmem:$0x1FBA0] =	vst v6;
	v6 =	vadd.s32 $0x8DE, v0;
	v1 =	vld [tilespmem:$0x49E0];
	_ =	sdelay $0x4  }
0x1e5: {  	[tilespmem:v6+s16+$0x0] =	vst.idx.msk $0xffff, v1  }
0x1e6: {  	[tilespmem:$0x1FBB0] =	vst v6;
	v6 =	vadd.s32 $0x5F, v0;
	v1 =	vld [tilespmem:$0x39F0];
	_ =	sdelay $0x4  }
0x1e7: {  	[tilespmem:v6+s16+$0x0] =	vst.idx.msk $0xffff, v1  }
0x1e8: {  	[tilespmem:$0x1FBC0] =	vst v6;
	v6 =	vadd.s32 $0x8DF, v0;
	v1 =	vld [tilespmem:$0x49F0];
	_ =	sdelay $0x4  }
0x1e9: {  	[tilespmem:v6+s16+$0x0] =	vst.idx.msk $0xffff, v1  }
0x1ea: {  	[tilespmem:$0x1FBD0] =	vst v6;
	v6 =	vadd.s32 $0x60, v0;
	v1 =	vld [tilespmem:$0x3A00];
	_ =	sdelay $0x4  }
0x1eb: {  	[tilespmem:v6+s16+$0x0] =	vst.idx.msk $0xffff, v1  }
0x1ec: {  	[tilespmem:$0x1FBE0] =	vst v6;
	v6 =	vadd.s32 $0x8E0, v0;
	v1 =	vld [tilespmem:$0x4A00];
	_ =	sdelay $0x4  }
0x1ed: {  	[tilespmem:v6+s16+$0x0] =	vst.idx.msk $0xffff, v1  }
0x1ee: {  	[tilespmem:$0x1FBF0] =	vst v6;
	v6 =	vadd.s32 $0x61, v0;
	v1 =	vld [tilespmem:$0x3A10];
	_ =	sdelay $0x4  }
0x1ef: {  	[tilespmem:v6+s16+$0x0] =	vst.idx.msk $0xffff, v1  }
0x1f0: {  	[tilespmem:$0x1FC00] =	vst v6;
	v6 =	vadd.s32 $0x8E1, v0;
	v1 =	vld [tilespmem:$0x4A10];
	_ =	sdelay $0x4  }
0x1f1: {  	[tilespmem:v6+s16+$0x0] =	vst.idx.msk $0xffff, v1  }
0x1f2: {  	[tilespmem:$0x1FC10] =	vst v6;
	v6 =	vadd.s32 $0x62, v0;
	v1 =	vld [tilespmem:$0x3A20];
	_ =	sdelay $0x4  }
0x1f3: {  	[tilespmem:v6+s16+$0x0] =	vst.idx.msk $0xffff, v1  }
0x1f4: {  	[tilespmem:$0x1FC20] =	vst v6;
	v6 =	vadd.s32 $0x8E2, v0;
	v1 =	vld [tilespmem:$0x4A20];
	_ =	sdelay $0x4  }
0x1f5: {  	[tilespmem:v6+s16+$0x0] =	vst.idx.msk $0xffff, v1  }
0x1f6: {  	[tilespmem:$0x1FC30] =	vst v6;
	v6 =	vadd.s32 $0x63, v0;
	v1 =	vld [tilespmem:$0x3A30];
	_ =	sdelay $0x4  }
0x1f7: {  	[tilespmem:v6+s16+$0x0] =	vst.idx.msk $0xffff, v1  }
0x1f8: {  	[tilespmem:$0x1FC40] =	vst v6;
	v6 =	vadd.s32 $0x8E3, v0;
	v1 =	vld [tilespmem:$0x4A30];
	_ =	sdelay $0x4  }
0x1f9: {  	[tilespmem:v6+s16+$0x0] =	vst.idx.msk $0xffff, v1  }
0x1fa: {  	[tilespmem:$0x1FC50] =	vst v6;
	v6 =	vadd.s32 $0x64, v0;
	v1 =	vld [tilespmem:$0x3A40];
	_ =	sdelay $0x4  }
0x1fb: {  	[tilespmem:v6+s16+$0x0] =	vst.idx.msk $0xffff, v1  }
0x1fc: {  	[tilespmem:$0x1FC60] =	vst v6;
	v6 =	vadd.s32 $0x8E4, v0;
	v1 =	vld [tilespmem:$0x4A40];
	_ =	sdelay $0x4  }
0x1fd: {  	[tilespmem:v6+s16+$0x0] =	vst.idx.msk $0xffff, v1  }
0x1fe: {  	[tilespmem:$0x1FC70] =	vst v6;
	v6 =	vadd.s32 $0x65, v0;
	v1 =	vld [tilespmem:$0x3A50];
	_ =	sdelay $0x4  }
0x1ff: {  	[tilespmem:v6+s16+$0x0] =	vst.idx.msk $0xffff, v1  }
0x200: {  	[tilespmem:$0x1FC80] =	vst v6;
	v6 =	vadd.s32 $0x8E5, v0;
	v1 =	vld [tilespmem:$0x4A50];
	_ =	sdelay $0x4  }
0x201: {  	[tilespmem:v6+s16+$0x0] =	vst.idx.msk $0xffff, v1  }
0x202: {  	[tilespmem:$0x1FC90] =	vst v6;
	v6 =	vadd.s32 $0x66, v0;
	v1 =	vld [tilespmem:$0x3A60];
	_ =	sdelay $0x3  }
0x203: {  	[tilespmem:$0x1FCA0] =	vst v6  }
0x204: {  	[tilespmem:v6+s16+$0x0] =	vst.idx.msk $0xffff, v1  }
0x205: {  	v6 =	vadd.s32 $0x8E6, v0;
	v1 =	vld [tilespmem:$0x4A60];
	_ =	sdelay $0x4  }
0x206: {  	[tilespmem:v6+s16+$0x0] =	vst.idx.msk $0xffff, v1  }
0x207: {  	[tilespmem:$0x1FCB0] =	vst v6;
	v6 =	vadd.s32 $0x67, v0;
	v1 =	vld [tilespmem:$0x3A70];
	_ =	sdelay $0x4  }
0x208: {  	[tilespmem:v6+s16+$0x0] =	vst.idx.msk $0xffff, v1  }
0x209: {  	[tilespmem:$0x1FCC0] =	vst v6;
	v6 =	vadd.s32 $0x8E7, v0;
	v1 =	vld [tilespmem:$0x4A70];
	_ =	sdelay $0x4  }
0x20a: {  	[tilespmem:v6+s16+$0x0] =	vst.idx.msk $0xffff, v1  }
0x20b: {  	[tilespmem:$0x1FCD0] =	vst v6;
	v6 =	vadd.s32 $0x68, v0;
	v1 =	vld [tilespmem:$0x3A80];
	_ =	sdelay $0x4  }
0x20c: {  	[tilespmem:v6+s16+$0x0] =	vst.idx.msk $0xffff, v1  }
0x20d: {  	[tilespmem:$0x1FCE0] =	vst v6;
	v6 =	vadd.s32 $0x8E8, v0;
	v1 =	vld [tilespmem:$0x4A80];
	_ =	sdelay $0x4  }
0x20e: {  	[tilespmem:v6+s16+$0x0] =	vst.idx.msk $0xffff, v1  }
0x20f: {  	[tilespmem:$0x1FCF0] =	vst v6;
	v6 =	vadd.s32 $0x69, v0;
	v1 =	vld [tilespmem:$0x3A90];
	_ =	sdelay $0x4  }
0x210: {  	[tilespmem:v6+s16+$0x0] =	vst.idx.msk $0xffff, v1  }
0x211: {  	[tilespmem:$0x1FD00] =	vst v6;
	v6 =	vadd.s32 $0x8E9, v0;
	v1 =	vld [tilespmem:$0x4A90];
	_ =	sdelay $0x4  }
0x212: {  	[tilespmem:v6+s16+$0x0] =	vst.idx.msk $0xffff, v1  }
0x213: {  	[tilespmem:$0x1FD10] =	vst v6;
	v6 =	vadd.s32 $0x6A, v0;
	v1 =	vld [tilespmem:$0x3AA0];
	_ =	sdelay $0x4  }
0x214: {  	[tilespmem:v6+s16+$0x0] =	vst.idx.msk $0xffff, v1  }
0x215: {  	[tilespmem:$0x1FD20] =	vst v6;
	v6 =	vadd.s32 $0x8EA, v0;
	v1 =	vld [tilespmem:$0x4AA0];
	_ =	sdelay $0x4  }
0x216: {  	[tilespmem:v6+s16+$0x0] =	vst.idx.msk $0xffff, v1  }
0x217: {  	[tilespmem:$0x1FD30] =	vst v6;
	v6 =	vadd.s32 $0x6B, v0;
	v1 =	vld [tilespmem:$0x3AB0];
	_ =	sdelay $0x4  }
0x218: {  	[tilespmem:v6+s16+$0x0] =	vst.idx.msk $0xffff, v1  }
0x219: {  	[tilespmem:$0x1FD40] =	vst v6;
	v6 =	vadd.s32 $0x8EB, v0;
	v1 =	vld [tilespmem:$0x4AB0];
	_ =	sdelay $0x4  }
0x21a: {  	[tilespmem:v6+s16+$0x0] =	vst.idx.msk $0xffff, v1  }
0x21b: {  	[tilespmem:$0x1FD50] =	vst v6;
	v6 =	vadd.s32 $0x6C, v0;
	v1 =	vld [tilespmem:$0x3AC0];
	_ =	sdelay $0x4  }
0x21c: {  	[tilespmem:v6+s16+$0x0] =	vst.idx.msk $0xffff, v1  }
0x21d: {  	[tilespmem:$0x1FD60] =	vst v6;
	v6 =	vadd.s32 $0x8EC, v0;
	v1 =	vld [tilespmem:$0x4AC0];
	_ =	sdelay $0x4  }
0x21e: {  	[tilespmem:v6+s16+$0x0] =	vst.idx.msk $0xffff, v1  }
0x21f: {  	[tilespmem:$0x1FD70] =	vst v6;
	v6 =	vadd.s32 $0x6D, v0;
	v1 =	vld [tilespmem:$0x3AD0];
	_ =	sdelay $0x4  }
0x220: {  	[tilespmem:v6+s16+$0x0] =	vst.idx.msk $0xffff, v1  }
0x221: {  	[tilespmem:$0x1FD80] =	vst v6;
	v6 =	vadd.s32 $0x8ED, v0;
	v1 =	vld [tilespmem:$0x4AD0];
	_ =	sdelay $0x4  }
0x222: {  	[tilespmem:v6+s16+$0x0] =	vst.idx.msk $0xffff, v1  }
0x223: {  	[tilespmem:$0x1FD90] =	vst v6;
	v6 =	vadd.s32 $0x6E, v0;
	v1 =	vld [tilespmem:$0x3AE0];
	_ =	sdelay $0x4  }
0x224: {  	[tilespmem:v6+s16+$0x0] =	vst.idx.msk $0xffff, v1  }
0x225: {  	[tilespmem:$0x1FDA0] =	vst v6;
	v6 =	vadd.s32 $0x8EE, v0;
	v1 =	vld [tilespmem:$0x4AE0];
	_ =	sdelay $0x4  }
0x226: {  	[tilespmem:v6+s16+$0x0] =	vst.idx.msk $0xffff, v1  }
0x227: {  	[tilespmem:$0x1FDB0] =	vst v6;
	v6 =	vadd.s32 $0x6F, v0;
	v1 =	vld [tilespmem:$0x3AF0];
	_ =	sdelay $0x4  }
0x228: {  	[tilespmem:v6+s16+$0x0] =	vst.idx.msk $0xffff, v1  }
0x229: {  	[tilespmem:$0x1FDC0] =	vst v6;
	v6 =	vadd.s32 $0x8EF, v0;
	v1 =	vld [tilespmem:$0x4AF0];
	_ =	sdelay $0x4  }
0x22a: {  	[tilespmem:v6+s16+$0x0] =	vst.idx.msk $0xffff, v1  }
0x22b: {  	[tilespmem:$0x1FDD0] =	vst v6;
	v6 =	vadd.s32 $0x70, v0;
	v1 =	vld [tilespmem:$0x3B00];
	_ =	sdelay $0x4  }
0x22c: {  	[tilespmem:v6+s16+$0x0] =	vst.idx.msk $0xffff, v1  }
0x22d: {  	[tilespmem:$0x1FDE0] =	vst v6;
	v6 =	vadd.s32 $0x8F0, v0;
	v1 =	vld [tilespmem:$0x4B00];
	_ =	sdelay $0x4  }
0x22e: {  	[tilespmem:v6+s16+$0x0] =	vst.idx.msk $0xffff, v1  }
0x22f: {  	[tilespmem:$0x1FDF0] =	vst v6;
	v6 =	vadd.s32 $0x71, v0;
	v1 =	vld [tilespmem:$0x3B10];
	_ =	sdelay $0x4  }
0x230: {  	[tilespmem:v6+s16+$0x0] =	vst.idx.msk $0xffff, v1  }
0x231: {  	[tilespmem:$0x1FE00] =	vst v6;
	v6 =	vadd.s32 $0x8F1, v0;
	v1 =	vld [tilespmem:$0x4B10];
	_ =	sdelay $0x4  }
0x232: {  	[tilespmem:v6+s16+$0x0] =	vst.idx.msk $0xffff, v1  }
0x233: {  	[tilespmem:$0x1FE10] =	vst v6;
	v6 =	vadd.s32 $0x72, v0;
	v1 =	vld [tilespmem:$0x3B20];
	_ =	sdelay $0x4  }
0x234: {  	[tilespmem:v6+s16+$0x0] =	vst.idx.msk $0xffff, v1  }
0x235: {  	[tilespmem:$0x1FE20] =	vst v6;
	v6 =	vadd.s32 $0x8F2, v0;
	v1 =	vld [tilespmem:$0x4B20];
	_ =	sdelay $0x4  }
0x236: {  	[tilespmem:v6+s16+$0x0] =	vst.idx.msk $0xffff, v1  }
0x237: {  	[tilespmem:$0x1FE30] =	vst v6;
	v6 =	vadd.s32 $0x73, v0;
	v1 =	vld [tilespmem:$0x3B30];
	_ =	sdelay $0x4  }
0x238: {  	[tilespmem:v6+s16+$0x0] =	vst.idx.msk $0xffff, v1  }
0x239: {  	[tilespmem:$0x1FE40] =	vst v6;
	v6 =	vadd.s32 $0x8F3, v0;
	v1 =	vld [tilespmem:$0x4B30];
	_ =	sdelay $0x4  }
0x23a: {  	[tilespmem:v6+s16+$0x0] =	vst.idx.msk $0xffff, v1  }
0x23b: {  	[tilespmem:$0x1FE50] =	vst v6;
	v6 =	vadd.s32 $0x74, v0;
	v1 =	vld [tilespmem:$0x3B40];
	_ =	sdelay $0x4  }
0x23c: {  	[tilespmem:v6+s16+$0x0] =	vst.idx.msk $0xffff, v1  }
0x23d: {  	[tilespmem:$0x1FE60] =	vst v6;
	v6 =	vadd.s32 $0x8F4, v0;
	v1 =	vld [tilespmem:$0x4B40];
	_ =	sdelay $0x4  }
0x23e: {  	[tilespmem:v6+s16+$0x0] =	vst.idx.msk $0xffff, v1  }
0x23f: {  	[tilespmem:$0x1FE70] =	vst v6;
	v6 =	vadd.s32 $0x75, v0;
	v1 =	vld [tilespmem:$0x3B50];
	_ =	sdelay $0x4  }
0x240: {  	[tilespmem:v6+s16+$0x0] =	vst.idx.msk $0xffff, v1  }
0x241: {  	[tilespmem:$0x1FE80] =	vst v6;
	v6 =	vadd.s32 $0x8F5, v0;
	v1 =	vld [tilespmem:$0x4B50];
	_ =	sdelay $0x4  }
0x242: {  	[tilespmem:v6+s16+$0x0] =	vst.idx.msk $0xffff, v1  }
0x243: {  	[tilespmem:$0x1FE90] =	vst v6;
	v6 =	vadd.s32 $0x76, v0;
	v1 =	vld [tilespmem:$0x3B60];
	_ =	sdelay $0x4  }
0x244: {  	[tilespmem:v6+s16+$0x0] =	vst.idx.msk $0xffff, v1  }
0x245: {  	[tilespmem:$0x1FEA0] =	vst v6;
	v6 =	vadd.s32 $0x8F6, v0;
	v1 =	vld [tilespmem:$0x4B60];
	_ =	sdelay $0x4  }
0x246: {  	[tilespmem:v6+s16+$0x0] =	vst.idx.msk $0xffff, v1  }
0x247: {  	[tilespmem:$0x1FEB0] =	vst v6;
	v6 =	vadd.s32 $0x77, v0;
	v1 =	vld [tilespmem:$0x3B70];
	_ =	sdelay $0x4  }
0x248: {  	[tilespmem:v6+s16+$0x0] =	vst.idx.msk $0xffff, v1  }
0x249: {  	[tilespmem:$0x1FEC0] =	vst v6;
	v6 =	vadd.s32 $0x8F7, v0;
	v1 =	vld [tilespmem:$0x4B70];
	_ =	sdelay $0x4  }
0x24a: {  	[tilespmem:v6+s16+$0x0] =	vst.idx.msk $0xffff, v1  }
0x24b: {  	[tilespmem:$0x1FED0] =	vst v6;
	v6 =	vadd.s32 $0x78, v0;
	v1 =	vld [tilespmem:$0x3B80];
	_ =	sdelay $0x4  }
0x24c: {  	[tilespmem:v6+s16+$0x0] =	vst.idx.msk $0xffff, v1  }
0x24d: {  	[tilespmem:$0x1FEE0] =	vst v6;
	v6 =	vadd.s32 $0x8F8, v0;
	v1 =	vld [tilespmem:$0x4B80];
	_ =	sdelay $0x4  }
0x24e: {  	[tilespmem:v6+s16+$0x0] =	vst.idx.msk $0xffff, v1  }
0x24f: {  	[tilespmem:$0x1FEF0] =	vst v6;
	v6 =	vadd.s32 $0x79, v0;
	v1 =	vld [tilespmem:$0x3B90];
	_ =	sdelay $0x4  }
0x250: {  	[tilespmem:v6+s16+$0x0] =	vst.idx.msk $0xffff, v1  }
0x251: {  	[tilespmem:$0x1FF00] =	vst v6;
	v6 =	vadd.s32 $0x8F9, v0;
	v1 =	vld [tilespmem:$0x4B90];
	_ =	sdelay $0x4  }
0x252: {  	[tilespmem:v6+s16+$0x0] =	vst.idx.msk $0xffff, v1  }
0x253: {  	[tilespmem:$0x1FF10] =	vst v6;
	v6 =	vadd.s32 $0x7A, v0;
	v1 =	vld [tilespmem:$0x3BA0];
	_ =	sdelay $0x4  }
0x254: {  	[tilespmem:v6+s16+$0x0] =	vst.idx.msk $0xffff, v1  }
0x255: {  	[tilespmem:$0x1FF20] =	vst v6;
	v6 =	vadd.s32 $0x8FA, v0;
	v1 =	vld [tilespmem:$0x4BA0];
	_ =	sdelay $0x4  }
0x256: {  	[tilespmem:v6+s16+$0x0] =	vst.idx.msk $0xffff, v1  }
0x257: {  	[tilespmem:$0x1FF30] =	vst v6;
	v6 =	vadd.s32 $0x7B, v0;
	v1 =	vld [tilespmem:$0x3BB0];
	_ =	sdelay $0x4  }
0x258: {  	[tilespmem:v6+s16+$0x0] =	vst.idx.msk $0xffff, v1  }
0x259: {  	[tilespmem:$0x1FF40] =	vst v6;
	v6 =	vadd.s32 $0x8FB, v0;
	v1 =	vld [tilespmem:$0x4BB0];
	_ =	sdelay $0x4  }
0x25a: {  	[tilespmem:v6+s16+$0x0] =	vst.idx.msk $0xffff, v1  }
0x25b: {  	[tilespmem:$0x1FF50] =	vst v6;
	v6 =	vadd.s32 $0x7C, v0;
	v1 =	vld [tilespmem:$0x3BC0];
	_ =	sdelay $0x4  }
0x25c: {  	[tilespmem:v6+s16+$0x0] =	vst.idx.msk $0xffff, v1  }
0x25d: {  	[tilespmem:$0x1FF60] =	vst v6;
	v6 =	vadd.s32 $0x8FC, v0;
	v1 =	vld [tilespmem:$0x4BC0];
	_ =	sdelay $0x4  }
0x25e: {  	[tilespmem:v6+s16+$0x0] =	vst.idx.msk $0xffff, v1  }
0x25f: {  	[tilespmem:$0x1FF70] =	vst v6;
	v6 =	vadd.s32 $0x7D, v0;
	v1 =	vld [tilespmem:$0x3BD0];
	_ =	sdelay $0x4  }
0x260: {  	[tilespmem:v6+s16+$0x0] =	vst.idx.msk $0xffff, v1  }
0x261: {  	[tilespmem:$0x1FF80] =	vst v6;
	v6 =	vadd.s32 $0x8FD, v0;
	v1 =	vld [tilespmem:$0x4BD0];
	_ =	sdelay $0x4  }
0x262: {  	[tilespmem:v6+s16+$0x0] =	vst.idx.msk $0xffff, v1  }
0x263: {  	[tilespmem:$0x1FF90] =	vst v6;
	v6 =	vadd.s32 $0x7E, v0;
	v1 =	vld [tilespmem:$0x3BE0];
	_ =	sdelay $0x4  }
0x264: {  	[tilespmem:v6+s16+$0x0] =	vst.idx.msk $0xffff, v1  }
0x265: {  	[tilespmem:$0x1FFA0] =	vst v6;
	v6 =	vadd.s32 $0x8FE, v0;
	v1 =	vld [tilespmem:$0x4BE0];
	_ =	sdelay $0x4  }
0x266: {  	[tilespmem:v6+s16+$0x0] =	vst.idx.msk $0xffff, v1  }
0x267: {  	[tilespmem:$0x1FFB0] =	vst v6;
	v1 =	vadd.s32 $0x7F, v0;
	v6 =	vld [tilespmem:$0x3BF0];
	_ =	sdelay $0x4  }
0x268: {  	[tilespmem:v1+s16+$0x0] =	vst.idx.msk $0xffff, v6  }
0x269: {  	s28 =	sand.u32 $0x2, s25;
	[tilespmem:$0x1FFC0] =	vst v1;
	v6 =	vadd.s32 $0x8FF, v0;
	v1 =	vld [tilespmem:$0x4BF0]  }
0x26a: {  	s29 =	sor.u32 s6, s28  }
0x26b: {  	s28 =	sshll.u32 s29, $0xA;
	s26 =	sand.u32 $0xF80000, s24  }
0x26c: {  	s28 =	sor.u32 s26, s28  }
0x26d: {  	s28 =	sshrl.u32 s28, $0x3  }
0x26e: {  	s28 =	sadd.s32 s1, s28;
	s29 =	rddreg [dreg:$0x6];
	[tilespmem:v6+s16+$0x0] =	vst.idx.msk $0xffff, v1  }
0x26f: {  	[hbm4b:s28+s2] =	stream.linear.scatter [tilespmem:s16], [sflag:$0x3], $0x80, $0x38;
	[tilespmem:$0x7600] =	vst v63  }
0x270: {  	s30 =	sadd.s32 $0x10, s28;
	s31 =	rddreg [dreg:$0x7]  }
0x271: {  	[hbm4b:s30+s2] =	stream.linear.scatter [tilespmem:s29], [sflag:$0x3], $0x80, $0x38;
	[tilespmem:$0x7600] =	vst v63  }
0x272: {  	s29 =	sadd.s32 $0x20, s28;
	s30 =	rddreg [dreg:$0x8]  }
0x273: {  	[hbm4b:s29+s2] =	stream.linear.scatter [tilespmem:s31], [sflag:$0x3], $0x80, $0x38;
	[tilespmem:$0x7600] =	vst v63  }
0x274: {  	s29 =	sadd.s32 $0x30, s28;
	s31 =	rddreg [dreg:$0x9]  }
0x275: {  	[hbm4b:s29+s2] =	stream.linear.scatter [tilespmem:s30], [sflag:$0x3], $0x80, $0x38;
	[tilespmem:$0x7600] =	vst v63  }
0x276: {  	s29 =	sadd.s32 $0x40, s28;
	s30 =	rddreg [dreg:$0xa]  }
0x277: {  	[hbm4b:s29+s2] =	stream.linear.scatter [tilespmem:s31], [sflag:$0x3], $0x80, $0x38;
	[tilespmem:$0x7600] =	vst v63  }
0x278: {  	s29 =	sadd.s32 $0x50, s28;
	s31 =	rddreg [dreg:$0xb]  }
0x279: {  	[hbm4b:s29+s2] =	stream.linear.scatter [tilespmem:s30], [sflag:$0x3], $0x80, $0x38;
	[tilespmem:$0x7600] =	vst v63  }
0x27a: {  	s29 =	sadd.s32 $0x60, s28;
	s30 =	rddreg [dreg:$0xc]  }
0x27b: {  	[hbm4b:s29+s2] =	stream.linear.scatter [tilespmem:s31], [sflag:$0x3], $0x80, $0x38;
	[tilespmem:$0x7600] =	vst v63  }
0x27c: {  	s29 =	sadd.s32 $0x70, s28;
	s31 =	rddreg [dreg:$0xd]  }
0x27d: {  	[hbm4b:s29+s2] =	stream.linear.scatter [tilespmem:s30], [sflag:$0x3], $0x80, $0x38;
	[tilespmem:$0x7600] =	vst v63  }
0x27e: {  	s29 =	sadd.s32 $0x4000, s28;
	s30 =	rddreg [dreg:$0xe]  }
0x27f: {  	[hbm4b:s29+s2] =	stream.linear.scatter [tilespmem:s31], [sflag:$0x3], $0x80, $0x38;
	[tilespmem:$0x7600] =	vst v63  }
0x280: {  	s29 =	sadd.s32 $0x4010, s28;
	s31 =	rddreg [dreg:$0xf]  }
0x281: {  	[hbm4b:s29+s2] =	stream.linear.scatter [tilespmem:s30], [sflag:$0x3], $0x80, $0x38;
	[tilespmem:$0x7600] =	vst v63  }
0x282: {  	s29 =	sadd.s32 $0x4020, s28;
	s30 =	rddreg [dreg:$0x10]  }
0x283: {  	[hbm4b:s29+s2] =	stream.linear.scatter [tilespmem:s31], [sflag:$0x3], $0x80, $0x38;
	[tilespmem:$0x7600] =	vst v63  }
0x284: {  	s29 =	sadd.s32 $0x4030, s28;
	s31 =	rddreg [dreg:$0x11]  }
0x285: {  	[hbm4b:s29+s2] =	stream.linear.scatter [tilespmem:s30], [sflag:$0x3], $0x80, $0x38;
	[tilespmem:$0x7600] =	vst v63  }
0x286: {  	s29 =	sadd.s32 $0x4040, s28;
	s30 =	rddreg [dreg:$0x12]  }
0x287: {  	[hbm4b:s29+s2] =	stream.linear.scatter [tilespmem:s31], [sflag:$0x3], $0x80, $0x38;
	[tilespmem:$0x7600] =	vst v63  }
0x288: {  	s29 =	sadd.s32 $0x4050, s28;
	s31 =	rddreg [dreg:$0x13]  }
0x289: {  	[hbm4b:s29+s2] =	stream.linear.scatter [tilespmem:s30], [sflag:$0x3], $0x80, $0x38;
	[tilespmem:$0x7600] =	vst v63  }
0x28a: {  	s29 =	sadd.s32 $0x4060, s28;
	s30 =	rddreg [dreg:$0x14]  }
0x28b: {  	[hbm4b:s29+s2] =	stream.linear.scatter [tilespmem:s31], [sflag:$0x3], $0x80, $0x38;
	[tilespmem:$0x7600] =	vst v63  }
0x28c: {  	s29 =	sadd.s32 $0x4070, s28;
	s31 =	rddreg [dreg:$0x15]  }
0x28d: {  	[hbm4b:s29+s2] =	stream.linear.scatter [tilespmem:s30], [sflag:$0x3], $0x80, $0x38;
	[tilespmem:$0x7600] =	vst v63  }
0x28e: {  	s29 =	sadd.s32 $0x8000, s28;
	s30 =	rddreg [dreg:$0x16]  }
0x28f: {  	[hbm4b:s29+s2] =	stream.linear.scatter [tilespmem:s31], [sflag:$0x3], $0x80, $0x38;
	[tilespmem:$0x7600] =	vst v63  }
0x290: {  	s29 =	sadd.s32 $0x8010, s28;
	s31 =	rddreg [dreg:$0x17]  }
0x291: {  	[hbm4b:s29+s2] =	stream.linear.scatter [tilespmem:s30], [sflag:$0x3], $0x80, $0x38;
	[tilespmem:$0x7600] =	vst v63  }
0x292: {  	s29 =	sadd.s32 $0x8020, s28;
	s30 =	rddreg [dreg:$0x18]  }
0x293: {  	[hbm4b:s29+s2] =	stream.linear.scatter [tilespmem:s31], [sflag:$0x3], $0x80, $0x38;
	[tilespmem:$0x7600] =	vst v63  }
0x294: {  	s29 =	sadd.s32 $0x8030, s28;
	s31 =	rddreg [dreg:$0x19]  }
0x295: {  	[hbm4b:s29+s2] =	stream.linear.scatter [tilespmem:s30], [sflag:$0x3], $0x80, $0x38;
	[tilespmem:$0x7600] =	vst v63  }
0x296: {  	s29 =	sadd.s32 $0x8040, s28;
	s30 =	rddreg [dreg:$0x1a]  }
0x297: {  	[hbm4b:s29+s2] =	stream.linear.scatter [tilespmem:s31], [sflag:$0x3], $0x80, $0x38;
	[tilespmem:$0x7600] =	vst v63  }
0x298: {  	s29 =	sadd.s32 $0x8050, s28;
	s31 =	rddreg [dreg:$0x1b]  }
0x299: {  	[hbm4b:s29+s2] =	stream.linear.scatter [tilespmem:s30], [sflag:$0x3], $0x80, $0x38;
	[tilespmem:$0x7600] =	vst v63  }
0x29a: {  	s29 =	sadd.s32 $0x8060, s28;
	s30 =	rddreg [dreg:$0x1c]  }
0x29b: {  	[hbm4b:s29+s2] =	stream.linear.scatter [tilespmem:s31], [sflag:$0x3], $0x80, $0x38;
	[tilespmem:$0x7600] =	vst v63  }
0x29c: {  	s29 =	sadd.s32 $0x8070, s28;
	s31 =	rddreg [dreg:$0x1d]  }
0x29d: {  	[hbm4b:s29+s2] =	stream.linear.scatter [tilespmem:s30], [sflag:$0x3], $0x80, $0x38;
	[tilespmem:$0x7600] =	vst v63  }
0x29e: {  	s29 =	sadd.s32 $0xC000, s28;
	s30 =	rddreg [dreg:$0x1e]  }
0x29f: {  	[hbm4b:s29+s2] =	stream.linear.scatter [tilespmem:s31], [sflag:$0x3], $0x80, $0x38;
	[tilespmem:$0x7600] =	vst v63  }
0x2a0: {  	s29 =	sadd.s32 $0xC010, s28;
	s31 =	rddreg [dreg:$0x1f]  }
0x2a1: {  	[hbm4b:s29+s2] =	stream.linear.scatter [tilespmem:s30], [sflag:$0x3], $0x80, $0x38;
	[tilespmem:$0x7600] =	vst v63  }
0x2a2: {  	s29 =	sadd.s32 $0xC020, s28;
	s30 =	sld [smem:$0x7DA]  }
0x2a3: {  	[hbm4b:s29+s2] =	stream.linear.scatter [tilespmem:s31], [sflag:$0x3], $0x80, $0x38;
	[tilespmem:$0x7600] =	vst v63  }
0x2a4: {  	s29 =	sadd.s32 $0xC030, s28;
	s31 =	sld [smem:$0x7DB]  }
0x2a5: {  	[hbm4b:s29+s2] =	stream.linear.scatter [tilespmem:s30], [sflag:$0x3], $0x80, $0x38;
	[tilespmem:$0x7600] =	vst v63  }
0x2a6: {  	s29 =	sadd.s32 $0xC040, s28;
	s30 =	sld [smem:$0x7DC]  }
0x2a7: {  	[hbm4b:s29+s2] =	stream.linear.scatter [tilespmem:s31], [sflag:$0x3], $0x80, $0x38;
	[tilespmem:$0x7600] =	vst v63  }
0x2a8: {  	s29 =	sadd.s32 $0xC050, s28;
	s31 =	sld [smem:$0x7DD]  }
0x2a9: {  	[hbm4b:s29+s2] =	stream.linear.scatter [tilespmem:s30], [sflag:$0x3], $0x80, $0x38;
	[tilespmem:$0x7600] =	vst v63  }
0x2aa: {  	s29 =	sadd.s32 $0xC060, s28;
	s30 =	sld [smem:$0x7DE]  }
0x2ab: {  	[hbm4b:s29+s2] =	stream.linear.scatter [tilespmem:s31], [sflag:$0x3], $0x80, $0x38;
	[tilespmem:$0x7600] =	vst v63  }
0x2ac: {  	p1 =	seq.s32 s25, $0x66;
	s28 =	sadd.s32 $0xC070, s28  }
0x2ad: {  	[hbm4b:s28+s2] =	stream.linear.scatter [tilespmem:s30], [sflag:$0x3], $0x80, $0x38;
	[tilespmem:$0x7600] =	vst v63  }
0x2ae: {  	s28 =	sand.u32 @!p1 $0x1F800, s23  }
0x2af: {  	s29 =	sand.u32 @!p1 $0x100, s22;
	s28 =	sshrl.u32 @!p1 s28, $0x2  }
0x2b0: {  	s30 =	simm.s32 @!p1 $0x3400;
	s28 =	sor.u32 @!p1 s29, s28;
	s29 =	simm.s32 @!p1 $0x80  }
0x2b1: {  	[tilespmem:s30], [sflag:$0x1] =	stream.indirect.gather @!p1 [hbm4b:s3+s29], $0x10, s28, s29, $0xb8;
	[tilespmem:$0x7600] =	vst v63  }
0x2b2: {  	[tilespmem:$0x1FFD0] =	vst v6;
	s30 =	simm.s32 @!p1 $0x4400  }
0x2b3: {  	[tilespmem:s30], [sflag:$0x1] =	stream.indirect.gather @!p1 [hbm4b:s4+s29], $0x10, s28, s29, $0xb8;
	[tilespmem:$0x7600] =	vst v63  }
0x2b4: {  	_ =	swait.ge [sflag:s17], $0x800  }
0x2b5: {  	[sflag:s17] =	ssyncset.done $0x0  }
0x2b6: {  	[sflag:s17] =	ssyncadd.s32 $0xFFFFF800  }
0x2b7: {  	_ =	swait.ge [sflag:s17], $0x800  }
0x2b8: {  	[sflag:s17] =	ssyncset.done $0x0  }
0x2b9: {  	s28 =	simm.s32 @!p0 $0x4;
	[sflag:s17] =	ssyncadd.s32 $0xFFFFF800  }
0x2ba: {  	_ =	swait.ge @!p0 [sflag:s28], $0x400  }
0x2bb: {  	[sflag:s28] =	ssyncset.done @!p0 $0x0  }
0x2bc: {  	[sflag:s28] =	ssyncadd.s32 @!p0 $0xFFFFFC00  }
0x2bd: {  	_ =	swait.ge @!p0 [sflag:s28], $0x400  }
0x2be: {  	[sflag:s28] =	ssyncset.done @!p0 $0x0  }
0x2bf: {  	[sflag:s28] =	ssyncadd.s32 @!p0 $0xFFFFFC00  }
0x2c0: {  	_ =	swait.ge @!p0 [sflag:s28], $0x400  }
0x2c1: {  	[sflag:s28] =	ssyncset.done @!p0 $0x0  }
0x2c2: {  	[sflag:s28] =	ssyncadd.s32 @!p0 $0xFFFFFC00  }
0x2c3: {  	_ =	swait.ge @!p0 [sflag:s28], $0x400  }
0x2c4: {  	[sflag:s28] =	ssyncset.done @!p0 $0x0  }
0x2c5: {  	[sflag:s28] =	ssyncadd.s32 @!p0 $0xFFFFFC00  }
0x2c6: {  	v1 =	vld [tilespmem:$0x3C00];
	_ =	sdelay $0x4  }
0x2c7: {  	[tilespmem:v0+s18+$0x0] =	vst.idx.msk $0xffff, v1  }
0x2c8: {  	v1 =	vld [tilespmem:$0x4C00];
	_ =	sdelay $0x4  }
0x2c9: {  	[tilespmem:v2+s18+$0x0] =	vst.idx.msk $0xffff, v1  }
0x2ca: {  	v1 =	vld [tilespmem:$0x3C10];
	_ =	sdelay $0x4  }
0x2cb: {  	[tilespmem:v3+s18+$0x0] =	vst.idx.msk $0xffff, v1  }
0x2cc: {  	v1 =	vld [tilespmem:$0x4C10];
	_ =	sdelay $0x4  }
0x2cd: {  	[tilespmem:v4+s18+$0x0] =	vst.idx.msk $0xffff, v1  }
0x2ce: {  	v1 =	vld [tilespmem:$0x3C20];
	_ =	sdelay $0x2  }
0x2cf: {  	v6 =	vld [tilespmem:$0x1FFF0];
	_ =	sdelay $0x1  }
0x2d0: {  	[tilespmem:v5+s18+$0x0] =	vst.idx.msk $0xffff, v1  }
0x2d1: {  	v1 =	vld [tilespmem:$0x4C20];
	_ =	sdelay $0x4  }
0x2d2: {  	[tilespmem:v6+s18+$0x0] =	vst.idx.msk $0xffff, v1  }
0x2d3: {  	v1 =	vld [tilespmem:$0x3C30];
	_ =	sdelay $0x4  }
0x2d4: {  	[tilespmem:v7+s18+$0x0] =	vst.idx.msk $0xffff, v1  }
0x2d5: {  	v1 =	vld [tilespmem:$0x4C30];
	_ =	sdelay $0x4  }
0x2d6: {  	[tilespmem:v8+s18+$0x0] =	vst.idx.msk $0xffff, v1  }
0x2d7: {  	v1 =	vld [tilespmem:$0x3C40];
	_ =	sdelay $0x4  }
0x2d8: {  	[tilespmem:v9+s18+$0x0] =	vst.idx.msk $0xffff, v1  }
0x2d9: {  	v1 =	vld [tilespmem:$0x4C40];
	_ =	sdelay $0x4  }
0x2da: {  	[tilespmem:v10+s18+$0x0] =	vst.idx.msk $0xffff, v1  }
0x2db: {  	v1 =	vld [tilespmem:$0x3C50];
	_ =	sdelay $0x4  }
0x2dc: {  	[tilespmem:v11+s18+$0x0] =	vst.idx.msk $0xffff, v1  }
0x2dd: {  	v1 =	vld [tilespmem:$0x4C50];
	_ =	sdelay $0x4  }
0x2de: {  	[tilespmem:v12+s18+$0x0] =	vst.idx.msk $0xffff, v1  }
0x2df: {  	v1 =	vld [tilespmem:$0x3C60];
	_ =	sdelay $0x4  }
0x2e0: {  	[tilespmem:v13+s18+$0x0] =	vst.idx.msk $0xffff, v1  }
0x2e1: {  	v1 =	vld [tilespmem:$0x4C60];
	_ =	sdelay $0x4  }
0x2e2: {  	[tilespmem:v14+s18+$0x0] =	vst.idx.msk $0xffff, v1  }
0x2e3: {  	v1 =	vld [tilespmem:$0x3C70];
	_ =	sdelay $0x4  }
0x2e4: {  	[tilespmem:v15+s18+$0x0] =	vst.idx.msk $0xffff, v1  }
0x2e5: {  	v1 =	vld [tilespmem:$0x4C70];
	_ =	sdelay $0x4  }
0x2e6: {  	[tilespmem:v16+s18+$0x0] =	vst.idx.msk $0xffff, v1  }
0x2e7: {  	v1 =	vld [tilespmem:$0x3C80];
	_ =	sdelay $0x4  }
0x2e8: {  	[tilespmem:v17+s18+$0x0] =	vst.idx.msk $0xffff, v1  }
0x2e9: {  	v1 =	vld [tilespmem:$0x4C80];
	_ =	sdelay $0x4  }
0x2ea: {  	[tilespmem:v18+s18+$0x0] =	vst.idx.msk $0xffff, v1  }
0x2eb: {  	v1 =	vld [tilespmem:$0x3C90];
	_ =	sdelay $0x4  }
0x2ec: {  	[tilespmem:v19+s18+$0x0] =	vst.idx.msk $0xffff, v1  }
0x2ed: {  	v1 =	vld [tilespmem:$0x4C90];
	_ =	sdelay $0x4  }
0x2ee: {  	[tilespmem:v20+s18+$0x0] =	vst.idx.msk $0xffff, v1  }
0x2ef: {  	v1 =	vld [tilespmem:$0x3CA0];
	_ =	sdelay $0x4  }
0x2f0: {  	[tilespmem:v21+s18+$0x0] =	vst.idx.msk $0xffff, v1  }
0x2f1: {  	v1 =	vld [tilespmem:$0x4CA0];
	_ =	sdelay $0x4  }
0x2f2: {  	[tilespmem:v22+s18+$0x0] =	vst.idx.msk $0xffff, v1  }
0x2f3: {  	v1 =	vld [tilespmem:$0x3CB0];
	_ =	sdelay $0x4  }
0x2f4: {  	[tilespmem:v23+s18+$0x0] =	vst.idx.msk $0xffff, v1  }
0x2f5: {  	v1 =	vld [tilespmem:$0x4CB0];
	_ =	sdelay $0x4  }
0x2f6: {  	[tilespmem:v24+s18+$0x0] =	vst.idx.msk $0xffff, v1  }
0x2f7: {  	v1 =	vld [tilespmem:$0x3CC0];
	_ =	sdelay $0x4  }
0x2f8: {  	[tilespmem:v25+s18+$0x0] =	vst.idx.msk $0xffff, v1  }
0x2f9: {  	v1 =	vld [tilespmem:$0x4CC0];
	_ =	sdelay $0x4  }
0x2fa: {  	[tilespmem:v26+s18+$0x0] =	vst.idx.msk $0xffff, v1  }
0x2fb: {  	v1 =	vld [tilespmem:$0x3CD0];
	_ =	sdelay $0x4  }
0x2fc: {  	[tilespmem:v27+s18+$0x0] =	vst.idx.msk $0xffff, v1  }
0x2fd: {  	v1 =	vld [tilespmem:$0x4CD0];
	_ =	sdelay $0x4  }
0x2fe: {  	[tilespmem:v28+s18+$0x0] =	vst.idx.msk $0xffff, v1  }
0x2ff: {  	v1 =	vld [tilespmem:$0x3CE0];
	_ =	sdelay $0x4  }
0x300: {  	[tilespmem:v29+s18+$0x0] =	vst.idx.msk $0xffff, v1  }
0x301: {  	v1 =	vld [tilespmem:$0x4CE0];
	_ =	sdelay $0x4  }
0x302: {  	[tilespmem:v30+s18+$0x0] =	vst.idx.msk $0xffff, v1  }
0x303: {  	v1 =	vld [tilespmem:$0x3CF0];
	_ =	sdelay $0x4  }
0x304: {  	[tilespmem:v31+s18+$0x0] =	vst.idx.msk $0xffff, v1  }
0x305: {  	v1 =	vld [tilespmem:$0x4CF0];
	_ =	sdelay $0x4  }
0x306: {  	[tilespmem:v32+s18+$0x0] =	vst.idx.msk $0xffff, v1  }
0x307: {  	v1 =	vld [tilespmem:$0x3D00];
	_ =	sdelay $0x4  }
0x308: {  	[tilespmem:v33+s18+$0x0] =	vst.idx.msk $0xffff, v1  }
0x309: {  	v1 =	vld [tilespmem:$0x4D00];
	_ =	sdelay $0x4  }
0x30a: {  	[tilespmem:v34+s18+$0x0] =	vst.idx.msk $0xffff, v1  }
0x30b: {  	v1 =	vld [tilespmem:$0x3D10];
	_ =	sdelay $0x4  }
0x30c: {  	[tilespmem:v35+s18+$0x0] =	vst.idx.msk $0xffff, v1  }
0x30d: {  	v1 =	vld [tilespmem:$0x4D10];
	_ =	sdelay $0x4  }
0x30e: {  	[tilespmem:v36+s18+$0x0] =	vst.idx.msk $0xffff, v1  }
0x30f: {  	v1 =	vld [tilespmem:$0x3D20];
	_ =	sdelay $0x4  }
0x310: {  	[tilespmem:v37+s18+$0x0] =	vst.idx.msk $0xffff, v1  }
0x311: {  	v1 =	vld [tilespmem:$0x4D20];
	_ =	sdelay $0x4  }
0x312: {  	[tilespmem:v38+s18+$0x0] =	vst.idx.msk $0xffff, v1  }
0x313: {  	v1 =	vld [tilespmem:$0x3D30];
	_ =	sdelay $0x4  }
0x314: {  	[tilespmem:v39+s18+$0x0] =	vst.idx.msk $0xffff, v1  }
0x315: {  	v1 =	vld [tilespmem:$0x4D30];
	_ =	sdelay $0x4  }
0x316: {  	[tilespmem:v40+s18+$0x0] =	vst.idx.msk $0xffff, v1  }
0x317: {  	v1 =	vld [tilespmem:$0x3D40];
	_ =	sdelay $0x4  }
0x318: {  	[tilespmem:v41+s18+$0x0] =	vst.idx.msk $0xffff, v1  }
0x319: {  	v1 =	vld [tilespmem:$0x4D40];
	_ =	sdelay $0x4  }
0x31a: {  	[tilespmem:v42+s18+$0x0] =	vst.idx.msk $0xffff, v1  }
0x31b: {  	v1 =	vld [tilespmem:$0x3D50];
	_ =	sdelay $0x4  }
0x31c: {  	[tilespmem:v43+s18+$0x0] =	vst.idx.msk $0xffff, v1  }
0x31d: {  	v1 =	vld [tilespmem:$0x4D50];
	_ =	sdelay $0x4  }
0x31e: {  	[tilespmem:v44+s18+$0x0] =	vst.idx.msk $0xffff, v1  }
0x31f: {  	v1 =	vld [tilespmem:$0x3D60];
	_ =	sdelay $0x4  }
0x320: {  	[tilespmem:v45+s18+$0x0] =	vst.idx.msk $0xffff, v1  }
0x321: {  	v1 =	vld [tilespmem:$0x4D60];
	_ =	sdelay $0x4  }
0x322: {  	[tilespmem:v46+s18+$0x0] =	vst.idx.msk $0xffff, v1  }
0x323: {  	v1 =	vld [tilespmem:$0x3D70];
	_ =	sdelay $0x4  }
0x324: {  	[tilespmem:v47+s18+$0x0] =	vst.idx.msk $0xffff, v1  }
0x325: {  	v1 =	vld [tilespmem:$0x4D70];
	_ =	sdelay $0x4  }
0x326: {  	[tilespmem:v48+s18+$0x0] =	vst.idx.msk $0xffff, v1  }
0x327: {  	v1 =	vld [tilespmem:$0x3D80];
	_ =	sdelay $0x4  }
0x328: {  	[tilespmem:v49+s18+$0x0] =	vst.idx.msk $0xffff, v1  }
0x329: {  	v1 =	vld [tilespmem:$0x4D80];
	_ =	sdelay $0x4  }
0x32a: {  	[tilespmem:v50+s18+$0x0] =	vst.idx.msk $0xffff, v1  }
0x32b: {  	v1 =	vld [tilespmem:$0x3D90];
	_ =	sdelay $0x4  }
0x32c: {  	[tilespmem:v51+s18+$0x0] =	vst.idx.msk $0xffff, v1  }
0x32d: {  	v1 =	vld [tilespmem:$0x4D90];
	_ =	sdelay $0x4  }
0x32e: {  	[tilespmem:v52+s18+$0x0] =	vst.idx.msk $0xffff, v1  }
0x32f: {  	v1 =	vld [tilespmem:$0x3DA0];
	_ =	sdelay $0x4  }
0x330: {  	[tilespmem:v53+s18+$0x0] =	vst.idx.msk $0xffff, v1  }
0x331: {  	v1 =	vld [tilespmem:$0x4DA0];
	_ =	sdelay $0x4  }
0x332: {  	[tilespmem:v54+s18+$0x0] =	vst.idx.msk $0xffff, v1  }
0x333: {  	v1 =	vld [tilespmem:$0x3DB0];
	_ =	sdelay $0x4  }
0x334: {  	[tilespmem:v55+s18+$0x0] =	vst.idx.msk $0xffff, v1  }
0x335: {  	v1 =	vld [tilespmem:$0x4DB0];
	_ =	sdelay $0x4  }
0x336: {  	[tilespmem:v56+s18+$0x0] =	vst.idx.msk $0xffff, v1  }
0x337: {  	v1 =	vld [tilespmem:$0x3DC0];
	_ =	sdelay $0x4  }
0x338: {  	[tilespmem:v57+s18+$0x0] =	vst.idx.msk $0xffff, v1  }
0x339: {  	v1 =	vld [tilespmem:$0x4DC0];
	_ =	sdelay $0x4  }
0x33a: {  	[tilespmem:v58+s18+$0x0] =	vst.idx.msk $0xffff, v1  }
0x33b: {  	v1 =	vld [tilespmem:$0x3DD0];
	_ =	sdelay $0x4  }
0x33c: {  	[tilespmem:v59+s18+$0x0] =	vst.idx.msk $0xffff, v1  }
0x33d: {  	v1 =	vld [tilespmem:$0x4DD0];
	_ =	sdelay $0x4  }
0x33e: {  	[tilespmem:v60+s18+$0x0] =	vst.idx.msk $0xffff, v1  }
0x33f: {  	v1 =	vld [tilespmem:$0x3DE0];
	_ =	sdelay $0x4  }
0x340: {  	[tilespmem:v61+s18+$0x0] =	vst.idx.msk $0xffff, v1  }
0x341: {  	v1 =	vld [tilespmem:$0x4DE0];
	_ =	sdelay $0x4  }
0x342: {  	[tilespmem:v62+s18+$0x0] =	vst.idx.msk $0xffff, v1  }
0x343: {  	v1 =	vld [tilespmem:$0x3DF0];
	_ =	sdelay $0x2  }
0x344: {  	v6 =	vld [tilespmem:$0x1FFE0];
	_ =	sdelay $0x1  }
0x345: {  	[tilespmem:v63+s18+$0x0] =	vst.idx.msk $0xffff, v1  }
0x346: {  	v1 =	vld [tilespmem:$0x4DF0];
	_ =	sdelay $0x4  }
0x347: {  	[tilespmem:v6+s18+$0x0] =	vst.idx.msk $0xffff, v1;
	v6 =	vld [tilespmem:$0x1F3E0];
	_ =	sdelay $0x2  }
0x348: {  	v1 =	vld [tilespmem:$0x3E00];
	_ =	sdelay $0x4  }
0x349: {  	[tilespmem:v6+s18+$0x0] =	vst.idx.msk $0xffff, v1;
	v6 =	vld [tilespmem:$0x1F3F0];
	_ =	sdelay $0x2  }
0x34a: {  	v1 =	vld [tilespmem:$0x4E00];
	_ =	sdelay $0x4  }
0x34b: {  	[tilespmem:v6+s18+$0x0] =	vst.idx.msk $0xffff, v1;
	v6 =	vld [tilespmem:$0x1F400];
	_ =	sdelay $0x2  }
0x34c: {  	v1 =	vld [tilespmem:$0x3E10];
	_ =	sdelay $0x4  }
0x34d: {  	[tilespmem:v6+s18+$0x0] =	vst.idx.msk $0xffff, v1;
	v6 =	vld [tilespmem:$0x1F410];
	_ =	sdelay $0x2  }
0x34e: {  	v1 =	vld [tilespmem:$0x4E10];
	_ =	sdelay $0x4  }
0x34f: {  	[tilespmem:v6+s18+$0x0] =	vst.idx.msk $0xffff, v1;
	v6 =	vld [tilespmem:$0x1F420];
	_ =	sdelay $0x2  }
0x350: {  	v1 =	vld [tilespmem:$0x3E20];
	_ =	sdelay $0x4  }
0x351: {  	[tilespmem:v6+s18+$0x0] =	vst.idx.msk $0xffff, v1;
	v6 =	vld [tilespmem:$0x1F430];
	_ =	sdelay $0x2  }
0x352: {  	v1 =	vld [tilespmem:$0x4E20];
	_ =	sdelay $0x4  }
0x353: {  	[tilespmem:v6+s18+$0x0] =	vst.idx.msk $0xffff, v1;
	v6 =	vld [tilespmem:$0x1F440];
	_ =	sdelay $0x2  }
0x354: {  	v1 =	vld [tilespmem:$0x3E30];
	_ =	sdelay $0x4  }
0x355: {  	[tilespmem:v6+s18+$0x0] =	vst.idx.msk $0xffff, v1;
	v6 =	vld [tilespmem:$0x1F450];
	_ =	sdelay $0x2  }
0x356: {  	v1 =	vld [tilespmem:$0x4E30];
	_ =	sdelay $0x4  }
0x357: {  	[tilespmem:v6+s18+$0x0] =	vst.idx.msk $0xffff, v1;
	v6 =	vld [tilespmem:$0x1F460];
	_ =	sdelay $0x2  }
0x358: {  	v1 =	vld [tilespmem:$0x3E40];
	_ =	sdelay $0x4  }
0x359: {  	[tilespmem:v6+s18+$0x0] =	vst.idx.msk $0xffff, v1;
	v6 =	vld [tilespmem:$0x1F470];
	_ =	sdelay $0x2  }
0x35a: {  	v1 =	vld [tilespmem:$0x4E40];
	_ =	sdelay $0x4  }
0x35b: {  	[tilespmem:v6+s18+$0x0] =	vst.idx.msk $0xffff, v1;
	v6 =	vld [tilespmem:$0x1F480];
	_ =	sdelay $0x2  }
0x35c: {  	v1 =	vld [tilespmem:$0x3E50];
	_ =	sdelay $0x4  }
0x35d: {  	[tilespmem:v6+s18+$0x0] =	vst.idx.msk $0xffff, v1;
	v6 =	vld [tilespmem:$0x1F490];
	_ =	sdelay $0x2  }
0x35e: {  	v1 =	vld [tilespmem:$0x4E50];
	_ =	sdelay $0x4  }
0x35f: {  	[tilespmem:v6+s18+$0x0] =	vst.idx.msk $0xffff, v1;
	v6 =	vld [tilespmem:$0x1F4A0];
	_ =	sdelay $0x2  }
0x360: {  	v1 =	vld [tilespmem:$0x3E60];
	_ =	sdelay $0x4  }
0x361: {  	[tilespmem:v6+s18+$0x0] =	vst.idx.msk $0xffff, v1;
	v6 =	vld [tilespmem:$0x1F4B0];
	_ =	sdelay $0x2  }
0x362: {  	v1 =	vld [tilespmem:$0x4E60];
	_ =	sdelay $0x4  }
0x363: {  	[tilespmem:v6+s18+$0x0] =	vst.idx.msk $0xffff, v1;
	v6 =	vld [tilespmem:$0x1F4C0];
	_ =	sdelay $0x2  }
0x364: {  	v1 =	vld [tilespmem:$0x3E70];
	_ =	sdelay $0x4  }
0x365: {  	[tilespmem:v6+s18+$0x0] =	vst.idx.msk $0xffff, v1;
	v6 =	vld [tilespmem:$0x1F4D0];
	_ =	sdelay $0x2  }
0x366: {  	v1 =	vld [tilespmem:$0x4E70];
	_ =	sdelay $0x4  }
0x367: {  	[tilespmem:v6+s18+$0x0] =	vst.idx.msk $0xffff, v1;
	v6 =	vld [tilespmem:$0x1F4E0];
	_ =	sdelay $0x2  }
0x368: {  	v1 =	vld [tilespmem:$0x3E80];
	_ =	sdelay $0x4  }
0x369: {  	[tilespmem:v6+s18+$0x0] =	vst.idx.msk $0xffff, v1;
	v6 =	vld [tilespmem:$0x1F4F0];
	_ =	sdelay $0x2  }
0x36a: {  	v1 =	vld [tilespmem:$0x4E80];
	_ =	sdelay $0x4  }
0x36b: {  	[tilespmem:v6+s18+$0x0] =	vst.idx.msk $0xffff, v1;
	v6 =	vld [tilespmem:$0x1F500];
	_ =	sdelay $0x2  }
0x36c: {  	v1 =	vld [tilespmem:$0x3E90];
	_ =	sdelay $0x4  }
0x36d: {  	[tilespmem:v6+s18+$0x0] =	vst.idx.msk $0xffff, v1;
	v6 =	vld [tilespmem:$0x1F510];
	_ =	sdelay $0x2  }
0x36e: {  	v1 =	vld [tilespmem:$0x4E90];
	_ =	sdelay $0x4  }
0x36f: {  	[tilespmem:v6+s18+$0x0] =	vst.idx.msk $0xffff, v1;
	v6 =	vld [tilespmem:$0x1F520];
	_ =	sdelay $0x2  }
0x370: {  	v1 =	vld [tilespmem:$0x3EA0];
	_ =	sdelay $0x4  }
0x371: {  	[tilespmem:v6+s18+$0x0] =	vst.idx.msk $0xffff, v1;
	v6 =	vld [tilespmem:$0x1F530];
	_ =	sdelay $0x2  }
0x372: {  	v1 =	vld [tilespmem:$0x4EA0];
	_ =	sdelay $0x4  }
0x373: {  	[tilespmem:v6+s18+$0x0] =	vst.idx.msk $0xffff, v1;
	v6 =	vld [tilespmem:$0x1F540];
	_ =	sdelay $0x2  }
0x374: {  	v1 =	vld [tilespmem:$0x3EB0];
	_ =	sdelay $0x4  }
0x375: {  	[tilespmem:v6+s18+$0x0] =	vst.idx.msk $0xffff, v1;
	v6 =	vld [tilespmem:$0x1F550];
	_ =	sdelay $0x2  }
0x376: {  	v1 =	vld [tilespmem:$0x4EB0];
	_ =	sdelay $0x4  }
0x377: {  	[tilespmem:v6+s18+$0x0] =	vst.idx.msk $0xffff, v1;
	v6 =	vld [tilespmem:$0x1F560];
	_ =	sdelay $0x2  }
0x378: {  	v1 =	vld [tilespmem:$0x3EC0];
	_ =	sdelay $0x4  }
0x379: {  	[tilespmem:v6+s18+$0x0] =	vst.idx.msk $0xffff, v1;
	v6 =	vld [tilespmem:$0x1F570];
	_ =	sdelay $0x2  }
0x37a: {  	v1 =	vld [tilespmem:$0x4EC0];
	_ =	sdelay $0x4  }
0x37b: {  	[tilespmem:v6+s18+$0x0] =	vst.idx.msk $0xffff, v1;
	v6 =	vld [tilespmem:$0x1F580];
	_ =	sdelay $0x2  }
0x37c: {  	v1 =	vld [tilespmem:$0x3ED0];
	_ =	sdelay $0x4  }
0x37d: {  	[tilespmem:v6+s18+$0x0] =	vst.idx.msk $0xffff, v1;
	v6 =	vld [tilespmem:$0x1F590];
	_ =	sdelay $0x2  }
0x37e: {  	v1 =	vld [tilespmem:$0x4ED0];
	_ =	sdelay $0x4  }
0x37f: {  	[tilespmem:v6+s18+$0x0] =	vst.idx.msk $0xffff, v1;
	v6 =	vld [tilespmem:$0x1F5A0];
	_ =	sdelay $0x2  }
0x380: {  	v1 =	vld [tilespmem:$0x3EE0];
	_ =	sdelay $0x4  }
0x381: {  	[tilespmem:v6+s18+$0x0] =	vst.idx.msk $0xffff, v1;
	v6 =	vld [tilespmem:$0x1F5B0];
	_ =	sdelay $0x2  }
0x382: {  	v1 =	vld [tilespmem:$0x4EE0];
	_ =	sdelay $0x4  }
0x383: {  	[tilespmem:v6+s18+$0x0] =	vst.idx.msk $0xffff, v1;
	v6 =	vld [tilespmem:$0x1F5C0];
	_ =	sdelay $0x2  }
0x384: {  	v1 =	vld [tilespmem:$0x3EF0];
	_ =	sdelay $0x4  }
0x385: {  	[tilespmem:v6+s18+$0x0] =	vst.idx.msk $0xffff, v1;
	v6 =	vld [tilespmem:$0x1F5D0];
	_ =	sdelay $0x2  }
0x386: {  	v1 =	vld [tilespmem:$0x4EF0];
	_ =	sdelay $0x4  }
0x387: {  	[tilespmem:v6+s18+$0x0] =	vst.idx.msk $0xffff, v1;
	v6 =	vld [tilespmem:$0x1F5E0];
	_ =	sdelay $0x2  }
0x388: {  	v1 =	vld [tilespmem:$0x3F00];
	_ =	sdelay $0x4  }
0x389: {  	[tilespmem:v6+s18+$0x0] =	vst.idx.msk $0xffff, v1;
	v6 =	vld [tilespmem:$0x1F5F0];
	_ =	sdelay $0x2  }
0x38a: {  	v1 =	vld [tilespmem:$0x4F00];
	_ =	sdelay $0x4  }
0x38b: {  	[tilespmem:v6+s18+$0x0] =	vst.idx.msk $0xffff, v1;
	v6 =	vld [tilespmem:$0x1F600];
	_ =	sdelay $0x2  }
0x38c: {  	v1 =	vld [tilespmem:$0x3F10];
	_ =	sdelay $0x4  }
0x38d: {  	[tilespmem:v6+s18+$0x0] =	vst.idx.msk $0xffff, v1;
	v6 =	vld [tilespmem:$0x1F610];
	_ =	sdelay $0x2  }
0x38e: {  	v1 =	vld [tilespmem:$0x4F10];
	_ =	sdelay $0x4  }
0x38f: {  	[tilespmem:v6+s18+$0x0] =	vst.idx.msk $0xffff, v1;
	v6 =	vld [tilespmem:$0x1F620];
	_ =	sdelay $0x2  }
0x390: {  	v1 =	vld [tilespmem:$0x3F20];
	_ =	sdelay $0x4  }
0x391: {  	[tilespmem:v6+s18+$0x0] =	vst.idx.msk $0xffff, v1;
	v6 =	vld [tilespmem:$0x1F630];
	_ =	sdelay $0x2  }
0x392: {  	v1 =	vld [tilespmem:$0x4F20];
	_ =	sdelay $0x4  }
0x393: {  	[tilespmem:v6+s18+$0x0] =	vst.idx.msk $0xffff, v1;
	v6 =	vld [tilespmem:$0x1F640];
	_ =	sdelay $0x2  }
0x394: {  	v1 =	vld [tilespmem:$0x3F30];
	_ =	sdelay $0x4  }
0x395: {  	[tilespmem:v6+s18+$0x0] =	vst.idx.msk $0xffff, v1;
	v6 =	vld [tilespmem:$0x1F650];
	_ =	sdelay $0x2  }
0x396: {  	v1 =	vld [tilespmem:$0x4F30];
	_ =	sdelay $0x4  }
0x397: {  	[tilespmem:v6+s18+$0x0] =	vst.idx.msk $0xffff, v1;
	v6 =	vld [tilespmem:$0x1F660];
	_ =	sdelay $0x2  }
0x398: {  	v1 =	vld [tilespmem:$0x3F40];
	_ =	sdelay $0x4  }
0x399: {  	[tilespmem:v6+s18+$0x0] =	vst.idx.msk $0xffff, v1;
	v6 =	vld [tilespmem:$0x1F670];
	_ =	sdelay $0x2  }
0x39a: {  	v1 =	vld [tilespmem:$0x4F40];
	_ =	sdelay $0x4  }
0x39b: {  	[tilespmem:v6+s18+$0x0] =	vst.idx.msk $0xffff, v1;
	v6 =	vld [tilespmem:$0x1F680];
	_ =	sdelay $0x2  }
0x39c: {  	v1 =	vld [tilespmem:$0x3F50];
	_ =	sdelay $0x4  }
0x39d: {  	[tilespmem:v6+s18+$0x0] =	vst.idx.msk $0xffff, v1;
	v6 =	vld [tilespmem:$0x1F690];
	_ =	sdelay $0x2  }
0x39e: {  	v1 =	vld [tilespmem:$0x4F50];
	_ =	sdelay $0x4  }
0x39f: {  	[tilespmem:v6+s18+$0x0] =	vst.idx.msk $0xffff, v1;
	v6 =	vld [tilespmem:$0x1F6A0];
	_ =	sdelay $0x2  }
0x3a0: {  	v1 =	vld [tilespmem:$0x3F60];
	_ =	sdelay $0x4  }
0x3a1: {  	[tilespmem:v6+s18+$0x0] =	vst.idx.msk $0xffff, v1;
	v6 =	vld [tilespmem:$0x1F6B0];
	_ =	sdelay $0x2  }
0x3a2: {  	v1 =	vld [tilespmem:$0x4F60];
	_ =	sdelay $0x4  }
0x3a3: {  	[tilespmem:v6+s18+$0x0] =	vst.idx.msk $0xffff, v1;
	v6 =	vld [tilespmem:$0x1F6C0];
	_ =	sdelay $0x2  }
0x3a4: {  	v1 =	vld [tilespmem:$0x3F70];
	_ =	sdelay $0x4  }
0x3a5: {  	[tilespmem:v6+s18+$0x0] =	vst.idx.msk $0xffff, v1  }
0x3a6: {  	v6 =	vld [tilespmem:$0x1F6D0];
	_ =	sdelay $0x2  }
0x3a7: {  	v1 =	vld [tilespmem:$0x4F70];
	_ =	sdelay $0x4  }
0x3a8: {  	[tilespmem:v6+s18+$0x0] =	vst.idx.msk $0xffff, v1;
	v6 =	vld [tilespmem:$0x1F6E0];
	_ =	sdelay $0x2  }
0x3a9: {  	v1 =	vld [tilespmem:$0x3F80];
	_ =	sdelay $0x4  }
0x3aa: {  	[tilespmem:v6+s18+$0x0] =	vst.idx.msk $0xffff, v1;
	v6 =	vld [tilespmem:$0x1F6F0];
	_ =	sdelay $0x2  }
0x3ab: {  	v1 =	vld [tilespmem:$0x4F80];
	_ =	sdelay $0x4  }
0x3ac: {  	[tilespmem:v6+s18+$0x0] =	vst.idx.msk $0xffff, v1;
	v6 =	vld [tilespmem:$0x1F700];
	_ =	sdelay $0x2  }
0x3ad: {  	v1 =	vld [tilespmem:$0x3F90];
	_ =	sdelay $0x4  }
0x3ae: {  	[tilespmem:v6+s18+$0x0] =	vst.idx.msk $0xffff, v1;
	v6 =	vld [tilespmem:$0x1F710];
	_ =	sdelay $0x2  }
0x3af: {  	v1 =	vld [tilespmem:$0x4F90];
	_ =	sdelay $0x4  }
0x3b0: {  	[tilespmem:v6+s18+$0x0] =	vst.idx.msk $0xffff, v1;
	v6 =	vld [tilespmem:$0x1F720];
	_ =	sdelay $0x2  }
0x3b1: {  	v1 =	vld [tilespmem:$0x3FA0];
	_ =	sdelay $0x4  }
0x3b2: {  	[tilespmem:v6+s18+$0x0] =	vst.idx.msk $0xffff, v1;
	v6 =	vld [tilespmem:$0x1F730];
	_ =	sdelay $0x2  }
0x3b3: {  	v1 =	vld [tilespmem:$0x4FA0];
	_ =	sdelay $0x4  }
0x3b4: {  	[tilespmem:v6+s18+$0x0] =	vst.idx.msk $0xffff, v1;
	v6 =	vld [tilespmem:$0x1F740];
	_ =	sdelay $0x2  }
0x3b5: {  	v1 =	vld [tilespmem:$0x3FB0];
	_ =	sdelay $0x4  }
0x3b6: {  	[tilespmem:v6+s18+$0x0] =	vst.idx.msk $0xffff, v1;
	v6 =	vld [tilespmem:$0x1F750];
	_ =	sdelay $0x2  }
0x3b7: {  	v1 =	vld [tilespmem:$0x4FB0];
	_ =	sdelay $0x4  }
0x3b8: {  	[tilespmem:v6+s18+$0x0] =	vst.idx.msk $0xffff, v1;
	v6 =	vld [tilespmem:$0x1F760];
	_ =	sdelay $0x2  }
0x3b9: {  	v1 =	vld [tilespmem:$0x3FC0];
	_ =	sdelay $0x4  }
0x3ba: {  	[tilespmem:v6+s18+$0x0] =	vst.idx.msk $0xffff, v1;
	v6 =	vld [tilespmem:$0x1F770];
	_ =	sdelay $0x2  }
0x3bb: {  	v1 =	vld [tilespmem:$0x4FC0];
	_ =	sdelay $0x4  }
0x3bc: {  	[tilespmem:v6+s18+$0x0] =	vst.idx.msk $0xffff, v1;
	v6 =	vld [tilespmem:$0x1F780];
	_ =	sdelay $0x2  }
0x3bd: {  	v1 =	vld [tilespmem:$0x3FD0];
	_ =	sdelay $0x4  }
0x3be: {  	[tilespmem:v6+s18+$0x0] =	vst.idx.msk $0xffff, v1;
	v6 =	vld [tilespmem:$0x1F790];
	_ =	sdelay $0x2  }
0x3bf: {  	v1 =	vld [tilespmem:$0x4FD0];
	_ =	sdelay $0x4  }
0x3c0: {  	[tilespmem:v6+s18+$0x0] =	vst.idx.msk $0xffff, v1;
	v6 =	vld [tilespmem:$0x1F7A0];
	_ =	sdelay $0x2  }
0x3c1: {  	v1 =	vld [tilespmem:$0x3FE0];
	_ =	sdelay $0x4  }
0x3c2: {  	[tilespmem:v6+s18+$0x0] =	vst.idx.msk $0xffff, v1;
	v6 =	vld [tilespmem:$0x1F7B0];
	_ =	sdelay $0x2  }
0x3c3: {  	v1 =	vld [tilespmem:$0x4FE0];
	_ =	sdelay $0x4  }
0x3c4: {  	[tilespmem:v6+s18+$0x0] =	vst.idx.msk $0xffff, v1;
	v6 =	vld [tilespmem:$0x1F7C0];
	_ =	sdelay $0x2  }
0x3c5: {  	v1 =	vld [tilespmem:$0x3FF0];
	_ =	sdelay $0x4  }
0x3c6: {  	[tilespmem:v6+s18+$0x0] =	vst.idx.msk $0xffff, v1;
	v6 =	vld [tilespmem:$0x1F7D0];
	_ =	sdelay $0x2  }
0x3c7: {  	v1 =	vld [tilespmem:$0x4FF0];
	_ =	sdelay $0x4  }
0x3c8: {  	[tilespmem:v6+s18+$0x0] =	vst.idx.msk $0xffff, v1;
	v6 =	vld [tilespmem:$0x1F7E0];
	_ =	sdelay $0x2  }
0x3c9: {  	v1 =	vld [tilespmem:$0x4000];
	_ =	sdelay $0x4  }
0x3ca: {  	[tilespmem:v6+s18+$0x0] =	vst.idx.msk $0xffff, v1;
	v6 =	vld [tilespmem:$0x1F7F0];
	_ =	sdelay $0x2  }
0x3cb: {  	v1 =	vld [tilespmem:$0x5000];
	_ =	sdelay $0x4  }
0x3cc: {  	[tilespmem:v6+s18+$0x0] =	vst.idx.msk $0xffff, v1;
	v6 =	vld [tilespmem:$0x1F800];
	_ =	sdelay $0x2  }
0x3cd: {  	v1 =	vld [tilespmem:$0x4010];
	_ =	sdelay $0x4  }
0x3ce: {  	[tilespmem:v6+s18+$0x0] =	vst.idx.msk $0xffff, v1;
	v6 =	vld [tilespmem:$0x1F810];
	_ =	sdelay $0x2  }
0x3cf: {  	v1 =	vld [tilespmem:$0x5010];
	_ =	sdelay $0x4  }
0x3d0: {  	[tilespmem:v6+s18+$0x0] =	vst.idx.msk $0xffff, v1;
	v6 =	vld [tilespmem:$0x1F820];
	_ =	sdelay $0x2  }
0x3d1: {  	v1 =	vld [tilespmem:$0x4020];
	_ =	sdelay $0x4  }
0x3d2: {  	[tilespmem:v6+s18+$0x0] =	vst.idx.msk $0xffff, v1;
	v6 =	vld [tilespmem:$0x1F830];
	_ =	sdelay $0x2  }
0x3d3: {  	v1 =	vld [tilespmem:$0x5020];
	_ =	sdelay $0x4  }
0x3d4: {  	[tilespmem:v6+s18+$0x0] =	vst.idx.msk $0xffff, v1;
	v6 =	vld [tilespmem:$0x1F840];
	_ =	sdelay $0x2  }
0x3d5: {  	v1 =	vld [tilespmem:$0x4030];
	_ =	sdelay $0x4  }
0x3d6: {  	[tilespmem:v6+s18+$0x0] =	vst.idx.msk $0xffff, v1;
	v6 =	vld [tilespmem:$0x1F850];
	_ =	sdelay $0x2  }
0x3d7: {  	v1 =	vld [tilespmem:$0x5030];
	_ =	sdelay $0x4  }
0x3d8: {  	[tilespmem:v6+s18+$0x0] =	vst.idx.msk $0xffff, v1;
	v6 =	vld [tilespmem:$0x1F860];
	_ =	sdelay $0x2  }
0x3d9: {  	v1 =	vld [tilespmem:$0x4040];
	_ =	sdelay $0x4  }
0x3da: {  	[tilespmem:v6+s18+$0x0] =	vst.idx.msk $0xffff, v1;
	v6 =	vld [tilespmem:$0x1F870];
	_ =	sdelay $0x2  }
0x3db: {  	v1 =	vld [tilespmem:$0x5040];
	_ =	sdelay $0x4  }
0x3dc: {  	[tilespmem:v6+s18+$0x0] =	vst.idx.msk $0xffff, v1;
	v6 =	vld [tilespmem:$0x1F880];
	_ =	sdelay $0x2  }
0x3dd: {  	v1 =	vld [tilespmem:$0x4050];
	_ =	sdelay $0x4  }
0x3de: {  	[tilespmem:v6+s18+$0x0] =	vst.idx.msk $0xffff, v1;
	v6 =	vld [tilespmem:$0x1F890];
	_ =	sdelay $0x2  }
0x3df: {  	v1 =	vld [tilespmem:$0x5050];
	_ =	sdelay $0x4  }
0x3e0: {  	[tilespmem:v6+s18+$0x0] =	vst.idx.msk $0xffff, v1;
	v6 =	vld [tilespmem:$0x1F8A0];
	_ =	sdelay $0x2  }
0x3e1: {  	v1 =	vld [tilespmem:$0x4060];
	_ =	sdelay $0x4  }
0x3e2: {  	[tilespmem:v6+s18+$0x0] =	vst.idx.msk $0xffff, v1;
	v6 =	vld [tilespmem:$0x1F8B0];
	_ =	sdelay $0x2  }
0x3e3: {  	v1 =	vld [tilespmem:$0x5060];
	_ =	sdelay $0x4  }
0x3e4: {  	[tilespmem:v6+s18+$0x0] =	vst.idx.msk $0xffff, v1;
	v6 =	vld [tilespmem:$0x1F8C0];
	_ =	sdelay $0x2  }
0x3e5: {  	v1 =	vld [tilespmem:$0x4070];
	_ =	sdelay $0x4  }
0x3e6: {  	[tilespmem:v6+s18+$0x0] =	vst.idx.msk $0xffff, v1;
	v6 =	vld [tilespmem:$0x1F8D0];
	_ =	sdelay $0x2  }
0x3e7: {  	v1 =	vld [tilespmem:$0x5070];
	_ =	sdelay $0x4  }
0x3e8: {  	[tilespmem:v6+s18+$0x0] =	vst.idx.msk $0xffff, v1;
	v6 =	vld [tilespmem:$0x1F8E0];
	_ =	sdelay $0x2  }
0x3e9: {  	v1 =	vld [tilespmem:$0x4080];
	_ =	sdelay $0x4  }
0x3ea: {  	[tilespmem:v6+s18+$0x0] =	vst.idx.msk $0xffff, v1;
	v6 =	vld [tilespmem:$0x1F8F0];
	_ =	sdelay $0x2  }
0x3eb: {  	v1 =	vld [tilespmem:$0x5080];
	_ =	sdelay $0x4  }
0x3ec: {  	[tilespmem:v6+s18+$0x0] =	vst.idx.msk $0xffff, v1;
	v6 =	vld [tilespmem:$0x1F900];
	_ =	sdelay $0x2  }
0x3ed: {  	v1 =	vld [tilespmem:$0x4090];
	_ =	sdelay $0x4  }
0x3ee: {  	[tilespmem:v6+s18+$0x0] =	vst.idx.msk $0xffff, v1;
	v6 =	vld [tilespmem:$0x1F910];
	_ =	sdelay $0x2  }
0x3ef: {  	v1 =	vld [tilespmem:$0x5090];
	_ =	sdelay $0x4  }
0x3f0: {  	[tilespmem:v6+s18+$0x0] =	vst.idx.msk $0xffff, v1;
	v6 =	vld [tilespmem:$0x1F920];
	_ =	sdelay $0x2  }
0x3f1: {  	v1 =	vld [tilespmem:$0x40A0];
	_ =	sdelay $0x4  }
0x3f2: {  	[tilespmem:v6+s18+$0x0] =	vst.idx.msk $0xffff, v1;
	v6 =	vld [tilespmem:$0x1F930];
	_ =	sdelay $0x2  }
0x3f3: {  	v1 =	vld [tilespmem:$0x50A0];
	_ =	sdelay $0x4  }
0x3f4: {  	[tilespmem:v6+s18+$0x0] =	vst.idx.msk $0xffff, v1;
	v6 =	vld [tilespmem:$0x1F940];
	_ =	sdelay $0x2  }
0x3f5: {  	v1 =	vld [tilespmem:$0x40B0];
	_ =	sdelay $0x4  }
0x3f6: {  	[tilespmem:v6+s18+$0x0] =	vst.idx.msk $0xffff, v1;
	v6 =	vld [tilespmem:$0x1F950];
	_ =	sdelay $0x2  }
0x3f7: {  	v1 =	vld [tilespmem:$0x50B0];
	_ =	sdelay $0x4  }
0x3f8: {  	[tilespmem:v6+s18+$0x0] =	vst.idx.msk $0xffff, v1;
	v6 =	vld [tilespmem:$0x1F960];
	_ =	sdelay $0x2  }
0x3f9: {  	v1 =	vld [tilespmem:$0x40C0];
	_ =	sdelay $0x4  }
0x3fa: {  	[tilespmem:v6+s18+$0x0] =	vst.idx.msk $0xffff, v1;
	v6 =	vld [tilespmem:$0x1F970];
	_ =	sdelay $0x2  }
0x3fb: {  	v1 =	vld [tilespmem:$0x50C0];
	_ =	sdelay $0x4  }
0x3fc: {  	[tilespmem:v6+s18+$0x0] =	vst.idx.msk $0xffff, v1;
	v6 =	vld [tilespmem:$0x1F980];
	_ =	sdelay $0x2  }
0x3fd: {  	v1 =	vld [tilespmem:$0x40D0];
	_ =	sdelay $0x4  }
0x3fe: {  	[tilespmem:v6+s18+$0x0] =	vst.idx.msk $0xffff, v1;
	v6 =	vld [tilespmem:$0x1F990];
	_ =	sdelay $0x2  }
0x3ff: {  	v1 =	vld [tilespmem:$0x50D0];
	_ =	sdelay $0x4  }
0x400: {  	[tilespmem:v6+s18+$0x0] =	vst.idx.msk $0xffff, v1;
	v6 =	vld [tilespmem:$0x1F9A0];
	_ =	sdelay $0x2  }
0x401: {  	v1 =	vld [tilespmem:$0x40E0];
	_ =	sdelay $0x4  }
0x402: {  	[tilespmem:v6+s18+$0x0] =	vst.idx.msk $0xffff, v1;
	v6 =	vld [tilespmem:$0x1F9B0];
	_ =	sdelay $0x2  }
0x403: {  	v1 =	vld [tilespmem:$0x50E0];
	_ =	sdelay $0x4  }
0x404: {  	[tilespmem:v6+s18+$0x0] =	vst.idx.msk $0xffff, v1;
	v6 =	vld [tilespmem:$0x1F9C0];
	_ =	sdelay $0x2  }
0x405: {  	v1 =	vld [tilespmem:$0x40F0];
	_ =	sdelay $0x4  }
0x406: {  	[tilespmem:v6+s18+$0x0] =	vst.idx.msk $0xffff, v1;
	v6 =	vld [tilespmem:$0x1F9D0];
	_ =	sdelay $0x2  }
0x407: {  	v1 =	vld [tilespmem:$0x50F0];
	_ =	sdelay $0x4  }
0x408: {  	[tilespmem:v6+s18+$0x0] =	vst.idx.msk $0xffff, v1;
	v6 =	vld [tilespmem:$0x1F9E0];
	_ =	sdelay $0x2  }
0x409: {  	v1 =	vld [tilespmem:$0x4100];
	_ =	sdelay $0x4  }
0x40a: {  	[tilespmem:v6+s18+$0x0] =	vst.idx.msk $0xffff, v1;
	v6 =	vld [tilespmem:$0x1F9F0];
	_ =	sdelay $0x2  }
0x40b: {  	v1 =	vld [tilespmem:$0x5100];
	_ =	sdelay $0x4  }
0x40c: {  	[tilespmem:v6+s18+$0x0] =	vst.idx.msk $0xffff, v1;
	v6 =	vld [tilespmem:$0x1FA00];
	_ =	sdelay $0x2  }
0x40d: {  	v1 =	vld [tilespmem:$0x4110];
	_ =	sdelay $0x4  }
0x40e: {  	[tilespmem:v6+s18+$0x0] =	vst.idx.msk $0xffff, v1;
	v6 =	vld [tilespmem:$0x1FA10];
	_ =	sdelay $0x2  }
0x40f: {  	v1 =	vld [tilespmem:$0x5110];
	_ =	sdelay $0x4  }
0x410: {  	[tilespmem:v6+s18+$0x0] =	vst.idx.msk $0xffff, v1;
	v6 =	vld [tilespmem:$0x1FA20];
	_ =	sdelay $0x2  }
0x411: {  	v1 =	vld [tilespmem:$0x4120];
	_ =	sdelay $0x4  }
0x412: {  	[tilespmem:v6+s18+$0x0] =	vst.idx.msk $0xffff, v1;
	v6 =	vld [tilespmem:$0x1FA30];
	_ =	sdelay $0x2  }
0x413: {  	v1 =	vld [tilespmem:$0x5120];
	_ =	sdelay $0x4  }
0x414: {  	[tilespmem:v6+s18+$0x0] =	vst.idx.msk $0xffff, v1;
	v6 =	vld [tilespmem:$0x1FA40];
	_ =	sdelay $0x2  }
0x415: {  	v1 =	vld [tilespmem:$0x4130];
	_ =	sdelay $0x4  }
0x416: {  	[tilespmem:v6+s18+$0x0] =	vst.idx.msk $0xffff, v1;
	v6 =	vld [tilespmem:$0x1FA50];
	_ =	sdelay $0x2  }
0x417: {  	v1 =	vld [tilespmem:$0x5130];
	_ =	sdelay $0x4  }
0x418: {  	[tilespmem:v6+s18+$0x0] =	vst.idx.msk $0xffff, v1;
	v6 =	vld [tilespmem:$0x1FA60];
	_ =	sdelay $0x2  }
0x419: {  	v1 =	vld [tilespmem:$0x4140];
	_ =	sdelay $0x4  }
0x41a: {  	[tilespmem:v6+s18+$0x0] =	vst.idx.msk $0xffff, v1;
	v6 =	vld [tilespmem:$0x1FA70];
	_ =	sdelay $0x2  }
0x41b: {  	v1 =	vld [tilespmem:$0x5140];
	_ =	sdelay $0x4  }
0x41c: {  	[tilespmem:v6+s18+$0x0] =	vst.idx.msk $0xffff, v1;
	v6 =	vld [tilespmem:$0x1FA80];
	_ =	sdelay $0x2  }
0x41d: {  	v1 =	vld [tilespmem:$0x4150];
	_ =	sdelay $0x4  }
0x41e: {  	[tilespmem:v6+s18+$0x0] =	vst.idx.msk $0xffff, v1;
	v6 =	vld [tilespmem:$0x1FA90];
	_ =	sdelay $0x2  }
0x41f: {  	v1 =	vld [tilespmem:$0x5150];
	_ =	sdelay $0x4  }
0x420: {  	[tilespmem:v6+s18+$0x0] =	vst.idx.msk $0xffff, v1;
	v6 =	vld [tilespmem:$0x1FAA0];
	_ =	sdelay $0x2  }
0x421: {  	v1 =	vld [tilespmem:$0x4160];
	_ =	sdelay $0x4  }
0x422: {  	[tilespmem:v6+s18+$0x0] =	vst.idx.msk $0xffff, v1;
	v6 =	vld [tilespmem:$0x1FAB0];
	_ =	sdelay $0x2  }
0x423: {  	v1 =	vld [tilespmem:$0x5160];
	_ =	sdelay $0x4  }
0x424: {  	[tilespmem:v6+s18+$0x0] =	vst.idx.msk $0xffff, v1;
	v6 =	vld [tilespmem:$0x1FAC0];
	_ =	sdelay $0x2  }
0x425: {  	v1 =	vld [tilespmem:$0x4170];
	_ =	sdelay $0x4  }
0x426: {  	[tilespmem:v6+s18+$0x0] =	vst.idx.msk $0xffff, v1;
	v6 =	vld [tilespmem:$0x1FAD0];
	_ =	sdelay $0x2  }
0x427: {  	v1 =	vld [tilespmem:$0x5170];
	_ =	sdelay $0x4  }
0x428: {  	[tilespmem:v6+s18+$0x0] =	vst.idx.msk $0xffff, v1;
	v6 =	vld [tilespmem:$0x1FAE0];
	_ =	sdelay $0x2  }
0x429: {  	v1 =	vld [tilespmem:$0x4180];
	_ =	sdelay $0x4  }
0x42a: {  	[tilespmem:v6+s18+$0x0] =	vst.idx.msk $0xffff, v1;
	v6 =	vld [tilespmem:$0x1FAF0];
	_ =	sdelay $0x2  }
0x42b: {  	v1 =	vld [tilespmem:$0x5180];
	_ =	sdelay $0x4  }
0x42c: {  	[tilespmem:v6+s18+$0x0] =	vst.idx.msk $0xffff, v1;
	v6 =	vld [tilespmem:$0x1FB00];
	_ =	sdelay $0x2  }
0x42d: {  	v1 =	vld [tilespmem:$0x4190];
	_ =	sdelay $0x4  }
0x42e: {  	[tilespmem:v6+s18+$0x0] =	vst.idx.msk $0xffff, v1;
	v6 =	vld [tilespmem:$0x1FB10];
	_ =	sdelay $0x2  }
0x42f: {  	v1 =	vld [tilespmem:$0x5190];
	_ =	sdelay $0x4  }
0x430: {  	[tilespmem:v6+s18+$0x0] =	vst.idx.msk $0xffff, v1;
	v6 =	vld [tilespmem:$0x1FB20];
	_ =	sdelay $0x2  }
0x431: {  	v1 =	vld [tilespmem:$0x41A0];
	_ =	sdelay $0x4  }
0x432: {  	[tilespmem:v6+s18+$0x0] =	vst.idx.msk $0xffff, v1;
	v6 =	vld [tilespmem:$0x1FB30];
	_ =	sdelay $0x2  }
0x433: {  	v1 =	vld [tilespmem:$0x51A0];
	_ =	sdelay $0x4  }
0x434: {  	[tilespmem:v6+s18+$0x0] =	vst.idx.msk $0xffff, v1;
	v6 =	vld [tilespmem:$0x1FB40];
	_ =	sdelay $0x2  }
0x435: {  	v1 =	vld [tilespmem:$0x41B0];
	_ =	sdelay $0x4  }
0x436: {  	[tilespmem:v6+s18+$0x0] =	vst.idx.msk $0xffff, v1;
	v6 =	vld [tilespmem:$0x1FB50];
	_ =	sdelay $0x2  }
0x437: {  	v1 =	vld [tilespmem:$0x51B0];
	_ =	sdelay $0x4  }
0x438: {  	[tilespmem:v6+s18+$0x0] =	vst.idx.msk $0xffff, v1;
	v6 =	vld [tilespmem:$0x1FB60];
	_ =	sdelay $0x2  }
0x439: {  	v1 =	vld [tilespmem:$0x41C0];
	_ =	sdelay $0x4  }
0x43a: {  	[tilespmem:v6+s18+$0x0] =	vst.idx.msk $0xffff, v1;
	v6 =	vld [tilespmem:$0x1FB70];
	_ =	sdelay $0x2  }
0x43b: {  	v1 =	vld [tilespmem:$0x51C0];
	_ =	sdelay $0x4  }
0x43c: {  	[tilespmem:v6+s18+$0x0] =	vst.idx.msk $0xffff, v1;
	v6 =	vld [tilespmem:$0x1FB80];
	_ =	sdelay $0x2  }
0x43d: {  	v1 =	vld [tilespmem:$0x41D0];
	_ =	sdelay $0x4  }
0x43e: {  	[tilespmem:v6+s18+$0x0] =	vst.idx.msk $0xffff, v1;
	v6 =	vld [tilespmem:$0x1FB90];
	_ =	sdelay $0x2  }
0x43f: {  	v1 =	vld [tilespmem:$0x51D0];
	_ =	sdelay $0x4  }
0x440: {  	[tilespmem:v6+s18+$0x0] =	vst.idx.msk $0xffff, v1;
	v6 =	vld [tilespmem:$0x1FBA0];
	_ =	sdelay $0x2  }
0x441: {  	v1 =	vld [tilespmem:$0x41E0];
	_ =	sdelay $0x4  }
0x442: {  	[tilespmem:v6+s18+$0x0] =	vst.idx.msk $0xffff, v1;
	v6 =	vld [tilespmem:$0x1FBB0];
	_ =	sdelay $0x2  }
0x443: {  	v1 =	vld [tilespmem:$0x51E0];
	_ =	sdelay $0x4  }
0x444: {  	[tilespmem:v6+s18+$0x0] =	vst.idx.msk $0xffff, v1;
	v6 =	vld [tilespmem:$0x1FBC0];
	_ =	sdelay $0x2  }
0x445: {  	v1 =	vld [tilespmem:$0x41F0];
	_ =	sdelay $0x4  }
0x446: {  	[tilespmem:v6+s18+$0x0] =	vst.idx.msk $0xffff, v1;
	v6 =	vld [tilespmem:$0x1FBD0];
	_ =	sdelay $0x2  }
0x447: {  	v1 =	vld [tilespmem:$0x51F0];
	_ =	sdelay $0x4  }
0x448: {  	[tilespmem:v6+s18+$0x0] =	vst.idx.msk $0xffff, v1;
	v6 =	vld [tilespmem:$0x1FBE0];
	_ =	sdelay $0x2  }
0x449: {  	v1 =	vld [tilespmem:$0x4200];
	_ =	sdelay $0x4  }
0x44a: {  	[tilespmem:v6+s18+$0x0] =	vst.idx.msk $0xffff, v1;
	v6 =	vld [tilespmem:$0x1FBF0];
	_ =	sdelay $0x2  }
0x44b: {  	v1 =	vld [tilespmem:$0x5200];
	_ =	sdelay $0x4  }
0x44c: {  	[tilespmem:v6+s18+$0x0] =	vst.idx.msk $0xffff, v1;
	v6 =	vld [tilespmem:$0x1FC00];
	_ =	sdelay $0x2  }
0x44d: {  	v1 =	vld [tilespmem:$0x4210];
	_ =	sdelay $0x4  }
0x44e: {  	[tilespmem:v6+s18+$0x0] =	vst.idx.msk $0xffff, v1;
	v6 =	vld [tilespmem:$0x1FC10];
	_ =	sdelay $0x2  }
0x44f: {  	v1 =	vld [tilespmem:$0x5210];
	_ =	sdelay $0x4  }
0x450: {  	[tilespmem:v6+s18+$0x0] =	vst.idx.msk $0xffff, v1;
	v6 =	vld [tilespmem:$0x1FC20];
	_ =	sdelay $0x2  }
0x451: {  	v1 =	vld [tilespmem:$0x4220];
	_ =	sdelay $0x4  }
0x452: {  	[tilespmem:v6+s18+$0x0] =	vst.idx.msk $0xffff, v1;
	v6 =	vld [tilespmem:$0x1FC30];
	_ =	sdelay $0x2  }
0x453: {  	v1 =	vld [tilespmem:$0x5220];
	_ =	sdelay $0x4  }
0x454: {  	[tilespmem:v6+s18+$0x0] =	vst.idx.msk $0xffff, v1;
	v6 =	vld [tilespmem:$0x1FC40];
	_ =	sdelay $0x2  }
0x455: {  	v1 =	vld [tilespmem:$0x4230];
	_ =	sdelay $0x4  }
0x456: {  	[tilespmem:v6+s18+$0x0] =	vst.idx.msk $0xffff, v1;
	v6 =	vld [tilespmem:$0x1FC50];
	_ =	sdelay $0x2  }
0x457: {  	v1 =	vld [tilespmem:$0x5230];
	_ =	sdelay $0x4  }
0x458: {  	[tilespmem:v6+s18+$0x0] =	vst.idx.msk $0xffff, v1;
	v6 =	vld [tilespmem:$0x1FC60];
	_ =	sdelay $0x2  }
0x459: {  	v1 =	vld [tilespmem:$0x4240];
	_ =	sdelay $0x4  }
0x45a: {  	[tilespmem:v6+s18+$0x0] =	vst.idx.msk $0xffff, v1;
	v6 =	vld [tilespmem:$0x1FC70];
	_ =	sdelay $0x2  }
0x45b: {  	v1 =	vld [tilespmem:$0x5240];
	_ =	sdelay $0x4  }
0x45c: {  	[tilespmem:v6+s18+$0x0] =	vst.idx.msk $0xffff, v1;
	v6 =	vld [tilespmem:$0x1FC80];
	_ =	sdelay $0x2  }
0x45d: {  	v1 =	vld [tilespmem:$0x4250];
	_ =	sdelay $0x4  }
0x45e: {  	[tilespmem:v6+s18+$0x0] =	vst.idx.msk $0xffff, v1;
	v6 =	vld [tilespmem:$0x1FC90];
	_ =	sdelay $0x2  }
0x45f: {  	v1 =	vld [tilespmem:$0x5250];
	_ =	sdelay $0x4  }
0x460: {  	[tilespmem:v6+s18+$0x0] =	vst.idx.msk $0xffff, v1;
	v6 =	vld [tilespmem:$0x1FCA0];
	_ =	sdelay $0x2  }
0x461: {  	v1 =	vld [tilespmem:$0x4260];
	_ =	sdelay $0x4  }
0x462: {  	[tilespmem:v6+s18+$0x0] =	vst.idx.msk $0xffff, v1;
	v6 =	vld [tilespmem:$0x1FCB0];
	_ =	sdelay $0x2  }
0x463: {  	v1 =	vld [tilespmem:$0x5260];
	_ =	sdelay $0x4  }
0x464: {  	[tilespmem:v6+s18+$0x0] =	vst.idx.msk $0xffff, v1;
	v6 =	vld [tilespmem:$0x1FCC0];
	_ =	sdelay $0x2  }
0x465: {  	v1 =	vld [tilespmem:$0x4270];
	_ =	sdelay $0x4  }
0x466: {  	[tilespmem:v6+s18+$0x0] =	vst.idx.msk $0xffff, v1;
	v6 =	vld [tilespmem:$0x1FCD0];
	_ =	sdelay $0x2  }
0x467: {  	v1 =	vld [tilespmem:$0x5270];
	_ =	sdelay $0x4  }
0x468: {  	[tilespmem:v6+s18+$0x0] =	vst.idx.msk $0xffff, v1;
	v6 =	vld [tilespmem:$0x1FCE0];
	_ =	sdelay $0x2  }
0x469: {  	v1 =	vld [tilespmem:$0x4280];
	_ =	sdelay $0x4  }
0x46a: {  	[tilespmem:v6+s18+$0x0] =	vst.idx.msk $0xffff, v1;
	v6 =	vld [tilespmem:$0x1FCF0];
	_ =	sdelay $0x2  }
0x46b: {  	v1 =	vld [tilespmem:$0x5280];
	_ =	sdelay $0x4  }
0x46c: {  	[tilespmem:v6+s18+$0x0] =	vst.idx.msk $0xffff, v1;
	v6 =	vld [tilespmem:$0x1FD00];
	_ =	sdelay $0x2  }
0x46d: {  	v1 =	vld [tilespmem:$0x4290];
	_ =	sdelay $0x4  }
0x46e: {  	[tilespmem:v6+s18+$0x0] =	vst.idx.msk $0xffff, v1;
	v6 =	vld [tilespmem:$0x1FD10];
	_ =	sdelay $0x2  }
0x46f: {  	v1 =	vld [tilespmem:$0x5290];
	_ =	sdelay $0x4  }
0x470: {  	[tilespmem:v6+s18+$0x0] =	vst.idx.msk $0xffff, v1;
	v6 =	vld [tilespmem:$0x1FD20];
	_ =	sdelay $0x2  }
0x471: {  	v1 =	vld [tilespmem:$0x42A0];
	_ =	sdelay $0x4  }
0x472: {  	[tilespmem:v6+s18+$0x0] =	vst.idx.msk $0xffff, v1;
	v6 =	vld [tilespmem:$0x1FD30];
	_ =	sdelay $0x2  }
0x473: {  	v1 =	vld [tilespmem:$0x52A0];
	_ =	sdelay $0x4  }
0x474: {  	[tilespmem:v6+s18+$0x0] =	vst.idx.msk $0xffff, v1;
	v6 =	vld [tilespmem:$0x1FD40];
	_ =	sdelay $0x2  }
0x475: {  	v1 =	vld [tilespmem:$0x42B0];
	_ =	sdelay $0x4  }
0x476: {  	[tilespmem:v6+s18+$0x0] =	vst.idx.msk $0xffff, v1;
	v6 =	vld [tilespmem:$0x1FD50];
	_ =	sdelay $0x2  }
0x477: {  	v1 =	vld [tilespmem:$0x52B0];
	_ =	sdelay $0x4  }
0x478: {  	[tilespmem:v6+s18+$0x0] =	vst.idx.msk $0xffff, v1;
	v6 =	vld [tilespmem:$0x1FD60];
	_ =	sdelay $0x2  }
0x479: {  	v1 =	vld [tilespmem:$0x42C0];
	_ =	sdelay $0x4  }
0x47a: {  	[tilespmem:v6+s18+$0x0] =	vst.idx.msk $0xffff, v1;
	v6 =	vld [tilespmem:$0x1FD70];
	_ =	sdelay $0x2  }
0x47b: {  	v1 =	vld [tilespmem:$0x52C0];
	_ =	sdelay $0x4  }
0x47c: {  	[tilespmem:v6+s18+$0x0] =	vst.idx.msk $0xffff, v1;
	v6 =	vld [tilespmem:$0x1FD80];
	_ =	sdelay $0x2  }
0x47d: {  	v1 =	vld [tilespmem:$0x42D0];
	_ =	sdelay $0x4  }
0x47e: {  	[tilespmem:v6+s18+$0x0] =	vst.idx.msk $0xffff, v1;
	v6 =	vld [tilespmem:$0x1FD90];
	_ =	sdelay $0x2  }
0x47f: {  	v1 =	vld [tilespmem:$0x52D0];
	_ =	sdelay $0x4  }
0x480: {  	[tilespmem:v6+s18+$0x0] =	vst.idx.msk $0xffff, v1;
	v6 =	vld [tilespmem:$0x1FDA0];
	_ =	sdelay $0x2  }
0x481: {  	v1 =	vld [tilespmem:$0x42E0];
	_ =	sdelay $0x4  }
0x482: {  	[tilespmem:v6+s18+$0x0] =	vst.idx.msk $0xffff, v1;
	v6 =	vld [tilespmem:$0x1FDB0];
	_ =	sdelay $0x2  }
0x483: {  	v1 =	vld [tilespmem:$0x52E0];
	_ =	sdelay $0x4  }
0x484: {  	[tilespmem:v6+s18+$0x0] =	vst.idx.msk $0xffff, v1;
	v6 =	vld [tilespmem:$0x1FDC0];
	_ =	sdelay $0x2  }
0x485: {  	v1 =	vld [tilespmem:$0x42F0];
	_ =	sdelay $0x4  }
0x486: {  	[tilespmem:v6+s18+$0x0] =	vst.idx.msk $0xffff, v1;
	v6 =	vld [tilespmem:$0x1FDD0];
	_ =	sdelay $0x2  }
0x487: {  	v1 =	vld [tilespmem:$0x52F0];
	_ =	sdelay $0x4  }
0x488: {  	[tilespmem:v6+s18+$0x0] =	vst.idx.msk $0xffff, v1;
	v6 =	vld [tilespmem:$0x1FDE0];
	_ =	sdelay $0x2  }
0x489: {  	v1 =	vld [tilespmem:$0x4300];
	_ =	sdelay $0x4  }
0x48a: {  	[tilespmem:v6+s18+$0x0] =	vst.idx.msk $0xffff, v1;
	v6 =	vld [tilespmem:$0x1FDF0];
	_ =	sdelay $0x2  }
0x48b: {  	v1 =	vld [tilespmem:$0x5300];
	_ =	sdelay $0x4  }
0x48c: {  	[tilespmem:v6+s18+$0x0] =	vst.idx.msk $0xffff, v1;
	v6 =	vld [tilespmem:$0x1FE00];
	_ =	sdelay $0x2  }
0x48d: {  	v1 =	vld [tilespmem:$0x4310];
	_ =	sdelay $0x4  }
0x48e: {  	[tilespmem:v6+s18+$0x0] =	vst.idx.msk $0xffff, v1;
	v6 =	vld [tilespmem:$0x1FE10];
	_ =	sdelay $0x2  }
0x48f: {  	v1 =	vld [tilespmem:$0x5310];
	_ =	sdelay $0x4  }
0x490: {  	[tilespmem:v6+s18+$0x0] =	vst.idx.msk $0xffff, v1;
	v6 =	vld [tilespmem:$0x1FE20];
	_ =	sdelay $0x2  }
0x491: {  	v1 =	vld [tilespmem:$0x4320];
	_ =	sdelay $0x4  }
0x492: {  	[tilespmem:v6+s18+$0x0] =	vst.idx.msk $0xffff, v1;
	v6 =	vld [tilespmem:$0x1FE30];
	_ =	sdelay $0x2  }
0x493: {  	v1 =	vld [tilespmem:$0x5320];
	_ =	sdelay $0x4  }
0x494: {  	[tilespmem:v6+s18+$0x0] =	vst.idx.msk $0xffff, v1;
	v6 =	vld [tilespmem:$0x1FE40];
	_ =	sdelay $0x2  }
0x495: {  	v1 =	vld [tilespmem:$0x4330];
	_ =	sdelay $0x4  }
0x496: {  	[tilespmem:v6+s18+$0x0] =	vst.idx.msk $0xffff, v1;
	v6 =	vld [tilespmem:$0x1FE50];
	_ =	sdelay $0x2  }
0x497: {  	v1 =	vld [tilespmem:$0x5330];
	_ =	sdelay $0x4  }
0x498: {  	[tilespmem:v6+s18+$0x0] =	vst.idx.msk $0xffff, v1;
	v6 =	vld [tilespmem:$0x1FE60];
	_ =	sdelay $0x2  }
0x499: {  	v1 =	vld [tilespmem:$0x4340];
	_ =	sdelay $0x4  }
0x49a: {  	[tilespmem:v6+s18+$0x0] =	vst.idx.msk $0xffff, v1;
	v6 =	vld [tilespmem:$0x1FE70];
	_ =	sdelay $0x2  }
0x49b: {  	v1 =	vld [tilespmem:$0x5340];
	_ =	sdelay $0x4  }
0x49c: {  	[tilespmem:v6+s18+$0x0] =	vst.idx.msk $0xffff, v1;
	v6 =	vld [tilespmem:$0x1FE80];
	_ =	sdelay $0x2  }
0x49d: {  	v1 =	vld [tilespmem:$0x4350];
	_ =	sdelay $0x4  }
0x49e: {  	[tilespmem:v6+s18+$0x0] =	vst.idx.msk $0xffff, v1;
	v6 =	vld [tilespmem:$0x1FE90];
	_ =	sdelay $0x2  }
0x49f: {  	v1 =	vld [tilespmem:$0x5350];
	_ =	sdelay $0x4  }
0x4a0: {  	[tilespmem:v6+s18+$0x0] =	vst.idx.msk $0xffff, v1;
	v6 =	vld [tilespmem:$0x1FEA0];
	_ =	sdelay $0x2  }
0x4a1: {  	v1 =	vld [tilespmem:$0x4360];
	_ =	sdelay $0x4  }
0x4a2: {  	[tilespmem:v6+s18+$0x0] =	vst.idx.msk $0xffff, v1;
	v6 =	vld [tilespmem:$0x1FEB0];
	_ =	sdelay $0x2  }
0x4a3: {  	v1 =	vld [tilespmem:$0x5360];
	_ =	sdelay $0x4  }
0x4a4: {  	[tilespmem:v6+s18+$0x0] =	vst.idx.msk $0xffff, v1;
	v6 =	vld [tilespmem:$0x1FEC0];
	_ =	sdelay $0x2  }
0x4a5: {  	v1 =	vld [tilespmem:$0x4370];
	_ =	sdelay $0x4  }
0x4a6: {  	[tilespmem:v6+s18+$0x0] =	vst.idx.msk $0xffff, v1;
	v6 =	vld [tilespmem:$0x1FED0];
	_ =	sdelay $0x2  }
0x4a7: {  	v1 =	vld [tilespmem:$0x5370];
	_ =	sdelay $0x4  }
0x4a8: {  	[tilespmem:v6+s18+$0x0] =	vst.idx.msk $0xffff, v1;
	v6 =	vld [tilespmem:$0x1FEE0];
	_ =	sdelay $0x2  }
0x4a9: {  	v1 =	vld [tilespmem:$0x4380];
	_ =	sdelay $0x4  }
0x4aa: {  	[tilespmem:v6+s18+$0x0] =	vst.idx.msk $0xffff, v1;
	v6 =	vld [tilespmem:$0x1FEF0];
	_ =	sdelay $0x2  }
0x4ab: {  	v1 =	vld [tilespmem:$0x5380];
	_ =	sdelay $0x4  }
0x4ac: {  	[tilespmem:v6+s18+$0x0] =	vst.idx.msk $0xffff, v1;
	v6 =	vld [tilespmem:$0x1FF00];
	_ =	sdelay $0x2  }
0x4ad: {  	v1 =	vld [tilespmem:$0x4390];
	_ =	sdelay $0x4  }
0x4ae: {  	[tilespmem:v6+s18+$0x0] =	vst.idx.msk $0xffff, v1;
	v6 =	vld [tilespmem:$0x1FF10];
	_ =	sdelay $0x2  }
0x4af: {  	v1 =	vld [tilespmem:$0x5390];
	_ =	sdelay $0x4  }
0x4b0: {  	[tilespmem:v6+s18+$0x0] =	vst.idx.msk $0xffff, v1;
	v6 =	vld [tilespmem:$0x1FF20];
	_ =	sdelay $0x2  }
0x4b1: {  	v1 =	vld [tilespmem:$0x43A0];
	_ =	sdelay $0x4  }
0x4b2: {  	[tilespmem:v6+s18+$0x0] =	vst.idx.msk $0xffff, v1;
	v6 =	vld [tilespmem:$0x1FF30];
	_ =	sdelay $0x2  }
0x4b3: {  	v1 =	vld [tilespmem:$0x53A0];
	_ =	sdelay $0x4  }
0x4b4: {  	[tilespmem:v6+s18+$0x0] =	vst.idx.msk $0xffff, v1;
	v6 =	vld [tilespmem:$0x1FF40];
	_ =	sdelay $0x2  }
0x4b5: {  	v1 =	vld [tilespmem:$0x43B0];
	_ =	sdelay $0x4  }
0x4b6: {  	[tilespmem:v6+s18+$0x0] =	vst.idx.msk $0xffff, v1;
	v6 =	vld [tilespmem:$0x1FF50];
	_ =	sdelay $0x2  }
0x4b7: {  	v1 =	vld [tilespmem:$0x53B0];
	_ =	sdelay $0x4  }
0x4b8: {  	[tilespmem:v6+s18+$0x0] =	vst.idx.msk $0xffff, v1;
	v6 =	vld [tilespmem:$0x1FF60];
	_ =	sdelay $0x2  }
0x4b9: {  	v1 =	vld [tilespmem:$0x43C0];
	_ =	sdelay $0x4  }
0x4ba: {  	[tilespmem:v6+s18+$0x0] =	vst.idx.msk $0xffff, v1;
	v6 =	vld [tilespmem:$0x1FF70];
	_ =	sdelay $0x2  }
0x4bb: {  	v1 =	vld [tilespmem:$0x53C0];
	_ =	sdelay $0x4  }
0x4bc: {  	[tilespmem:v6+s18+$0x0] =	vst.idx.msk $0xffff, v1;
	v6 =	vld [tilespmem:$0x1FF80];
	_ =	sdelay $0x2  }
0x4bd: {  	v1 =	vld [tilespmem:$0x43D0];
	_ =	sdelay $0x4  }
0x4be: {  	[tilespmem:v6+s18+$0x0] =	vst.idx.msk $0xffff, v1;
	v6 =	vld [tilespmem:$0x1FF90];
	_ =	sdelay $0x2  }
0x4bf: {  	v1 =	vld [tilespmem:$0x53D0];
	_ =	sdelay $0x4  }
0x4c0: {  	[tilespmem:v6+s18+$0x0] =	vst.idx.msk $0xffff, v1;
	v6 =	vld [tilespmem:$0x1FFA0];
	_ =	sdelay $0x2  }
0x4c1: {  	v1 =	vld [tilespmem:$0x43E0];
	_ =	sdelay $0x4  }
0x4c2: {  	[tilespmem:v6+s18+$0x0] =	vst.idx.msk $0xffff, v1;
	v6 =	vld [tilespmem:$0x1FFB0];
	_ =	sdelay $0x2  }
0x4c3: {  	v1 =	vld [tilespmem:$0x53E0];
	_ =	sdelay $0x4  }
0x4c4: {  	[tilespmem:v6+s18+$0x0] =	vst.idx.msk $0xffff, v1;
	v6 =	vld [tilespmem:$0x1FFC0];
	_ =	sdelay $0x2  }
0x4c5: {  	v1 =	vld [tilespmem:$0x43F0];
	_ =	sdelay $0x4  }
0x4c6: {  	[tilespmem:v6+s18+$0x0] =	vst.idx.msk $0xffff, v1;
	v6 =	vld [tilespmem:$0x1FFD0];
	_ =	sdelay $0x1  }
0x4c7: {  	s30 =	sadd.s32 $0x1, s25  }
0x4c8: {  	s28 =	sand.u32 $0x3, s30;
	v1 =	vld [tilespmem:$0x53F0]  }
0x4c9: {  	s28 =	sor.u32 s6, s28  }
0x4ca: {  	s28 =	sshll.u32 s28, $0xA  }
0x4cb: {  	s26 =	sor.u32 s26, s28  }
0x4cc: {  	s26 =	sshrl.u32 s26, $0x3  }
0x4cd: {  	s28 =	sadd.s32 s1, s26;
	s29 =	sld [smem:$0x7DF];
	[tilespmem:v6+s18+$0x0] =	vst.idx.msk $0xffff, v1  }
0x4ce: {  	[hbm4b:s28+s2] =	stream.linear.scatter [tilespmem:s18], [sflag:$0x4], $0x80, $0x38;
	[tilespmem:$0x7600] =	vst v63  }
0x4cf: {  	s30 =	sadd.s32 $0x10, s28;
	s31 =	sld [smem:$0x7E0]  }
0x4d0: {  	[hbm4b:s30+s2] =	stream.linear.scatter [tilespmem:s29], [sflag:$0x4], $0x80, $0x38;
	[tilespmem:$0x7600] =	vst v63  }
0x4d1: {  	s29 =	sadd.s32 $0x20, s28;
	s30 =	sld [smem:$0x7E1]  }
0x4d2: {  	[hbm4b:s29+s2] =	stream.linear.scatter [tilespmem:s31], [sflag:$0x4], $0x80, $0x38;
	[tilespmem:$0x7600] =	vst v63  }
0x4d3: {  	s29 =	sadd.s32 $0x30, s28;
	s31 =	sld [smem:$0x7E2]  }
0x4d4: {  	[hbm4b:s29+s2] =	stream.linear.scatter [tilespmem:s30], [sflag:$0x4], $0x80, $0x38;
	[tilespmem:$0x7600] =	vst v63  }
0x4d5: {  	s29 =	sadd.s32 $0x40, s28;
	s30 =	sld [smem:$0x7E3]  }
0x4d6: {  	[hbm4b:s29+s2] =	stream.linear.scatter [tilespmem:s31], [sflag:$0x4], $0x80, $0x38;
	[tilespmem:$0x7600] =	vst v63  }
0x4d7: {  	s29 =	sadd.s32 $0x50, s28;
	s31 =	sld [smem:$0x7E4]  }
0x4d8: {  	[hbm4b:s29+s2] =	stream.linear.scatter [tilespmem:s30], [sflag:$0x4], $0x80, $0x38;
	[tilespmem:$0x7600] =	vst v63  }
0x4d9: {  	s29 =	sadd.s32 $0x60, s28;
	s30 =	sld [smem:$0x7E5]  }
0x4da: {  	[hbm4b:s29+s2] =	stream.linear.scatter [tilespmem:s31], [sflag:$0x4], $0x80, $0x38;
	[tilespmem:$0x7600] =	vst v63  }
0x4db: {  	s28 =	sadd.s32 $0x70, s28  }
0x4dc: {  	[hbm4b:s28+s2] =	stream.linear.scatter [tilespmem:s30], [sflag:$0x4], $0x80, $0x38;
	[tilespmem:$0x7600] =	vst v63  }
0x4dd: {  	s28 =	sld [smem:$0x7E6]  }
0x4de: {  	s31 =	sor.u32 $0x4000, s26  }
0x4df: {  	s29 =	sadd.s32 s1, s31;
	s30 =	sld [smem:$0x7E7]  }
0x4e0: {  	[hbm4b:s29+s2] =	stream.linear.scatter [tilespmem:s28], [sflag:$0x4], $0x80, $0x38;
	[tilespmem:$0x7600] =	vst v63  }
0x4e1: {  	s31 =	sld [smem:$0x7E8];
	s28 =	sadd.s32 $0x10, s29  }
0x4e2: {  	[hbm4b:s28+s2] =	stream.linear.scatter [tilespmem:s30], [sflag:$0x4], $0x80, $0x38;
	[tilespmem:$0x7600] =	vst v63  }
0x4e3: {  	s28 =	sadd.s32 $0x20, s29;
	s30 =	sld [smem:$0x7E9]  }
0x4e4: {  	[hbm4b:s28+s2] =	stream.linear.scatter [tilespmem:s31], [sflag:$0x4], $0x80, $0x38;
	[tilespmem:$0x7600] =	vst v63  }
0x4e5: {  	s28 =	sadd.s32 $0x30, s29;
	s31 =	sld [smem:$0x7EA]  }
0x4e6: {  	[hbm4b:s28+s2] =	stream.linear.scatter [tilespmem:s30], [sflag:$0x4], $0x80, $0x38;
	[tilespmem:$0x7600] =	vst v63  }
0x4e7: {  	s28 =	sadd.s32 $0x40, s29;
	s30 =	sld [smem:$0x7EB]  }
0x4e8: {  	[hbm4b:s28+s2] =	stream.linear.scatter [tilespmem:s31], [sflag:$0x4], $0x80, $0x38;
	[tilespmem:$0x7600] =	vst v63  }
0x4e9: {  	s28 =	sadd.s32 $0x50, s29;
	s31 =	sld [smem:$0x7EC]  }
0x4ea: {  	[hbm4b:s28+s2] =	stream.linear.scatter [tilespmem:s30], [sflag:$0x4], $0x80, $0x38;
	[tilespmem:$0x7600] =	vst v63  }
0x4eb: {  	s28 =	sadd.s32 $0x60, s29;
	s30 =	sld [smem:$0x7ED]  }
0x4ec: {  	[hbm4b:s28+s2] =	stream.linear.scatter [tilespmem:s31], [sflag:$0x4], $0x80, $0x38;
	[tilespmem:$0x7600] =	vst v63  }
0x4ed: {  	s29 =	sadd.s32 $0x70, s29;
	s28 =	sld [smem:$0x7EE];
	s31 =	sor.u32 $0x8000, s26  }
0x4ee: {  	[hbm4b:s29+s2] =	stream.linear.scatter [tilespmem:s30], [sflag:$0x4], $0x80, $0x38;
	[tilespmem:$0x7600] =	vst v63  }
0x4ef: {  	s29 =	sadd.s32 s1, s31;
	s30 =	sld [smem:$0x7EF]  }
0x4f0: {  	[hbm4b:s29+s2] =	stream.linear.scatter [tilespmem:s28], [sflag:$0x4], $0x80, $0x38;
	[tilespmem:$0x7600] =	vst v63  }
0x4f1: {  	s31 =	sld [smem:$0x7F0];
	s28 =	sadd.s32 $0x10, s29  }
0x4f2: {  	[hbm4b:s28+s2] =	stream.linear.scatter [tilespmem:s30], [sflag:$0x4], $0x80, $0x38;
	[tilespmem:$0x7600] =	vst v63  }
0x4f3: {  	s28 =	sadd.s32 $0x20, s29;
	s30 =	sld [smem:$0x7F1]  }
0x4f4: {  	[hbm4b:s28+s2] =	stream.linear.scatter [tilespmem:s31], [sflag:$0x4], $0x80, $0x38;
	[tilespmem:$0x7600] =	vst v63  }
0x4f5: {  	s28 =	sadd.s32 $0x30, s29;
	s31 =	sld [smem:$0x7F2]  }
0x4f6: {  	[hbm4b:s28+s2] =	stream.linear.scatter [tilespmem:s30], [sflag:$0x4], $0x80, $0x38;
	[tilespmem:$0x7600] =	vst v63  }
0x4f7: {  	s28 =	sadd.s32 $0x40, s29;
	s30 =	sld [smem:$0x7F3]  }
0x4f8: {  	[hbm4b:s28+s2] =	stream.linear.scatter [tilespmem:s31], [sflag:$0x4], $0x80, $0x38;
	[tilespmem:$0x7600] =	vst v63  }
0x4f9: {  	s28 =	sadd.s32 $0x50, s29;
	s31 =	sld [smem:$0x7F4]  }
0x4fa: {  	[hbm4b:s28+s2] =	stream.linear.scatter [tilespmem:s30], [sflag:$0x4], $0x80, $0x38;
	[tilespmem:$0x7600] =	vst v63  }
0x4fb: {  	s28 =	sadd.s32 $0x60, s29;
	s30 =	sld [smem:$0x7F5]  }
0x4fc: {  	[hbm4b:s28+s2] =	stream.linear.scatter [tilespmem:s31], [sflag:$0x4], $0x80, $0x38;
	[tilespmem:$0x7600] =	vst v63  }
0x4fd: {  	s29 =	sadd.s32 $0x70, s29  }
0x4fe: {  	[hbm4b:s29+s2] =	stream.linear.scatter [tilespmem:s30], [sflag:$0x4], $0x80, $0x38;
	[tilespmem:$0x7600] =	vst v63  }
0x4ff: {  	s30 =	sld [smem:$0x7F6]  }
0x500: {  	s26 =	sor.u32 $0xC000, s26  }
0x501: {  	s26 =	sadd.s32 s1, s26;
	s29 =	sld [smem:$0x7F7]  }
0x502: {  	[hbm4b:s26+s2] =	stream.linear.scatter [tilespmem:s30], [sflag:$0x4], $0x80, $0x38;
	[tilespmem:$0x7600] =	vst v63  }
0x503: {  	s31 =	sadd.s32 $0x10, s26;
	s30 =	sld [smem:$0x7F8]  }
0x504: {  	[hbm4b:s31+s2] =	stream.linear.scatter [tilespmem:s29], [sflag:$0x4], $0x80, $0x38;
	[tilespmem:$0x7600] =	vst v63  }
0x505: {  	s31 =	sadd.s32 $0x20, s26;
	s29 =	sld [smem:$0x7F9]  }
0x506: {  	[hbm4b:s31+s2] =	stream.linear.scatter [tilespmem:s30], [sflag:$0x4], $0x80, $0x38;
	[tilespmem:$0x7600] =	vst v63  }
0x507: {  	s31 =	sadd.s32 $0x30, s26;
	s30 =	sld [smem:$0x7FA]  }
0x508: {  	[hbm4b:s31+s2] =	stream.linear.scatter [tilespmem:s29], [sflag:$0x4], $0x80, $0x38;
	[tilespmem:$0x7600] =	vst v63  }
0x509: {  	s25 =	sadd.s32 $0x2, s25;
	s31 =	sadd.s32 $0x40, s26;
	s29 =	sld [smem:$0x7FB]  }
0x50a: {  	[hbm4b:s31+s2] =	stream.linear.scatter [tilespmem:s30], [sflag:$0x4], $0x80, $0x38;
	[tilespmem:$0x7600] =	vst v63  }
0x50b: {  	p0 =	sne.s32 s25, $0x68;
	s31 =	sadd.s32 $0x50, s26;
	s30 =	sld [smem:$0x7FC]  }
0x50c: {  	[hbm4b:s31+s2] =	stream.linear.scatter [tilespmem:s29], [sflag:$0x4], $0x80, $0x38;
	[tilespmem:$0x7600] =	vst v63  }
.Ltmp0:
0x50d: {  	_ = 	snop;
	(pc) =	sbr.rel @p0 .LBB2_2-.Ltmp0, $4  }
0x50e: {  	s24 =	sadd.s32 $0x40000, s24;
	s28 =	sadd.s32 $0x60, s26;
	s31 =	sld [smem:$0x7FD]  }
0x50f: {  	[hbm4b:s28+s2] =	stream.linear.scatter [tilespmem:s30], [sflag:$0x4], $0x80, $0x38;
	[tilespmem:$0x7600] =	vst v63  }
0x510: {  	s22 =	sadd.s32 $0x100, s22;
	s23 =	sadd.s32 $0x400, s23;
	s26 =	sadd.s32 $0x70, s26  }
0x511: {  	v6 =	vld [tilespmem:$0x1FFF0];
	[hbm4b:s26+s2] =	stream.linear.scatter [tilespmem:s31], [sflag:$0x4], $0x80, $0x38  }
0x512: {  	_ =	swait.ge [sflag:s19], $0x400  }
0x513: {  	[sflag:s19] =	ssyncset.done $0x0  }
0x514: {  	[sflag:s19] =	ssyncadd.s32 $0xFFFFFC00  }
0x515: {  	_ =	swait.ge [sflag:s19], $0x400  }
0x516: {  	[sflag:s19] =	ssyncset.done $0x0  }
0x517: {  	[sflag:s19] =	ssyncadd.s32 $0xFFFFFC00  }
0x518: {  	_ =	swait.ge [sflag:s19], $0x400  }
0x519: {  	[sflag:s19] =	ssyncset.done $0x0  }
0x51a: {  	[sflag:s19] =	ssyncadd.s32 $0xFFFFFC00  }
0x51b: {  	_ =	swait.ge [sflag:s19], $0x400  }
0x51c: {  	[sflag:s19] =	ssyncset.done $0x0  }
0x51d: {  	[sflag:s19] =	ssyncadd.s32 $0xFFFFFC00  }
0x51e: {  	_ =	swait.ge [sflag:s20], $0x400  }
0x51f: {  	[sflag:s20] =	ssyncset.done $0x0  }
0x520: {  	[sflag:s20] =	ssyncadd.s32 $0xFFFFFC00  }
0x521: {  	_ =	swait.ge [sflag:s20], $0x400  }
0x522: {  	[sflag:s20] =	ssyncset.done $0x0  }
0x523: {  	s21 =	sadd.s32 $0x1, s21;
	[sflag:s20] =	ssyncadd.s32 $0xFFFFFC00  }
0x524: {  	p0 =	sne.s32 s21, s8;
	_ =	swait.ge [sflag:s20], $0x400  }
.Ltmp1:
0x525: {  	[sflag:s20] =	ssyncset.done $0x0;
	(pc) =	sbr.rel @p0 .LBB2_1-.Ltmp1, $4  }
0x526: {  	[sflag:s20] =	ssyncadd.s32 $0xFFFFFC00  }
0x527: {  	_ =	swait.ge [sflag:s20], $0x400  }
0x528: {  	[sflag:s20] =	ssyncset.done $0x0  }
0x529: {  	[sflag:s20] =	ssyncadd.s32 $0xFFFFFC00  }
0x52a: {  	_ =	sfence.sel $0x180000  }
0x52b: {  	[bflag:$0x0] =	sbarrier.arrive $0xFFFF  }
0x52c: {  	p0 =	sne.s32 s5, $0x0;
	_ =	strace $0x90000047  }
0x52d: {  	s0 =	sadd.s32 @!p0 $0x100000, s0;
	[bflag:$0x2] =	sbarrier.arrive $0xFFFF  }
0x52e: {  	[sflag:s0] =	ssyncadd.tile.s32 @!p0 $0x1;
	_ =	shalt  }
.Lfunc_end2:
_tile_overlayer_lowered:
.L_overlay_start_2:
0x52f: {  	(tag) =	ssettag $0x2  }
0x530: {  	s0 =	rddreg [dreg:$0x0];
	s2 =	stileid.u32  }
0x531: {  	s1 =	rddreg [dreg:$0x1];
	p0 =	sne.s32 s2, $0x0  }
0x532: {  	s3 =	rddreg [dreg:$0x2];
	[bflag:$0x3] =	sbarrier.arrive $0xFFFF;
	s2 =	simm.s32 @!p0 $0x1C05  }
0x533: {  	[timem:s3], [sflag:s2] =	dma.local @!p0 [hbm:s0], s1  }
0x534: {  	s0 =	simm.s32 @!p0 $0x5  }
0x535: {  	_ =	swait.ge @!p0 [sflag:s0], s1  }
0x536: {  	s1 =	ssub.s32 @!p0 $0x0, s1;
	[sflag:s0] =	ssyncset.done @!p0 $0x0  }
0x537: {  	[sflag:s0] =	ssyncadd.s32 @!p0 s1  }
0x538: {  	[bflag:$0x3] =	sbarrier.arrive $0xFFFF  }
0x539: {  	_ =	shalt  }

</sc_bundles>
